<compile_context>
chip_gen: v7x
topology: tpu7x:2x2x1
jax: 0.10.2.dev20260603
libtpu: 0.0.44.dev20260713+nightly
codegen_flags: <defaults>
</compile_context>

<pallas_src>
import functools

import jax
import jax.numpy as jnp
from jax import lax
from jax.experimental import pallas as pl
from jax.experimental.pallas import tpu as pltpu
from jax.experimental.pallas import tpu_sc as plsc

N_DST = 10000
N_E = 160000
N_SRC = N_DST + N_E
D = 128
DT = 100
NH = 8
HW = 16
EPS = 1e-15
MAXN = 1.0 - 1e-5
CLIP = 1.0 - 1e-7

NC = 2
NS = 16
NW = NC * NS
CH = 128
EPT = 5120
NCHUNK = EPT // CH
E_PAD = NW * EPT
ACC_ROWS = 10112
ZPT = ACC_ROWS // NS
SUM_ROWS = 1280
SPT = SUM_ROWS // NS

BR = 1000


def _rnorm(v):
    return jnp.maximum(jnp.sqrt(jnp.sum(v * v, axis=-1, keepdims=True)), EPS)


def _artanh(z):
    z = jnp.clip(z, 0.0, CLIP)
    return 0.5 * jnp.log((1.0 + z) / (1.0 - z))


def _project_rows(v):
    n = _rnorm(v)
    return jnp.where(n > MAXN, MAXN / n, 1.0) * v


def _node_body(x_ref, t_ref, tw_ref, tb_ref, tm_ref, a_ref, b_ref, hb_ref,
               p_ref, ab_ref, fs_ref, el_ref):
    x = x_ref[...]
    t = t_ref[...]
    tf = jnp.cos(t * tw_ref[...] + tb_ref[...]) * tm_ref[...]
    xn = _rnorm(x)
    lx = _artanh(xn) * x / xn
    n1 = jnp.maximum(jnp.sqrt(jnp.sum(tf * tf, -1, keepdims=True)
                              + jnp.sum(lx * lx, -1, keepdims=True)), EPS)
    s1 = jnp.where(n1 > MAXN, MAXN / n1, 1.0)
    xn2 = jnp.maximum(n1 * s1, EPS)
    mx = (jnp.dot(tf, a_ref[...], preferred_element_type=jnp.float32)
          + jnp.dot(lx, b_ref[...], preferred_element_type=jnp.float32)) * s1
    mxn = _rnorm(mx)
    mm = jnp.tanh(mxn / xn2 * _artanh(xn2)) * mx / mxn
    res = _project_rows(mm)
    hb = hb_ref[...]
    x2 = jnp.sum(res * res, -1, keepdims=True)
    y2 = jnp.sum(hb * hb, -1, keepdims=True)
    xy = jnp.sum(res * hb, -1, keepdims=True)
    num = (1.0 + 2.0 * xy + y2) * res + (1.0 - x2) * hb
    den = 1.0 + 2.0 * xy + x2 * y2
    h3 = _project_rows(num / jnp.maximum(den, EPS))
    n3 = _rnorm(h3)
    fs = _artanh(n3) * h3 / n3
    fs_ref[...] = fs
    el_ref[...] = jnp.dot(fs, p_ref[...], preferred_element_type=jnp.float32) \
        + ab_ref[...]


def _node_stage(xx, tt, tw, tb, tm, a, b, hb, p, ab):
    rows = xx.shape[0]
    grid = rows // BR
    wspec = lambda shp: pl.BlockSpec(shp, lambda i: (0,) * len(shp))
    return pl.pallas_call(
        _node_body,
        grid=(grid,),
        in_specs=[
            pl.BlockSpec((BR, D), lambda i: (i, 0)),
            pl.BlockSpec((BR, 1), lambda i: (i, 0)),
            wspec((1, D)), wspec((1, D)), wspec((1, D)),
            wspec((D, D)), wspec((D, D)), wspec((1, D)),
            wspec((D, D)), wspec((1, 1)),
        ],
        out_specs=[
            pl.BlockSpec((BR, D), lambda i: (i, 0)),
            pl.BlockSpec((BR, D), lambda i: (i, 0)),
        ],
        out_shape=[
            jax.ShapeDtypeStruct((rows, D), jnp.float32),
            jax.ShapeDtypeStruct((rows, D), jnp.float32),
        ],
    )(xx, tt, tw, tb, tm, a, b, hb, p, ab)


def _edge_body(fs_hbm, el_hbm, er_hbm, srcp, dstp, out_hbm, sums_hbm,
               si_v, di_v, dp_v, elv, wv, sem1, sem2, sem3, sem4,
               acc_sh, sums_sh):
    c = lax.axis_index("c")
    s = lax.axis_index("s")
    wid = s * NC + c
    z16 = jnp.zeros((HW,), jnp.float32)

    def _zero(i, _):
        for j in range(NH):
            elv[i, pl.ds(j * HW, HW)] = z16
            wv[i, pl.ds(j * HW, HW)] = z16
        return 0
    lax.fori_loop(0, CH, _zero, 0)
    for off in range(0, ZPT, CH):
        sz = min(CH, ZPT - off)
        pltpu.sync_copy(elv.at[pl.ds(0, sz)],
                        acc_sh.at[pl.ds(s * ZPT + off, sz)])
    for off in range(0, SPT, CH):
        sz = min(CH, SPT - off)
        pltpu.sync_copy(wv.at[pl.ds(0, sz)],
                        sums_sh.at[pl.ds(s * SPT + off, sz)])
    plsc.subcore_barrier()

    def _chunk(k, _):
        p = k & 1
        base = wid * EPT + k * CH
        a = pltpu.async_copy(srcp.at[pl.ds(base, CH)], si_v.at[p], sem3)
        b = pltpu.async_copy(dstp.at[pl.ds(base, CH)], di_v.at[p], sem4)

        @pl.when(k > 0)
        def _drain():
            q = 1 - p
            pltpu.make_async_copy(elv, acc_sh.at[di_v.at[q]], sem1).wait()
            pltpu.make_async_copy(wv, sums_sh.at[dp_v.at[q]], sem2).wait()
        a.wait()
        b.wait()
        a = pltpu.async_copy(el_hbm.at[si_v.at[p]], elv, sem1)
        b = pltpu.async_copy(er_hbm.at[di_v.at[p]], wv, sem2)
        a.wait()
        b.wait()

        def _wcalc(g, _):
            dvec = di_v[p, pl.ds(g * HW, HW)]
            for j in range(HW):
                i = g * HW + j
                e = elv[i, pl.ds(0, HW)] + wv[i, pl.ds(0, HW)]
                w = jnp.exp(jnp.where(e >= 0.0, e, 0.2 * e))
                for jj in range(NH):
                    wv[i, pl.ds(jj * HW, HW)] = z16
                lane = (dvec[j] & 7) * HW
                wv[i, pl.ds(lane, HW)] = w
            return 0
        lax.fori_loop(0, CH // HW, _wcalc, 0)
        f = pltpu.async_copy(fs_hbm.at[si_v.at[p]], elv, sem1)

        def _dpack(i, _):
            dp_v[p, pl.ds(i * HW, HW)] = lax.shift_right_logical(
                di_v[p, pl.ds(i * HW, HW)], 3)
            return 0
        lax.fori_loop(0, CH // HW, _dpack, 0)
        f.wait()

        def _edge(g, _):
            dvec = di_v[p, pl.ds(g * HW, HW)]
            for j in range(HW):
                i = g * HW + j
                lane = (dvec[j] & 7) * HW
                w = wv[i, pl.ds(lane, HW)]
                for h in range(NH):
                    f = elv[i, pl.ds(h * HW, HW)]
                    elv[i, pl.ds(h * HW, HW)] = f * jnp.broadcast_to(w[h], (HW,))
            return 0
        lax.fori_loop(0, CH // HW, _edge, 0)
        pltpu.async_copy(elv, acc_sh.at[di_v.at[p]], sem1, add=True)
        pltpu.async_copy(wv, sums_sh.at[dp_v.at[p]], sem2, add=True)
        return 0
    lax.fori_loop(0, NCHUNK, _chunk, 0)
    pltpu.make_async_copy(elv, acc_sh.at[di_v.at[(NCHUNK - 1) & 1]],
                          sem1).wait()
    pltpu.make_async_copy(wv, sums_sh.at[dp_v.at[(NCHUNK - 1) & 1]],
                          sem2).wait()
    plsc.subcore_barrier()

    pltpu.sync_copy(acc_sh.at[pl.ds(s * ZPT, ZPT)],
                    out_hbm.at[c, pl.ds(s * ZPT, ZPT)])
    pltpu.sync_copy(sums_sh.at[pl.ds(s * SPT, SPT)],
                    sums_hbm.at[c, pl.ds(s * SPT, SPT)])


@functools.cache
def _edge_stage():
    return pl.kernel(
        _edge_body,
        out_type=[
            jax.ShapeDtypeStruct((NC, ACC_ROWS, D), jnp.float32),
            jax.ShapeDtypeStruct((NC, SUM_ROWS, D), jnp.float32),
        ],
        mesh=plsc.VectorSubcoreMesh(core_axis_name="c", subcore_axis_name="s",
                                    num_cores=NC, num_subcores=NS),
        scratch_types=[
            pltpu.VMEM((2, CH), jnp.int32),
            pltpu.VMEM((2, CH), jnp.int32),
            pltpu.VMEM((2, CH), jnp.int32),
            pltpu.VMEM((CH, D), jnp.float32),
            pltpu.VMEM((CH, D), jnp.float32),
            pltpu.SemaphoreType.DMA,
            pltpu.SemaphoreType.DMA,
            pltpu.SemaphoreType.DMA,
            pltpu.SemaphoreType.DMA,
            pltpu.VMEM_SHARED((ACC_ROWS, D), jnp.float32),
            pltpu.VMEM_SHARED((SUM_ROWS, D), jnp.float32),
        ],
    )


def _final_body(p_ref, s_ref, q_ref, o_ref):
    raw = p_ref[0] + p_ref[1]
    sums = s_ref[0] + s_ref[1]
    recip = 1.0 / jnp.maximum(sums, EPS)
    rst = raw * jnp.dot(recip, q_ref[...], preferred_element_type=jnp.float32)
    n = _rnorm(rst)
    e1 = _project_rows(jnp.tanh(n) * rst / n)
    n2 = _rnorm(e1)
    xt = jax.nn.relu(_artanh(n2) * e1 / n2)
    n3 = _rnorm(xt)
    o_ref[...] = _project_rows(jnp.tanh(n3) * xt / n3)


def _final_stage(p, sums, q):
    return pl.pallas_call(
        _final_body,
        grid=(N_DST // BR,),
        in_specs=[
            pl.BlockSpec((NC, BR, D), lambda i: (0, i, 0)),
            pl.BlockSpec((NC, BR, HW), lambda i: (0, i, 0)),
            pl.BlockSpec((HW, D), lambda i: (0, 0)),
        ],
        out_specs=pl.BlockSpec((BR, D), lambda i: (i, 0)),
        out_shape=jax.ShapeDtypeStruct((N_DST, D), jnp.float32),
    )(p, sums, q)


def _expmap0(u):
    n = jnp.maximum(jnp.sqrt(jnp.sum(u * u)), EPS)
    return jnp.tanh(n) * u / n


def _project_vec(v):
    n = jnp.maximum(jnp.sqrt(jnp.sum(v * v)), EPS)
    return jnp.where(n > MAXN, v / n * MAXN, v)


def kernel(x, dt, src_idx, dst_idx, W_src, b_src, W_dst, b_dst,
           attn_l_w, attn_l_b, attn_r_w, attn_r_b, time_w, time_b):
    f32 = jnp.float32
    t = jnp.concatenate([jnp.zeros((N_DST,), f32), dt]).reshape(-1, 1)
    tw = jnp.zeros((1, D), f32).at[0, :DT].set(time_w)
    tb = jnp.zeros((1, D), f32).at[0, :DT].set(time_b)
    tm = jnp.zeros((1, D), f32).at[0, :DT].set(1.0)
    a_s = jnp.zeros((D, D), f32).at[:DT].set(W_src[:, :DT].T)
    b_s = W_src[:, DT:].T
    a_d = jnp.zeros((D, D), f32).at[:DT].set(W_dst[:, :DT].T)
    b_d = W_dst[:, DT:].T
    hb_s = _project_vec(_expmap0(b_src)).reshape(1, D)
    hb_d = _project_vec(_expmap0(b_dst)).reshape(1, D)
    p_l = jnp.concatenate(
        [jnp.kron(jnp.eye(NH, dtype=f32), attn_l_w.reshape(HW, 1)),
         jnp.zeros((D, D - NH), f32)], axis=1)
    p_r = jnp.concatenate(
        [jnp.kron(jnp.eye(NH, dtype=f32), attn_r_w.reshape(HW, 1)),
         jnp.zeros((D, D - NH), f32)], axis=1)
    ab_l = attn_l_b.reshape(1, 1)
    ab_r = attn_r_b.reshape(1, 1)
    q = jnp.concatenate(
        [jnp.kron(jnp.eye(NH, dtype=f32), jnp.ones((1, HW), f32)),
         jnp.zeros((NH, D), f32)], axis=0)
    pad = E_PAD - N_E
    srcp = jnp.concatenate([src_idx.astype(jnp.int32),
                            jnp.zeros((pad,), jnp.int32)])
    dstp = jnp.concatenate([dst_idx.astype(jnp.int32),
                            jnp.full((pad,), N_DST + 8, jnp.int32)])

    fs, el = _node_stage(x, t, tw, tb, tm, a_s, b_s, hb_s, p_l, ab_l)
    _, er = _node_stage(x[:N_DST], t[:N_DST], tw, tb, tm, a_d, b_d, hb_d,
                        p_r, ab_r)

    part, sums = _edge_stage()(fs, el, er, srcp, dstp)

    sums16 = sums.reshape(NC, SUM_ROWS * 8, HW)[:, :N_DST]
    return _final_stage(part[:, :N_DST], sums16, q)

# --- scband reference (transcript-rebuilt; emitter-appended) ---
"""Pipeline reference for scband-hgatlayer-38276748542431 (READ-ONLY COPY).

The authoritative reference and input builder live on the scoring server;
editing this copy changes nothing except your own understanding.
"""

import jax, jax.numpy as jnp
import numpy as np

NUM_DST = 10000
NUM_E = 160000
NUM_SRC = NUM_DST + NUM_E
D_NODE = 128
D_TIME = 100
H = 8
D_H = 16
DIM_OUT = 128
C_IN = 1.0
C_OUT = 1.0
EPS = 1e-15


def _norm(x):
    return jnp.maximum(jnp.linalg.norm(x, axis=-1, keepdims=True), EPS)


def project(x, c):
    n = _norm(x)
    maxn = (1.0 - 1e-5) / jnp.sqrt(c)
    return jnp.where(n > maxn, x / n * maxn, x)


def expmap0(u, c):
    sc = jnp.sqrt(c)
    n = _norm(u)
    return jnp.tanh(sc * n) * u / (sc * n)


def logmap0(x, c):
    sc = jnp.sqrt(c)
    n = _norm(x)
    return jnp.arctanh(jnp.clip(sc * n, 0.0, 1.0 - 1e-7)) * x / (sc * n)


def mobius_add(x, y, c):
    x2 = jnp.sum(x * x, -1, keepdims=True)
    y2 = jnp.sum(y * y, -1, keepdims=True)
    xy = jnp.sum(x * y, -1, keepdims=True)
    num = (1.0 + 2.0 * c * xy + c * y2) * x + (1.0 - c * x2) * y
    den = 1.0 + 2.0 * c * xy + c * c * x2 * y2
    return num / jnp.maximum(den, EPS)


def mobius_matvec(W, x, c):
    sc = jnp.sqrt(c)
    xn = _norm(x)
    mx = x @ W.T
    mxn = _norm(mx)
    return jnp.tanh(mxn / xn * jnp.arctanh(jnp.clip(sc * xn, 0.0, 1.0 - 1e-7))) * mx / (mxn * sc)


def _hyp_linear(h, W, b, c):
    res = project(mobius_matvec(W, h, c), c)
    hyp_bias = project(expmap0(b[None, :], c), c)
    return project(mobius_add(res, hyp_bias, c), c)


def setup_inputs(seed: int = 0):
    key = jax.random.key(seed)
    ks = jax.random.split(key, 12)
    x = jax.random.normal(ks[0], (NUM_SRC, D_NODE), jnp.float32) * 0.01
    dt = jax.random.uniform(ks[1], (NUM_E,), jnp.float32) * 100.0
    src_idx = jax.random.randint(ks[2], (NUM_E,), 0, NUM_SRC)
    dst_idx = jax.random.randint(ks[3], (NUM_E,), 0, NUM_DST)
    d_in = D_TIME + D_NODE
    W_src = jax.random.normal(ks[4], (DIM_OUT, d_in), jnp.float32) * (1.0 / np.sqrt(d_in))
    b_src = jnp.zeros((DIM_OUT,), jnp.float32)
    W_dst = jax.random.normal(ks[5], (DIM_OUT, d_in), jnp.float32) * (1.0 / np.sqrt(d_in))
    b_dst = jnp.zeros((DIM_OUT,), jnp.float32)
    attn_l_w = jax.random.normal(ks[6], (D_H,), jnp.float32) * 0.1
    attn_l_b = jnp.zeros((), jnp.float32)
    attn_r_w = jax.random.normal(ks[7], (D_H,), jnp.float32) * 0.1
    attn_r_b = jnp.zeros((), jnp.float32)
    time_w = jnp.asarray(1.0 / 10.0 ** np.linspace(0, 9, D_TIME), jnp.float32)
    time_b = jnp.zeros((D_TIME,), jnp.float32)
    return {"x": x, "dt": dt, "src_idx": src_idx, "dst_idx": dst_idx,
            "W_src": W_src, "b_src": b_src, "W_dst": W_dst, "b_dst": b_dst,
            "attn_l_w": attn_l_w, "attn_l_b": attn_l_b,
            "attn_r_w": attn_r_w, "attn_r_b": attn_r_b,
            "time_w": time_w, "time_b": time_b}


def reference(x, dt, src_idx, dst_idx, W_src, b_src, W_dst, b_dst,
              attn_l_w, attn_l_b, attn_r_w, attn_r_b, time_w, time_b):
    # TimeEncode: t=0 for dst nodes, edge dt for neighbor rows (TGL block layout)
    t = jnp.concatenate([jnp.zeros((NUM_DST,), jnp.float32), dt])
    time_feat = jnp.cos(t[:, None] * time_w[None, :] + time_b[None, :])
    src_feat = project(jnp.concatenate([time_feat, logmap0(x, C_IN)], axis=1), C_IN)
    h_src = src_feat  # feat_drop is identity in eval mode
    h_dst = src_feat[:NUM_DST]
    feat_src = _hyp_linear(h_src, W_src, b_src, C_IN)
    feat_dst = _hyp_linear(h_dst, W_dst, b_dst, C_IN)
    fs = logmap0(feat_src, C_IN).reshape(-1, H, D_H)
    fd = logmap0(feat_dst, C_IN).reshape(-1, H, D_H)
    el = jnp.einsum('nhd,d->nh', fs, attn_l_w) + attn_l_b
    er = jnp.einsum('nhd,d->nh', fd, attn_r_w) + attn_r_b
    e = el[src_idx] + er[dst_idx]  # u_add_v
    e = jnp.where(e >= 0, e, 0.2 * e)  # leaky_relu(0.2)
    emax = jax.ops.segment_max(e, dst_idx, num_segments=NUM_DST)
    emax = jnp.where(jnp.isfinite(emax), emax, 0.0)
    ee = jnp.exp(e - emax[dst_idx])
    esum = jax.ops.segment_sum(ee, dst_idx, num_segments=NUM_DST)
    a = ee / jnp.maximum(esum[dst_idx], EPS)  # edge_softmax; attn_drop identity in eval
    m = fs[src_idx] * a[:, :, None]  # u_mul_e
    rst = jax.ops.segment_sum(m, dst_idx, num_segments=NUM_DST).reshape(NUM_DST, DIM_OUT)
    rst = project(expmap0(rst, C_IN), C_IN)
    # HypAct(c_in, c_out, relu)
    xt = jax.nn.relu(logmap0(rst, C_IN))
    return project(expmap0(xt, C_OUT), C_OUT)

if __name__ == "__main__":
    import jax
    _d = setup_inputs()
    print(jax.jit(kernel)(*tuple(_d.values())))

</pallas_src>

<mosaic_0001>
#map = affine_map<(d0, d1) -> (0, 0)>
#map1 = affine_map<(d0, d1) -> (0)>
#map2 = affine_map<(d0, d1) -> (0, 0, 0)>
module attributes {stable_mosaic.version = 14 : i64} {
  func.func @_edge_body(%arg0: i32, %arg1: i32, %arg2: memref<170000x128xf32, #tpu.memory_space<hbm>>, %arg3: memref<170000x128xf32, #tpu.memory_space<hbm>>, %arg4: memref<10000x128xf32, #tpu.memory_space<hbm>>, %arg5: memref<163840xi32, #tpu.memory_space<hbm>>, %arg6: memref<163840xi32, #tpu.memory_space<hbm>>, %arg7: memref<2x10112x128xf32, #tpu.memory_space<hbm>>, %arg8: memref<2x1280x128xf32, #tpu.memory_space<hbm>>, %arg9: memref<2x128xi32, #tpu.memory_space<vmem>>, %arg10: memref<2x128xi32, #tpu.memory_space<vmem>>, %arg11: memref<2x128xi32, #tpu.memory_space<vmem>>, %arg12: memref<128x128xf32, #tpu.memory_space<vmem>>, %arg13: memref<128x128xf32, #tpu.memory_space<vmem>>, %arg14: memref<!tpu.dma_semaphore, #tpu.memory_space<semaphore_mem>>, %arg15: memref<!tpu.dma_semaphore, #tpu.memory_space<semaphore_mem>>, %arg16: memref<!tpu.dma_semaphore, #tpu.memory_space<semaphore_mem>>, %arg17: memref<!tpu.dma_semaphore, #tpu.memory_space<semaphore_mem>>, %arg18: memref<10112x128xf32, #tpu.memory_space<vmem_shared>>, %arg19: memref<1280x128xf32, #tpu.memory_space<vmem_shared>>) attributes {dimension_semantics = [#tpu.dimension_semantics<core_parallel>, #tpu.dimension_semantics<subcore_parallel>], iteration_bounds = array<i64: 2, 16>, scalar_prefetch = 0 : i64, scratch_operands = 11 : i64, tpu.core_type = #tpu.core_type<sc_vector_subcore>, window_params = [{transform_indices = #map}, {transform_indices = #map}, {transform_indices = #map}, {transform_indices = #map1}, {transform_indices = #map1}, {transform_indices = #map2}, {transform_indices = #map2}]} {
    %mul3A = arith.constant 2 : i32
    %mul3A_0 = arith.muli %arg1, %mul3A : i32
    %add3A = arith.addi %mul3A_0, %arg0 : i32
    %broadcast_in_dim3A = arith.constant 0.000000e+00 : f32
    %broadcast_in_dim3A_1 = vector.broadcast %broadcast_in_dim3A : f32 to vector<16xf32>
    %scan3A = arith.constant 0 : i32
    %scan3A_2 = arith.constant 0 : i32
    %scan3A_3 = arith.constant 128 : i32
    %scan3A_4 = arith.addi %scan3A_2, %scan3A_3 : i32
    %scan3A_5 = arith.constant 1 : i32
    %scan3A_6 = scf.for %scan3A_61 = %scan3A_2 to %scan3A_4 step %scan3A_5 iter_args(%scan3A_62 = %scan3A) -> (i32)  : i32 {
      %swap3A = arith.index_cast %scan3A_61 : i32 to index
      %swap3A_63 = arith.constant 0 : index
      %swap3A_64 = tpu.vector_load %arg12[%swap3A, %swap3A_63] {strides = array<i32>} : memref<128x128xf32, #tpu.memory_space<vmem>>, vector<1x16xf32>,
      %swap3A_65 = vector.shape_cast %swap3A_64 : vector<1x16xf32> to vector<16xf32>
      %swap3A_66 = vector.shape_cast %broadcast_in_dim3A_1 : vector<16xf32> to vector<1x16xf32>
      tpu.vector_store %arg12[%swap3A, %swap3A_63], %swap3A_66 {strides = array<i32>} : memref<128x128xf32, #tpu.memory_space<vmem>>, vector<1x16xf32>,
      %swap3A_67 = arith.index_cast %scan3A_61 : i32 to index
      %swap3A_68 = arith.constant 0 : index
      %swap3A_69 = tpu.vector_load %arg13[%swap3A_67, %swap3A_68] {strides = array<i32>} : memref<128x128xf32, #tpu.memory_space<vmem>>, vector<1x16xf32>,
      %swap3A_70 = vector.shape_cast %swap3A_69 : vector<1x16xf32> to vector<16xf32>
      %swap3A_71 = vector.shape_cast %broadcast_in_dim3A_1 : vector<16xf32> to vector<1x16xf32>
      tpu.vector_store %arg13[%swap3A_67, %swap3A_68], %swap3A_71 {strides = array<i32>} : memref<128x128xf32, #tpu.memory_space<vmem>>, vector<1x16xf32>,
      %swap3A_72 = arith.index_cast %scan3A_61 : i32 to index
      %swap3A_73 = arith.constant 16 : index
      %swap3A_74 = tpu.vector_load %arg12[%swap3A_72, %swap3A_73] {strides = array<i32>} : memref<128x128xf32, #tpu.memory_space<vmem>>, vector<1x16xf32>,
      %swap3A_75 = vector.shape_cast %swap3A_74 : vector<1x16xf32> to vector<16xf32>
      %swap3A_76 = vector.shape_cast %broadcast_in_dim3A_1 : vector<16xf32> to vector<1x16xf32>
      tpu.vector_store %arg12[%swap3A_72, %swap3A_73], %swap3A_76 {strides = array<i32>} : memref<128x128xf32, #tpu.memory_space<vmem>>, vector<1x16xf32>,
      %swap3A_77 = arith.index_cast %scan3A_61 : i32 to index
      %swap3A_78 = arith.constant 16 : index
      %swap3A_79 = tpu.vector_load %arg13[%swap3A_77, %swap3A_78] {strides = array<i32>} : memref<128x128xf32, #tpu.memory_space<vmem>>, vector<1x16xf32>,
      %swap3A_80 = vector.shape_cast %swap3A_79 : vector<1x16xf32> to vector<16xf32>
      %swap3A_81 = vector.shape_cast %broadcast_in_dim3A_1 : vector<16xf32> to vector<1x16xf32>
      tpu.vector_store %arg13[%swap3A_77, %swap3A_78], %swap3A_81 {strides = array<i32>} : memref<128x128xf32, #tpu.memory_space<vmem>>, vector<1x16xf32>,
      %swap3A_82 = arith.index_cast %scan3A_61 : i32 to index
      %swap3A_83 = arith.constant 32 : index
      %swap3A_84 = tpu.vector_load %arg12[%swap3A_82, %swap3A_83] {strides = array<i32>} : memref<128x128xf32, #tpu.memory_space<vmem>>, vector<1x16xf32>,
      %swap3A_85 = vector.shape_cast %swap3A_84 : vector<1x16xf32> to vector<16xf32>
      %swap3A_86 = vector.shape_cast %broadcast_in_dim3A_1 : vector<16xf32> to vector<1x16xf32>
      tpu.vector_store %arg12[%swap3A_82, %swap3A_83], %swap3A_86 {strides = array<i32>} : memref<128x128xf32, #tpu.memory_space<vmem>>, vector<1x16xf32>,
      %swap3A_87 = arith.index_cast %scan3A_61 : i32 to index
      %swap3A_88 = arith.constant 32 : index
      %swap3A_89 = tpu.vector_load %arg13[%swap3A_87, %swap3A_88] {strides = array<i32>} : memref<128x128xf32, #tpu.memory_space<vmem>>, vector<1x16xf32>,
      %swap3A_90 = vector.shape_cast %swap3A_89 : vector<1x16xf32> to vector<16xf32>
      %swap3A_91 = vector.shape_cast %broadcast_in_dim3A_1 : vector<16xf32> to vector<1x16xf32>
      tpu.vector_store %arg13[%swap3A_87, %swap3A_88], %swap3A_91 {strides = array<i32>} : memref<128x128xf32, #tpu.memory_space<vmem>>, vector<1x16xf32>,
      %swap3A_92 = arith.index_cast %scan3A_61 : i32 to index
      %swap3A_93 = arith.constant 48 : index
      %swap3A_94 = tpu.vector_load %arg12[%swap3A_92, %swap3A_93] {strides = array<i32>} : memref<128x128xf32, #tpu.memory_space<vmem>>, vector<1x16xf32>,
      %swap3A_95 = vector.shape_cast %swap3A_94 : vector<1x16xf32> to vector<16xf32>
      %swap3A_96 = vector.shape_cast %broadcast_in_dim3A_1 : vector<16xf32> to vector<1x16xf32>
      tpu.vector_store %arg12[%swap3A_92, %swap3A_93], %swap3A_96 {strides = array<i32>} : memref<128x128xf32, #tpu.memory_space<vmem>>, vector<1x16xf32>,
      %swap3A_97 = arith.index_cast %scan3A_61 : i32 to index
      %swap3A_98 = arith.constant 48 : index
      %swap3A_99 = tpu.vector_load %arg13[%swap3A_97, %swap3A_98] {strides = array<i32>} : memref<128x128xf32, #tpu.memory_space<vmem>>, vector<1x16xf32>,
      %swap3A_100 = vector.shape_cast %swap3A_99 : vector<1x16xf32> to vector<16xf32>
      %swap3A_101 = vector.shape_cast %broadcast_in_dim3A_1 : vector<16xf32> to vector<1x16xf32>
      tpu.vector_store %arg13[%swap3A_97, %swap3A_98], %swap3A_101 {strides = array<i32>} : memref<128x128xf32, #tpu.memory_space<vmem>>, vector<1x16xf32>,
      %swap3A_102 = arith.index_cast %scan3A_61 : i32 to index
      %swap3A_103 = arith.constant 64 : index
      %swap3A_104 = tpu.vector_load %arg12[%swap3A_102, %swap3A_103] {strides = array<i32>} : memref<128x128xf32, #tpu.memory_space<vmem>>, vector<1x16xf32>,
      %swap3A_105 = vector.shape_cast %swap3A_104 : vector<1x16xf32> to vector<16xf32>
      %swap3A_106 = vector.shape_cast %broadcast_in_dim3A_1 : vector<16xf32> to vector<1x16xf32>
      tpu.vector_store %arg12[%swap3A_102, %swap3A_103], %swap3A_106 {strides = array<i32>} : memref<128x128xf32, #tpu.memory_space<vmem>>, vector<1x16xf32>,
      %swap3A_107 = arith.index_cast %scan3A_61 : i32 to index
      %swap3A_108 = arith.constant 64 : index
      %swap3A_109 = tpu.vector_load %arg13[%swap3A_107, %swap3A_108] {strides = array<i32>} : memref<128x128xf32, #tpu.memory_space<vmem>>, vector<1x16xf32>,
      %swap3A_110 = vector.shape_cast %swap3A_109 : vector<1x16xf32> to vector<16xf32>
      %swap3A_111 = vector.shape_cast %broadcast_in_dim3A_1 : vector<16xf32> to vector<1x16xf32>
      tpu.vector_store %arg13[%swap3A_107, %swap3A_108], %swap3A_111 {strides = array<i32>} : memref<128x128xf32, #tpu.memory_space<vmem>>, vector<1x16xf32>,
      %swap3A_112 = arith.index_cast %scan3A_61 : i32 to index
      %swap3A_113 = arith.constant 80 : index
      %swap3A_114 = tpu.vector_load %arg12[%swap3A_112, %swap3A_113] {strides = array<i32>} : memref<128x128xf32, #tpu.memory_space<vmem>>, vector<1x16xf32>,
      %swap3A_115 = vector.shape_cast %swap3A_114 : vector<1x16xf32> to vector<16xf32>
      %swap3A_116 = vector.shape_cast %broadcast_in_dim3A_1 : vector<16xf32> to vector<1x16xf32>
      tpu.vector_store %arg12[%swap3A_112, %swap3A_113], %swap3A_116 {strides = array<i32>} : memref<128x128xf32, #tpu.memory_space<vmem>>, vector<1x16xf32>,
      %swap3A_117 = arith.index_cast %scan3A_61 : i32 to index
      %swap3A_118 = arith.constant 80 : index
      %swap3A_119 = tpu.vector_load %arg13[%swap3A_117, %swap3A_118] {strides = array<i32>} : memref<128x128xf32, #tpu.memory_space<vmem>>, vector<1x16xf32>,
      %swap3A_120 = vector.shape_cast %swap3A_119 : vector<1x16xf32> to vector<16xf32>
      %swap3A_121 = vector.shape_cast %broadcast_in_dim3A_1 : vector<16xf32> to vector<1x16xf32>
      tpu.vector_store %arg13[%swap3A_117, %swap3A_118], %swap3A_121 {strides = array<i32>} : memref<128x128xf32, #tpu.memory_space<vmem>>, vector<1x16xf32>,
      %swap3A_122 = arith.index_cast %scan3A_61 : i32 to index
      %swap3A_123 = arith.constant 96 : index
      %swap3A_124 = tpu.vector_load %arg12[%swap3A_122, %swap3A_123] {strides = array<i32>} : memref<128x128xf32, #tpu.memory_space<vmem>>, vector<1x16xf32>,
      %swap3A_125 = vector.shape_cast %swap3A_124 : vector<1x16xf32> to vector<16xf32>
      %swap3A_126 = vector.shape_cast %broadcast_in_dim3A_1 : vector<16xf32> to vector<1x16xf32>
      tpu.vector_store %arg12[%swap3A_122, %swap3A_123], %swap3A_126 {strides = array<i32>} : memref<128x128xf32, #tpu.memory_space<vmem>>, vector<1x16xf32>,
      %swap3A_127 = arith.index_cast %scan3A_61 : i32 to index
      %swap3A_128 = arith.constant 96 : index
      %swap3A_129 = tpu.vector_load %arg13[%swap3A_127, %swap3A_128] {strides = array<i32>} : memref<128x128xf32, #tpu.memory_space<vmem>>, vector<1x16xf32>,
      %swap3A_130 = vector.shape_cast %swap3A_129 : vector<1x16xf32> to vector<16xf32>
      %swap3A_131 = vector.shape_cast %broadcast_in_dim3A_1 : vector<16xf32> to vector<1x16xf32>
      tpu.vector_store %arg13[%swap3A_127, %swap3A_128], %swap3A_131 {strides = array<i32>} : memref<128x128xf32, #tpu.memory_space<vmem>>, vector<1x16xf32>,
      %swap3A_132 = arith.index_cast %scan3A_61 : i32 to index
      %swap3A_133 = arith.constant 112 : index
      %swap3A_134 = tpu.vector_load %arg12[%swap3A_132, %swap3A_133] {strides = array<i32>} : memref<128x128xf32, #tpu.memory_space<vmem>>, vector<1x16xf32>,
      %swap3A_135 = vector.shape_cast %swap3A_134 : vector<1x16xf32> to vector<16xf32>
      %swap3A_136 = vector.shape_cast %broadcast_in_dim3A_1 : vector<16xf32> to vector<1x16xf32>
      tpu.vector_store %arg12[%swap3A_132, %swap3A_133], %swap3A_136 {strides = array<i32>} : memref<128x128xf32, #tpu.memory_space<vmem>>, vector<1x16xf32>,
      %swap3A_137 = arith.index_cast %scan3A_61 : i32 to index
      %swap3A_138 = arith.constant 112 : index
      %swap3A_139 = tpu.vector_load %arg13[%swap3A_137, %swap3A_138] {strides = array<i32>} : memref<128x128xf32, #tpu.memory_space<vmem>>, vector<1x16xf32>,
      %swap3A_140 = vector.shape_cast %swap3A_139 : vector<1x16xf32> to vector<16xf32>
      %swap3A_141 = vector.shape_cast %broadcast_in_dim3A_1 : vector<16xf32> to vector<1x16xf32>
      tpu.vector_store %arg13[%swap3A_137, %swap3A_138], %swap3A_141 {strides = array<i32>} : memref<128x128xf32, #tpu.memory_space<vmem>>, vector<1x16xf32>,
      %scan3A_142 = arith.constant 0 : i32
      scf.yield %scan3A_142 : i32
    }
    %scan3A_7 = arith.constant 128 : i32
    %mul3A_8 = arith.constant 632 : i32
    %mul3A_9 = arith.muli %arg1, %mul3A_8 : i32
    %add3A_10 = arith.constant 0 : i32
    %add3A_11 = arith.addi %mul3A_9, %add3A_10 : i32
    "tpu.region"() ({
      %run_scoped3A = tpu.sem_alloc : memref<!tpu.dma_semaphore, #tpu.memory_space<semaphore_mem>>
      %dma_start3A = arith.constant 0 : i32
      %dma_start3A_61 = arith.constant 0 : i32
      %dma_start3A_62 = tpu.memref_slice %arg12[%dma_start3A, %dma_start3A_61] : memref<128x128xf32, #tpu.memory_space<vmem>> -> memref<128x128xf32, #tpu.memory_space<vmem>>
      %dma_start3A_63 = arith.constant 0 : i32
      %dma_start3A_64 = tpu.memref_slice %arg18[%add3A_11, %dma_start3A_63] : memref<10112x128xf32, #tpu.memory_space<vmem_shared>> -> memref<128x128xf32, #tpu.memory_space<vmem_shared>>
      %dma_start3A_65 = arith.constant 0 : i32
      %dma_start3A_66 = tpu.memref_slice %arg18[%add3A_11, %dma_start3A_65] : memref<10112x128xf32, #tpu.memory_space<vmem_shared>> -> memref<128x128xf32, #tpu.memory_space<vmem_shared>>
      %dma_start3A_67 = arith.constant 0 : i32
      %dma_start3A_68 = arith.constant 0 : i32
      %dma_start3A_69 = tpu.memref_slice %arg12[%dma_start3A_67, %dma_start3A_68] : memref<128x128xf32, #tpu.memory_space<vmem>> -> memref<128x128xf32, #tpu.memory_space<vmem>>
      tpu.enqueue_dma source(%dma_start3A_69 : memref<128x128xf32, #tpu.memory_space<vmem>>) target(%dma_start3A_66 : memref<128x128xf32, #tpu.memory_space<vmem_shared>>) target_semaphore(%run_scoped3A : memref<!tpu.dma_semaphore, #tpu.memory_space<semaphore_mem>>)
      %dma_wait3A_70 = arith.constant 0 : i32
      %dma_wait3A_71 = arith.constant 0 : i32
      %dma_wait3A_72 = tpu.memref_slice %arg12[%dma_wait3A_70, %dma_wait3A_71] : memref<128x128xf32, #tpu.memory_space<vmem>> -> memref<128x128xf32, #tpu.memory_space<vmem>>
      %dma_wait3A_73 = arith.constant 0 : i32
      %dma_wait3A_74 = tpu.memref_slice %arg18[%add3A_11, %dma_wait3A_73] : memref<10112x128xf32, #tpu.memory_space<vmem_shared>> -> memref<128x128xf32, #tpu.memory_space<vmem_shared>>
      %dma_wait3A_75 = arith.constant 0 : i32
      %dma_wait3A_76 = tpu.memref_slice %arg18[%add3A_11, %dma_wait3A_75] : memref<10112x128xf32, #tpu.memory_space<vmem_shared>> -> memref<128x128xf32, #tpu.memory_space<vmem_shared>>
      %dma_wait3A_77 = arith.constant 0 : i32
      %dma_wait3A_78 = arith.constant 0 : i32
      %dma_wait3A_79 = tpu.memref_slice %arg12[%dma_wait3A_77, %dma_wait3A_78] : memref<128x128xf32, #tpu.memory_space<vmem>> -> memref<128x128xf32, #tpu.memory_space<vmem>>
      tpu.wait_dma2 semaphore(%run_scoped3A : memref<!tpu.dma_semaphore, #tpu.memory_space<semaphore_mem>>) src(%dma_wait3A_79 : memref<128x128xf32, #tpu.memory_space<vmem>>) dst(%dma_wait3A_76 : memref<128x128xf32, #tpu.memory_space<vmem_shared>>)
      tpu.yield
    }) : () -> ()
    %mul3A_12 = arith.constant 632 : i32
    %mul3A_13 = arith.muli %arg1, %mul3A_12 : i32
    %add3A_14 = arith.constant 128 : i32
    %add3A_15 = arith.addi %mul3A_13, %add3A_14 : i32
    "tpu.region"() ({
      %run_scoped3A = tpu.sem_alloc : memref<!tpu.dma_semaphore, #tpu.memory_space<semaphore_mem>>
      %dma_start3A = arith.constant 0 : i32
      %dma_start3A_61 = arith.constant 0 : i32
      %dma_start3A_62 = tpu.memref_slice %arg12[%dma_start3A, %dma_start3A_61] : memref<128x128xf32, #tpu.memory_space<vmem>> -> memref<128x128xf32, #tpu.memory_space<vmem>>
      %dma_start3A_63 = arith.constant 0 : i32
      %dma_start3A_64 = tpu.memref_slice %arg18[%add3A_15, %dma_start3A_63] : memref<10112x128xf32, #tpu.memory_space<vmem_shared>> -> memref<128x128xf32, #tpu.memory_space<vmem_shared>>
      %dma_start3A_65 = arith.constant 0 : i32
      %dma_start3A_66 = tpu.memref_slice %arg18[%add3A_15, %dma_start3A_65] : memref<10112x128xf32, #tpu.memory_space<vmem_shared>> -> memref<128x128xf32, #tpu.memory_space<vmem_shared>>
      %dma_start3A_67 = arith.constant 0 : i32
      %dma_start3A_68 = arith.constant 0 : i32
      %dma_start3A_69 = tpu.memref_slice %arg12[%dma_start3A_67, %dma_start3A_68] : memref<128x128xf32, #tpu.memory_space<vmem>> -> memref<128x128xf32, #tpu.memory_space<vmem>>
      tpu.enqueue_dma source(%dma_start3A_69 : memref<128x128xf32, #tpu.memory_space<vmem>>) target(%dma_start3A_66 : memref<128x128xf32, #tpu.memory_space<vmem_shared>>) target_semaphore(%run_scoped3A : memref<!tpu.dma_semaphore, #tpu.memory_space<semaphore_mem>>)
      %dma_wait3A_70 = arith.constant 0 : i32
      %dma_wait3A_71 = arith.constant 0 : i32
      %dma_wait3A_72 = tpu.memref_slice %arg12[%dma_wait3A_70, %dma_wait3A_71] : memref<128x128xf32, #tpu.memory_space<vmem>> -> memref<128x128xf32, #tpu.memory_space<vmem>>
      %dma_wait3A_73 = arith.constant 0 : i32
      %dma_wait3A_74 = tpu.memref_slice %arg18[%add3A_15, %dma_wait3A_73] : memref<10112x128xf32, #tpu.memory_space<vmem_shared>> -> memref<128x128xf32, #tpu.memory_space<vmem_shared>>
      %dma_wait3A_75 = arith.constant 0 : i32
      %dma_wait3A_76 = tpu.memref_slice %arg18[%add3A_15, %dma_wait3A_75] : memref<10112x128xf32, #tpu.memory_space<vmem_shared>> -> memref<128x128xf32, #tpu.memory_space<vmem_shared>>
      %dma_wait3A_77 = arith.constant 0 : i32
      %dma_wait3A_78 = arith.constant 0 : i32
      %dma_wait3A_79 = tpu.memref_slice %arg12[%dma_wait3A_77, %dma_wait3A_78] : memref<128x128xf32, #tpu.memory_space<vmem>> -> memref<128x128xf32, #tpu.memory_space<vmem>>
      tpu.wait_dma2 semaphore(%run_scoped3A : memref<!tpu.dma_semaphore, #tpu.memory_space<semaphore_mem>>) src(%dma_wait3A_79 : memref<128x128xf32, #tpu.memory_space<vmem>>) dst(%dma_wait3A_76 : memref<128x128xf32, #tpu.memory_space<vmem_shared>>)
      tpu.yield
    }) : () -> ()
    %mul3A_16 = arith.constant 632 : i32
    %mul3A_17 = arith.muli %arg1, %mul3A_16 : i32
    %add3A_18 = arith.constant 256 : i32
    %add3A_19 = arith.addi %mul3A_17, %add3A_18 : i32
    "tpu.region"() ({
      %run_scoped3A = tpu.sem_alloc : memref<!tpu.dma_semaphore, #tpu.memory_space<semaphore_mem>>
      %dma_start3A = arith.constant 0 : i32
      %dma_start3A_61 = arith.constant 0 : i32
      %dma_start3A_62 = tpu.memref_slice %arg12[%dma_start3A, %dma_start3A_61] : memref<128x128xf32, #tpu.memory_space<vmem>> -> memref<128x128xf32, #tpu.memory_space<vmem>>
      %dma_start3A_63 = arith.constant 0 : i32
      %dma_start3A_64 = tpu.memref_slice %arg18[%add3A_19, %dma_start3A_63] : memref<10112x128xf32, #tpu.memory_space<vmem_shared>> -> memref<128x128xf32, #tpu.memory_space<vmem_shared>>
      %dma_start3A_65 = arith.constant 0 : i32
      %dma_start3A_66 = tpu.memref_slice %arg18[%add3A_19, %dma_start3A_65] : memref<10112x128xf32, #tpu.memory_space<vmem_shared>> -> memref<128x128xf32, #tpu.memory_space<vmem_shared>>
      %dma_start3A_67 = arith.constant 0 : i32
      %dma_start3A_68 = arith.constant 0 : i32
      %dma_start3A_69 = tpu.memref_slice %arg12[%dma_start3A_67, %dma_start3A_68] : memref<128x128xf32, #tpu.memory_space<vmem>> -> memref<128x128xf32, #tpu.memory_space<vmem>>
      tpu.enqueue_dma source(%dma_start3A_69 : memref<128x128xf32, #tpu.memory_space<vmem>>) target(%dma_start3A_66 : memref<128x128xf32, #tpu.memory_space<vmem_shared>>) target_semaphore(%run_scoped3A : memref<!tpu.dma_semaphore, #tpu.memory_space<semaphore_mem>>)
      %dma_wait3A_70 = arith.constant 0 : i32
      %dma_wait3A_71 = arith.constant 0 : i32
      %dma_wait3A_72 = tpu.memref_slice %arg12[%dma_wait3A_70, %dma_wait3A_71] : memref<128x128xf32, #tpu.memory_space<vmem>> -> memref<128x128xf32, #tpu.memory_space<vmem>>
      %dma_wait3A_73 = arith.constant 0 : i32
      %dma_wait3A_74 = tpu.memref_slice %arg18[%add3A_19, %dma_wait3A_73] : memref<10112x128xf32, #tpu.memory_space<vmem_shared>> -> memref<128x128xf32, #tpu.memory_space<vmem_shared>>
      %dma_wait3A_75 = arith.constant 0 : i32
      %dma_wait3A_76 = tpu.memref_slice %arg18[%add3A_19, %dma_wait3A_75] : memref<10112x128xf32, #tpu.memory_space<vmem_shared>> -> memref<128x128xf32, #tpu.memory_space<vmem_shared>>
      %dma_wait3A_77 = arith.constant 0 : i32
      %dma_wait3A_78 = arith.constant 0 : i32
      %dma_wait3A_79 = tpu.memref_slice %arg12[%dma_wait3A_77, %dma_wait3A_78] : memref<128x128xf32, #tpu.memory_space<vmem>> -> memref<128x128xf32, #tpu.memory_space<vmem>>
      tpu.wait_dma2 semaphore(%run_scoped3A : memref<!tpu.dma_semaphore, #tpu.memory_space<semaphore_mem>>) src(%dma_wait3A_79 : memref<128x128xf32, #tpu.memory_space<vmem>>) dst(%dma_wait3A_76 : memref<128x128xf32, #tpu.memory_space<vmem_shared>>)
      tpu.yield
    }) : () -> ()
    %mul3A_20 = arith.constant 632 : i32
    %mul3A_21 = arith.muli %arg1, %mul3A_20 : i32
    %add3A_22 = arith.constant 384 : i32
    %add3A_23 = arith.addi %mul3A_21, %add3A_22 : i32
    "tpu.region"() ({
      %run_scoped3A = tpu.sem_alloc : memref<!tpu.dma_semaphore, #tpu.memory_space<semaphore_mem>>
      %dma_start3A = arith.constant 0 : i32
      %dma_start3A_61 = arith.constant 0 : i32
      %dma_start3A_62 = tpu.memref_slice %arg12[%dma_start3A, %dma_start3A_61] : memref<128x128xf32, #tpu.memory_space<vmem>> -> memref<128x128xf32, #tpu.memory_space<vmem>>
      %dma_start3A_63 = arith.constant 0 : i32
      %dma_start3A_64 = tpu.memref_slice %arg18[%add3A_23, %dma_start3A_63] : memref<10112x128xf32, #tpu.memory_space<vmem_shared>> -> memref<128x128xf32, #tpu.memory_space<vmem_shared>>
      %dma_start3A_65 = arith.constant 0 : i32
      %dma_start3A_66 = tpu.memref_slice %arg18[%add3A_23, %dma_start3A_65] : memref<10112x128xf32, #tpu.memory_space<vmem_shared>> -> memref<128x128xf32, #tpu.memory_space<vmem_shared>>
      %dma_start3A_67 = arith.constant 0 : i32
      %dma_start3A_68 = arith.constant 0 : i32
      %dma_start3A_69 = tpu.memref_slice %arg12[%dma_start3A_67, %dma_start3A_68] : memref<128x128xf32, #tpu.memory_space<vmem>> -> memref<128x128xf32, #tpu.memory_space<vmem>>
      tpu.enqueue_dma source(%dma_start3A_69 : memref<128x128xf32, #tpu.memory_space<vmem>>) target(%dma_start3A_66 : memref<128x128xf32, #tpu.memory_space<vmem_shared>>) target_semaphore(%run_scoped3A : memref<!tpu.dma_semaphore, #tpu.memory_space<semaphore_mem>>)
      %dma_wait3A_70 = arith.constant 0 : i32
      %dma_wait3A_71 = arith.constant 0 : i32
      %dma_wait3A_72 = tpu.memref_slice %arg12[%dma_wait3A_70, %dma_wait3A_71] : memref<128x128xf32, #tpu.memory_space<vmem>> -> memref<128x128xf32, #tpu.memory_space<vmem>>
      %dma_wait3A_73 = arith.constant 0 : i32
      %dma_wait3A_74 = tpu.memref_slice %arg18[%add3A_23, %dma_wait3A_73] : memref<10112x128xf32, #tpu.memory_space<vmem_shared>> -> memref<128x128xf32, #tpu.memory_space<vmem_shared>>
      %dma_wait3A_75 = arith.constant 0 : i32
      %dma_wait3A_76 = tpu.memref_slice %arg18[%add3A_23, %dma_wait3A_75] : memref<10112x128xf32, #tpu.memory_space<vmem_shared>> -> memref<128x128xf32, #tpu.memory_space<vmem_shared>>
      %dma_wait3A_77 = arith.constant 0 : i32
      %dma_wait3A_78 = arith.constant 0 : i32
      %dma_wait3A_79 = tpu.memref_slice %arg12[%dma_wait3A_77, %dma_wait3A_78] : memref<128x128xf32, #tpu.memory_space<vmem>> -> memref<128x128xf32, #tpu.memory_space<vmem>>
      tpu.wait_dma2 semaphore(%run_scoped3A : memref<!tpu.dma_semaphore, #tpu.memory_space<semaphore_mem>>) src(%dma_wait3A_79 : memref<128x128xf32, #tpu.memory_space<vmem>>) dst(%dma_wait3A_76 : memref<128x128xf32, #tpu.memory_space<vmem_shared>>)
      tpu.yield
    }) : () -> ()
    %mul3A_24 = arith.constant 632 : i32
    %mul3A_25 = arith.muli %arg1, %mul3A_24 : i32
    %add3A_26 = arith.constant 512 : i32
    %add3A_27 = arith.addi %mul3A_25, %add3A_26 : i32
    "tpu.region"() ({
      %run_scoped3A = tpu.sem_alloc : memref<!tpu.dma_semaphore, #tpu.memory_space<semaphore_mem>>
      %dma_start3A = arith.constant 0 : i32
      %dma_start3A_61 = arith.constant 0 : i32
      %dma_start3A_62 = tpu.memref_slice %arg12[%dma_start3A, %dma_start3A_61] : memref<128x128xf32, #tpu.memory_space<vmem>> -> memref<120x128xf32, #tpu.memory_space<vmem>>
      %dma_start3A_63 = arith.constant 0 : i32
      %dma_start3A_64 = tpu.memref_slice %arg18[%add3A_27, %dma_start3A_63] : memref<10112x128xf32, #tpu.memory_space<vmem_shared>> -> memref<120x128xf32, #tpu.memory_space<vmem_shared>>
      %dma_start3A_65 = arith.constant 0 : i32
      %dma_start3A_66 = tpu.memref_slice %arg18[%add3A_27, %dma_start3A_65] : memref<10112x128xf32, #tpu.memory_space<vmem_shared>> -> memref<120x128xf32, #tpu.memory_space<vmem_shared>>
      %dma_start3A_67 = arith.constant 0 : i32
      %dma_start3A_68 = arith.constant 0 : i32
      %dma_start3A_69 = tpu.memref_slice %arg12[%dma_start3A_67, %dma_start3A_68] : memref<128x128xf32, #tpu.memory_space<vmem>> -> memref<120x128xf32, #tpu.memory_space<vmem>>
      tpu.enqueue_dma source(%dma_start3A_69 : memref<120x128xf32, #tpu.memory_space<vmem>>) target(%dma_start3A_66 : memref<120x128xf32, #tpu.memory_space<vmem_shared>>) target_semaphore(%run_scoped3A : memref<!tpu.dma_semaphore, #tpu.memory_space<semaphore_mem>>)
      %dma_wait3A_70 = arith.constant 0 : i32
      %dma_wait3A_71 = arith.constant 0 : i32
      %dma_wait3A_72 = tpu.memref_slice %arg12[%dma_wait3A_70, %dma_wait3A_71] : memref<128x128xf32, #tpu.memory_space<vmem>> -> memref<120x128xf32, #tpu.memory_space<vmem>>
      %dma_wait3A_73 = arith.constant 0 : i32
      %dma_wait3A_74 = tpu.memref_slice %arg18[%add3A_27, %dma_wait3A_73] : memref<10112x128xf32, #tpu.memory_space<vmem_shared>> -> memref<120x128xf32, #tpu.memory_space<vmem_shared>>
      %dma_wait3A_75 = arith.constant 0 : i32
      %dma_wait3A_76 = tpu.memref_slice %arg18[%add3A_27, %dma_wait3A_75] : memref<10112x128xf32, #tpu.memory_space<vmem_shared>> -> memref<120x128xf32, #tpu.memory_space<vmem_shared>>
      %dma_wait3A_77 = arith.constant 0 : i32
      %dma_wait3A_78 = arith.constant 0 : i32
      %dma_wait3A_79 = tpu.memref_slice %arg12[%dma_wait3A_77, %dma_wait3A_78] : memref<128x128xf32, #tpu.memory_space<vmem>> -> memref<120x128xf32, #tpu.memory_space<vmem>>
      tpu.wait_dma2 semaphore(%run_scoped3A : memref<!tpu.dma_semaphore, #tpu.memory_space<semaphore_mem>>) src(%dma_wait3A_79 : memref<120x128xf32, #tpu.memory_space<vmem>>) dst(%dma_wait3A_76 : memref<120x128xf32, #tpu.memory_space<vmem_shared>>)
      tpu.yield
    }) : () -> ()
    %mul3A_28 = arith.constant 80 : i32
    %mul3A_29 = arith.muli %arg1, %mul3A_28 : i32
    %add3A_30 = arith.constant 0 : i32
    %add3A_31 = arith.addi %mul3A_29, %add3A_30 : i32
    "tpu.region"() ({
      %run_scoped3A = tpu.sem_alloc : memref<!tpu.dma_semaphore, #tpu.memory_space<semaphore_mem>>
      %dma_start3A = arith.constant 0 : i32
      %dma_start3A_61 = arith.constant 0 : i32
      %dma_start3A_62 = tpu.memref_slice %arg13[%dma_start3A, %dma_start3A_61] : memref<128x128xf32, #tpu.memory_space<vmem>> -> memref<80x128xf32, #tpu.memory_space<vmem>>
      %dma_start3A_63 = arith.constant 0 : i32
      %dma_start3A_64 = tpu.memref_slice %arg19[%add3A_31, %dma_start3A_63] : memref<1280x128xf32, #tpu.memory_space<vmem_shared>> -> memref<80x128xf32, #tpu.memory_space<vmem_shared>>
      %dma_start3A_65 = arith.constant 0 : i32
      %dma_start3A_66 = tpu.memref_slice %arg19[%add3A_31, %dma_start3A_65] : memref<1280x128xf32, #tpu.memory_space<vmem_shared>> -> memref<80x128xf32, #tpu.memory_space<vmem_shared>>
      %dma_start3A_67 = arith.constant 0 : i32
      %dma_start3A_68 = arith.constant 0 : i32
      %dma_start3A_69 = tpu.memref_slice %arg13[%dma_start3A_67, %dma_start3A_68] : memref<128x128xf32, #tpu.memory_space<vmem>> -> memref<80x128xf32, #tpu.memory_space<vmem>>
      tpu.enqueue_dma source(%dma_start3A_69 : memref<80x128xf32, #tpu.memory_space<vmem>>) target(%dma_start3A_66 : memref<80x128xf32, #tpu.memory_space<vmem_shared>>) target_semaphore(%run_scoped3A : memref<!tpu.dma_semaphore, #tpu.memory_space<semaphore_mem>>)
      %dma_wait3A_70 = arith.constant 0 : i32
      %dma_wait3A_71 = arith.constant 0 : i32
      %dma_wait3A_72 = tpu.memref_slice %arg13[%dma_wait3A_70, %dma_wait3A_71] : memref<128x128xf32, #tpu.memory_space<vmem>> -> memref<80x128xf32, #tpu.memory_space<vmem>>
      %dma_wait3A_73 = arith.constant 0 : i32
      %dma_wait3A_74 = tpu.memref_slice %arg19[%add3A_31, %dma_wait3A_73] : memref<1280x128xf32, #tpu.memory_space<vmem_shared>> -> memref<80x128xf32, #tpu.memory_space<vmem_shared>>
      %dma_wait3A_75 = arith.constant 0 : i32
      %dma_wait3A_76 = tpu.memref_slice %arg19[%add3A_31, %dma_wait3A_75] : memref<1280x128xf32, #tpu.memory_space<vmem_shared>> -> memref<80x128xf32, #tpu.memory_space<vmem_shared>>
      %dma_wait3A_77 = arith.constant 0 : i32
      %dma_wait3A_78 = arith.constant 0 : i32
      %dma_wait3A_79 = tpu.memref_slice %arg13[%dma_wait3A_77, %dma_wait3A_78] : memref<128x128xf32, #tpu.memory_space<vmem>> -> memref<80x128xf32, #tpu.memory_space<vmem>>
      tpu.wait_dma2 semaphore(%run_scoped3A : memref<!tpu.dma_semaphore, #tpu.memory_space<semaphore_mem>>) src(%dma_wait3A_79 : memref<80x128xf32, #tpu.memory_space<vmem>>) dst(%dma_wait3A_76 : memref<80x128xf32, #tpu.memory_space<vmem_shared>>)
      tpu.yield
    }) : () -> ()
    %barrier3A = arith.constant 0 : index
    tpu.barrier barrier_id(%barrier3A)
    %scan3A_32 = arith.constant 0 : i32
    %scan3A_33 = arith.constant 0 : i32
    %scan3A_34 = arith.constant 40 : i32
    %scan3A_35 = arith.addi %scan3A_33, %scan3A_34 : i32
    %scan3A_36 = arith.constant 1 : i32
    %scan3A_37 = scf.for %scan3A_61 = %scan3A_33 to %scan3A_35 step %scan3A_36 iter_args(%scan3A_62 = %scan3A_32) -> (i32)  : i32 {
      %and3A = arith.constant 1 : i32
      %and3A_63 = arith.andi %scan3A_61, %and3A : i32
      %mul3A_64 = arith.constant 5120 : i32
      %mul3A_65 = arith.muli %add3A, %mul3A_64 : i32
      %mul3A_66 = arith.constant 128 : i32
      %mul3A_67 = arith.muli %scan3A_61, %mul3A_66 : i32
      %add3A_68 = arith.addi %mul3A_65, %mul3A_67 : i32
      %dma_start3A = arith.constant 0 : i32
      %dma_start3A_69 = tpu.memref_slice %arg9[%and3A_63, %dma_start3A] : memref<2x128xi32, #tpu.memory_space<vmem>> -> memref<1x128xi32, #tpu.memory_space<vmem>>
      %dma_start3A_70 = tpu.memref_squeeze %dma_start3A_69 : memref<1x128xi32, #tpu.memory_space<vmem>> -> memref<128xi32, #tpu.memory_space<vmem>>
      %dma_start3A_71 = tpu.memref_slice %arg5[%add3A_68] : memref<163840xi32, #tpu.memory_space<hbm>> -> memref<128xi32, #tpu.memory_space<hbm>>
      %dma_start3A_72 = arith.constant 0 : i32
      %dma_start3A_73 = tpu.memref_slice %arg9[%and3A_63, %dma_start3A_72] : memref<2x128xi32, #tpu.memory_space<vmem>> -> memref<1x128xi32, #tpu.memory_space<vmem>>
      %dma_start3A_74 = tpu.memref_squeeze %dma_start3A_73 : memref<1x128xi32, #tpu.memory_space<vmem>> -> memref<128xi32, #tpu.memory_space<vmem>>
      %dma_start3A_75 = tpu.memref_slice %arg5[%add3A_68] : memref<163840xi32, #tpu.memory_space<hbm>> -> memref<128xi32, #tpu.memory_space<hbm>>
      tpu.enqueue_dma source(%dma_start3A_75 : memref<128xi32, #tpu.memory_space<hbm>>) target(%dma_start3A_74 : memref<128xi32, #tpu.memory_space<vmem>>) target_semaphore(%arg16 : memref<!tpu.dma_semaphore, #tpu.memory_space<semaphore_mem>>)
      %dma_start3A_76 = arith.constant 0 : i32
      %dma_start3A_77 = tpu.memref_slice %arg10[%and3A_63, %dma_start3A_76] : memref<2x128xi32, #tpu.memory_space<vmem>> -> memref<1x128xi32, #tpu.memory_space<vmem>>
      %dma_start3A_78 = tpu.memref_squeeze %dma_start3A_77 : memref<1x128xi32, #tpu.memory_space<vmem>> -> memref<128xi32, #tpu.memory_space<vmem>>
      %dma_start3A_79 = tpu.memref_slice %arg6[%add3A_68] : memref<163840xi32, #tpu.memory_space<hbm>> -> memref<128xi32, #tpu.memory_space<hbm>>
      %dma_start3A_80 = arith.constant 0 : i32
      %dma_start3A_81 = tpu.memref_slice %arg10[%and3A_63, %dma_start3A_80] : memref<2x128xi32, #tpu.memory_space<vmem>> -> memref<1x128xi32, #tpu.memory_space<vmem>>
      %dma_start3A_82 = tpu.memref_squeeze %dma_start3A_81 : memref<1x128xi32, #tpu.memory_space<vmem>> -> memref<128xi32, #tpu.memory_space<vmem>>
      %dma_start3A_83 = tpu.memref_slice %arg6[%add3A_68] : memref<163840xi32, #tpu.memory_space<hbm>> -> memref<128xi32, #tpu.memory_space<hbm>>
      tpu.enqueue_dma source(%dma_start3A_83 : memref<128xi32, #tpu.memory_space<hbm>>) target(%dma_start3A_82 : memref<128xi32, #tpu.memory_space<vmem>>) target_semaphore(%arg17 : memref<!tpu.dma_semaphore, #tpu.memory_space<semaphore_mem>>)
      %gt3A = arith.constant 0 : i32
      %gt3A_84 = arith.cmpi sgt, %scan3A_61, %gt3A : i32
      %convert_element_type3A = arith.extui %gt3A_84 : i1 to i32
      %cond3A = arith.constant 0 : i32
      %cond3A_85 = arith.cmpi ne, %convert_element_type3A, %cond3A : i32
      scf.if %cond3A_85 {
        %sub3A = arith.constant 1 : i32
        %sub3A_172 = arith.subi %sub3A, %and3A_63 : i32
        %dma_wait3A_173 = arith.constant 0 : i32
        %dma_wait3A_174 = tpu.memref_slice %arg10[%sub3A_172, %dma_wait3A_173] : memref<2x128xi32, #tpu.memory_space<vmem>> -> memref<1x128xi32, #tpu.memory_space<vmem>>
        %dma_wait3A_175 = tpu.memref_squeeze %dma_wait3A_174 : memref<1x128xi32, #tpu.memory_space<vmem>> -> memref<128xi32, #tpu.memory_space<vmem>>
        %dma_wait3A_176 = arith.constant 0 : i32
        %dma_wait3A_177 = arith.constant 0 : i32
        %dma_wait3A_178 = tpu.memref_slice %arg18[%dma_wait3A_176, %dma_wait3A_177] : memref<10112x128xf32, #tpu.memory_space<vmem_shared>> -> memref<10112x128xf32, #tpu.memory_space<vmem_shared>>
        tpu.wait_indirect_dma semaphore(%arg14 : memref<!tpu.dma_semaphore, #tpu.memory_space<semaphore_mem>>) src(%arg12 : memref<128x128xf32, #tpu.memory_space<vmem>>) dst(%dma_wait3A_178 : memref<10112x128xf32, #tpu.memory_space<vmem_shared>>)
        %dma_wait3A_179 = arith.constant 0 : i32
        %dma_wait3A_180 = tpu.memref_slice %arg11[%sub3A_172, %dma_wait3A_179] : memref<2x128xi32, #tpu.memory_space<vmem>> -> memref<1x128xi32, #tpu.memory_space<vmem>>
        %dma_wait3A_181 = tpu.memref_squeeze %dma_wait3A_180 : memref<1x128xi32, #tpu.memory_space<vmem>> -> memref<128xi32, #tpu.memory_space<vmem>>
        %dma_wait3A_182 = arith.constant 0 : i32
        %dma_wait3A_183 = arith.constant 0 : i32
        %dma_wait3A_184 = tpu.memref_slice %arg19[%dma_wait3A_182, %dma_wait3A_183] : memref<1280x128xf32, #tpu.memory_space<vmem_shared>> -> memref<1280x128xf32, #tpu.memory_space<vmem_shared>>
        tpu.wait_indirect_dma semaphore(%arg15 : memref<!tpu.dma_semaphore, #tpu.memory_space<semaphore_mem>>) src(%arg13 : memref<128x128xf32, #tpu.memory_space<vmem>>) dst(%dma_wait3A_184 : memref<1280x128xf32, #tpu.memory_space<vmem_shared>>)
      } else {
      }
      %dma_wait3A_86 = arith.constant 0 : i32
      %dma_wait3A_87 = tpu.memref_slice %arg9[%and3A_63, %dma_wait3A_86] : memref<2x128xi32, #tpu.memory_space<vmem>> -> memref<1x128xi32, #tpu.memory_space<vmem>>
      %dma_wait3A_88 = tpu.memref_squeeze %dma_wait3A_87 : memref<1x128xi32, #tpu.memory_space<vmem>> -> memref<128xi32, #tpu.memory_space<vmem>>
      %dma_wait3A_89 = tpu.memref_slice %arg5[%add3A_68] : memref<163840xi32, #tpu.memory_space<hbm>> -> memref<128xi32, #tpu.memory_space<hbm>>
      %dma_wait3A_90 = arith.constant 0 : i32
      %dma_wait3A_91 = tpu.memref_slice %arg9[%and3A_63, %dma_wait3A_90] : memref<2x128xi32, #tpu.memory_space<vmem>> -> memref<1x128xi32, #tpu.memory_space<vmem>>
      %dma_wait3A_92 = tpu.memref_squeeze %dma_wait3A_91 : memref<1x128xi32, #tpu.memory_space<vmem>> -> memref<128xi32, #tpu.memory_space<vmem>>
      %dma_wait3A_93 = tpu.memref_slice %arg5[%add3A_68] : memref<163840xi32, #tpu.memory_space<hbm>> -> memref<128xi32, #tpu.memory_space<hbm>>
      tpu.wait_dma2 semaphore(%arg16 : memref<!tpu.dma_semaphore, #tpu.memory_space<semaphore_mem>>) src(%dma_wait3A_93 : memref<128xi32, #tpu.memory_space<hbm>>) dst(%dma_wait3A_92 : memref<128xi32, #tpu.memory_space<vmem>>)
      %dma_wait3A_94 = arith.constant 0 : i32
      %dma_wait3A_95 = tpu.memref_slice %arg10[%and3A_63, %dma_wait3A_94] : memref<2x128xi32, #tpu.memory_space<vmem>> -> memref<1x128xi32, #tpu.memory_space<vmem>>
      %dma_wait3A_96 = tpu.memref_squeeze %dma_wait3A_95 : memref<1x128xi32, #tpu.memory_space<vmem>> -> memref<128xi32, #tpu.memory_space<vmem>>
      %dma_wait3A_97 = tpu.memref_slice %arg6[%add3A_68] : memref<163840xi32, #tpu.memory_space<hbm>> -> memref<128xi32, #tpu.memory_space<hbm>>
      %dma_wait3A_98 = arith.constant 0 : i32
      %dma_wait3A_99 = tpu.memref_slice %arg10[%and3A_63, %dma_wait3A_98] : memref<2x128xi32, #tpu.memory_space<vmem>> -> memref<1x128xi32, #tpu.memory_space<vmem>>
      %dma_wait3A_100 = tpu.memref_squeeze %dma_wait3A_99 : memref<1x128xi32, #tpu.memory_space<vmem>> -> memref<128xi32, #tpu.memory_space<vmem>>
      %dma_wait3A_101 = tpu.memref_slice %arg6[%add3A_68] : memref<163840xi32, #tpu.memory_space<hbm>> -> memref<128xi32, #tpu.memory_space<hbm>>
      tpu.wait_dma2 semaphore(%arg17 : memref<!tpu.dma_semaphore, #tpu.memory_space<semaphore_mem>>) src(%dma_wait3A_101 : memref<128xi32, #tpu.memory_space<hbm>>) dst(%dma_wait3A_100 : memref<128xi32, #tpu.memory_space<vmem>>)
      %dma_start3A_102 = arith.constant 0 : i32
      %dma_start3A_103 = tpu.memref_slice %arg9[%and3A_63, %dma_start3A_102] : memref<2x128xi32, #tpu.memory_space<vmem>> -> memref<1x128xi32, #tpu.memory_space<vmem>>
      %dma_start3A_104 = tpu.memref_squeeze %dma_start3A_103 : memref<1x128xi32, #tpu.memory_space<vmem>> -> memref<128xi32, #tpu.memory_space<vmem>>
      %dma_start3A_105 = arith.constant 0 : i32
      %dma_start3A_106 = arith.constant 0 : i32
      %dma_start3A_107 = tpu.memref_slice %arg3[%dma_start3A_105, %dma_start3A_106] : memref<170000x128xf32, #tpu.memory_space<hbm>> -> memref<170000x128xf32, #tpu.memory_space<hbm>>
      tpu.enqueue_indirect_dma source(%dma_start3A_107 : memref<170000x128xf32, #tpu.memory_space<hbm>>) target(%arg12 : memref<128x128xf32, #tpu.memory_space<vmem>>) offsets(%dma_start3A_104 : memref<128xi32, #tpu.memory_space<vmem>>) semaphore(%arg14 : memref<!tpu.dma_semaphore, #tpu.memory_space<semaphore_mem>>)
      %dma_start3A_108 = arith.constant 0 : i32
      %dma_start3A_109 = tpu.memref_slice %arg10[%and3A_63, %dma_start3A_108] : memref<2x128xi32, #tpu.memory_space<vmem>> -> memref<1x128xi32, #tpu.memory_space<vmem>>
      %dma_start3A_110 = tpu.memref_squeeze %dma_start3A_109 : memref<1x128xi32, #tpu.memory_space<vmem>> -> memref<128xi32, #tpu.memory_space<vmem>>
      %dma_start3A_111 = arith.constant 0 : i32
      %dma_start3A_112 = arith.constant 0 : i32
      %dma_start3A_113 = tpu.memref_slice %arg4[%dma_start3A_111, %dma_start3A_112] : memref<10000x128xf32, #tpu.memory_space<hbm>> -> memref<10000x128xf32, #tpu.memory_space<hbm>>
      tpu.enqueue_indirect_dma source(%dma_start3A_113 : memref<10000x128xf32, #tpu.memory_space<hbm>>) target(%arg13 : memref<128x128xf32, #tpu.memory_space<vmem>>) offsets(%dma_start3A_110 : memref<128xi32, #tpu.memory_space<vmem>>) semaphore(%arg15 : memref<!tpu.dma_semaphore, #tpu.memory_space<semaphore_mem>>)
      %dma_wait3A_114 = arith.constant 0 : i32
      %dma_wait3A_115 = tpu.memref_slice %arg9[%and3A_63, %dma_wait3A_114] : memref<2x128xi32, #tpu.memory_space<vmem>> -> memref<1x128xi32, #tpu.memory_space<vmem>>
      %dma_wait3A_116 = tpu.memref_squeeze %dma_wait3A_115 : memref<1x128xi32, #tpu.memory_space<vmem>> -> memref<128xi32, #tpu.memory_space<vmem>>
      %dma_wait3A_117 = arith.constant 0 : i32
      %dma_wait3A_118 = arith.constant 0 : i32
      %dma_wait3A_119 = tpu.memref_slice %arg3[%dma_wait3A_117, %dma_wait3A_118] : memref<170000x128xf32, #tpu.memory_space<hbm>> -> memref<170000x128xf32, #tpu.memory_space<hbm>>
      tpu.wait_indirect_dma semaphore(%arg14 : memref<!tpu.dma_semaphore, #tpu.memory_space<semaphore_mem>>) src(%dma_wait3A_119 : memref<170000x128xf32, #tpu.memory_space<hbm>>) dst(%arg12 : memref<128x128xf32, #tpu.memory_space<vmem>>)
      %dma_wait3A_120 = arith.constant 0 : i32
      %dma_wait3A_121 = tpu.memref_slice %arg10[%and3A_63, %dma_wait3A_120] : memref<2x128xi32, #tpu.memory_space<vmem>> -> memref<1x128xi32, #tpu.memory_space<vmem>>
      %dma_wait3A_122 = tpu.memref_squeeze %dma_wait3A_121 : memref<1x128xi32, #tpu.memory_space<vmem>> -> memref<128xi32, #tpu.memory_space<vmem>>
      %dma_wait3A_123 = arith.constant 0 : i32
      %dma_wait3A_124 = arith.constant 0 : i32
      %dma_wait3A_125 = tpu.memref_slice %arg4[%dma_wait3A_123, %dma_wait3A_124] : memref<10000x128xf32, #tpu.memory_space<hbm>> -> memref<10000x128xf32, #tpu.memory_space<hbm>>
      tpu.wait_indirect_dma semaphore(%arg15 : memref<!tpu.dma_semaphore, #tpu.memory_space<semaphore_mem>>) src(%dma_wait3A_125 : memref<10000x128xf32, #tpu.memory_space<hbm>>) dst(%arg13 : memref<128x128xf32, #tpu.memory_space<vmem>>)
      %scan3A_126 = arith.constant 0 : i32
      %scan3A_127 = arith.constant 0 : i32
      %scan3A_128 = arith.constant 8 : i32
      %scan3A_129 = arith.addi %scan3A_127, %scan3A_128 : i32
      %scan3A_130 = arith.constant 1 : i32
      %scan3A_131 = scf.for %scan3A_172 = %scan3A_127 to %scan3A_129 step %scan3A_130 iter_args(%scan3A_173 = %scan3A_126) -> (i32)  : i32 {
        %mul3A_174 = arith.constant 16 : i32
        %mul3A_175 = arith.muli %scan3A_172, %mul3A_174 : i32
        %get3A = arith.index_cast %and3A_63 : i32 to index
        %get3A_176 = arith.index_cast %mul3A_175 : i32 to index
        %get3A_177 = tpu.vector_load %arg10[%get3A, %get3A_176] {strides = array<i32>} : memref<2x128xi32, #tpu.memory_space<vmem>>, vector<1x16xi32>,
        %get3A_178 = vector.shape_cast %get3A_177 : vector<1x16xi32> to vector<16xi32>
        %mul3A_179 = arith.constant 16 : i32
        %mul3A_180 = arith.muli %scan3A_172, %mul3A_179 : i32
        %add3A_181 = arith.constant 0 : i32
        %add3A_182 = arith.addi %mul3A_180, %add3A_181 : i32
        %get3A_183 = arith.index_cast %add3A_182 : i32 to index
        %get3A_184 = arith.constant 0 : index
        %get3A_185 = tpu.vector_load %arg12[%get3A_183, %get3A_184] {strides = array<i32>} : memref<128x128xf32, #tpu.memory_space<vmem>>, vector<1x16xf32>,
        %get3A_186 = vector.shape_cast %get3A_185 : vector<1x16xf32> to vector<16xf32>
        %get3A_187 = arith.index_cast %add3A_182 : i32 to index
        %get3A_188 = arith.constant 0 : index
        %get3A_189 = tpu.vector_load %arg13[%get3A_187, %get3A_188] {strides = array<i32>} : memref<128x128xf32, #tpu.memory_space<vmem>>, vector<1x16xf32>,
        %get3A_190 = vector.shape_cast %get3A_189 : vector<1x16xf32> to vector<16xf32>
        %add3A_191 = arith.addf %get3A_186, %get3A_190 : vector<16xf32>
        %ge3A = arith.constant 0.000000e+00 : f32
        %ge3A_192 = vector.broadcast %ge3A : f32 to vector<16xf32>
        %ge3A_193 = arith.cmpf oge, %add3A_191, %ge3A_192 : vector<16xf32>
        %mul3A_194 = arith.constant 2.000000e-01 : f32
        %mul3A_195 = vector.broadcast %mul3A_194 : f32 to vector<16xf32>
        %mul3A_196 = arith.mulf %mul3A_195, %add3A_191 : vector<16xf32>
        %select_n3A = arith.select %ge3A_193, %add3A_191, %mul3A_196 : vector<16xi1>, vector<16xf32>
        %exp3A = math.exp %select_n3A : vector<16xf32>
        %swap3A = arith.index_cast %add3A_182 : i32 to index
        %swap3A_197 = arith.constant 0 : index
        %swap3A_198 = tpu.vector_load %arg13[%swap3A, %swap3A_197] {strides = array<i32>} : memref<128x128xf32, #tpu.memory_space<vmem>>, vector<1x16xf32>,
        %swap3A_199 = vector.shape_cast %swap3A_198 : vector<1x16xf32> to vector<16xf32>
        %swap3A_200 = vector.shape_cast %broadcast_in_dim3A_1 : vector<16xf32> to vector<1x16xf32>
        tpu.vector_store %arg13[%swap3A, %swap3A_197], %swap3A_200 {strides = array<i32>} : memref<128x128xf32, #tpu.memory_space<vmem>>, vector<1x16xf32>,
        %swap3A_201 = arith.index_cast %add3A_182 : i32 to index
        %swap3A_202 = arith.constant 16 : index
        %swap3A_203 = tpu.vector_load %arg13[%swap3A_201, %swap3A_202] {strides = array<i32>} : memref<128x128xf32, #tpu.memory_space<vmem>>, vector<1x16xf32>,
        %swap3A_204 = vector.shape_cast %swap3A_203 : vector<1x16xf32> to vector<16xf32>
        %swap3A_205 = vector.shape_cast %broadcast_in_dim3A_1 : vector<16xf32> to vector<1x16xf32>
        tpu.vector_store %arg13[%swap3A_201, %swap3A_202], %swap3A_205 {strides = array<i32>} : memref<128x128xf32, #tpu.memory_space<vmem>>, vector<1x16xf32>,
        %swap3A_206 = arith.index_cast %add3A_182 : i32 to index
        %swap3A_207 = arith.constant 32 : index
        %swap3A_208 = tpu.vector_load %arg13[%swap3A_206, %swap3A_207] {strides = array<i32>} : memref<128x128xf32, #tpu.memory_space<vmem>>, vector<1x16xf32>,
        %swap3A_209 = vector.shape_cast %swap3A_208 : vector<1x16xf32> to vector<16xf32>
        %swap3A_210 = vector.shape_cast %broadcast_in_dim3A_1 : vector<16xf32> to vector<1x16xf32>
        tpu.vector_store %arg13[%swap3A_206, %swap3A_207], %swap3A_210 {strides = array<i32>} : memref<128x128xf32, #tpu.memory_space<vmem>>, vector<1x16xf32>,
        %swap3A_211 = arith.index_cast %add3A_182 : i32 to index
        %swap3A_212 = arith.constant 48 : index
        %swap3A_213 = tpu.vector_load %arg13[%swap3A_211, %swap3A_212] {strides = array<i32>} : memref<128x128xf32, #tpu.memory_space<vmem>>, vector<1x16xf32>,
        %swap3A_214 = vector.shape_cast %swap3A_213 : vector<1x16xf32> to vector<16xf32>
        %swap3A_215 = vector.shape_cast %broadcast_in_dim3A_1 : vector<16xf32> to vector<1x16xf32>
        tpu.vector_store %arg13[%swap3A_211, %swap3A_212], %swap3A_215 {strides = array<i32>} : memref<128x128xf32, #tpu.memory_space<vmem>>, vector<1x16xf32>,
        %swap3A_216 = arith.index_cast %add3A_182 : i32 to index
        %swap3A_217 = arith.constant 64 : index
        %swap3A_218 = tpu.vector_load %arg13[%swap3A_216, %swap3A_217] {strides = array<i32>} : memref<128x128xf32, #tpu.memory_space<vmem>>, vector<1x16xf32>,
        %swap3A_219 = vector.shape_cast %swap3A_218 : vector<1x16xf32> to vector<16xf32>
        %swap3A_220 = vector.shape_cast %broadcast_in_dim3A_1 : vector<16xf32> to vector<1x16xf32>
        tpu.vector_store %arg13[%swap3A_216, %swap3A_217], %swap3A_220 {strides = array<i32>} : memref<128x128xf32, #tpu.memory_space<vmem>>, vector<1x16xf32>,
        %swap3A_221 = arith.index_cast %add3A_182 : i32 to index
        %swap3A_222 = arith.constant 80 : index
        %swap3A_223 = tpu.vector_load %arg13[%swap3A_221, %swap3A_222] {strides = array<i32>} : memref<128x128xf32, #tpu.memory_space<vmem>>, vector<1x16xf32>,
        %swap3A_224 = vector.shape_cast %swap3A_223 : vector<1x16xf32> to vector<16xf32>
        %swap3A_225 = vector.shape_cast %broadcast_in_dim3A_1 : vector<16xf32> to vector<1x16xf32>
        tpu.vector_store %arg13[%swap3A_221, %swap3A_222], %swap3A_225 {strides = array<i32>} : memref<128x128xf32, #tpu.memory_space<vmem>>, vector<1x16xf32>,
        %swap3A_226 = arith.index_cast %add3A_182 : i32 to index
        %swap3A_227 = arith.constant 96 : index
        %swap3A_228 = tpu.vector_load %arg13[%swap3A_226, %swap3A_227] {strides = array<i32>} : memref<128x128xf32, #tpu.memory_space<vmem>>, vector<1x16xf32>,
        %swap3A_229 = vector.shape_cast %swap3A_228 : vector<1x16xf32> to vector<16xf32>
        %swap3A_230 = vector.shape_cast %broadcast_in_dim3A_1 : vector<16xf32> to vector<1x16xf32>
        tpu.vector_store %arg13[%swap3A_226, %swap3A_227], %swap3A_230 {strides = array<i32>} : memref<128x128xf32, #tpu.memory_space<vmem>>, vector<1x16xf32>,
        %swap3A_231 = arith.index_cast %add3A_182 : i32 to index
        %swap3A_232 = arith.constant 112 : index
        %swap3A_233 = tpu.vector_load %arg13[%swap3A_231, %swap3A_232] {strides = array<i32>} : memref<128x128xf32, #tpu.memory_space<vmem>>, vector<1x16xf32>,
        %swap3A_234 = vector.shape_cast %swap3A_233 : vector<1x16xf32> to vector<16xf32>
        %swap3A_235 = vector.shape_cast %broadcast_in_dim3A_1 : vector<16xf32> to vector<1x16xf32>
        tpu.vector_store %arg13[%swap3A_231, %swap3A_232], %swap3A_235 {strides = array<i32>} : memref<128x128xf32, #tpu.memory_space<vmem>>, vector<1x16xf32>,
        %slice3A = vector.extract_strided_slice %get3A_178 {offsets = [0], sizes = [1], strides = [1]} : vector<16xi32> to vector<1xi32>
        %squeeze3A = vector.extract %slice3A[0] : i32 from vector<1xi32>
        %and3A_236 = arith.constant 7 : i32
        %and3A_237 = arith.andi %squeeze3A, %and3A_236 : i32
        %mul3A_238 = arith.constant 16 : i32
        %mul3A_239 = arith.muli %and3A_237, %mul3A_238 : i32
        %swap3A_240 = arith.index_cast %add3A_182 : i32 to index
        %swap3A_241 = arith.index_cast %mul3A_239 : i32 to index
        %swap3A_242 = tpu.vector_load %arg13[%swap3A_240, %swap3A_241] {strides = array<i32>} : memref<128x128xf32, #tpu.memory_space<vmem>>, vector<1x16xf32>,
        %swap3A_243 = vector.shape_cast %swap3A_242 : vector<1x16xf32> to vector<16xf32>
        %swap3A_244 = vector.shape_cast %exp3A : vector<16xf32> to vector<1x16xf32>
        tpu.vector_store %arg13[%swap3A_240, %swap3A_241], %swap3A_244 {strides = array<i32>} : memref<128x128xf32, #tpu.memory_space<vmem>>, vector<1x16xf32>,
        %mul3A_245 = arith.constant 16 : i32
        %mul3A_246 = arith.muli %scan3A_172, %mul3A_245 : i32
        %add3A_247 = arith.constant 1 : i32
        %add3A_248 = arith.addi %mul3A_246, %add3A_247 : i32
        %get3A_249 = arith.index_cast %add3A_248 : i32 to index
        %get3A_250 = arith.constant 0 : index
        %get3A_251 = tpu.vector_load %arg12[%get3A_249, %get3A_250] {strides = array<i32>} : memref<128x128xf32, #tpu.memory_space<vmem>>, vector<1x16xf32>,
        %get3A_252 = vector.shape_cast %get3A_251 : vector<1x16xf32> to vector<16xf32>
        %get3A_253 = arith.index_cast %add3A_248 : i32 to index
        %get3A_254 = arith.constant 0 : index
        %get3A_255 = tpu.vector_load %arg13[%get3A_253, %get3A_254] {strides = array<i32>} : memref<128x128xf32, #tpu.memory_space<vmem>>, vector<1x16xf32>,
        %get3A_256 = vector.shape_cast %get3A_255 : vector<1x16xf32> to vector<16xf32>
        %add3A_257 = arith.addf %get3A_252, %get3A_256 : vector<16xf32>
        %ge3A_258 = arith.constant 0.000000e+00 : f32
        %ge3A_259 = vector.broadcast %ge3A_258 : f32 to vector<16xf32>
        %ge3A_260 = arith.cmpf oge, %add3A_257, %ge3A_259 : vector<16xf32>
        %mul3A_261 = arith.constant 2.000000e-01 : f32
        %mul3A_262 = vector.broadcast %mul3A_261 : f32 to vector<16xf32>
        %mul3A_263 = arith.mulf %mul3A_262, %add3A_257 : vector<16xf32>
        %select_n3A_264 = arith.select %ge3A_260, %add3A_257, %mul3A_263 : vector<16xi1>, vector<16xf32>
        %exp3A_265 = math.exp %select_n3A_264 : vector<16xf32>
        %swap3A_266 = arith.index_cast %add3A_248 : i32 to index
        %swap3A_267 = arith.constant 0 : index
        %swap3A_268 = tpu.vector_load %arg13[%swap3A_266, %swap3A_267] {strides = array<i32>} : memref<128x128xf32, #tpu.memory_space<vmem>>, vector<1x16xf32>,
        %swap3A_269 = vector.shape_cast %swap3A_268 : vector<1x16xf32> to vector<16xf32>
        %swap3A_270 = vector.shape_cast %broadcast_in_dim3A_1 : vector<16xf32> to vector<1x16xf32>
        tpu.vector_store %arg13[%swap3A_266, %swap3A_267], %swap3A_270 {strides = array<i32>} : memref<128x128xf32, #tpu.memory_space<vmem>>, vector<1x16xf32>,
        %swap3A_271 = arith.index_cast %add3A_248 : i32 to index
        %swap3A_272 = arith.constant 16 : index
        %swap3A_273 = tpu.vector_load %arg13[%swap3A_271, %swap3A_272] {strides = array<i32>} : memref<128x128xf32, #tpu.memory_space<vmem>>, vector<1x16xf32>,
        %swap3A_274 = vector.shape_cast %swap3A_273 : vector<1x16xf32> to vector<16xf32>
        %swap3A_275 = vector.shape_cast %broadcast_in_dim3A_1 : vector<16xf32> to vector<1x16xf32>
        tpu.vector_store %arg13[%swap3A_271, %swap3A_272], %swap3A_275 {strides = array<i32>} : memref<128x128xf32, #tpu.memory_space<vmem>>, vector<1x16xf32>,
        %swap3A_276 = arith.index_cast %add3A_248 : i32 to index
        %swap3A_277 = arith.constant 32 : index
        %swap3A_278 = tpu.vector_load %arg13[%swap3A_276, %swap3A_277] {strides = array<i32>} : memref<128x128xf32, #tpu.memory_space<vmem>>, vector<1x16xf32>,
        %swap3A_279 = vector.shape_cast %swap3A_278 : vector<1x16xf32> to vector<16xf32>
        %swap3A_280 = vector.shape_cast %broadcast_in_dim3A_1 : vector<16xf32> to vector<1x16xf32>
        tpu.vector_store %arg13[%swap3A_276, %swap3A_277], %swap3A_280 {strides = array<i32>} : memref<128x128xf32, #tpu.memory_space<vmem>>, vector<1x16xf32>,
        %swap3A_281 = arith.index_cast %add3A_248 : i32 to index
        %swap3A_282 = arith.constant 48 : index
        %swap3A_283 = tpu.vector_load %arg13[%swap3A_281, %swap3A_282] {strides = array<i32>} : memref<128x128xf32, #tpu.memory_space<vmem>>, vector<1x16xf32>,
        %swap3A_284 = vector.shape_cast %swap3A_283 : vector<1x16xf32> to vector<16xf32>
        %swap3A_285 = vector.shape_cast %broadcast_in_dim3A_1 : vector<16xf32> to vector<1x16xf32>
        tpu.vector_store %arg13[%swap3A_281, %swap3A_282], %swap3A_285 {strides = array<i32>} : memref<128x128xf32, #tpu.memory_space<vmem>>, vector<1x16xf32>,
        %swap3A_286 = arith.index_cast %add3A_248 : i32 to index
        %swap3A_287 = arith.constant 64 : index
        %swap3A_288 = tpu.vector_load %arg13[%swap3A_286, %swap3A_287] {strides = array<i32>} : memref<128x128xf32, #tpu.memory_space<vmem>>, vector<1x16xf32>,
        %swap3A_289 = vector.shape_cast %swap3A_288 : vector<1x16xf32> to vector<16xf32>
        %swap3A_290 = vector.shape_cast %broadcast_in_dim3A_1 : vector<16xf32> to vector<1x16xf32>
        tpu.vector_store %arg13[%swap3A_286, %swap3A_287], %swap3A_290 {strides = array<i32>} : memref<128x128xf32, #tpu.memory_space<vmem>>, vector<1x16xf32>,
        %swap3A_291 = arith.index_cast %add3A_248 : i32 to index
        %swap3A_292 = arith.constant 80 : index
        %swap3A_293 = tpu.vector_load %arg13[%swap3A_291, %swap3A_292] {strides = array<i32>} : memref<128x128xf32, #tpu.memory_space<vmem>>, vector<1x16xf32>,
        %swap3A_294 = vector.shape_cast %swap3A_293 : vector<1x16xf32> to vector<16xf32>
        %swap3A_295 = vector.shape_cast %broadcast_in_dim3A_1 : vector<16xf32> to vector<1x16xf32>
        tpu.vector_store %arg13[%swap3A_291, %swap3A_292], %swap3A_295 {strides = array<i32>} : memref<128x128xf32, #tpu.memory_space<vmem>>, vector<1x16xf32>,
        %swap3A_296 = arith.index_cast %add3A_248 : i32 to index
        %swap3A_297 = arith.constant 96 : index
        %swap3A_298 = tpu.vector_load %arg13[%swap3A_296, %swap3A_297] {strides = array<i32>} : memref<128x128xf32, #tpu.memory_space<vmem>>, vector<1x16xf32>,
        %swap3A_299 = vector.shape_cast %swap3A_298 : vector<1x16xf32> to vector<16xf32>
        %swap3A_300 = vector.shape_cast %broadcast_in_dim3A_1 : vector<16xf32> to vector<1x16xf32>
        tpu.vector_store %arg13[%swap3A_296, %swap3A_297], %swap3A_300 {strides = array<i32>} : memref<128x128xf32, #tpu.memory_space<vmem>>, vector<1x16xf32>,
        %swap3A_301 = arith.index_cast %add3A_248 : i32 to index
        %swap3A_302 = arith.constant 112 : index
        %swap3A_303 = tpu.vector_load %arg13[%swap3A_301, %swap3A_302] {strides = array<i32>} : memref<128x128xf32, #tpu.memory_space<vmem>>, vector<1x16xf32>,
        %swap3A_304 = vector.shape_cast %swap3A_303 : vector<1x16xf32> to vector<16xf32>
        %swap3A_305 = vector.shape_cast %broadcast_in_dim3A_1 : vector<16xf32> to vector<1x16xf32>
        tpu.vector_store %arg13[%swap3A_301, %swap3A_302], %swap3A_305 {strides = array<i32>} : memref<128x128xf32, #tpu.memory_space<vmem>>, vector<1x16xf32>,
        %slice3A_306 = vector.extract_strided_slice %get3A_178 {offsets = [1], sizes = [1], strides = [1]} : vector<16xi32> to vector<1xi32>
        %squeeze3A_307 = vector.extract %slice3A_306[0] : i32 from vector<1xi32>
        %and3A_308 = arith.constant 7 : i32
        %and3A_309 = arith.andi %squeeze3A_307, %and3A_308 : i32
        %mul3A_310 = arith.constant 16 : i32
        %mul3A_311 = arith.muli %and3A_309, %mul3A_310 : i32
        %swap3A_312 = arith.index_cast %add3A_248 : i32 to index
        %swap3A_313 = arith.index_cast %mul3A_311 : i32 to index
        %swap3A_314 = tpu.vector_load %arg13[%swap3A_312, %swap3A_313] {strides = array<i32>} : memref<128x128xf32, #tpu.memory_space<vmem>>, vector<1x16xf32>,
        %swap3A_315 = vector.shape_cast %swap3A_314 : vector<1x16xf32> to vector<16xf32>
        %swap3A_316 = vector.shape_cast %exp3A_265 : vector<16xf32> to vector<1x16xf32>
        tpu.vector_store %arg13[%swap3A_312, %swap3A_313], %swap3A_316 {strides = array<i32>} : memref<128x128xf32, #tpu.memory_space<vmem>>, vector<1x16xf32>,
        %mul3A_317 = arith.constant 16 : i32
        %mul3A_318 = arith.muli %scan3A_172, %mul3A_317 : i32
        %add3A_319 = arith.constant 2 : i32
        %add3A_320 = arith.addi %mul3A_318, %add3A_319 : i32
        %get3A_321 = arith.index_cast %add3A_320 : i32 to index
        %get3A_322 = arith.constant 0 : index
        %get3A_323 = tpu.vector_load %arg12[%get3A_321, %get3A_322] {strides = array<i32>} : memref<128x128xf32, #tpu.memory_space<vmem>>, vector<1x16xf32>,
        %get3A_324 = vector.shape_cast %get3A_323 : vector<1x16xf32> to vector<16xf32>
        %get3A_325 = arith.index_cast %add3A_320 : i32 to index
        %get3A_326 = arith.constant 0 : index
        %get3A_327 = tpu.vector_load %arg13[%get3A_325, %get3A_326] {strides = array<i32>} : memref<128x128xf32, #tpu.memory_space<vmem>>, vector<1x16xf32>,
        %get3A_328 = vector.shape_cast %get3A_327 : vector<1x16xf32> to vector<16xf32>
        %add3A_329 = arith.addf %get3A_324, %get3A_328 : vector<16xf32>
        %ge3A_330 = arith.constant 0.000000e+00 : f32
        %ge3A_331 = vector.broadcast %ge3A_330 : f32 to vector<16xf32>
        %ge3A_332 = arith.cmpf oge, %add3A_329, %ge3A_331 : vector<16xf32>
        %mul3A_333 = arith.constant 2.000000e-01 : f32
        %mul3A_334 = vector.broadcast %mul3A_333 : f32 to vector<16xf32>
        %mul3A_335 = arith.mulf %mul3A_334, %add3A_329 : vector<16xf32>
        %select_n3A_336 = arith.select %ge3A_332, %add3A_329, %mul3A_335 : vector<16xi1>, vector<16xf32>
        %exp3A_337 = math.exp %select_n3A_336 : vector<16xf32>
        %swap3A_338 = arith.index_cast %add3A_320 : i32 to index
        %swap3A_339 = arith.constant 0 : index
        %swap3A_340 = tpu.vector_load %arg13[%swap3A_338, %swap3A_339] {strides = array<i32>} : memref<128x128xf32, #tpu.memory_space<vmem>>, vector<1x16xf32>,
        %swap3A_341 = vector.shape_cast %swap3A_340 : vector<1x16xf32> to vector<16xf32>
        %swap3A_342 = vector.shape_cast %broadcast_in_dim3A_1 : vector<16xf32> to vector<1x16xf32>
        tpu.vector_store %arg13[%swap3A_338, %swap3A_339], %swap3A_342 {strides = array<i32>} : memref<128x128xf32, #tpu.memory_space<vmem>>, vector<1x16xf32>,
        %swap3A_343 = arith.index_cast %add3A_320 : i32 to index
        %swap3A_344 = arith.constant 16 : index
        %swap3A_345 = tpu.vector_load %arg13[%swap3A_343, %swap3A_344] {strides = array<i32>} : memref<128x128xf32, #tpu.memory_space<vmem>>, vector<1x16xf32>,
        %swap3A_346 = vector.shape_cast %swap3A_345 : vector<1x16xf32> to vector<16xf32>
        %swap3A_347 = vector.shape_cast %broadcast_in_dim3A_1 : vector<16xf32> to vector<1x16xf32>
        tpu.vector_store %arg13[%swap3A_343, %swap3A_344], %swap3A_347 {strides = array<i32>} : memref<128x128xf32, #tpu.memory_space<vmem>>, vector<1x16xf32>,
        %swap3A_348 = arith.index_cast %add3A_320 : i32 to index
        %swap3A_349 = arith.constant 32 : index
        %swap3A_350 = tpu.vector_load %arg13[%swap3A_348, %swap3A_349] {strides = array<i32>} : memref<128x128xf32, #tpu.memory_space<vmem>>, vector<1x16xf32>,
        %swap3A_351 = vector.shape_cast %swap3A_350 : vector<1x16xf32> to vector<16xf32>
        %swap3A_352 = vector.shape_cast %broadcast_in_dim3A_1 : vector<16xf32> to vector<1x16xf32>
        tpu.vector_store %arg13[%swap3A_348, %swap3A_349], %swap3A_352 {strides = array<i32>} : memref<128x128xf32, #tpu.memory_space<vmem>>, vector<1x16xf32>,
        %swap3A_353 = arith.index_cast %add3A_320 : i32 to index
        %swap3A_354 = arith.constant 48 : index
        %swap3A_355 = tpu.vector_load %arg13[%swap3A_353, %swap3A_354] {strides = array<i32>} : memref<128x128xf32, #tpu.memory_space<vmem>>, vector<1x16xf32>,
        %swap3A_356 = vector.shape_cast %swap3A_355 : vector<1x16xf32> to vector<16xf32>
        %swap3A_357 = vector.shape_cast %broadcast_in_dim3A_1 : vector<16xf32> to vector<1x16xf32>
        tpu.vector_store %arg13[%swap3A_353, %swap3A_354], %swap3A_357 {strides = array<i32>} : memref<128x128xf32, #tpu.memory_space<vmem>>, vector<1x16xf32>,
        %swap3A_358 = arith.index_cast %add3A_320 : i32 to index
        %swap3A_359 = arith.constant 64 : index
        %swap3A_360 = tpu.vector_load %arg13[%swap3A_358, %swap3A_359] {strides = array<i32>} : memref<128x128xf32, #tpu.memory_space<vmem>>, vector<1x16xf32>,
        %swap3A_361 = vector.shape_cast %swap3A_360 : vector<1x16xf32> to vector<16xf32>
        %swap3A_362 = vector.shape_cast %broadcast_in_dim3A_1 : vector<16xf32> to vector<1x16xf32>
        tpu.vector_store %arg13[%swap3A_358, %swap3A_359], %swap3A_362 {strides = array<i32>} : memref<128x128xf32, #tpu.memory_space<vmem>>, vector<1x16xf32>,
        %swap3A_363 = arith.index_cast %add3A_320 : i32 to index
        %swap3A_364 = arith.constant 80 : index
        %swap3A_365 = tpu.vector_load %arg13[%swap3A_363, %swap3A_364] {strides = array<i32>} : memref<128x128xf32, #tpu.memory_space<vmem>>, vector<1x16xf32>,
        %swap3A_366 = vector.shape_cast %swap3A_365 : vector<1x16xf32> to vector<16xf32>
        %swap3A_367 = vector.shape_cast %broadcast_in_dim3A_1 : vector<16xf32> to vector<1x16xf32>
        tpu.vector_store %arg13[%swap3A_363, %swap3A_364], %swap3A_367 {strides = array<i32>} : memref<128x128xf32, #tpu.memory_space<vmem>>, vector<1x16xf32>,
        %swap3A_368 = arith.index_cast %add3A_320 : i32 to index
        %swap3A_369 = arith.constant 96 : index
        %swap3A_370 = tpu.vector_load %arg13[%swap3A_368, %swap3A_369] {strides = array<i32>} : memref<128x128xf32, #tpu.memory_space<vmem>>, vector<1x16xf32>,
        %swap3A_371 = vector.shape_cast %swap3A_370 : vector<1x16xf32> to vector<16xf32>
        %swap3A_372 = vector.shape_cast %broadcast_in_dim3A_1 : vector<16xf32> to vector<1x16xf32>
        tpu.vector_store %arg13[%swap3A_368, %swap3A_369], %swap3A_372 {strides = array<i32>} : memref<128x128xf32, #tpu.memory_space<vmem>>, vector<1x16xf32>,
        %swap3A_373 = arith.index_cast %add3A_320 : i32 to index
        %swap3A_374 = arith.constant 112 : index
        %swap3A_375 = tpu.vector_load %arg13[%swap3A_373, %swap3A_374] {strides = array<i32>} : memref<128x128xf32, #tpu.memory_space<vmem>>, vector<1x16xf32>,
        %swap3A_376 = vector.shape_cast %swap3A_375 : vector<1x16xf32> to vector<16xf32>
        %swap3A_377 = vector.shape_cast %broadcast_in_dim3A_1 : vector<16xf32> to vector<1x16xf32>
        tpu.vector_store %arg13[%swap3A_373, %swap3A_374], %swap3A_377 {strides = array<i32>} : memref<128x128xf32, #tpu.memory_space<vmem>>, vector<1x16xf32>,
        %slice3A_378 = vector.extract_strided_slice %get3A_178 {offsets = [2], sizes = [1], strides = [1]} : vector<16xi32> to vector<1xi32>
        %squeeze3A_379 = vector.extract %slice3A_378[0] : i32 from vector<1xi32>
        %and3A_380 = arith.constant 7 : i32
        %and3A_381 = arith.andi %squeeze3A_379, %and3A_380 : i32
        %mul3A_382 = arith.constant 16 : i32
        %mul3A_383 = arith.muli %and3A_381, %mul3A_382 : i32
        %swap3A_384 = arith.index_cast %add3A_320 : i32 to index
        %swap3A_385 = arith.index_cast %mul3A_383 : i32 to index
        %swap3A_386 = tpu.vector_load %arg13[%swap3A_384, %swap3A_385] {strides = array<i32>} : memref<128x128xf32, #tpu.memory_space<vmem>>, vector<1x16xf32>,
        %swap3A_387 = vector.shape_cast %swap3A_386 : vector<1x16xf32> to vector<16xf32>
        %swap3A_388 = vector.shape_cast %exp3A_337 : vector<16xf32> to vector<1x16xf32>
        tpu.vector_store %arg13[%swap3A_384, %swap3A_385], %swap3A_388 {strides = array<i32>} : memref<128x128xf32, #tpu.memory_space<vmem>>, vector<1x16xf32>,
        %mul3A_389 = arith.constant 16 : i32
        %mul3A_390 = arith.muli %scan3A_172, %mul3A_389 : i32
        %add3A_391 = arith.constant 3 : i32
        %add3A_392 = arith.addi %mul3A_390, %add3A_391 : i32
        %get3A_393 = arith.index_cast %add3A_392 : i32 to index
        %get3A_394 = arith.constant 0 : index
        %get3A_395 = tpu.vector_load %arg12[%get3A_393, %get3A_394] {strides = array<i32>} : memref<128x128xf32, #tpu.memory_space<vmem>>, vector<1x16xf32>,
        %get3A_396 = vector.shape_cast %get3A_395 : vector<1x16xf32> to vector<16xf32>
        %get3A_397 = arith.index_cast %add3A_392 : i32 to index
        %get3A_398 = arith.constant 0 : index
        %get3A_399 = tpu.vector_load %arg13[%get3A_397, %get3A_398] {strides = array<i32>} : memref<128x128xf32, #tpu.memory_space<vmem>>, vector<1x16xf32>,
        %get3A_400 = vector.shape_cast %get3A_399 : vector<1x16xf32> to vector<16xf32>
        %add3A_401 = arith.addf %get3A_396, %get3A_400 : vector<16xf32>
        %ge3A_402 = arith.constant 0.000000e+00 : f32
        %ge3A_403 = vector.broadcast %ge3A_402 : f32 to vector<16xf32>
        %ge3A_404 = arith.cmpf oge, %add3A_401, %ge3A_403 : vector<16xf32>
        %mul3A_405 = arith.constant 2.000000e-01 : f32
        %mul3A_406 = vector.broadcast %mul3A_405 : f32 to vector<16xf32>
        %mul3A_407 = arith.mulf %mul3A_406, %add3A_401 : vector<16xf32>
        %select_n3A_408 = arith.select %ge3A_404, %add3A_401, %mul3A_407 : vector<16xi1>, vector<16xf32>
        %exp3A_409 = math.exp %select_n3A_408 : vector<16xf32>
        %swap3A_410 = arith.index_cast %add3A_392 : i32 to index
        %swap3A_411 = arith.constant 0 : index
        %swap3A_412 = tpu.vector_load %arg13[%swap3A_410, %swap3A_411] {strides = array<i32>} : memref<128x128xf32, #tpu.memory_space<vmem>>, vector<1x16xf32>,
        %swap3A_413 = vector.shape_cast %swap3A_412 : vector<1x16xf32> to vector<16xf32>
        %swap3A_414 = vector.shape_cast %broadcast_in_dim3A_1 : vector<16xf32> to vector<1x16xf32>
        tpu.vector_store %arg13[%swap3A_410, %swap3A_411], %swap3A_414 {strides = array<i32>} : memref<128x128xf32, #tpu.memory_space<vmem>>, vector<1x16xf32>,
        %swap3A_415 = arith.index_cast %add3A_392 : i32 to index
        %swap3A_416 = arith.constant 16 : index
        %swap3A_417 = tpu.vector_load %arg13[%swap3A_415, %swap3A_416] {strides = array<i32>} : memref<128x128xf32, #tpu.memory_space<vmem>>, vector<1x16xf32>,
        %swap3A_418 = vector.shape_cast %swap3A_417 : vector<1x16xf32> to vector<16xf32>
        %swap3A_419 = vector.shape_cast %broadcast_in_dim3A_1 : vector<16xf32> to vector<1x16xf32>
        tpu.vector_store %arg13[%swap3A_415, %swap3A_416], %swap3A_419 {strides = array<i32>} : memref<128x128xf32, #tpu.memory_space<vmem>>, vector<1x16xf32>,
        %swap3A_420 = arith.index_cast %add3A_392 : i32 to index
        %swap3A_421 = arith.constant 32 : index
        %swap3A_422 = tpu.vector_load %arg13[%swap3A_420, %swap3A_421] {strides = array<i32>} : memref<128x128xf32, #tpu.memory_space<vmem>>, vector<1x16xf32>,
        %swap3A_423 = vector.shape_cast %swap3A_422 : vector<1x16xf32> to vector<16xf32>
        %swap3A_424 = vector.shape_cast %broadcast_in_dim3A_1 : vector<16xf32> to vector<1x16xf32>
        tpu.vector_store %arg13[%swap3A_420, %swap3A_421], %swap3A_424 {strides = array<i32>} : memref<128x128xf32, #tpu.memory_space<vmem>>, vector<1x16xf32>,
        %swap3A_425 = arith.index_cast %add3A_392 : i32 to index
        %swap3A_426 = arith.constant 48 : index
        %swap3A_427 = tpu.vector_load %arg13[%swap3A_425, %swap3A_426] {strides = array<i32>} : memref<128x128xf32, #tpu.memory_space<vmem>>, vector<1x16xf32>,
        %swap3A_428 = vector.shape_cast %swap3A_427 : vector<1x16xf32> to vector<16xf32>
        %swap3A_429 = vector.shape_cast %broadcast_in_dim3A_1 : vector<16xf32> to vector<1x16xf32>
        tpu.vector_store %arg13[%swap3A_425, %swap3A_426], %swap3A_429 {strides = array<i32>} : memref<128x128xf32, #tpu.memory_space<vmem>>, vector<1x16xf32>,
        %swap3A_430 = arith.index_cast %add3A_392 : i32 to index
        %swap3A_431 = arith.constant 64 : index
        %swap3A_432 = tpu.vector_load %arg13[%swap3A_430, %swap3A_431] {strides = array<i32>} : memref<128x128xf32, #tpu.memory_space<vmem>>, vector<1x16xf32>,
        %swap3A_433 = vector.shape_cast %swap3A_432 : vector<1x16xf32> to vector<16xf32>
        %swap3A_434 = vector.shape_cast %broadcast_in_dim3A_1 : vector<16xf32> to vector<1x16xf32>
        tpu.vector_store %arg13[%swap3A_430, %swap3A_431], %swap3A_434 {strides = array<i32>} : memref<128x128xf32, #tpu.memory_space<vmem>>, vector<1x16xf32>,
        %swap3A_435 = arith.index_cast %add3A_392 : i32 to index
        %swap3A_436 = arith.constant 80 : index
        %swap3A_437 = tpu.vector_load %arg13[%swap3A_435, %swap3A_436] {strides = array<i32>} : memref<128x128xf32, #tpu.memory_space<vmem>>, vector<1x16xf32>,
        %swap3A_438 = vector.shape_cast %swap3A_437 : vector<1x16xf32> to vector<16xf32>
        %swap3A_439 = vector.shape_cast %broadcast_in_dim3A_1 : vector<16xf32> to vector<1x16xf32>
        tpu.vector_store %arg13[%swap3A_435, %swap3A_436], %swap3A_439 {strides = array<i32>} : memref<128x128xf32, #tpu.memory_space<vmem>>, vector<1x16xf32>,
        %swap3A_440 = arith.index_cast %add3A_392 : i32 to index
        %swap3A_441 = arith.constant 96 : index
        %swap3A_442 = tpu.vector_load %arg13[%swap3A_440, %swap3A_441] {strides = array<i32>} : memref<128x128xf32, #tpu.memory_space<vmem>>, vector<1x16xf32>,
        %swap3A_443 = vector.shape_cast %swap3A_442 : vector<1x16xf32> to vector<16xf32>
        %swap3A_444 = vector.shape_cast %broadcast_in_dim3A_1 : vector<16xf32> to vector<1x16xf32>
        tpu.vector_store %arg13[%swap3A_440, %swap3A_441], %swap3A_444 {strides = array<i32>} : memref<128x128xf32, #tpu.memory_space<vmem>>, vector<1x16xf32>,
        %swap3A_445 = arith.index_cast %add3A_392 : i32 to index
        %swap3A_446 = arith.constant 112 : index
        %swap3A_447 = tpu.vector_load %arg13[%swap3A_445, %swap3A_446] {strides = array<i32>} : memref<128x128xf32, #tpu.memory_space<vmem>>, vector<1x16xf32>,
        %swap3A_448 = vector.shape_cast %swap3A_447 : vector<1x16xf32> to vector<16xf32>
        %swap3A_449 = vector.shape_cast %broadcast_in_dim3A_1 : vector<16xf32> to vector<1x16xf32>
        tpu.vector_store %arg13[%swap3A_445, %swap3A_446], %swap3A_449 {strides = array<i32>} : memref<128x128xf32, #tpu.memory_space<vmem>>, vector<1x16xf32>,
        %slice3A_450 = vector.extract_strided_slice %get3A_178 {offsets = [3], sizes = [1], strides = [1]} : vector<16xi32> to vector<1xi32>
        %squeeze3A_451 = vector.extract %slice3A_450[0] : i32 from vector<1xi32>
        %and3A_452 = arith.constant 7 : i32
        %and3A_453 = arith.andi %squeeze3A_451, %and3A_452 : i32
        %mul3A_454 = arith.constant 16 : i32
        %mul3A_455 = arith.muli %and3A_453, %mul3A_454 : i32
        %swap3A_456 = arith.index_cast %add3A_392 : i32 to index
        %swap3A_457 = arith.index_cast %mul3A_455 : i32 to index
        %swap3A_458 = tpu.vector_load %arg13[%swap3A_456, %swap3A_457] {strides = array<i32>} : memref<128x128xf32, #tpu.memory_space<vmem>>, vector<1x16xf32>,
        %swap3A_459 = vector.shape_cast %swap3A_458 : vector<1x16xf32> to vector<16xf32>
        %swap3A_460 = vector.shape_cast %exp3A_409 : vector<16xf32> to vector<1x16xf32>
        tpu.vector_store %arg13[%swap3A_456, %swap3A_457], %swap3A_460 {strides = array<i32>} : memref<128x128xf32, #tpu.memory_space<vmem>>, vector<1x16xf32>,
        %mul3A_461 = arith.constant 16 : i32
        %mul3A_462 = arith.muli %scan3A_172, %mul3A_461 : i32
        %add3A_463 = arith.constant 4 : i32
        %add3A_464 = arith.addi %mul3A_462, %add3A_463 : i32
        %get3A_465 = arith.index_cast %add3A_464 : i32 to index
        %get3A_466 = arith.constant 0 : index
        %get3A_467 = tpu.vector_load %arg12[%get3A_465, %get3A_466] {strides = array<i32>} : memref<128x128xf32, #tpu.memory_space<vmem>>, vector<1x16xf32>,
        %get3A_468 = vector.shape_cast %get3A_467 : vector<1x16xf32> to vector<16xf32>
        %get3A_469 = arith.index_cast %add3A_464 : i32 to index
        %get3A_470 = arith.constant 0 : index
        %get3A_471 = tpu.vector_load %arg13[%get3A_469, %get3A_470] {strides = array<i32>} : memref<128x128xf32, #tpu.memory_space<vmem>>, vector<1x16xf32>,
        %get3A_472 = vector.shape_cast %get3A_471 : vector<1x16xf32> to vector<16xf32>
        %add3A_473 = arith.addf %get3A_468, %get3A_472 : vector<16xf32>
        %ge3A_474 = arith.constant 0.000000e+00 : f32
        %ge3A_475 = vector.broadcast %ge3A_474 : f32 to vector<16xf32>
        %ge3A_476 = arith.cmpf oge, %add3A_473, %ge3A_475 : vector<16xf32>
        %mul3A_477 = arith.constant 2.000000e-01 : f32
        %mul3A_478 = vector.broadcast %mul3A_477 : f32 to vector<16xf32>
        %mul3A_479 = arith.mulf %mul3A_478, %add3A_473 : vector<16xf32>
        %select_n3A_480 = arith.select %ge3A_476, %add3A_473, %mul3A_479 : vector<16xi1>, vector<16xf32>
        %exp3A_481 = math.exp %select_n3A_480 : vector<16xf32>
        %swap3A_482 = arith.index_cast %add3A_464 : i32 to index
        %swap3A_483 = arith.constant 0 : index
        %swap3A_484 = tpu.vector_load %arg13[%swap3A_482, %swap3A_483] {strides = array<i32>} : memref<128x128xf32, #tpu.memory_space<vmem>>, vector<1x16xf32>,
        %swap3A_485 = vector.shape_cast %swap3A_484 : vector<1x16xf32> to vector<16xf32>
        %swap3A_486 = vector.shape_cast %broadcast_in_dim3A_1 : vector<16xf32> to vector<1x16xf32>
        tpu.vector_store %arg13[%swap3A_482, %swap3A_483], %swap3A_486 {strides = array<i32>} : memref<128x128xf32, #tpu.memory_space<vmem>>, vector<1x16xf32>,
        %swap3A_487 = arith.index_cast %add3A_464 : i32 to index
        %swap3A_488 = arith.constant 16 : index
        %swap3A_489 = tpu.vector_load %arg13[%swap3A_487, %swap3A_488] {strides = array<i32>} : memref<128x128xf32, #tpu.memory_space<vmem>>, vector<1x16xf32>,
        %swap3A_490 = vector.shape_cast %swap3A_489 : vector<1x16xf32> to vector<16xf32>
        %swap3A_491 = vector.shape_cast %broadcast_in_dim3A_1 : vector<16xf32> to vector<1x16xf32>
        tpu.vector_store %arg13[%swap3A_487, %swap3A_488], %swap3A_491 {strides = array<i32>} : memref<128x128xf32, #tpu.memory_space<vmem>>, vector<1x16xf32>,
        %swap3A_492 = arith.index_cast %add3A_464 : i32 to index
        %swap3A_493 = arith.constant 32 : index
        %swap3A_494 = tpu.vector_load %arg13[%swap3A_492, %swap3A_493] {strides = array<i32>} : memref<128x128xf32, #tpu.memory_space<vmem>>, vector<1x16xf32>,
        %swap3A_495 = vector.shape_cast %swap3A_494 : vector<1x16xf32> to vector<16xf32>
        %swap3A_496 = vector.shape_cast %broadcast_in_dim3A_1 : vector<16xf32> to vector<1x16xf32>
        tpu.vector_store %arg13[%swap3A_492, %swap3A_493], %swap3A_496 {strides = array<i32>} : memref<128x128xf32, #tpu.memory_space<vmem>>, vector<1x16xf32>,
        %swap3A_497 = arith.index_cast %add3A_464 : i32 to index
        %swap3A_498 = arith.constant 48 : index
        %swap3A_499 = tpu.vector_load %arg13[%swap3A_497, %swap3A_498] {strides = array<i32>} : memref<128x128xf32, #tpu.memory_space<vmem>>, vector<1x16xf32>,
        %swap3A_500 = vector.shape_cast %swap3A_499 : vector<1x16xf32> to vector<16xf32>
        %swap3A_501 = vector.shape_cast %broadcast_in_dim3A_1 : vector<16xf32> to vector<1x16xf32>
        tpu.vector_store %arg13[%swap3A_497, %swap3A_498], %swap3A_501 {strides = array<i32>} : memref<128x128xf32, #tpu.memory_space<vmem>>, vector<1x16xf32>,
        %swap3A_502 = arith.index_cast %add3A_464 : i32 to index
        %swap3A_503 = arith.constant 64 : index
        %swap3A_504 = tpu.vector_load %arg13[%swap3A_502, %swap3A_503] {strides = array<i32>} : memref<128x128xf32, #tpu.memory_space<vmem>>, vector<1x16xf32>,
        %swap3A_505 = vector.shape_cast %swap3A_504 : vector<1x16xf32> to vector<16xf32>
        %swap3A_506 = vector.shape_cast %broadcast_in_dim3A_1 : vector<16xf32> to vector<1x16xf32>
        tpu.vector_store %arg13[%swap3A_502, %swap3A_503], %swap3A_506 {strides = array<i32>} : memref<128x128xf32, #tpu.memory_space<vmem>>, vector<1x16xf32>,
        %swap3A_507 = arith.index_cast %add3A_464 : i32 to index
        %swap3A_508 = arith.constant 80 : index
        %swap3A_509 = tpu.vector_load %arg13[%swap3A_507, %swap3A_508] {strides = array<i32>} : memref<128x128xf32, #tpu.memory_space<vmem>>, vector<1x16xf32>,
        %swap3A_510 = vector.shape_cast %swap3A_509 : vector<1x16xf32> to vector<16xf32>
        %swap3A_511 = vector.shape_cast %broadcast_in_dim3A_1 : vector<16xf32> to vector<1x16xf32>
        tpu.vector_store %arg13[%swap3A_507, %swap3A_508], %swap3A_511 {strides = array<i32>} : memref<128x128xf32, #tpu.memory_space<vmem>>, vector<1x16xf32>,
        %swap3A_512 = arith.index_cast %add3A_464 : i32 to index
        %swap3A_513 = arith.constant 96 : index
        %swap3A_514 = tpu.vector_load %arg13[%swap3A_512, %swap3A_513] {strides = array<i32>} : memref<128x128xf32, #tpu.memory_space<vmem>>, vector<1x16xf32>,
        %swap3A_515 = vector.shape_cast %swap3A_514 : vector<1x16xf32> to vector<16xf32>
        %swap3A_516 = vector.shape_cast %broadcast_in_dim3A_1 : vector<16xf32> to vector<1x16xf32>
        tpu.vector_store %arg13[%swap3A_512, %swap3A_513], %swap3A_516 {strides = array<i32>} : memref<128x128xf32, #tpu.memory_space<vmem>>, vector<1x16xf32>,
        %swap3A_517 = arith.index_cast %add3A_464 : i32 to index
        %swap3A_518 = arith.constant 112 : index
        %swap3A_519 = tpu.vector_load %arg13[%swap3A_517, %swap3A_518] {strides = array<i32>} : memref<128x128xf32, #tpu.memory_space<vmem>>, vector<1x16xf32>,
        %swap3A_520 = vector.shape_cast %swap3A_519 : vector<1x16xf32> to vector<16xf32>
        %swap3A_521 = vector.shape_cast %broadcast_in_dim3A_1 : vector<16xf32> to vector<1x16xf32>
        tpu.vector_store %arg13[%swap3A_517, %swap3A_518], %swap3A_521 {strides = array<i32>} : memref<128x128xf32, #tpu.memory_space<vmem>>, vector<1x16xf32>,
        %slice3A_522 = vector.extract_strided_slice %get3A_178 {offsets = [4], sizes = [1], strides = [1]} : vector<16xi32> to vector<1xi32>
        %squeeze3A_523 = vector.extract %slice3A_522[0] : i32 from vector<1xi32>
        %and3A_524 = arith.constant 7 : i32
        %and3A_525 = arith.andi %squeeze3A_523, %and3A_524 : i32
        %mul3A_526 = arith.constant 16 : i32
        %mul3A_527 = arith.muli %and3A_525, %mul3A_526 : i32
        %swap3A_528 = arith.index_cast %add3A_464 : i32 to index
        %swap3A_529 = arith.index_cast %mul3A_527 : i32 to index
        %swap3A_530 = tpu.vector_load %arg13[%swap3A_528, %swap3A_529] {strides = array<i32>} : memref<128x128xf32, #tpu.memory_space<vmem>>, vector<1x16xf32>,
        %swap3A_531 = vector.shape_cast %swap3A_530 : vector<1x16xf32> to vector<16xf32>
        %swap3A_532 = vector.shape_cast %exp3A_481 : vector<16xf32> to vector<1x16xf32>
        tpu.vector_store %arg13[%swap3A_528, %swap3A_529], %swap3A_532 {strides = array<i32>} : memref<128x128xf32, #tpu.memory_space<vmem>>, vector<1x16xf32>,
        %mul3A_533 = arith.constant 16 : i32
        %mul3A_534 = arith.muli %scan3A_172, %mul3A_533 : i32
        %add3A_535 = arith.constant 5 : i32
        %add3A_536 = arith.addi %mul3A_534, %add3A_535 : i32
        %get3A_537 = arith.index_cast %add3A_536 : i32 to index
        %get3A_538 = arith.constant 0 : index
        %get3A_539 = tpu.vector_load %arg12[%get3A_537, %get3A_538] {strides = array<i32>} : memref<128x128xf32, #tpu.memory_space<vmem>>, vector<1x16xf32>,
        %get3A_540 = vector.shape_cast %get3A_539 : vector<1x16xf32> to vector<16xf32>
        %get3A_541 = arith.index_cast %add3A_536 : i32 to index
        %get3A_542 = arith.constant 0 : index
        %get3A_543 = tpu.vector_load %arg13[%get3A_541, %get3A_542] {strides = array<i32>} : memref<128x128xf32, #tpu.memory_space<vmem>>, vector<1x16xf32>,
        %get3A_544 = vector.shape_cast %get3A_543 : vector<1x16xf32> to vector<16xf32>
        %add3A_545 = arith.addf %get3A_540, %get3A_544 : vector<16xf32>
        %ge3A_546 = arith.constant 0.000000e+00 : f32
        %ge3A_547 = vector.broadcast %ge3A_546 : f32 to vector<16xf32>
        %ge3A_548 = arith.cmpf oge, %add3A_545, %ge3A_547 : vector<16xf32>
        %mul3A_549 = arith.constant 2.000000e-01 : f32
        %mul3A_550 = vector.broadcast %mul3A_549 : f32 to vector<16xf32>
        %mul3A_551 = arith.mulf %mul3A_550, %add3A_545 : vector<16xf32>
        %select_n3A_552 = arith.select %ge3A_548, %add3A_545, %mul3A_551 : vector<16xi1>, vector<16xf32>
        %exp3A_553 = math.exp %select_n3A_552 : vector<16xf32>
        %swap3A_554 = arith.index_cast %add3A_536 : i32 to index
        %swap3A_555 = arith.constant 0 : index
        %swap3A_556 = tpu.vector_load %arg13[%swap3A_554, %swap3A_555] {strides = array<i32>} : memref<128x128xf32, #tpu.memory_space<vmem>>, vector<1x16xf32>,
        %swap3A_557 = vector.shape_cast %swap3A_556 : vector<1x16xf32> to vector<16xf32>
        %swap3A_558 = vector.shape_cast %broadcast_in_dim3A_1 : vector<16xf32> to vector<1x16xf32>
        tpu.vector_store %arg13[%swap3A_554, %swap3A_555], %swap3A_558 {strides = array<i32>} : memref<128x128xf32, #tpu.memory_space<vmem>>, vector<1x16xf32>,
        %swap3A_559 = arith.index_cast %add3A_536 : i32 to index
        %swap3A_560 = arith.constant 16 : index
        %swap3A_561 = tpu.vector_load %arg13[%swap3A_559, %swap3A_560] {strides = array<i32>} : memref<128x128xf32, #tpu.memory_space<vmem>>, vector<1x16xf32>,
        %swap3A_562 = vector.shape_cast %swap3A_561 : vector<1x16xf32> to vector<16xf32>
        %swap3A_563 = vector.shape_cast %broadcast_in_dim3A_1 : vector<16xf32> to vector<1x16xf32>
        tpu.vector_store %arg13[%swap3A_559, %swap3A_560], %swap3A_563 {strides = array<i32>} : memref<128x128xf32, #tpu.memory_space<vmem>>, vector<1x16xf32>,
        %swap3A_564 = arith.index_cast %add3A_536 : i32 to index
        %swap3A_565 = arith.constant 32 : index
        %swap3A_566 = tpu.vector_load %arg13[%swap3A_564, %swap3A_565] {strides = array<i32>} : memref<128x128xf32, #tpu.memory_space<vmem>>, vector<1x16xf32>,
        %swap3A_567 = vector.shape_cast %swap3A_566 : vector<1x16xf32> to vector<16xf32>
        %swap3A_568 = vector.shape_cast %broadcast_in_dim3A_1 : vector<16xf32> to vector<1x16xf32>
        tpu.vector_store %arg13[%swap3A_564, %swap3A_565], %swap3A_568 {strides = array<i32>} : memref<128x128xf32, #tpu.memory_space<vmem>>, vector<1x16xf32>,
        %swap3A_569 = arith.index_cast %add3A_536 : i32 to index
        %swap3A_570 = arith.constant 48 : index
        %swap3A_571 = tpu.vector_load %arg13[%swap3A_569, %swap3A_570] {strides = array<i32>} : memref<128x128xf32, #tpu.memory_space<vmem>>, vector<1x16xf32>,
        %swap3A_572 = vector.shape_cast %swap3A_571 : vector<1x16xf32> to vector<16xf32>
        %swap3A_573 = vector.shape_cast %broadcast_in_dim3A_1 : vector<16xf32> to vector<1x16xf32>
        tpu.vector_store %arg13[%swap3A_569, %swap3A_570], %swap3A_573 {strides = array<i32>} : memref<128x128xf32, #tpu.memory_space<vmem>>, vector<1x16xf32>,
        %swap3A_574 = arith.index_cast %add3A_536 : i32 to index
        %swap3A_575 = arith.constant 64 : index
        %swap3A_576 = tpu.vector_load %arg13[%swap3A_574, %swap3A_575] {strides = array<i32>} : memref<128x128xf32, #tpu.memory_space<vmem>>, vector<1x16xf32>,
        %swap3A_577 = vector.shape_cast %swap3A_576 : vector<1x16xf32> to vector<16xf32>
        %swap3A_578 = vector.shape_cast %broadcast_in_dim3A_1 : vector<16xf32> to vector<1x16xf32>
        tpu.vector_store %arg13[%swap3A_574, %swap3A_575], %swap3A_578 {strides = array<i32>} : memref<128x128xf32, #tpu.memory_space<vmem>>, vector<1x16xf32>,
        %swap3A_579 = arith.index_cast %add3A_536 : i32 to index
        %swap3A_580 = arith.constant 80 : index
        %swap3A_581 = tpu.vector_load %arg13[%swap3A_579, %swap3A_580] {strides = array<i32>} : memref<128x128xf32, #tpu.memory_space<vmem>>, vector<1x16xf32>,
        %swap3A_582 = vector.shape_cast %swap3A_581 : vector<1x16xf32> to vector<16xf32>
        %swap3A_583 = vector.shape_cast %broadcast_in_dim3A_1 : vector<16xf32> to vector<1x16xf32>
        tpu.vector_store %arg13[%swap3A_579, %swap3A_580], %swap3A_583 {strides = array<i32>} : memref<128x128xf32, #tpu.memory_space<vmem>>, vector<1x16xf32>,
        %swap3A_584 = arith.index_cast %add3A_536 : i32 to index
        %swap3A_585 = arith.constant 96 : index
        %swap3A_586 = tpu.vector_load %arg13[%swap3A_584, %swap3A_585] {strides = array<i32>} : memref<128x128xf32, #tpu.memory_space<vmem>>, vector<1x16xf32>,
        %swap3A_587 = vector.shape_cast %swap3A_586 : vector<1x16xf32> to vector<16xf32>
        %swap3A_588 = vector.shape_cast %broadcast_in_dim3A_1 : vector<16xf32> to vector<1x16xf32>
        tpu.vector_store %arg13[%swap3A_584, %swap3A_585], %swap3A_588 {strides = array<i32>} : memref<128x128xf32, #tpu.memory_space<vmem>>, vector<1x16xf32>,
        %swap3A_589 = arith.index_cast %add3A_536 : i32 to index
        %swap3A_590 = arith.constant 112 : index
        %swap3A_591 = tpu.vector_load %arg13[%swap3A_589, %swap3A_590] {strides = array<i32>} : memref<128x128xf32, #tpu.memory_space<vmem>>, vector<1x16xf32>,
        %swap3A_592 = vector.shape_cast %swap3A_591 : vector<1x16xf32> to vector<16xf32>
        %swap3A_593 = vector.shape_cast %broadcast_in_dim3A_1 : vector<16xf32> to vector<1x16xf32>
        tpu.vector_store %arg13[%swap3A_589, %swap3A_590], %swap3A_593 {strides = array<i32>} : memref<128x128xf32, #tpu.memory_space<vmem>>, vector<1x16xf32>,
        %slice3A_594 = vector.extract_strided_slice %get3A_178 {offsets = [5], sizes = [1], strides = [1]} : vector<16xi32> to vector<1xi32>
        %squeeze3A_595 = vector.extract %slice3A_594[0] : i32 from vector<1xi32>
        %and3A_596 = arith.constant 7 : i32
        %and3A_597 = arith.andi %squeeze3A_595, %and3A_596 : i32
        %mul3A_598 = arith.constant 16 : i32
        %mul3A_599 = arith.muli %and3A_597, %mul3A_598 : i32
        %swap3A_600 = arith.index_cast %add3A_536 : i32 to index
        %swap3A_601 = arith.index_cast %mul3A_599 : i32 to index
        %swap3A_602 = tpu.vector_load %arg13[%swap3A_600, %swap3A_601] {strides = array<i32>} : memref<128x128xf32, #tpu.memory_space<vmem>>, vector<1x16xf32>,
        %swap3A_603 = vector.shape_cast %swap3A_602 : vector<1x16xf32> to vector<16xf32>
        %swap3A_604 = vector.shape_cast %exp3A_553 : vector<16xf32> to vector<1x16xf32>
        tpu.vector_store %arg13[%swap3A_600, %swap3A_601], %swap3A_604 {strides = array<i32>} : memref<128x128xf32, #tpu.memory_space<vmem>>, vector<1x16xf32>,
        %mul3A_605 = arith.constant 16 : i32
        %mul3A_606 = arith.muli %scan3A_172, %mul3A_605 : i32
        %add3A_607 = arith.constant 6 : i32
        %add3A_608 = arith.addi %mul3A_606, %add3A_607 : i32
        %get3A_609 = arith.index_cast %add3A_608 : i32 to index
        %get3A_610 = arith.constant 0 : index
        %get3A_611 = tpu.vector_load %arg12[%get3A_609, %get3A_610] {strides = array<i32>} : memref<128x128xf32, #tpu.memory_space<vmem>>, vector<1x16xf32>,
        %get3A_612 = vector.shape_cast %get3A_611 : vector<1x16xf32> to vector<16xf32>
        %get3A_613 = arith.index_cast %add3A_608 : i32 to index
        %get3A_614 = arith.constant 0 : index
        %get3A_615 = tpu.vector_load %arg13[%get3A_613, %get3A_614] {strides = array<i32>} : memref<128x128xf32, #tpu.memory_space<vmem>>, vector<1x16xf32>,
        %get3A_616 = vector.shape_cast %get3A_615 : vector<1x16xf32> to vector<16xf32>
        %add3A_617 = arith.addf %get3A_612, %get3A_616 : vector<16xf32>
        %ge3A_618 = arith.constant 0.000000e+00 : f32
        %ge3A_619 = vector.broadcast %ge3A_618 : f32 to vector<16xf32>
        %ge3A_620 = arith.cmpf oge, %add3A_617, %ge3A_619 : vector<16xf32>
        %mul3A_621 = arith.constant 2.000000e-01 : f32
        %mul3A_622 = vector.broadcast %mul3A_621 : f32 to vector<16xf32>
        %mul3A_623 = arith.mulf %mul3A_622, %add3A_617 : vector<16xf32>
        %select_n3A_624 = arith.select %ge3A_620, %add3A_617, %mul3A_623 : vector<16xi1>, vector<16xf32>
        %exp3A_625 = math.exp %select_n3A_624 : vector<16xf32>
        %swap3A_626 = arith.index_cast %add3A_608 : i32 to index
        %swap3A_627 = arith.constant 0 : index
        %swap3A_628 = tpu.vector_load %arg13[%swap3A_626, %swap3A_627] {strides = array<i32>} : memref<128x128xf32, #tpu.memory_space<vmem>>, vector<1x16xf32>,
        %swap3A_629 = vector.shape_cast %swap3A_628 : vector<1x16xf32> to vector<16xf32>
        %swap3A_630 = vector.shape_cast %broadcast_in_dim3A_1 : vector<16xf32> to vector<1x16xf32>
        tpu.vector_store %arg13[%swap3A_626, %swap3A_627], %swap3A_630 {strides = array<i32>} : memref<128x128xf32, #tpu.memory_space<vmem>>, vector<1x16xf32>,
        %swap3A_631 = arith.index_cast %add3A_608 : i32 to index
        %swap3A_632 = arith.constant 16 : index
        %swap3A_633 = tpu.vector_load %arg13[%swap3A_631, %swap3A_632] {strides = array<i32>} : memref<128x128xf32, #tpu.memory_space<vmem>>, vector<1x16xf32>,
        %swap3A_634 = vector.shape_cast %swap3A_633 : vector<1x16xf32> to vector<16xf32>
        %swap3A_635 = vector.shape_cast %broadcast_in_dim3A_1 : vector<16xf32> to vector<1x16xf32>
        tpu.vector_store %arg13[%swap3A_631, %swap3A_632], %swap3A_635 {strides = array<i32>} : memref<128x128xf32, #tpu.memory_space<vmem>>, vector<1x16xf32>,
        %swap3A_636 = arith.index_cast %add3A_608 : i32 to index
        %swap3A_637 = arith.constant 32 : index
        %swap3A_638 = tpu.vector_load %arg13[%swap3A_636, %swap3A_637] {strides = array<i32>} : memref<128x128xf32, #tpu.memory_space<vmem>>, vector<1x16xf32>,
        %swap3A_639 = vector.shape_cast %swap3A_638 : vector<1x16xf32> to vector<16xf32>
        %swap3A_640 = vector.shape_cast %broadcast_in_dim3A_1 : vector<16xf32> to vector<1x16xf32>
        tpu.vector_store %arg13[%swap3A_636, %swap3A_637], %swap3A_640 {strides = array<i32>} : memref<128x128xf32, #tpu.memory_space<vmem>>, vector<1x16xf32>,
        %swap3A_641 = arith.index_cast %add3A_608 : i32 to index
        %swap3A_642 = arith.constant 48 : index
        %swap3A_643 = tpu.vector_load %arg13[%swap3A_641, %swap3A_642] {strides = array<i32>} : memref<128x128xf32, #tpu.memory_space<vmem>>, vector<1x16xf32>,
        %swap3A_644 = vector.shape_cast %swap3A_643 : vector<1x16xf32> to vector<16xf32>
        %swap3A_645 = vector.shape_cast %broadcast_in_dim3A_1 : vector<16xf32> to vector<1x16xf32>
        tpu.vector_store %arg13[%swap3A_641, %swap3A_642], %swap3A_645 {strides = array<i32>} : memref<128x128xf32, #tpu.memory_space<vmem>>, vector<1x16xf32>,
        %swap3A_646 = arith.index_cast %add3A_608 : i32 to index
        %swap3A_647 = arith.constant 64 : index
        %swap3A_648 = tpu.vector_load %arg13[%swap3A_646, %swap3A_647] {strides = array<i32>} : memref<128x128xf32, #tpu.memory_space<vmem>>, vector<1x16xf32>,
        %swap3A_649 = vector.shape_cast %swap3A_648 : vector<1x16xf32> to vector<16xf32>
        %swap3A_650 = vector.shape_cast %broadcast_in_dim3A_1 : vector<16xf32> to vector<1x16xf32>
        tpu.vector_store %arg13[%swap3A_646, %swap3A_647], %swap3A_650 {strides = array<i32>} : memref<128x128xf32, #tpu.memory_space<vmem>>, vector<1x16xf32>,
        %swap3A_651 = arith.index_cast %add3A_608 : i32 to index
        %swap3A_652 = arith.constant 80 : index
        %swap3A_653 = tpu.vector_load %arg13[%swap3A_651, %swap3A_652] {strides = array<i32>} : memref<128x128xf32, #tpu.memory_space<vmem>>, vector<1x16xf32>,
        %swap3A_654 = vector.shape_cast %swap3A_653 : vector<1x16xf32> to vector<16xf32>
        %swap3A_655 = vector.shape_cast %broadcast_in_dim3A_1 : vector<16xf32> to vector<1x16xf32>
        tpu.vector_store %arg13[%swap3A_651, %swap3A_652], %swap3A_655 {strides = array<i32>} : memref<128x128xf32, #tpu.memory_space<vmem>>, vector<1x16xf32>,
        %swap3A_656 = arith.index_cast %add3A_608 : i32 to index
        %swap3A_657 = arith.constant 96 : index
        %swap3A_658 = tpu.vector_load %arg13[%swap3A_656, %swap3A_657] {strides = array<i32>} : memref<128x128xf32, #tpu.memory_space<vmem>>, vector<1x16xf32>,
        %swap3A_659 = vector.shape_cast %swap3A_658 : vector<1x16xf32> to vector<16xf32>
        %swap3A_660 = vector.shape_cast %broadcast_in_dim3A_1 : vector<16xf32> to vector<1x16xf32>
        tpu.vector_store %arg13[%swap3A_656, %swap3A_657], %swap3A_660 {strides = array<i32>} : memref<128x128xf32, #tpu.memory_space<vmem>>, vector<1x16xf32>,
        %swap3A_661 = arith.index_cast %add3A_608 : i32 to index
        %swap3A_662 = arith.constant 112 : index
        %swap3A_663 = tpu.vector_load %arg13[%swap3A_661, %swap3A_662] {strides = array<i32>} : memref<128x128xf32, #tpu.memory_space<vmem>>, vector<1x16xf32>,
        %swap3A_664 = vector.shape_cast %swap3A_663 : vector<1x16xf32> to vector<16xf32>
        %swap3A_665 = vector.shape_cast %broadcast_in_dim3A_1 : vector<16xf32> to vector<1x16xf32>
        tpu.vector_store %arg13[%swap3A_661, %swap3A_662], %swap3A_665 {strides = array<i32>} : memref<128x128xf32, #tpu.memory_space<vmem>>, vector<1x16xf32>,
        %slice3A_666 = vector.extract_strided_slice %get3A_178 {offsets = [6], sizes = [1], strides = [1]} : vector<16xi32> to vector<1xi32>
        %squeeze3A_667 = vector.extract %slice3A_666[0] : i32 from vector<1xi32>
        %and3A_668 = arith.constant 7 : i32
        %and3A_669 = arith.andi %squeeze3A_667, %and3A_668 : i32
        %mul3A_670 = arith.constant 16 : i32
        %mul3A_671 = arith.muli %and3A_669, %mul3A_670 : i32
        %swap3A_672 = arith.index_cast %add3A_608 : i32 to index
        %swap3A_673 = arith.index_cast %mul3A_671 : i32 to index
        %swap3A_674 = tpu.vector_load %arg13[%swap3A_672, %swap3A_673] {strides = array<i32>} : memref<128x128xf32, #tpu.memory_space<vmem>>, vector<1x16xf32>,
        %swap3A_675 = vector.shape_cast %swap3A_674 : vector<1x16xf32> to vector<16xf32>
        %swap3A_676 = vector.shape_cast %exp3A_625 : vector<16xf32> to vector<1x16xf32>
        tpu.vector_store %arg13[%swap3A_672, %swap3A_673], %swap3A_676 {strides = array<i32>} : memref<128x128xf32, #tpu.memory_space<vmem>>, vector<1x16xf32>,
        %mul3A_677 = arith.constant 16 : i32
        %mul3A_678 = arith.muli %scan3A_172, %mul3A_677 : i32
        %add3A_679 = arith.constant 7 : i32
        %add3A_680 = arith.addi %mul3A_678, %add3A_679 : i32
        %get3A_681 = arith.index_cast %add3A_680 : i32 to index
        %get3A_682 = arith.constant 0 : index
        %get3A_683 = tpu.vector_load %arg12[%get3A_681, %get3A_682] {strides = array<i32>} : memref<128x128xf32, #tpu.memory_space<vmem>>, vector<1x16xf32>,
        %get3A_684 = vector.shape_cast %get3A_683 : vector<1x16xf32> to vector<16xf32>
        %get3A_685 = arith.index_cast %add3A_680 : i32 to index
        %get3A_686 = arith.constant 0 : index
        %get3A_687 = tpu.vector_load %arg13[%get3A_685, %get3A_686] {strides = array<i32>} : memref<128x128xf32, #tpu.memory_space<vmem>>, vector<1x16xf32>,
        %get3A_688 = vector.shape_cast %get3A_687 : vector<1x16xf32> to vector<16xf32>
        %add3A_689 = arith.addf %get3A_684, %get3A_688 : vector<16xf32>
        %ge3A_690 = arith.constant 0.000000e+00 : f32
        %ge3A_691 = vector.broadcast %ge3A_690 : f32 to vector<16xf32>
        %ge3A_692 = arith.cmpf oge, %add3A_689, %ge3A_691 : vector<16xf32>
        %mul3A_693 = arith.constant 2.000000e-01 : f32
        %mul3A_694 = vector.broadcast %mul3A_693 : f32 to vector<16xf32>
        %mul3A_695 = arith.mulf %mul3A_694, %add3A_689 : vector<16xf32>
        %select_n3A_696 = arith.select %ge3A_692, %add3A_689, %mul3A_695 : vector<16xi1>, vector<16xf32>
        %exp3A_697 = math.exp %select_n3A_696 : vector<16xf32>
        %swap3A_698 = arith.index_cast %add3A_680 : i32 to index
        %swap3A_699 = arith.constant 0 : index
        %swap3A_700 = tpu.vector_load %arg13[%swap3A_698, %swap3A_699] {strides = array<i32>} : memref<128x128xf32, #tpu.memory_space<vmem>>, vector<1x16xf32>,
        %swap3A_701 = vector.shape_cast %swap3A_700 : vector<1x16xf32> to vector<16xf32>
        %swap3A_702 = vector.shape_cast %broadcast_in_dim3A_1 : vector<16xf32> to vector<1x16xf32>
        tpu.vector_store %arg13[%swap3A_698, %swap3A_699], %swap3A_702 {strides = array<i32>} : memref<128x128xf32, #tpu.memory_space<vmem>>, vector<1x16xf32>,
        %swap3A_703 = arith.index_cast %add3A_680 : i32 to index
        %swap3A_704 = arith.constant 16 : index
        %swap3A_705 = tpu.vector_load %arg13[%swap3A_703, %swap3A_704] {strides = array<i32>} : memref<128x128xf32, #tpu.memory_space<vmem>>, vector<1x16xf32>,
        %swap3A_706 = vector.shape_cast %swap3A_705 : vector<1x16xf32> to vector<16xf32>
        %swap3A_707 = vector.shape_cast %broadcast_in_dim3A_1 : vector<16xf32> to vector<1x16xf32>
        tpu.vector_store %arg13[%swap3A_703, %swap3A_704], %swap3A_707 {strides = array<i32>} : memref<128x128xf32, #tpu.memory_space<vmem>>, vector<1x16xf32>,
        %swap3A_708 = arith.index_cast %add3A_680 : i32 to index
        %swap3A_709 = arith.constant 32 : index
        %swap3A_710 = tpu.vector_load %arg13[%swap3A_708, %swap3A_709] {strides = array<i32>} : memref<128x128xf32, #tpu.memory_space<vmem>>, vector<1x16xf32>,
        %swap3A_711 = vector.shape_cast %swap3A_710 : vector<1x16xf32> to vector<16xf32>
        %swap3A_712 = vector.shape_cast %broadcast_in_dim3A_1 : vector<16xf32> to vector<1x16xf32>
        tpu.vector_store %arg13[%swap3A_708, %swap3A_709], %swap3A_712 {strides = array<i32>} : memref<128x128xf32, #tpu.memory_space<vmem>>, vector<1x16xf32>,
        %swap3A_713 = arith.index_cast %add3A_680 : i32 to index
        %swap3A_714 = arith.constant 48 : index
        %swap3A_715 = tpu.vector_load %arg13[%swap3A_713, %swap3A_714] {strides = array<i32>} : memref<128x128xf32, #tpu.memory_space<vmem>>, vector<1x16xf32>,
        %swap3A_716 = vector.shape_cast %swap3A_715 : vector<1x16xf32> to vector<16xf32>
        %swap3A_717 = vector.shape_cast %broadcast_in_dim3A_1 : vector<16xf32> to vector<1x16xf32>
        tpu.vector_store %arg13[%swap3A_713, %swap3A_714], %swap3A_717 {strides = array<i32>} : memref<128x128xf32, #tpu.memory_space<vmem>>, vector<1x16xf32>,
        %swap3A_718 = arith.index_cast %add3A_680 : i32 to index
        %swap3A_719 = arith.constant 64 : index
        %swap3A_720 = tpu.vector_load %arg13[%swap3A_718, %swap3A_719] {strides = array<i32>} : memref<128x128xf32, #tpu.memory_space<vmem>>, vector<1x16xf32>,
        %swap3A_721 = vector.shape_cast %swap3A_720 : vector<1x16xf32> to vector<16xf32>
        %swap3A_722 = vector.shape_cast %broadcast_in_dim3A_1 : vector<16xf32> to vector<1x16xf32>
        tpu.vector_store %arg13[%swap3A_718, %swap3A_719], %swap3A_722 {strides = array<i32>} : memref<128x128xf32, #tpu.memory_space<vmem>>, vector<1x16xf32>,
        %swap3A_723 = arith.index_cast %add3A_680 : i32 to index
        %swap3A_724 = arith.constant 80 : index
        %swap3A_725 = tpu.vector_load %arg13[%swap3A_723, %swap3A_724] {strides = array<i32>} : memref<128x128xf32, #tpu.memory_space<vmem>>, vector<1x16xf32>,
        %swap3A_726 = vector.shape_cast %swap3A_725 : vector<1x16xf32> to vector<16xf32>
        %swap3A_727 = vector.shape_cast %broadcast_in_dim3A_1 : vector<16xf32> to vector<1x16xf32>
        tpu.vector_store %arg13[%swap3A_723, %swap3A_724], %swap3A_727 {strides = array<i32>} : memref<128x128xf32, #tpu.memory_space<vmem>>, vector<1x16xf32>,
        %swap3A_728 = arith.index_cast %add3A_680 : i32 to index
        %swap3A_729 = arith.constant 96 : index
        %swap3A_730 = tpu.vector_load %arg13[%swap3A_728, %swap3A_729] {strides = array<i32>} : memref<128x128xf32, #tpu.memory_space<vmem>>, vector<1x16xf32>,
        %swap3A_731 = vector.shape_cast %swap3A_730 : vector<1x16xf32> to vector<16xf32>
        %swap3A_732 = vector.shape_cast %broadcast_in_dim3A_1 : vector<16xf32> to vector<1x16xf32>
        tpu.vector_store %arg13[%swap3A_728, %swap3A_729], %swap3A_732 {strides = array<i32>} : memref<128x128xf32, #tpu.memory_space<vmem>>, vector<1x16xf32>,
        %swap3A_733 = arith.index_cast %add3A_680 : i32 to index
        %swap3A_734 = arith.constant 112 : index
        %swap3A_735 = tpu.vector_load %arg13[%swap3A_733, %swap3A_734] {strides = array<i32>} : memref<128x128xf32, #tpu.memory_space<vmem>>, vector<1x16xf32>,
        %swap3A_736 = vector.shape_cast %swap3A_735 : vector<1x16xf32> to vector<16xf32>
        %swap3A_737 = vector.shape_cast %broadcast_in_dim3A_1 : vector<16xf32> to vector<1x16xf32>
        tpu.vector_store %arg13[%swap3A_733, %swap3A_734], %swap3A_737 {strides = array<i32>} : memref<128x128xf32, #tpu.memory_space<vmem>>, vector<1x16xf32>,
        %slice3A_738 = vector.extract_strided_slice %get3A_178 {offsets = [7], sizes = [1], strides = [1]} : vector<16xi32> to vector<1xi32>
        %squeeze3A_739 = vector.extract %slice3A_738[0] : i32 from vector<1xi32>
        %and3A_740 = arith.constant 7 : i32
        %and3A_741 = arith.andi %squeeze3A_739, %and3A_740 : i32
        %mul3A_742 = arith.constant 16 : i32
        %mul3A_743 = arith.muli %and3A_741, %mul3A_742 : i32
        %swap3A_744 = arith.index_cast %add3A_680 : i32 to index
        %swap3A_745 = arith.index_cast %mul3A_743 : i32 to index
        %swap3A_746 = tpu.vector_load %arg13[%swap3A_744, %swap3A_745] {strides = array<i32>} : memref<128x128xf32, #tpu.memory_space<vmem>>, vector<1x16xf32>,
        %swap3A_747 = vector.shape_cast %swap3A_746 : vector<1x16xf32> to vector<16xf32>
        %swap3A_748 = vector.shape_cast %exp3A_697 : vector<16xf32> to vector<1x16xf32>
        tpu.vector_store %arg13[%swap3A_744, %swap3A_745], %swap3A_748 {strides = array<i32>} : memref<128x128xf32, #tpu.memory_space<vmem>>, vector<1x16xf32>,
        %mul3A_749 = arith.constant 16 : i32
        %mul3A_750 = arith.muli %scan3A_172, %mul3A_749 : i32
        %add3A_751 = arith.constant 8 : i32
        %add3A_752 = arith.addi %mul3A_750, %add3A_751 : i32
        %get3A_753 = arith.index_cast %add3A_752 : i32 to index
        %get3A_754 = arith.constant 0 : index
        %get3A_755 = tpu.vector_load %arg12[%get3A_753, %get3A_754] {strides = array<i32>} : memref<128x128xf32, #tpu.memory_space<vmem>>, vector<1x16xf32>,
        %get3A_756 = vector.shape_cast %get3A_755 : vector<1x16xf32> to vector<16xf32>
        %get3A_757 = arith.index_cast %add3A_752 : i32 to index
        %get3A_758 = arith.constant 0 : index
        %get3A_759 = tpu.vector_load %arg13[%get3A_757, %get3A_758] {strides = array<i32>} : memref<128x128xf32, #tpu.memory_space<vmem>>, vector<1x16xf32>,
        %get3A_760 = vector.shape_cast %get3A_759 : vector<1x16xf32> to vector<16xf32>
        %add3A_761 = arith.addf %get3A_756, %get3A_760 : vector<16xf32>
        %ge3A_762 = arith.constant 0.000000e+00 : f32
        %ge3A_763 = vector.broadcast %ge3A_762 : f32 to vector<16xf32>
        %ge3A_764 = arith.cmpf oge, %add3A_761, %ge3A_763 : vector<16xf32>
        %mul3A_765 = arith.constant 2.000000e-01 : f32
        %mul3A_766 = vector.broadcast %mul3A_765 : f32 to vector<16xf32>
        %mul3A_767 = arith.mulf %mul3A_766, %add3A_761 : vector<16xf32>
        %select_n3A_768 = arith.select %ge3A_764, %add3A_761, %mul3A_767 : vector<16xi1>, vector<16xf32>
        %exp3A_769 = math.exp %select_n3A_768 : vector<16xf32>
        %swap3A_770 = arith.index_cast %add3A_752 : i32 to index
        %swap3A_771 = arith.constant 0 : index
        %swap3A_772 = tpu.vector_load %arg13[%swap3A_770, %swap3A_771] {strides = array<i32>} : memref<128x128xf32, #tpu.memory_space<vmem>>, vector<1x16xf32>,
        %swap3A_773 = vector.shape_cast %swap3A_772 : vector<1x16xf32> to vector<16xf32>
        %swap3A_774 = vector.shape_cast %broadcast_in_dim3A_1 : vector<16xf32> to vector<1x16xf32>
        tpu.vector_store %arg13[%swap3A_770, %swap3A_771], %swap3A_774 {strides = array<i32>} : memref<128x128xf32, #tpu.memory_space<vmem>>, vector<1x16xf32>,
        %swap3A_775 = arith.index_cast %add3A_752 : i32 to index
        %swap3A_776 = arith.constant 16 : index
        %swap3A_777 = tpu.vector_load %arg13[%swap3A_775, %swap3A_776] {strides = array<i32>} : memref<128x128xf32, #tpu.memory_space<vmem>>, vector<1x16xf32>,
        %swap3A_778 = vector.shape_cast %swap3A_777 : vector<1x16xf32> to vector<16xf32>
        %swap3A_779 = vector.shape_cast %broadcast_in_dim3A_1 : vector<16xf32> to vector<1x16xf32>
        tpu.vector_store %arg13[%swap3A_775, %swap3A_776], %swap3A_779 {strides = array<i32>} : memref<128x128xf32, #tpu.memory_space<vmem>>, vector<1x16xf32>,
        %swap3A_780 = arith.index_cast %add3A_752 : i32 to index
        %swap3A_781 = arith.constant 32 : index
        %swap3A_782 = tpu.vector_load %arg13[%swap3A_780, %swap3A_781] {strides = array<i32>} : memref<128x128xf32, #tpu.memory_space<vmem>>, vector<1x16xf32>,
        %swap3A_783 = vector.shape_cast %swap3A_782 : vector<1x16xf32> to vector<16xf32>
        %swap3A_784 = vector.shape_cast %broadcast_in_dim3A_1 : vector<16xf32> to vector<1x16xf32>
        tpu.vector_store %arg13[%swap3A_780, %swap3A_781], %swap3A_784 {strides = array<i32>} : memref<128x128xf32, #tpu.memory_space<vmem>>, vector<1x16xf32>,
        %swap3A_785 = arith.index_cast %add3A_752 : i32 to index
        %swap3A_786 = arith.constant 48 : index
        %swap3A_787 = tpu.vector_load %arg13[%swap3A_785, %swap3A_786] {strides = array<i32>} : memref<128x128xf32, #tpu.memory_space<vmem>>, vector<1x16xf32>,
        %swap3A_788 = vector.shape_cast %swap3A_787 : vector<1x16xf32> to vector<16xf32>
        %swap3A_789 = vector.shape_cast %broadcast_in_dim3A_1 : vector<16xf32> to vector<1x16xf32>
        tpu.vector_store %arg13[%swap3A_785, %swap3A_786], %swap3A_789 {strides = array<i32>} : memref<128x128xf32, #tpu.memory_space<vmem>>, vector<1x16xf32>,
        %swap3A_790 = arith.index_cast %add3A_752 : i32 to index
        %swap3A_791 = arith.constant 64 : index
        %swap3A_792 = tpu.vector_load %arg13[%swap3A_790, %swap3A_791] {strides = array<i32>} : memref<128x128xf32, #tpu.memory_space<vmem>>, vector<1x16xf32>,
        %swap3A_793 = vector.shape_cast %swap3A_792 : vector<1x16xf32> to vector<16xf32>
        %swap3A_794 = vector.shape_cast %broadcast_in_dim3A_1 : vector<16xf32> to vector<1x16xf32>
        tpu.vector_store %arg13[%swap3A_790, %swap3A_791], %swap3A_794 {strides = array<i32>} : memref<128x128xf32, #tpu.memory_space<vmem>>, vector<1x16xf32>,
        %swap3A_795 = arith.index_cast %add3A_752 : i32 to index
        %swap3A_796 = arith.constant 80 : index
        %swap3A_797 = tpu.vector_load %arg13[%swap3A_795, %swap3A_796] {strides = array<i32>} : memref<128x128xf32, #tpu.memory_space<vmem>>, vector<1x16xf32>,
        %swap3A_798 = vector.shape_cast %swap3A_797 : vector<1x16xf32> to vector<16xf32>
        %swap3A_799 = vector.shape_cast %broadcast_in_dim3A_1 : vector<16xf32> to vector<1x16xf32>
        tpu.vector_store %arg13[%swap3A_795, %swap3A_796], %swap3A_799 {strides = array<i32>} : memref<128x128xf32, #tpu.memory_space<vmem>>, vector<1x16xf32>,
        %swap3A_800 = arith.index_cast %add3A_752 : i32 to index
        %swap3A_801 = arith.constant 96 : index
        %swap3A_802 = tpu.vector_load %arg13[%swap3A_800, %swap3A_801] {strides = array<i32>} : memref<128x128xf32, #tpu.memory_space<vmem>>, vector<1x16xf32>,
        %swap3A_803 = vector.shape_cast %swap3A_802 : vector<1x16xf32> to vector<16xf32>
        %swap3A_804 = vector.shape_cast %broadcast_in_dim3A_1 : vector<16xf32> to vector<1x16xf32>
        tpu.vector_store %arg13[%swap3A_800, %swap3A_801], %swap3A_804 {strides = array<i32>} : memref<128x128xf32, #tpu.memory_space<vmem>>, vector<1x16xf32>,
        %swap3A_805 = arith.index_cast %add3A_752 : i32 to index
        %swap3A_806 = arith.constant 112 : index
        %swap3A_807 = tpu.vector_load %arg13[%swap3A_805, %swap3A_806] {strides = array<i32>} : memref<128x128xf32, #tpu.memory_space<vmem>>, vector<1x16xf32>,
        %swap3A_808 = vector.shape_cast %swap3A_807 : vector<1x16xf32> to vector<16xf32>
        %swap3A_809 = vector.shape_cast %broadcast_in_dim3A_1 : vector<16xf32> to vector<1x16xf32>
        tpu.vector_store %arg13[%swap3A_805, %swap3A_806], %swap3A_809 {strides = array<i32>} : memref<128x128xf32, #tpu.memory_space<vmem>>, vector<1x16xf32>,
        %slice3A_810 = vector.extract_strided_slice %get3A_178 {offsets = [8], sizes = [1], strides = [1]} : vector<16xi32> to vector<1xi32>
        %squeeze3A_811 = vector.extract %slice3A_810[0] : i32 from vector<1xi32>
        %and3A_812 = arith.constant 7 : i32
        %and3A_813 = arith.andi %squeeze3A_811, %and3A_812 : i32
        %mul3A_814 = arith.constant 16 : i32
        %mul3A_815 = arith.muli %and3A_813, %mul3A_814 : i32
        %swap3A_816 = arith.index_cast %add3A_752 : i32 to index
        %swap3A_817 = arith.index_cast %mul3A_815 : i32 to index
        %swap3A_818 = tpu.vector_load %arg13[%swap3A_816, %swap3A_817] {strides = array<i32>} : memref<128x128xf32, #tpu.memory_space<vmem>>, vector<1x16xf32>,
        %swap3A_819 = vector.shape_cast %swap3A_818 : vector<1x16xf32> to vector<16xf32>
        %swap3A_820 = vector.shape_cast %exp3A_769 : vector<16xf32> to vector<1x16xf32>
        tpu.vector_store %arg13[%swap3A_816, %swap3A_817], %swap3A_820 {strides = array<i32>} : memref<128x128xf32, #tpu.memory_space<vmem>>, vector<1x16xf32>,
        %mul3A_821 = arith.constant 16 : i32
        %mul3A_822 = arith.muli %scan3A_172, %mul3A_821 : i32
        %add3A_823 = arith.constant 9 : i32
        %add3A_824 = arith.addi %mul3A_822, %add3A_823 : i32
        %get3A_825 = arith.index_cast %add3A_824 : i32 to index
        %get3A_826 = arith.constant 0 : index
        %get3A_827 = tpu.vector_load %arg12[%get3A_825, %get3A_826] {strides = array<i32>} : memref<128x128xf32, #tpu.memory_space<vmem>>, vector<1x16xf32>,
        %get3A_828 = vector.shape_cast %get3A_827 : vector<1x16xf32> to vector<16xf32>
        %get3A_829 = arith.index_cast %add3A_824 : i32 to index
        %get3A_830 = arith.constant 0 : index
        %get3A_831 = tpu.vector_load %arg13[%get3A_829, %get3A_830] {strides = array<i32>} : memref<128x128xf32, #tpu.memory_space<vmem>>, vector<1x16xf32>,
        %get3A_832 = vector.shape_cast %get3A_831 : vector<1x16xf32> to vector<16xf32>
        %add3A_833 = arith.addf %get3A_828, %get3A_832 : vector<16xf32>
        %ge3A_834 = arith.constant 0.000000e+00 : f32
        %ge3A_835 = vector.broadcast %ge3A_834 : f32 to vector<16xf32>
        %ge3A_836 = arith.cmpf oge, %add3A_833, %ge3A_835 : vector<16xf32>
        %mul3A_837 = arith.constant 2.000000e-01 : f32
        %mul3A_838 = vector.broadcast %mul3A_837 : f32 to vector<16xf32>
        %mul3A_839 = arith.mulf %mul3A_838, %add3A_833 : vector<16xf32>
        %select_n3A_840 = arith.select %ge3A_836, %add3A_833, %mul3A_839 : vector<16xi1>, vector<16xf32>
        %exp3A_841 = math.exp %select_n3A_840 : vector<16xf32>
        %swap3A_842 = arith.index_cast %add3A_824 : i32 to index
        %swap3A_843 = arith.constant 0 : index
        %swap3A_844 = tpu.vector_load %arg13[%swap3A_842, %swap3A_843] {strides = array<i32>} : memref<128x128xf32, #tpu.memory_space<vmem>>, vector<1x16xf32>,
        %swap3A_845 = vector.shape_cast %swap3A_844 : vector<1x16xf32> to vector<16xf32>
        %swap3A_846 = vector.shape_cast %broadcast_in_dim3A_1 : vector<16xf32> to vector<1x16xf32>
        tpu.vector_store %arg13[%swap3A_842, %swap3A_843], %swap3A_846 {strides = array<i32>} : memref<128x128xf32, #tpu.memory_space<vmem>>, vector<1x16xf32>,
        %swap3A_847 = arith.index_cast %add3A_824 : i32 to index
        %swap3A_848 = arith.constant 16 : index
        %swap3A_849 = tpu.vector_load %arg13[%swap3A_847, %swap3A_848] {strides = array<i32>} : memref<128x128xf32, #tpu.memory_space<vmem>>, vector<1x16xf32>,
        %swap3A_850 = vector.shape_cast %swap3A_849 : vector<1x16xf32> to vector<16xf32>
        %swap3A_851 = vector.shape_cast %broadcast_in_dim3A_1 : vector<16xf32> to vector<1x16xf32>
        tpu.vector_store %arg13[%swap3A_847, %swap3A_848], %swap3A_851 {strides = array<i32>} : memref<128x128xf32, #tpu.memory_space<vmem>>, vector<1x16xf32>,
        %swap3A_852 = arith.index_cast %add3A_824 : i32 to index
        %swap3A_853 = arith.constant 32 : index
        %swap3A_854 = tpu.vector_load %arg13[%swap3A_852, %swap3A_853] {strides = array<i32>} : memref<128x128xf32, #tpu.memory_space<vmem>>, vector<1x16xf32>,
        %swap3A_855 = vector.shape_cast %swap3A_854 : vector<1x16xf32> to vector<16xf32>
        %swap3A_856 = vector.shape_cast %broadcast_in_dim3A_1 : vector<16xf32> to vector<1x16xf32>
        tpu.vector_store %arg13[%swap3A_852, %swap3A_853], %swap3A_856 {strides = array<i32>} : memref<128x128xf32, #tpu.memory_space<vmem>>, vector<1x16xf32>,
        %swap3A_857 = arith.index_cast %add3A_824 : i32 to index
        %swap3A_858 = arith.constant 48 : index
        %swap3A_859 = tpu.vector_load %arg13[%swap3A_857, %swap3A_858] {strides = array<i32>} : memref<128x128xf32, #tpu.memory_space<vmem>>, vector<1x16xf32>,
        %swap3A_860 = vector.shape_cast %swap3A_859 : vector<1x16xf32> to vector<16xf32>
        %swap3A_861 = vector.shape_cast %broadcast_in_dim3A_1 : vector<16xf32> to vector<1x16xf32>
        tpu.vector_store %arg13[%swap3A_857, %swap3A_858], %swap3A_861 {strides = array<i32>} : memref<128x128xf32, #tpu.memory_space<vmem>>, vector<1x16xf32>,
        %swap3A_862 = arith.index_cast %add3A_824 : i32 to index
        %swap3A_863 = arith.constant 64 : index
        %swap3A_864 = tpu.vector_load %arg13[%swap3A_862, %swap3A_863] {strides = array<i32>} : memref<128x128xf32, #tpu.memory_space<vmem>>, vector<1x16xf32>,
        %swap3A_865 = vector.shape_cast %swap3A_864 : vector<1x16xf32> to vector<16xf32>
        %swap3A_866 = vector.shape_cast %broadcast_in_dim3A_1 : vector<16xf32> to vector<1x16xf32>
        tpu.vector_store %arg13[%swap3A_862, %swap3A_863], %swap3A_866 {strides = array<i32>} : memref<128x128xf32, #tpu.memory_space<vmem>>, vector<1x16xf32>,
        %swap3A_867 = arith.index_cast %add3A_824 : i32 to index
        %swap3A_868 = arith.constant 80 : index
        %swap3A_869 = tpu.vector_load %arg13[%swap3A_867, %swap3A_868] {strides = array<i32>} : memref<128x128xf32, #tpu.memory_space<vmem>>, vector<1x16xf32>,
        %swap3A_870 = vector.shape_cast %swap3A_869 : vector<1x16xf32> to vector<16xf32>
        %swap3A_871 = vector.shape_cast %broadcast_in_dim3A_1 : vector<16xf32> to vector<1x16xf32>
        tpu.vector_store %arg13[%swap3A_867, %swap3A_868], %swap3A_871 {strides = array<i32>} : memref<128x128xf32, #tpu.memory_space<vmem>>, vector<1x16xf32>,
        %swap3A_872 = arith.index_cast %add3A_824 : i32 to index
        %swap3A_873 = arith.constant 96 : index
        %swap3A_874 = tpu.vector_load %arg13[%swap3A_872, %swap3A_873] {strides = array<i32>} : memref<128x128xf32, #tpu.memory_space<vmem>>, vector<1x16xf32>,
        %swap3A_875 = vector.shape_cast %swap3A_874 : vector<1x16xf32> to vector<16xf32>
        %swap3A_876 = vector.shape_cast %broadcast_in_dim3A_1 : vector<16xf32> to vector<1x16xf32>
        tpu.vector_store %arg13[%swap3A_872, %swap3A_873], %swap3A_876 {strides = array<i32>} : memref<128x128xf32, #tpu.memory_space<vmem>>, vector<1x16xf32>,
        %swap3A_877 = arith.index_cast %add3A_824 : i32 to index
        %swap3A_878 = arith.constant 112 : index
        %swap3A_879 = tpu.vector_load %arg13[%swap3A_877, %swap3A_878] {strides = array<i32>} : memref<128x128xf32, #tpu.memory_space<vmem>>, vector<1x16xf32>,
        %swap3A_880 = vector.shape_cast %swap3A_879 : vector<1x16xf32> to vector<16xf32>
        %swap3A_881 = vector.shape_cast %broadcast_in_dim3A_1 : vector<16xf32> to vector<1x16xf32>
        tpu.vector_store %arg13[%swap3A_877, %swap3A_878], %swap3A_881 {strides = array<i32>} : memref<128x128xf32, #tpu.memory_space<vmem>>, vector<1x16xf32>,
        %slice3A_882 = vector.extract_strided_slice %get3A_178 {offsets = [9], sizes = [1], strides = [1]} : vector<16xi32> to vector<1xi32>
        %squeeze3A_883 = vector.extract %slice3A_882[0] : i32 from vector<1xi32>
        %and3A_884 = arith.constant 7 : i32
        %and3A_885 = arith.andi %squeeze3A_883, %and3A_884 : i32
        %mul3A_886 = arith.constant 16 : i32
        %mul3A_887 = arith.muli %and3A_885, %mul3A_886 : i32
        %swap3A_888 = arith.index_cast %add3A_824 : i32 to index
        %swap3A_889 = arith.index_cast %mul3A_887 : i32 to index
        %swap3A_890 = tpu.vector_load %arg13[%swap3A_888, %swap3A_889] {strides = array<i32>} : memref<128x128xf32, #tpu.memory_space<vmem>>, vector<1x16xf32>,
        %swap3A_891 = vector.shape_cast %swap3A_890 : vector<1x16xf32> to vector<16xf32>
        %swap3A_892 = vector.shape_cast %exp3A_841 : vector<16xf32> to vector<1x16xf32>
        tpu.vector_store %arg13[%swap3A_888, %swap3A_889], %swap3A_892 {strides = array<i32>} : memref<128x128xf32, #tpu.memory_space<vmem>>, vector<1x16xf32>,
        %mul3A_893 = arith.constant 16 : i32
        %mul3A_894 = arith.muli %scan3A_172, %mul3A_893 : i32
        %add3A_895 = arith.constant 10 : i32
        %add3A_896 = arith.addi %mul3A_894, %add3A_895 : i32
        %get3A_897 = arith.index_cast %add3A_896 : i32 to index
        %get3A_898 = arith.constant 0 : index
        %get3A_899 = tpu.vector_load %arg12[%get3A_897, %get3A_898] {strides = array<i32>} : memref<128x128xf32, #tpu.memory_space<vmem>>, vector<1x16xf32>,
        %get3A_900 = vector.shape_cast %get3A_899 : vector<1x16xf32> to vector<16xf32>
        %get3A_901 = arith.index_cast %add3A_896 : i32 to index
        %get3A_902 = arith.constant 0 : index
        %get3A_903 = tpu.vector_load %arg13[%get3A_901, %get3A_902] {strides = array<i32>} : memref<128x128xf32, #tpu.memory_space<vmem>>, vector<1x16xf32>,
        %get3A_904 = vector.shape_cast %get3A_903 : vector<1x16xf32> to vector<16xf32>
        %add3A_905 = arith.addf %get3A_900, %get3A_904 : vector<16xf32>
        %ge3A_906 = arith.constant 0.000000e+00 : f32
        %ge3A_907 = vector.broadcast %ge3A_906 : f32 to vector<16xf32>
        %ge3A_908 = arith.cmpf oge, %add3A_905, %ge3A_907 : vector<16xf32>
        %mul3A_909 = arith.constant 2.000000e-01 : f32
        %mul3A_910 = vector.broadcast %mul3A_909 : f32 to vector<16xf32>
        %mul3A_911 = arith.mulf %mul3A_910, %add3A_905 : vector<16xf32>
        %select_n3A_912 = arith.select %ge3A_908, %add3A_905, %mul3A_911 : vector<16xi1>, vector<16xf32>
        %exp3A_913 = math.exp %select_n3A_912 : vector<16xf32>
        %swap3A_914 = arith.index_cast %add3A_896 : i32 to index
        %swap3A_915 = arith.constant 0 : index
        %swap3A_916 = tpu.vector_load %arg13[%swap3A_914, %swap3A_915] {strides = array<i32>} : memref<128x128xf32, #tpu.memory_space<vmem>>, vector<1x16xf32>,
        %swap3A_917 = vector.shape_cast %swap3A_916 : vector<1x16xf32> to vector<16xf32>
        %swap3A_918 = vector.shape_cast %broadcast_in_dim3A_1 : vector<16xf32> to vector<1x16xf32>
        tpu.vector_store %arg13[%swap3A_914, %swap3A_915], %swap3A_918 {strides = array<i32>} : memref<128x128xf32, #tpu.memory_space<vmem>>, vector<1x16xf32>,
        %swap3A_919 = arith.index_cast %add3A_896 : i32 to index
        %swap3A_920 = arith.constant 16 : index
        %swap3A_921 = tpu.vector_load %arg13[%swap3A_919, %swap3A_920] {strides = array<i32>} : memref<128x128xf32, #tpu.memory_space<vmem>>, vector<1x16xf32>,
        %swap3A_922 = vector.shape_cast %swap3A_921 : vector<1x16xf32> to vector<16xf32>
        %swap3A_923 = vector.shape_cast %broadcast_in_dim3A_1 : vector<16xf32> to vector<1x16xf32>
        tpu.vector_store %arg13[%swap3A_919, %swap3A_920], %swap3A_923 {strides = array<i32>} : memref<128x128xf32, #tpu.memory_space<vmem>>, vector<1x16xf32>,
        %swap3A_924 = arith.index_cast %add3A_896 : i32 to index
        %swap3A_925 = arith.constant 32 : index
        %swap3A_926 = tpu.vector_load %arg13[%swap3A_924, %swap3A_925] {strides = array<i32>} : memref<128x128xf32, #tpu.memory_space<vmem>>, vector<1x16xf32>,
        %swap3A_927 = vector.shape_cast %swap3A_926 : vector<1x16xf32> to vector<16xf32>
        %swap3A_928 = vector.shape_cast %broadcast_in_dim3A_1 : vector<16xf32> to vector<1x16xf32>
        tpu.vector_store %arg13[%swap3A_924, %swap3A_925], %swap3A_928 {strides = array<i32>} : memref<128x128xf32, #tpu.memory_space<vmem>>, vector<1x16xf32>,
        %swap3A_929 = arith.index_cast %add3A_896 : i32 to index
        %swap3A_930 = arith.constant 48 : index
        %swap3A_931 = tpu.vector_load %arg13[%swap3A_929, %swap3A_930] {strides = array<i32>} : memref<128x128xf32, #tpu.memory_space<vmem>>, vector<1x16xf32>,
        %swap3A_932 = vector.shape_cast %swap3A_931 : vector<1x16xf32> to vector<16xf32>
        %swap3A_933 = vector.shape_cast %broadcast_in_dim3A_1 : vector<16xf32> to vector<1x16xf32>
        tpu.vector_store %arg13[%swap3A_929, %swap3A_930], %swap3A_933 {strides = array<i32>} : memref<128x128xf32, #tpu.memory_space<vmem>>, vector<1x16xf32>,
        %swap3A_934 = arith.index_cast %add3A_896 : i32 to index
        %swap3A_935 = arith.constant 64 : index
        %swap3A_936 = tpu.vector_load %arg13[%swap3A_934, %swap3A_935] {strides = array<i32>} : memref<128x128xf32, #tpu.memory_space<vmem>>, vector<1x16xf32>,
        %swap3A_937 = vector.shape_cast %swap3A_936 : vector<1x16xf32> to vector<16xf32>
        %swap3A_938 = vector.shape_cast %broadcast_in_dim3A_1 : vector<16xf32> to vector<1x16xf32>
        tpu.vector_store %arg13[%swap3A_934, %swap3A_935], %swap3A_938 {strides = array<i32>} : memref<128x128xf32, #tpu.memory_space<vmem>>, vector<1x16xf32>,
        %swap3A_939 = arith.index_cast %add3A_896 : i32 to index
        %swap3A_940 = arith.constant 80 : index
        %swap3A_941 = tpu.vector_load %arg13[%swap3A_939, %swap3A_940] {strides = array<i32>} : memref<128x128xf32, #tpu.memory_space<vmem>>, vector<1x16xf32>,
        %swap3A_942 = vector.shape_cast %swap3A_941 : vector<1x16xf32> to vector<16xf32>
        %swap3A_943 = vector.shape_cast %broadcast_in_dim3A_1 : vector<16xf32> to vector<1x16xf32>
        tpu.vector_store %arg13[%swap3A_939, %swap3A_940], %swap3A_943 {strides = array<i32>} : memref<128x128xf32, #tpu.memory_space<vmem>>, vector<1x16xf32>,
        %swap3A_944 = arith.index_cast %add3A_896 : i32 to index
        %swap3A_945 = arith.constant 96 : index
        %swap3A_946 = tpu.vector_load %arg13[%swap3A_944, %swap3A_945] {strides = array<i32>} : memref<128x128xf32, #tpu.memory_space<vmem>>, vector<1x16xf32>,
        %swap3A_947 = vector.shape_cast %swap3A_946 : vector<1x16xf32> to vector<16xf32>
        %swap3A_948 = vector.shape_cast %broadcast_in_dim3A_1 : vector<16xf32> to vector<1x16xf32>
        tpu.vector_store %arg13[%swap3A_944, %swap3A_945], %swap3A_948 {strides = array<i32>} : memref<128x128xf32, #tpu.memory_space<vmem>>, vector<1x16xf32>,
        %swap3A_949 = arith.index_cast %add3A_896 : i32 to index
        %swap3A_950 = arith.constant 112 : index
        %swap3A_951 = tpu.vector_load %arg13[%swap3A_949, %swap3A_950] {strides = array<i32>} : memref<128x128xf32, #tpu.memory_space<vmem>>, vector<1x16xf32>,
        %swap3A_952 = vector.shape_cast %swap3A_951 : vector<1x16xf32> to vector<16xf32>
        %swap3A_953 = vector.shape_cast %broadcast_in_dim3A_1 : vector<16xf32> to vector<1x16xf32>
        tpu.vector_store %arg13[%swap3A_949, %swap3A_950], %swap3A_953 {strides = array<i32>} : memref<128x128xf32, #tpu.memory_space<vmem>>, vector<1x16xf32>,
        %slice3A_954 = vector.extract_strided_slice %get3A_178 {offsets = [10], sizes = [1], strides = [1]} : vector<16xi32> to vector<1xi32>
        %squeeze3A_955 = vector.extract %slice3A_954[0] : i32 from vector<1xi32>
        %and3A_956 = arith.constant 7 : i32
        %and3A_957 = arith.andi %squeeze3A_955, %and3A_956 : i32
        %mul3A_958 = arith.constant 16 : i32
        %mul3A_959 = arith.muli %and3A_957, %mul3A_958 : i32
        %swap3A_960 = arith.index_cast %add3A_896 : i32 to index
        %swap3A_961 = arith.index_cast %mul3A_959 : i32 to index
        %swap3A_962 = tpu.vector_load %arg13[%swap3A_960, %swap3A_961] {strides = array<i32>} : memref<128x128xf32, #tpu.memory_space<vmem>>, vector<1x16xf32>,
        %swap3A_963 = vector.shape_cast %swap3A_962 : vector<1x16xf32> to vector<16xf32>
        %swap3A_964 = vector.shape_cast %exp3A_913 : vector<16xf32> to vector<1x16xf32>
        tpu.vector_store %arg13[%swap3A_960, %swap3A_961], %swap3A_964 {strides = array<i32>} : memref<128x128xf32, #tpu.memory_space<vmem>>, vector<1x16xf32>,
        %mul3A_965 = arith.constant 16 : i32
        %mul3A_966 = arith.muli %scan3A_172, %mul3A_965 : i32
        %add3A_967 = arith.constant 11 : i32
        %add3A_968 = arith.addi %mul3A_966, %add3A_967 : i32
        %get3A_969 = arith.index_cast %add3A_968 : i32 to index
        %get3A_970 = arith.constant 0 : index
        %get3A_971 = tpu.vector_load %arg12[%get3A_969, %get3A_970] {strides = array<i32>} : memref<128x128xf32, #tpu.memory_space<vmem>>, vector<1x16xf32>,
        %get3A_972 = vector.shape_cast %get3A_971 : vector<1x16xf32> to vector<16xf32>
        %get3A_973 = arith.index_cast %add3A_968 : i32 to index
        %get3A_974 = arith.constant 0 : index
        %get3A_975 = tpu.vector_load %arg13[%get3A_973, %get3A_974] {strides = array<i32>} : memref<128x128xf32, #tpu.memory_space<vmem>>, vector<1x16xf32>,
        %get3A_976 = vector.shape_cast %get3A_975 : vector<1x16xf32> to vector<16xf32>
        %add3A_977 = arith.addf %get3A_972, %get3A_976 : vector<16xf32>
        %ge3A_978 = arith.constant 0.000000e+00 : f32
        %ge3A_979 = vector.broadcast %ge3A_978 : f32 to vector<16xf32>
        %ge3A_980 = arith.cmpf oge, %add3A_977, %ge3A_979 : vector<16xf32>
        %mul3A_981 = arith.constant 2.000000e-01 : f32
        %mul3A_982 = vector.broadcast %mul3A_981 : f32 to vector<16xf32>
        %mul3A_983 = arith.mulf %mul3A_982, %add3A_977 : vector<16xf32>
        %select_n3A_984 = arith.select %ge3A_980, %add3A_977, %mul3A_983 : vector<16xi1>, vector<16xf32>
        %exp3A_985 = math.exp %select_n3A_984 : vector<16xf32>
        %swap3A_986 = arith.index_cast %add3A_968 : i32 to index
        %swap3A_987 = arith.constant 0 : index
        %swap3A_988 = tpu.vector_load %arg13[%swap3A_986, %swap3A_987] {strides = array<i32>} : memref<128x128xf32, #tpu.memory_space<vmem>>, vector<1x16xf32>,
        %swap3A_989 = vector.shape_cast %swap3A_988 : vector<1x16xf32> to vector<16xf32>
        %swap3A_990 = vector.shape_cast %broadcast_in_dim3A_1 : vector<16xf32> to vector<1x16xf32>
        tpu.vector_store %arg13[%swap3A_986, %swap3A_987], %swap3A_990 {strides = array<i32>} : memref<128x128xf32, #tpu.memory_space<vmem>>, vector<1x16xf32>,
        %swap3A_991 = arith.index_cast %add3A_968 : i32 to index
        %swap3A_992 = arith.constant 16 : index
        %swap3A_993 = tpu.vector_load %arg13[%swap3A_991, %swap3A_992] {strides = array<i32>} : memref<128x128xf32, #tpu.memory_space<vmem>>, vector<1x16xf32>,
        %swap3A_994 = vector.shape_cast %swap3A_993 : vector<1x16xf32> to vector<16xf32>
        %swap3A_995 = vector.shape_cast %broadcast_in_dim3A_1 : vector<16xf32> to vector<1x16xf32>
        tpu.vector_store %arg13[%swap3A_991, %swap3A_992], %swap3A_995 {strides = array<i32>} : memref<128x128xf32, #tpu.memory_space<vmem>>, vector<1x16xf32>,
        %swap3A_996 = arith.index_cast %add3A_968 : i32 to index
        %swap3A_997 = arith.constant 32 : index
        %swap3A_998 = tpu.vector_load %arg13[%swap3A_996, %swap3A_997] {strides = array<i32>} : memref<128x128xf32, #tpu.memory_space<vmem>>, vector<1x16xf32>,
        %swap3A_999 = vector.shape_cast %swap3A_998 : vector<1x16xf32> to vector<16xf32>
        %swap3A_1000 = vector.shape_cast %broadcast_in_dim3A_1 : vector<16xf32> to vector<1x16xf32>
        tpu.vector_store %arg13[%swap3A_996, %swap3A_997], %swap3A_1000 {strides = array<i32>} : memref<128x128xf32, #tpu.memory_space<vmem>>, vector<1x16xf32>,
        %swap3A_1001 = arith.index_cast %add3A_968 : i32 to index
        %swap3A_1002 = arith.constant 48 : index
        %swap3A_1003 = tpu.vector_load %arg13[%swap3A_1001, %swap3A_1002] {strides = array<i32>} : memref<128x128xf32, #tpu.memory_space<vmem>>, vector<1x16xf32>,
        %swap3A_1004 = vector.shape_cast %swap3A_1003 : vector<1x16xf32> to vector<16xf32>
        %swap3A_1005 = vector.shape_cast %broadcast_in_dim3A_1 : vector<16xf32> to vector<1x16xf32>
        tpu.vector_store %arg13[%swap3A_1001, %swap3A_1002], %swap3A_1005 {strides = array<i32>} : memref<128x128xf32, #tpu.memory_space<vmem>>, vector<1x16xf32>,
        %swap3A_1006 = arith.index_cast %add3A_968 : i32 to index
        %swap3A_1007 = arith.constant 64 : index
        %swap3A_1008 = tpu.vector_load %arg13[%swap3A_1006, %swap3A_1007] {strides = array<i32>} : memref<128x128xf32, #tpu.memory_space<vmem>>, vector<1x16xf32>,
        %swap3A_1009 = vector.shape_cast %swap3A_1008 : vector<1x16xf32> to vector<16xf32>
        %swap3A_1010 = vector.shape_cast %broadcast_in_dim3A_1 : vector<16xf32> to vector<1x16xf32>
        tpu.vector_store %arg13[%swap3A_1006, %swap3A_1007], %swap3A_1010 {strides = array<i32>} : memref<128x128xf32, #tpu.memory_space<vmem>>, vector<1x16xf32>,
        %swap3A_1011 = arith.index_cast %add3A_968 : i32 to index
        %swap3A_1012 = arith.constant 80 : index
        %swap3A_1013 = tpu.vector_load %arg13[%swap3A_1011, %swap3A_1012] {strides = array<i32>} : memref<128x128xf32, #tpu.memory_space<vmem>>, vector<1x16xf32>,
        %swap3A_1014 = vector.shape_cast %swap3A_1013 : vector<1x16xf32> to vector<16xf32>
        %swap3A_1015 = vector.shape_cast %broadcast_in_dim3A_1 : vector<16xf32> to vector<1x16xf32>
        tpu.vector_store %arg13[%swap3A_1011, %swap3A_1012], %swap3A_1015 {strides = array<i32>} : memref<128x128xf32, #tpu.memory_space<vmem>>, vector<1x16xf32>,
        %swap3A_1016 = arith.index_cast %add3A_968 : i32 to index
        %swap3A_1017 = arith.constant 96 : index
        %swap3A_1018 = tpu.vector_load %arg13[%swap3A_1016, %swap3A_1017] {strides = array<i32>} : memref<128x128xf32, #tpu.memory_space<vmem>>, vector<1x16xf32>,
        %swap3A_1019 = vector.shape_cast %swap3A_1018 : vector<1x16xf32> to vector<16xf32>
        %swap3A_1020 = vector.shape_cast %broadcast_in_dim3A_1 : vector<16xf32> to vector<1x16xf32>
        tpu.vector_store %arg13[%swap3A_1016, %swap3A_1017], %swap3A_1020 {strides = array<i32>} : memref<128x128xf32, #tpu.memory_space<vmem>>, vector<1x16xf32>,
        %swap3A_1021 = arith.index_cast %add3A_968 : i32 to index
        %swap3A_1022 = arith.constant 112 : index
        %swap3A_1023 = tpu.vector_load %arg13[%swap3A_1021, %swap3A_1022] {strides = array<i32>} : memref<128x128xf32, #tpu.memory_space<vmem>>, vector<1x16xf32>,
        %swap3A_1024 = vector.shape_cast %swap3A_1023 : vector<1x16xf32> to vector<16xf32>
        %swap3A_1025 = vector.shape_cast %broadcast_in_dim3A_1 : vector<16xf32> to vector<1x16xf32>
        tpu.vector_store %arg13[%swap3A_1021, %swap3A_1022], %swap3A_1025 {strides = array<i32>} : memref<128x128xf32, #tpu.memory_space<vmem>>, vector<1x16xf32>,
        %slice3A_1026 = vector.extract_strided_slice %get3A_178 {offsets = [11], sizes = [1], strides = [1]} : vector<16xi32> to vector<1xi32>
        %squeeze3A_1027 = vector.extract %slice3A_1026[0] : i32 from vector<1xi32>
        %and3A_1028 = arith.constant 7 : i32
        %and3A_1029 = arith.andi %squeeze3A_1027, %and3A_1028 : i32
        %mul3A_1030 = arith.constant 16 : i32
        %mul3A_1031 = arith.muli %and3A_1029, %mul3A_1030 : i32
        %swap3A_1032 = arith.index_cast %add3A_968 : i32 to index
        %swap3A_1033 = arith.index_cast %mul3A_1031 : i32 to index
        %swap3A_1034 = tpu.vector_load %arg13[%swap3A_1032, %swap3A_1033] {strides = array<i32>} : memref<128x128xf32, #tpu.memory_space<vmem>>, vector<1x16xf32>,
        %swap3A_1035 = vector.shape_cast %swap3A_1034 : vector<1x16xf32> to vector<16xf32>
        %swap3A_1036 = vector.shape_cast %exp3A_985 : vector<16xf32> to vector<1x16xf32>
        tpu.vector_store %arg13[%swap3A_1032, %swap3A_1033], %swap3A_1036 {strides = array<i32>} : memref<128x128xf32, #tpu.memory_space<vmem>>, vector<1x16xf32>,
        %mul3A_1037 = arith.constant 16 : i32
        %mul3A_1038 = arith.muli %scan3A_172, %mul3A_1037 : i32
        %add3A_1039 = arith.constant 12 : i32
        %add3A_1040 = arith.addi %mul3A_1038, %add3A_1039 : i32
        %get3A_1041 = arith.index_cast %add3A_1040 : i32 to index
        %get3A_1042 = arith.constant 0 : index
        %get3A_1043 = tpu.vector_load %arg12[%get3A_1041, %get3A_1042] {strides = array<i32>} : memref<128x128xf32, #tpu.memory_space<vmem>>, vector<1x16xf32>,
        %get3A_1044 = vector.shape_cast %get3A_1043 : vector<1x16xf32> to vector<16xf32>
        %get3A_1045 = arith.index_cast %add3A_1040 : i32 to index
        %get3A_1046 = arith.constant 0 : index
        %get3A_1047 = tpu.vector_load %arg13[%get3A_1045, %get3A_1046] {strides = array<i32>} : memref<128x128xf32, #tpu.memory_space<vmem>>, vector<1x16xf32>,
        %get3A_1048 = vector.shape_cast %get3A_1047 : vector<1x16xf32> to vector<16xf32>
        %add3A_1049 = arith.addf %get3A_1044, %get3A_1048 : vector<16xf32>
        %ge3A_1050 = arith.constant 0.000000e+00 : f32
        %ge3A_1051 = vector.broadcast %ge3A_1050 : f32 to vector<16xf32>
        %ge3A_1052 = arith.cmpf oge, %add3A_1049, %ge3A_1051 : vector<16xf32>
        %mul3A_1053 = arith.constant 2.000000e-01 : f32
        %mul3A_1054 = vector.broadcast %mul3A_1053 : f32 to vector<16xf32>
        %mul3A_1055 = arith.mulf %mul3A_1054, %add3A_1049 : vector<16xf32>
        %select_n3A_1056 = arith.select %ge3A_1052, %add3A_1049, %mul3A_1055 : vector<16xi1>, vector<16xf32>
        %exp3A_1057 = math.exp %select_n3A_1056 : vector<16xf32>
        %swap3A_1058 = arith.index_cast %add3A_1040 : i32 to index
        %swap3A_1059 = arith.constant 0 : index
        %swap3A_1060 = tpu.vector_load %arg13[%swap3A_1058, %swap3A_1059] {strides = array<i32>} : memref<128x128xf32, #tpu.memory_space<vmem>>, vector<1x16xf32>,
        %swap3A_1061 = vector.shape_cast %swap3A_1060 : vector<1x16xf32> to vector<16xf32>
        %swap3A_1062 = vector.shape_cast %broadcast_in_dim3A_1 : vector<16xf32> to vector<1x16xf32>
        tpu.vector_store %arg13[%swap3A_1058, %swap3A_1059], %swap3A_1062 {strides = array<i32>} : memref<128x128xf32, #tpu.memory_space<vmem>>, vector<1x16xf32>,
        %swap3A_1063 = arith.index_cast %add3A_1040 : i32 to index
        %swap3A_1064 = arith.constant 16 : index
        %swap3A_1065 = tpu.vector_load %arg13[%swap3A_1063, %swap3A_1064] {strides = array<i32>} : memref<128x128xf32, #tpu.memory_space<vmem>>, vector<1x16xf32>,
        %swap3A_1066 = vector.shape_cast %swap3A_1065 : vector<1x16xf32> to vector<16xf32>
        %swap3A_1067 = vector.shape_cast %broadcast_in_dim3A_1 : vector<16xf32> to vector<1x16xf32>
        tpu.vector_store %arg13[%swap3A_1063, %swap3A_1064], %swap3A_1067 {strides = array<i32>} : memref<128x128xf32, #tpu.memory_space<vmem>>, vector<1x16xf32>,
        %swap3A_1068 = arith.index_cast %add3A_1040 : i32 to index
        %swap3A_1069 = arith.constant 32 : index
        %swap3A_1070 = tpu.vector_load %arg13[%swap3A_1068, %swap3A_1069] {strides = array<i32>} : memref<128x128xf32, #tpu.memory_space<vmem>>, vector<1x16xf32>,
        %swap3A_1071 = vector.shape_cast %swap3A_1070 : vector<1x16xf32> to vector<16xf32>
        %swap3A_1072 = vector.shape_cast %broadcast_in_dim3A_1 : vector<16xf32> to vector<1x16xf32>
        tpu.vector_store %arg13[%swap3A_1068, %swap3A_1069], %swap3A_1072 {strides = array<i32>} : memref<128x128xf32, #tpu.memory_space<vmem>>, vector<1x16xf32>,
        %swap3A_1073 = arith.index_cast %add3A_1040 : i32 to index
        %swap3A_1074 = arith.constant 48 : index
        %swap3A_1075 = tpu.vector_load %arg13[%swap3A_1073, %swap3A_1074] {strides = array<i32>} : memref<128x128xf32, #tpu.memory_space<vmem>>, vector<1x16xf32>,
        %swap3A_1076 = vector.shape_cast %swap3A_1075 : vector<1x16xf32> to vector<16xf32>
        %swap3A_1077 = vector.shape_cast %broadcast_in_dim3A_1 : vector<16xf32> to vector<1x16xf32>
        tpu.vector_store %arg13[%swap3A_1073, %swap3A_1074], %swap3A_1077 {strides = array<i32>} : memref<128x128xf32, #tpu.memory_space<vmem>>, vector<1x16xf32>,
        %swap3A_1078 = arith.index_cast %add3A_1040 : i32 to index
        %swap3A_1079 = arith.constant 64 : index
        %swap3A_1080 = tpu.vector_load %arg13[%swap3A_1078, %swap3A_1079] {strides = array<i32>} : memref<128x128xf32, #tpu.memory_space<vmem>>, vector<1x16xf32>,
        %swap3A_1081 = vector.shape_cast %swap3A_1080 : vector<1x16xf32> to vector<16xf32>
        %swap3A_1082 = vector.shape_cast %broadcast_in_dim3A_1 : vector<16xf32> to vector<1x16xf32>
        tpu.vector_store %arg13[%swap3A_1078, %swap3A_1079], %swap3A_1082 {strides = array<i32>} : memref<128x128xf32, #tpu.memory_space<vmem>>, vector<1x16xf32>,
        %swap3A_1083 = arith.index_cast %add3A_1040 : i32 to index
        %swap3A_1084 = arith.constant 80 : index
        %swap3A_1085 = tpu.vector_load %arg13[%swap3A_1083, %swap3A_1084] {strides = array<i32>} : memref<128x128xf32, #tpu.memory_space<vmem>>, vector<1x16xf32>,
        %swap3A_1086 = vector.shape_cast %swap3A_1085 : vector<1x16xf32> to vector<16xf32>
        %swap3A_1087 = vector.shape_cast %broadcast_in_dim3A_1 : vector<16xf32> to vector<1x16xf32>
        tpu.vector_store %arg13[%swap3A_1083, %swap3A_1084], %swap3A_1087 {strides = array<i32>} : memref<128x128xf32, #tpu.memory_space<vmem>>, vector<1x16xf32>,
        %swap3A_1088 = arith.index_cast %add3A_1040 : i32 to index
        %swap3A_1089 = arith.constant 96 : index
        %swap3A_1090 = tpu.vector_load %arg13[%swap3A_1088, %swap3A_1089] {strides = array<i32>} : memref<128x128xf32, #tpu.memory_space<vmem>>, vector<1x16xf32>,
        %swap3A_1091 = vector.shape_cast %swap3A_1090 : vector<1x16xf32> to vector<16xf32>
        %swap3A_1092 = vector.shape_cast %broadcast_in_dim3A_1 : vector<16xf32> to vector<1x16xf32>
        tpu.vector_store %arg13[%swap3A_1088, %swap3A_1089], %swap3A_1092 {strides = array<i32>} : memref<128x128xf32, #tpu.memory_space<vmem>>, vector<1x16xf32>,
        %swap3A_1093 = arith.index_cast %add3A_1040 : i32 to index
        %swap3A_1094 = arith.constant 112 : index
        %swap3A_1095 = tpu.vector_load %arg13[%swap3A_1093, %swap3A_1094] {strides = array<i32>} : memref<128x128xf32, #tpu.memory_space<vmem>>, vector<1x16xf32>,
        %swap3A_1096 = vector.shape_cast %swap3A_1095 : vector<1x16xf32> to vector<16xf32>
        %swap3A_1097 = vector.shape_cast %broadcast_in_dim3A_1 : vector<16xf32> to vector<1x16xf32>
        tpu.vector_store %arg13[%swap3A_1093, %swap3A_1094], %swap3A_1097 {strides = array<i32>} : memref<128x128xf32, #tpu.memory_space<vmem>>, vector<1x16xf32>,
        %slice3A_1098 = vector.extract_strided_slice %get3A_178 {offsets = [12], sizes = [1], strides = [1]} : vector<16xi32> to vector<1xi32>
        %squeeze3A_1099 = vector.extract %slice3A_1098[0] : i32 from vector<1xi32>
        %and3A_1100 = arith.constant 7 : i32
        %and3A_1101 = arith.andi %squeeze3A_1099, %and3A_1100 : i32
        %mul3A_1102 = arith.constant 16 : i32
        %mul3A_1103 = arith.muli %and3A_1101, %mul3A_1102 : i32
        %swap3A_1104 = arith.index_cast %add3A_1040 : i32 to index
        %swap3A_1105 = arith.index_cast %mul3A_1103 : i32 to index
        %swap3A_1106 = tpu.vector_load %arg13[%swap3A_1104, %swap3A_1105] {strides = array<i32>} : memref<128x128xf32, #tpu.memory_space<vmem>>, vector<1x16xf32>,
        %swap3A_1107 = vector.shape_cast %swap3A_1106 : vector<1x16xf32> to vector<16xf32>
        %swap3A_1108 = vector.shape_cast %exp3A_1057 : vector<16xf32> to vector<1x16xf32>
        tpu.vector_store %arg13[%swap3A_1104, %swap3A_1105], %swap3A_1108 {strides = array<i32>} : memref<128x128xf32, #tpu.memory_space<vmem>>, vector<1x16xf32>,
        %mul3A_1109 = arith.constant 16 : i32
        %mul3A_1110 = arith.muli %scan3A_172, %mul3A_1109 : i32
        %add3A_1111 = arith.constant 13 : i32
        %add3A_1112 = arith.addi %mul3A_1110, %add3A_1111 : i32
        %get3A_1113 = arith.index_cast %add3A_1112 : i32 to index
        %get3A_1114 = arith.constant 0 : index
        %get3A_1115 = tpu.vector_load %arg12[%get3A_1113, %get3A_1114] {strides = array<i32>} : memref<128x128xf32, #tpu.memory_space<vmem>>, vector<1x16xf32>,
        %get3A_1116 = vector.shape_cast %get3A_1115 : vector<1x16xf32> to vector<16xf32>
        %get3A_1117 = arith.index_cast %add3A_1112 : i32 to index
        %get3A_1118 = arith.constant 0 : index
        %get3A_1119 = tpu.vector_load %arg13[%get3A_1117, %get3A_1118] {strides = array<i32>} : memref<128x128xf32, #tpu.memory_space<vmem>>, vector<1x16xf32>,
        %get3A_1120 = vector.shape_cast %get3A_1119 : vector<1x16xf32> to vector<16xf32>
        %add3A_1121 = arith.addf %get3A_1116, %get3A_1120 : vector<16xf32>
        %ge3A_1122 = arith.constant 0.000000e+00 : f32
        %ge3A_1123 = vector.broadcast %ge3A_1122 : f32 to vector<16xf32>
        %ge3A_1124 = arith.cmpf oge, %add3A_1121, %ge3A_1123 : vector<16xf32>
        %mul3A_1125 = arith.constant 2.000000e-01 : f32
        %mul3A_1126 = vector.broadcast %mul3A_1125 : f32 to vector<16xf32>
        %mul3A_1127 = arith.mulf %mul3A_1126, %add3A_1121 : vector<16xf32>
        %select_n3A_1128 = arith.select %ge3A_1124, %add3A_1121, %mul3A_1127 : vector<16xi1>, vector<16xf32>
        %exp3A_1129 = math.exp %select_n3A_1128 : vector<16xf32>
        %swap3A_1130 = arith.index_cast %add3A_1112 : i32 to index
        %swap3A_1131 = arith.constant 0 : index
        %swap3A_1132 = tpu.vector_load %arg13[%swap3A_1130, %swap3A_1131] {strides = array<i32>} : memref<128x128xf32, #tpu.memory_space<vmem>>, vector<1x16xf32>,
        %swap3A_1133 = vector.shape_cast %swap3A_1132 : vector<1x16xf32> to vector<16xf32>
        %swap3A_1134 = vector.shape_cast %broadcast_in_dim3A_1 : vector<16xf32> to vector<1x16xf32>
        tpu.vector_store %arg13[%swap3A_1130, %swap3A_1131], %swap3A_1134 {strides = array<i32>} : memref<128x128xf32, #tpu.memory_space<vmem>>, vector<1x16xf32>,
        %swap3A_1135 = arith.index_cast %add3A_1112 : i32 to index
        %swap3A_1136 = arith.constant 16 : index
        %swap3A_1137 = tpu.vector_load %arg13[%swap3A_1135, %swap3A_1136] {strides = array<i32>} : memref<128x128xf32, #tpu.memory_space<vmem>>, vector<1x16xf32>,
        %swap3A_1138 = vector.shape_cast %swap3A_1137 : vector<1x16xf32> to vector<16xf32>
        %swap3A_1139 = vector.shape_cast %broadcast_in_dim3A_1 : vector<16xf32> to vector<1x16xf32>
        tpu.vector_store %arg13[%swap3A_1135, %swap3A_1136], %swap3A_1139 {strides = array<i32>} : memref<128x128xf32, #tpu.memory_space<vmem>>, vector<1x16xf32>,
        %swap3A_1140 = arith.index_cast %add3A_1112 : i32 to index
        %swap3A_1141 = arith.constant 32 : index
        %swap3A_1142 = tpu.vector_load %arg13[%swap3A_1140, %swap3A_1141] {strides = array<i32>} : memref<128x128xf32, #tpu.memory_space<vmem>>, vector<1x16xf32>,
        %swap3A_1143 = vector.shape_cast %swap3A_1142 : vector<1x16xf32> to vector<16xf32>
        %swap3A_1144 = vector.shape_cast %broadcast_in_dim3A_1 : vector<16xf32> to vector<1x16xf32>
        tpu.vector_store %arg13[%swap3A_1140, %swap3A_1141], %swap3A_1144 {strides = array<i32>} : memref<128x128xf32, #tpu.memory_space<vmem>>, vector<1x16xf32>,
        %swap3A_1145 = arith.index_cast %add3A_1112 : i32 to index
        %swap3A_1146 = arith.constant 48 : index
        %swap3A_1147 = tpu.vector_load %arg13[%swap3A_1145, %swap3A_1146] {strides = array<i32>} : memref<128x128xf32, #tpu.memory_space<vmem>>, vector<1x16xf32>,
        %swap3A_1148 = vector.shape_cast %swap3A_1147 : vector<1x16xf32> to vector<16xf32>
        %swap3A_1149 = vector.shape_cast %broadcast_in_dim3A_1 : vector<16xf32> to vector<1x16xf32>
        tpu.vector_store %arg13[%swap3A_1145, %swap3A_1146], %swap3A_1149 {strides = array<i32>} : memref<128x128xf32, #tpu.memory_space<vmem>>, vector<1x16xf32>,
        %swap3A_1150 = arith.index_cast %add3A_1112 : i32 to index
        %swap3A_1151 = arith.constant 64 : index
        %swap3A_1152 = tpu.vector_load %arg13[%swap3A_1150, %swap3A_1151] {strides = array<i32>} : memref<128x128xf32, #tpu.memory_space<vmem>>, vector<1x16xf32>,
        %swap3A_1153 = vector.shape_cast %swap3A_1152 : vector<1x16xf32> to vector<16xf32>
        %swap3A_1154 = vector.shape_cast %broadcast_in_dim3A_1 : vector<16xf32> to vector<1x16xf32>
        tpu.vector_store %arg13[%swap3A_1150, %swap3A_1151], %swap3A_1154 {strides = array<i32>} : memref<128x128xf32, #tpu.memory_space<vmem>>, vector<1x16xf32>,
        %swap3A_1155 = arith.index_cast %add3A_1112 : i32 to index
        %swap3A_1156 = arith.constant 80 : index
        %swap3A_1157 = tpu.vector_load %arg13[%swap3A_1155, %swap3A_1156] {strides = array<i32>} : memref<128x128xf32, #tpu.memory_space<vmem>>, vector<1x16xf32>,
        %swap3A_1158 = vector.shape_cast %swap3A_1157 : vector<1x16xf32> to vector<16xf32>
        %swap3A_1159 = vector.shape_cast %broadcast_in_dim3A_1 : vector<16xf32> to vector<1x16xf32>
        tpu.vector_store %arg13[%swap3A_1155, %swap3A_1156], %swap3A_1159 {strides = array<i32>} : memref<128x128xf32, #tpu.memory_space<vmem>>, vector<1x16xf32>,
        %swap3A_1160 = arith.index_cast %add3A_1112 : i32 to index
        %swap3A_1161 = arith.constant 96 : index
        %swap3A_1162 = tpu.vector_load %arg13[%swap3A_1160, %swap3A_1161] {strides = array<i32>} : memref<128x128xf32, #tpu.memory_space<vmem>>, vector<1x16xf32>,
        %swap3A_1163 = vector.shape_cast %swap3A_1162 : vector<1x16xf32> to vector<16xf32>
        %swap3A_1164 = vector.shape_cast %broadcast_in_dim3A_1 : vector<16xf32> to vector<1x16xf32>
        tpu.vector_store %arg13[%swap3A_1160, %swap3A_1161], %swap3A_1164 {strides = array<i32>} : memref<128x128xf32, #tpu.memory_space<vmem>>, vector<1x16xf32>,
        %swap3A_1165 = arith.index_cast %add3A_1112 : i32 to index
        %swap3A_1166 = arith.constant 112 : index
        %swap3A_1167 = tpu.vector_load %arg13[%swap3A_1165, %swap3A_1166] {strides = array<i32>} : memref<128x128xf32, #tpu.memory_space<vmem>>, vector<1x16xf32>,
        %swap3A_1168 = vector.shape_cast %swap3A_1167 : vector<1x16xf32> to vector<16xf32>
        %swap3A_1169 = vector.shape_cast %broadcast_in_dim3A_1 : vector<16xf32> to vector<1x16xf32>
        tpu.vector_store %arg13[%swap3A_1165, %swap3A_1166], %swap3A_1169 {strides = array<i32>} : memref<128x128xf32, #tpu.memory_space<vmem>>, vector<1x16xf32>,
        %slice3A_1170 = vector.extract_strided_slice %get3A_178 {offsets = [13], sizes = [1], strides = [1]} : vector<16xi32> to vector<1xi32>
        %squeeze3A_1171 = vector.extract %slice3A_1170[0] : i32 from vector<1xi32>
        %and3A_1172 = arith.constant 7 : i32
        %and3A_1173 = arith.andi %squeeze3A_1171, %and3A_1172 : i32
        %mul3A_1174 = arith.constant 16 : i32
        %mul3A_1175 = arith.muli %and3A_1173, %mul3A_1174 : i32
        %swap3A_1176 = arith.index_cast %add3A_1112 : i32 to index
        %swap3A_1177 = arith.index_cast %mul3A_1175 : i32 to index
        %swap3A_1178 = tpu.vector_load %arg13[%swap3A_1176, %swap3A_1177] {strides = array<i32>} : memref<128x128xf32, #tpu.memory_space<vmem>>, vector<1x16xf32>,
        %swap3A_1179 = vector.shape_cast %swap3A_1178 : vector<1x16xf32> to vector<16xf32>
        %swap3A_1180 = vector.shape_cast %exp3A_1129 : vector<16xf32> to vector<1x16xf32>
        tpu.vector_store %arg13[%swap3A_1176, %swap3A_1177], %swap3A_1180 {strides = array<i32>} : memref<128x128xf32, #tpu.memory_space<vmem>>, vector<1x16xf32>,
        %mul3A_1181 = arith.constant 16 : i32
        %mul3A_1182 = arith.muli %scan3A_172, %mul3A_1181 : i32
        %add3A_1183 = arith.constant 14 : i32
        %add3A_1184 = arith.addi %mul3A_1182, %add3A_1183 : i32
        %get3A_1185 = arith.index_cast %add3A_1184 : i32 to index
        %get3A_1186 = arith.constant 0 : index
        %get3A_1187 = tpu.vector_load %arg12[%get3A_1185, %get3A_1186] {strides = array<i32>} : memref<128x128xf32, #tpu.memory_space<vmem>>, vector<1x16xf32>,
        %get3A_1188 = vector.shape_cast %get3A_1187 : vector<1x16xf32> to vector<16xf32>
        %get3A_1189 = arith.index_cast %add3A_1184 : i32 to index
        %get3A_1190 = arith.constant 0 : index
        %get3A_1191 = tpu.vector_load %arg13[%get3A_1189, %get3A_1190] {strides = array<i32>} : memref<128x128xf32, #tpu.memory_space<vmem>>, vector<1x16xf32>,
        %get3A_1192 = vector.shape_cast %get3A_1191 : vector<1x16xf32> to vector<16xf32>
        %add3A_1193 = arith.addf %get3A_1188, %get3A_1192 : vector<16xf32>
        %ge3A_1194 = arith.constant 0.000000e+00 : f32
        %ge3A_1195 = vector.broadcast %ge3A_1194 : f32 to vector<16xf32>
        %ge3A_1196 = arith.cmpf oge, %add3A_1193, %ge3A_1195 : vector<16xf32>
        %mul3A_1197 = arith.constant 2.000000e-01 : f32
        %mul3A_1198 = vector.broadcast %mul3A_1197 : f32 to vector<16xf32>
        %mul3A_1199 = arith.mulf %mul3A_1198, %add3A_1193 : vector<16xf32>
        %select_n3A_1200 = arith.select %ge3A_1196, %add3A_1193, %mul3A_1199 : vector<16xi1>, vector<16xf32>
        %exp3A_1201 = math.exp %select_n3A_1200 : vector<16xf32>
        %swap3A_1202 = arith.index_cast %add3A_1184 : i32 to index
        %swap3A_1203 = arith.constant 0 : index
        %swap3A_1204 = tpu.vector_load %arg13[%swap3A_1202, %swap3A_1203] {strides = array<i32>} : memref<128x128xf32, #tpu.memory_space<vmem>>, vector<1x16xf32>,
        %swap3A_1205 = vector.shape_cast %swap3A_1204 : vector<1x16xf32> to vector<16xf32>
        %swap3A_1206 = vector.shape_cast %broadcast_in_dim3A_1 : vector<16xf32> to vector<1x16xf32>
        tpu.vector_store %arg13[%swap3A_1202, %swap3A_1203], %swap3A_1206 {strides = array<i32>} : memref<128x128xf32, #tpu.memory_space<vmem>>, vector<1x16xf32>,
        %swap3A_1207 = arith.index_cast %add3A_1184 : i32 to index
        %swap3A_1208 = arith.constant 16 : index
        %swap3A_1209 = tpu.vector_load %arg13[%swap3A_1207, %swap3A_1208] {strides = array<i32>} : memref<128x128xf32, #tpu.memory_space<vmem>>, vector<1x16xf32>,
        %swap3A_1210 = vector.shape_cast %swap3A_1209 : vector<1x16xf32> to vector<16xf32>
        %swap3A_1211 = vector.shape_cast %broadcast_in_dim3A_1 : vector<16xf32> to vector<1x16xf32>
        tpu.vector_store %arg13[%swap3A_1207, %swap3A_1208], %swap3A_1211 {strides = array<i32>} : memref<128x128xf32, #tpu.memory_space<vmem>>, vector<1x16xf32>,
        %swap3A_1212 = arith.index_cast %add3A_1184 : i32 to index
        %swap3A_1213 = arith.constant 32 : index
        %swap3A_1214 = tpu.vector_load %arg13[%swap3A_1212, %swap3A_1213] {strides = array<i32>} : memref<128x128xf32, #tpu.memory_space<vmem>>, vector<1x16xf32>,
        %swap3A_1215 = vector.shape_cast %swap3A_1214 : vector<1x16xf32> to vector<16xf32>
        %swap3A_1216 = vector.shape_cast %broadcast_in_dim3A_1 : vector<16xf32> to vector<1x16xf32>
        tpu.vector_store %arg13[%swap3A_1212, %swap3A_1213], %swap3A_1216 {strides = array<i32>} : memref<128x128xf32, #tpu.memory_space<vmem>>, vector<1x16xf32>,
        %swap3A_1217 = arith.index_cast %add3A_1184 : i32 to index
        %swap3A_1218 = arith.constant 48 : index
        %swap3A_1219 = tpu.vector_load %arg13[%swap3A_1217, %swap3A_1218] {strides = array<i32>} : memref<128x128xf32, #tpu.memory_space<vmem>>, vector<1x16xf32>,
        %swap3A_1220 = vector.shape_cast %swap3A_1219 : vector<1x16xf32> to vector<16xf32>
        %swap3A_1221 = vector.shape_cast %broadcast_in_dim3A_1 : vector<16xf32> to vector<1x16xf32>
        tpu.vector_store %arg13[%swap3A_1217, %swap3A_1218], %swap3A_1221 {strides = array<i32>} : memref<128x128xf32, #tpu.memory_space<vmem>>, vector<1x16xf32>,
        %swap3A_1222 = arith.index_cast %add3A_1184 : i32 to index
        %swap3A_1223 = arith.constant 64 : index
        %swap3A_1224 = tpu.vector_load %arg13[%swap3A_1222, %swap3A_1223] {strides = array<i32>} : memref<128x128xf32, #tpu.memory_space<vmem>>, vector<1x16xf32>,
        %swap3A_1225 = vector.shape_cast %swap3A_1224 : vector<1x16xf32> to vector<16xf32>
        %swap3A_1226 = vector.shape_cast %broadcast_in_dim3A_1 : vector<16xf32> to vector<1x16xf32>
        tpu.vector_store %arg13[%swap3A_1222, %swap3A_1223], %swap3A_1226 {strides = array<i32>} : memref<128x128xf32, #tpu.memory_space<vmem>>, vector<1x16xf32>,
        %swap3A_1227 = arith.index_cast %add3A_1184 : i32 to index
        %swap3A_1228 = arith.constant 80 : index
        %swap3A_1229 = tpu.vector_load %arg13[%swap3A_1227, %swap3A_1228] {strides = array<i32>} : memref<128x128xf32, #tpu.memory_space<vmem>>, vector<1x16xf32>,
        %swap3A_1230 = vector.shape_cast %swap3A_1229 : vector<1x16xf32> to vector<16xf32>
        %swap3A_1231 = vector.shape_cast %broadcast_in_dim3A_1 : vector<16xf32> to vector<1x16xf32>
        tpu.vector_store %arg13[%swap3A_1227, %swap3A_1228], %swap3A_1231 {strides = array<i32>} : memref<128x128xf32, #tpu.memory_space<vmem>>, vector<1x16xf32>,
        %swap3A_1232 = arith.index_cast %add3A_1184 : i32 to index
        %swap3A_1233 = arith.constant 96 : index
        %swap3A_1234 = tpu.vector_load %arg13[%swap3A_1232, %swap3A_1233] {strides = array<i32>} : memref<128x128xf32, #tpu.memory_space<vmem>>, vector<1x16xf32>,
        %swap3A_1235 = vector.shape_cast %swap3A_1234 : vector<1x16xf32> to vector<16xf32>
        %swap3A_1236 = vector.shape_cast %broadcast_in_dim3A_1 : vector<16xf32> to vector<1x16xf32>
        tpu.vector_store %arg13[%swap3A_1232, %swap3A_1233], %swap3A_1236 {strides = array<i32>} : memref<128x128xf32, #tpu.memory_space<vmem>>, vector<1x16xf32>,
        %swap3A_1237 = arith.index_cast %add3A_1184 : i32 to index
        %swap3A_1238 = arith.constant 112 : index
        %swap3A_1239 = tpu.vector_load %arg13[%swap3A_1237, %swap3A_1238] {strides = array<i32>} : memref<128x128xf32, #tpu.memory_space<vmem>>, vector<1x16xf32>,
        %swap3A_1240 = vector.shape_cast %swap3A_1239 : vector<1x16xf32> to vector<16xf32>
        %swap3A_1241 = vector.shape_cast %broadcast_in_dim3A_1 : vector<16xf32> to vector<1x16xf32>
        tpu.vector_store %arg13[%swap3A_1237, %swap3A_1238], %swap3A_1241 {strides = array<i32>} : memref<128x128xf32, #tpu.memory_space<vmem>>, vector<1x16xf32>,
        %slice3A_1242 = vector.extract_strided_slice %get3A_178 {offsets = [14], sizes = [1], strides = [1]} : vector<16xi32> to vector<1xi32>
        %squeeze3A_1243 = vector.extract %slice3A_1242[0] : i32 from vector<1xi32>
        %and3A_1244 = arith.constant 7 : i32
        %and3A_1245 = arith.andi %squeeze3A_1243, %and3A_1244 : i32
        %mul3A_1246 = arith.constant 16 : i32
        %mul3A_1247 = arith.muli %and3A_1245, %mul3A_1246 : i32
        %swap3A_1248 = arith.index_cast %add3A_1184 : i32 to index
        %swap3A_1249 = arith.index_cast %mul3A_1247 : i32 to index
        %swap3A_1250 = tpu.vector_load %arg13[%swap3A_1248, %swap3A_1249] {strides = array<i32>} : memref<128x128xf32, #tpu.memory_space<vmem>>, vector<1x16xf32>,
        %swap3A_1251 = vector.shape_cast %swap3A_1250 : vector<1x16xf32> to vector<16xf32>
        %swap3A_1252 = vector.shape_cast %exp3A_1201 : vector<16xf32> to vector<1x16xf32>
        tpu.vector_store %arg13[%swap3A_1248, %swap3A_1249], %swap3A_1252 {strides = array<i32>} : memref<128x128xf32, #tpu.memory_space<vmem>>, vector<1x16xf32>,
        %mul3A_1253 = arith.constant 16 : i32
        %mul3A_1254 = arith.muli %scan3A_172, %mul3A_1253 : i32
        %add3A_1255 = arith.constant 15 : i32
        %add3A_1256 = arith.addi %mul3A_1254, %add3A_1255 : i32
        %get3A_1257 = arith.index_cast %add3A_1256 : i32 to index
        %get3A_1258 = arith.constant 0 : index
        %get3A_1259 = tpu.vector_load %arg12[%get3A_1257, %get3A_1258] {strides = array<i32>} : memref<128x128xf32, #tpu.memory_space<vmem>>, vector<1x16xf32>,
        %get3A_1260 = vector.shape_cast %get3A_1259 : vector<1x16xf32> to vector<16xf32>
        %get3A_1261 = arith.index_cast %add3A_1256 : i32 to index
        %get3A_1262 = arith.constant 0 : index
        %get3A_1263 = tpu.vector_load %arg13[%get3A_1261, %get3A_1262] {strides = array<i32>} : memref<128x128xf32, #tpu.memory_space<vmem>>, vector<1x16xf32>,
        %get3A_1264 = vector.shape_cast %get3A_1263 : vector<1x16xf32> to vector<16xf32>
        %add3A_1265 = arith.addf %get3A_1260, %get3A_1264 : vector<16xf32>
        %ge3A_1266 = arith.constant 0.000000e+00 : f32
        %ge3A_1267 = vector.broadcast %ge3A_1266 : f32 to vector<16xf32>
        %ge3A_1268 = arith.cmpf oge, %add3A_1265, %ge3A_1267 : vector<16xf32>
        %mul3A_1269 = arith.constant 2.000000e-01 : f32
        %mul3A_1270 = vector.broadcast %mul3A_1269 : f32 to vector<16xf32>
        %mul3A_1271 = arith.mulf %mul3A_1270, %add3A_1265 : vector<16xf32>
        %select_n3A_1272 = arith.select %ge3A_1268, %add3A_1265, %mul3A_1271 : vector<16xi1>, vector<16xf32>
        %exp3A_1273 = math.exp %select_n3A_1272 : vector<16xf32>
        %swap3A_1274 = arith.index_cast %add3A_1256 : i32 to index
        %swap3A_1275 = arith.constant 0 : index
        %swap3A_1276 = tpu.vector_load %arg13[%swap3A_1274, %swap3A_1275] {strides = array<i32>} : memref<128x128xf32, #tpu.memory_space<vmem>>, vector<1x16xf32>,
        %swap3A_1277 = vector.shape_cast %swap3A_1276 : vector<1x16xf32> to vector<16xf32>
        %swap3A_1278 = vector.shape_cast %broadcast_in_dim3A_1 : vector<16xf32> to vector<1x16xf32>
        tpu.vector_store %arg13[%swap3A_1274, %swap3A_1275], %swap3A_1278 {strides = array<i32>} : memref<128x128xf32, #tpu.memory_space<vmem>>, vector<1x16xf32>,
        %swap3A_1279 = arith.index_cast %add3A_1256 : i32 to index
        %swap3A_1280 = arith.constant 16 : index
        %swap3A_1281 = tpu.vector_load %arg13[%swap3A_1279, %swap3A_1280] {strides = array<i32>} : memref<128x128xf32, #tpu.memory_space<vmem>>, vector<1x16xf32>,
        %swap3A_1282 = vector.shape_cast %swap3A_1281 : vector<1x16xf32> to vector<16xf32>
        %swap3A_1283 = vector.shape_cast %broadcast_in_dim3A_1 : vector<16xf32> to vector<1x16xf32>
        tpu.vector_store %arg13[%swap3A_1279, %swap3A_1280], %swap3A_1283 {strides = array<i32>} : memref<128x128xf32, #tpu.memory_space<vmem>>, vector<1x16xf32>,
        %swap3A_1284 = arith.index_cast %add3A_1256 : i32 to index
        %swap3A_1285 = arith.constant 32 : index
        %swap3A_1286 = tpu.vector_load %arg13[%swap3A_1284, %swap3A_1285] {strides = array<i32>} : memref<128x128xf32, #tpu.memory_space<vmem>>, vector<1x16xf32>,
        %swap3A_1287 = vector.shape_cast %swap3A_1286 : vector<1x16xf32> to vector<16xf32>
        %swap3A_1288 = vector.shape_cast %broadcast_in_dim3A_1 : vector<16xf32> to vector<1x16xf32>
        tpu.vector_store %arg13[%swap3A_1284, %swap3A_1285], %swap3A_1288 {strides = array<i32>} : memref<128x128xf32, #tpu.memory_space<vmem>>, vector<1x16xf32>,
        %swap3A_1289 = arith.index_cast %add3A_1256 : i32 to index
        %swap3A_1290 = arith.constant 48 : index
        %swap3A_1291 = tpu.vector_load %arg13[%swap3A_1289, %swap3A_1290] {strides = array<i32>} : memref<128x128xf32, #tpu.memory_space<vmem>>, vector<1x16xf32>,
        %swap3A_1292 = vector.shape_cast %swap3A_1291 : vector<1x16xf32> to vector<16xf32>
        %swap3A_1293 = vector.shape_cast %broadcast_in_dim3A_1 : vector<16xf32> to vector<1x16xf32>
        tpu.vector_store %arg13[%swap3A_1289, %swap3A_1290], %swap3A_1293 {strides = array<i32>} : memref<128x128xf32, #tpu.memory_space<vmem>>, vector<1x16xf32>,
        %swap3A_1294 = arith.index_cast %add3A_1256 : i32 to index
        %swap3A_1295 = arith.constant 64 : index
        %swap3A_1296 = tpu.vector_load %arg13[%swap3A_1294, %swap3A_1295] {strides = array<i32>} : memref<128x128xf32, #tpu.memory_space<vmem>>, vector<1x16xf32>,
        %swap3A_1297 = vector.shape_cast %swap3A_1296 : vector<1x16xf32> to vector<16xf32>
        %swap3A_1298 = vector.shape_cast %broadcast_in_dim3A_1 : vector<16xf32> to vector<1x16xf32>
        tpu.vector_store %arg13[%swap3A_1294, %swap3A_1295], %swap3A_1298 {strides = array<i32>} : memref<128x128xf32, #tpu.memory_space<vmem>>, vector<1x16xf32>,
        %swap3A_1299 = arith.index_cast %add3A_1256 : i32 to index
        %swap3A_1300 = arith.constant 80 : index
        %swap3A_1301 = tpu.vector_load %arg13[%swap3A_1299, %swap3A_1300] {strides = array<i32>} : memref<128x128xf32, #tpu.memory_space<vmem>>, vector<1x16xf32>,
        %swap3A_1302 = vector.shape_cast %swap3A_1301 : vector<1x16xf32> to vector<16xf32>
        %swap3A_1303 = vector.shape_cast %broadcast_in_dim3A_1 : vector<16xf32> to vector<1x16xf32>
        tpu.vector_store %arg13[%swap3A_1299, %swap3A_1300], %swap3A_1303 {strides = array<i32>} : memref<128x128xf32, #tpu.memory_space<vmem>>, vector<1x16xf32>,
        %swap3A_1304 = arith.index_cast %add3A_1256 : i32 to index
        %swap3A_1305 = arith.constant 96 : index
        %swap3A_1306 = tpu.vector_load %arg13[%swap3A_1304, %swap3A_1305] {strides = array<i32>} : memref<128x128xf32, #tpu.memory_space<vmem>>, vector<1x16xf32>,
        %swap3A_1307 = vector.shape_cast %swap3A_1306 : vector<1x16xf32> to vector<16xf32>
        %swap3A_1308 = vector.shape_cast %broadcast_in_dim3A_1 : vector<16xf32> to vector<1x16xf32>
        tpu.vector_store %arg13[%swap3A_1304, %swap3A_1305], %swap3A_1308 {strides = array<i32>} : memref<128x128xf32, #tpu.memory_space<vmem>>, vector<1x16xf32>,
        %swap3A_1309 = arith.index_cast %add3A_1256 : i32 to index
        %swap3A_1310 = arith.constant 112 : index
        %swap3A_1311 = tpu.vector_load %arg13[%swap3A_1309, %swap3A_1310] {strides = array<i32>} : memref<128x128xf32, #tpu.memory_space<vmem>>, vector<1x16xf32>,
        %swap3A_1312 = vector.shape_cast %swap3A_1311 : vector<1x16xf32> to vector<16xf32>
        %swap3A_1313 = vector.shape_cast %broadcast_in_dim3A_1 : vector<16xf32> to vector<1x16xf32>
        tpu.vector_store %arg13[%swap3A_1309, %swap3A_1310], %swap3A_1313 {strides = array<i32>} : memref<128x128xf32, #tpu.memory_space<vmem>>, vector<1x16xf32>,
        %slice3A_1314 = vector.extract_strided_slice %get3A_178 {offsets = [15], sizes = [1], strides = [1]} : vector<16xi32> to vector<1xi32>
        %squeeze3A_1315 = vector.extract %slice3A_1314[0] : i32 from vector<1xi32>
        %and3A_1316 = arith.constant 7 : i32
        %and3A_1317 = arith.andi %squeeze3A_1315, %and3A_1316 : i32
        %mul3A_1318 = arith.constant 16 : i32
        %mul3A_1319 = arith.muli %and3A_1317, %mul3A_1318 : i32
        %swap3A_1320 = arith.index_cast %add3A_1256 : i32 to index
        %swap3A_1321 = arith.index_cast %mul3A_1319 : i32 to index
        %swap3A_1322 = tpu.vector_load %arg13[%swap3A_1320, %swap3A_1321] {strides = array<i32>} : memref<128x128xf32, #tpu.memory_space<vmem>>, vector<1x16xf32>,
        %swap3A_1323 = vector.shape_cast %swap3A_1322 : vector<1x16xf32> to vector<16xf32>
        %swap3A_1324 = vector.shape_cast %exp3A_1273 : vector<16xf32> to vector<1x16xf32>
        tpu.vector_store %arg13[%swap3A_1320, %swap3A_1321], %swap3A_1324 {strides = array<i32>} : memref<128x128xf32, #tpu.memory_space<vmem>>, vector<1x16xf32>,
        %scan3A_1325 = arith.constant 0 : i32
        scf.yield %scan3A_1325 : i32
      }
      %scan3A_132 = arith.constant 8 : i32
      %dma_start3A_133 = arith.constant 0 : i32
      %dma_start3A_134 = tpu.memref_slice %arg9[%and3A_63, %dma_start3A_133] : memref<2x128xi32, #tpu.memory_space<vmem>> -> memref<1x128xi32, #tpu.memory_space<vmem>>
      %dma_start3A_135 = tpu.memref_squeeze %dma_start3A_134 : memref<1x128xi32, #tpu.memory_space<vmem>> -> memref<128xi32, #tpu.memory_space<vmem>>
      %dma_start3A_136 = arith.constant 0 : i32
      %dma_start3A_137 = arith.constant 0 : i32
      %dma_start3A_138 = tpu.memref_slice %arg2[%dma_start3A_136, %dma_start3A_137] : memref<170000x128xf32, #tpu.memory_space<hbm>> -> memref<170000x128xf32, #tpu.memory_space<hbm>>
      tpu.enqueue_indirect_dma source(%dma_start3A_138 : memref<170000x128xf32, #tpu.memory_space<hbm>>) target(%arg12 : memref<128x128xf32, #tpu.memory_space<vmem>>) offsets(%dma_start3A_135 : memref<128xi32, #tpu.memory_space<vmem>>) semaphore(%arg14 : memref<!tpu.dma_semaphore, #tpu.memory_space<semaphore_mem>>)
      %scan3A_139 = arith.constant 0 : i32
      %scan3A_140 = arith.constant 0 : i32
      %scan3A_141 = arith.constant 8 : i32
      %scan3A_142 = arith.addi %scan3A_140, %scan3A_141 : i32
      %scan3A_143 = arith.constant 1 : i32
      %scan3A_144 = scf.for %scan3A_172 = %scan3A_140 to %scan3A_142 step %scan3A_143 iter_args(%scan3A_173 = %scan3A_139) -> (i32)  : i32 {
        %mul3A_174 = arith.constant 16 : i32
        %mul3A_175 = arith.muli %scan3A_172, %mul3A_174 : i32
        %get3A = arith.index_cast %and3A_63 : i32 to index
        %get3A_176 = arith.index_cast %mul3A_175 : i32 to index
        %get3A_177 = tpu.vector_load %arg10[%get3A, %get3A_176] {strides = array<i32>} : memref<2x128xi32, #tpu.memory_space<vmem>>, vector<1x16xi32>,
        %get3A_178 = vector.shape_cast %get3A_177 : vector<1x16xi32> to vector<16xi32>
        %shift_right_logical3A = arith.constant 3 : i32
        %shift_right_logical3A_179 = vector.broadcast %shift_right_logical3A : i32 to vector<16xi32>
        %shift_right_logical3A_180 = arith.shrui %get3A_178, %shift_right_logical3A_179 : vector<16xi32>
        %mul3A_181 = arith.constant 16 : i32
        %mul3A_182 = arith.muli %scan3A_172, %mul3A_181 : i32
        %swap3A = arith.index_cast %and3A_63 : i32 to index
        %swap3A_183 = arith.index_cast %mul3A_182 : i32 to index
        %swap3A_184 = tpu.vector_load %arg11[%swap3A, %swap3A_183] {strides = array<i32>} : memref<2x128xi32, #tpu.memory_space<vmem>>, vector<1x16xi32>,
        %swap3A_185 = vector.shape_cast %swap3A_184 : vector<1x16xi32> to vector<16xi32>
        %swap3A_186 = vector.shape_cast %shift_right_logical3A_180 : vector<16xi32> to vector<1x16xi32>
        tpu.vector_store %arg11[%swap3A, %swap3A_183], %swap3A_186 {strides = array<i32>} : memref<2x128xi32, #tpu.memory_space<vmem>>, vector<1x16xi32>,
        %scan3A_187 = arith.constant 0 : i32
        scf.yield %scan3A_187 : i32
      }
      %scan3A_145 = arith.constant 8 : i32
      %dma_wait3A_146 = arith.constant 0 : i32
      %dma_wait3A_147 = tpu.memref_slice %arg9[%and3A_63, %dma_wait3A_146] : memref<2x128xi32, #tpu.memory_space<vmem>> -> memref<1x128xi32, #tpu.memory_space<vmem>>
      %dma_wait3A_148 = tpu.memref_squeeze %dma_wait3A_147 : memref<1x128xi32, #tpu.memory_space<vmem>> -> memref<128xi32, #tpu.memory_space<vmem>>
      %dma_wait3A_149 = arith.constant 0 : i32
      %dma_wait3A_150 = arith.constant 0 : i32
      %dma_wait3A_151 = tpu.memref_slice %arg2[%dma_wait3A_149, %dma_wait3A_150] : memref<170000x128xf32, #tpu.memory_space<hbm>> -> memref<170000x128xf32, #tpu.memory_space<hbm>>
      tpu.wait_indirect_dma semaphore(%arg14 : memref<!tpu.dma_semaphore, #tpu.memory_space<semaphore_mem>>) src(%dma_wait3A_151 : memref<170000x128xf32, #tpu.memory_space<hbm>>) dst(%arg12 : memref<128x128xf32, #tpu.memory_space<vmem>>)
      %scan3A_152 = arith.constant 0 : i32
      %scan3A_153 = arith.constant 0 : i32
      %scan3A_154 = arith.constant 8 : i32
      %scan3A_155 = arith.addi %scan3A_153, %scan3A_154 : i32
      %scan3A_156 = arith.constant 1 : i32
      %scan3A_157 = scf.for %scan3A_172 = %scan3A_153 to %scan3A_155 step %scan3A_156 iter_args(%scan3A_173 = %scan3A_152) -> (i32)  : i32 {
        %mul3A_174 = arith.constant 16 : i32
        %mul3A_175 = arith.muli %scan3A_172, %mul3A_174 : i32
        %get3A = arith.index_cast %and3A_63 : i32 to index
        %get3A_176 = arith.index_cast %mul3A_175 : i32 to index
        %get3A_177 = tpu.vector_load %arg10[%get3A, %get3A_176] {strides = array<i32>} : memref<2x128xi32, #tpu.memory_space<vmem>>, vector<1x16xi32>,
        %get3A_178 = vector.shape_cast %get3A_177 : vector<1x16xi32> to vector<16xi32>
        %mul3A_179 = arith.constant 16 : i32
        %mul3A_180 = arith.muli %scan3A_172, %mul3A_179 : i32
        %add3A_181 = arith.constant 0 : i32
        %add3A_182 = arith.addi %mul3A_180, %add3A_181 : i32
        %slice3A = vector.extract_strided_slice %get3A_178 {offsets = [0], sizes = [1], strides = [1]} : vector<16xi32> to vector<1xi32>
        %squeeze3A = vector.extract %slice3A[0] : i32 from vector<1xi32>
        %and3A_183 = arith.constant 7 : i32
        %and3A_184 = arith.andi %squeeze3A, %and3A_183 : i32
        %mul3A_185 = arith.constant 16 : i32
        %mul3A_186 = arith.muli %and3A_184, %mul3A_185 : i32
        %get3A_187 = arith.index_cast %add3A_182 : i32 to index
        %get3A_188 = arith.index_cast %mul3A_186 : i32 to index
        %get3A_189 = tpu.vector_load %arg13[%get3A_187, %get3A_188] {strides = array<i32>} : memref<128x128xf32, #tpu.memory_space<vmem>>, vector<1x16xf32>,
        %get3A_190 = vector.shape_cast %get3A_189 : vector<1x16xf32> to vector<16xf32>
        %get3A_191 = arith.index_cast %add3A_182 : i32 to index
        %get3A_192 = arith.constant 0 : index
        %get3A_193 = tpu.vector_load %arg12[%get3A_191, %get3A_192] {strides = array<i32>} : memref<128x128xf32, #tpu.memory_space<vmem>>, vector<1x16xf32>,
        %get3A_194 = vector.shape_cast %get3A_193 : vector<1x16xf32> to vector<16xf32>
        %slice3A_195 = vector.extract_strided_slice %get3A_190 {offsets = [0], sizes = [1], strides = [1]} : vector<16xf32> to vector<1xf32>
        %squeeze3A_196 = vector.extract %slice3A_195[0] : f32 from vector<1xf32>
        %broadcast_in_dim3A_197 = vector.broadcast %squeeze3A_196 : f32 to vector<16xf32>
        %mul3A_198 = arith.mulf %get3A_194, %broadcast_in_dim3A_197 : vector<16xf32>
        %swap3A = arith.index_cast %add3A_182 : i32 to index
        %swap3A_199 = arith.constant 0 : index
        %swap3A_200 = tpu.vector_load %arg12[%swap3A, %swap3A_199] {strides = array<i32>} : memref<128x128xf32, #tpu.memory_space<vmem>>, vector<1x16xf32>,
        %swap3A_201 = vector.shape_cast %swap3A_200 : vector<1x16xf32> to vector<16xf32>
        %swap3A_202 = vector.shape_cast %mul3A_198 : vector<16xf32> to vector<1x16xf32>
        tpu.vector_store %arg12[%swap3A, %swap3A_199], %swap3A_202 {strides = array<i32>} : memref<128x128xf32, #tpu.memory_space<vmem>>, vector<1x16xf32>,
        %get3A_203 = arith.index_cast %add3A_182 : i32 to index
        %get3A_204 = arith.constant 16 : index
        %get3A_205 = tpu.vector_load %arg12[%get3A_203, %get3A_204] {strides = array<i32>} : memref<128x128xf32, #tpu.memory_space<vmem>>, vector<1x16xf32>,
        %get3A_206 = vector.shape_cast %get3A_205 : vector<1x16xf32> to vector<16xf32>
        %slice3A_207 = vector.extract_strided_slice %get3A_190 {offsets = [1], sizes = [1], strides = [1]} : vector<16xf32> to vector<1xf32>
        %squeeze3A_208 = vector.extract %slice3A_207[0] : f32 from vector<1xf32>
        %broadcast_in_dim3A_209 = vector.broadcast %squeeze3A_208 : f32 to vector<16xf32>
        %mul3A_210 = arith.mulf %get3A_206, %broadcast_in_dim3A_209 : vector<16xf32>
        %swap3A_211 = arith.index_cast %add3A_182 : i32 to index
        %swap3A_212 = arith.constant 16 : index
        %swap3A_213 = tpu.vector_load %arg12[%swap3A_211, %swap3A_212] {strides = array<i32>} : memref<128x128xf32, #tpu.memory_space<vmem>>, vector<1x16xf32>,
        %swap3A_214 = vector.shape_cast %swap3A_213 : vector<1x16xf32> to vector<16xf32>
        %swap3A_215 = vector.shape_cast %mul3A_210 : vector<16xf32> to vector<1x16xf32>
        tpu.vector_store %arg12[%swap3A_211, %swap3A_212], %swap3A_215 {strides = array<i32>} : memref<128x128xf32, #tpu.memory_space<vmem>>, vector<1x16xf32>,
        %get3A_216 = arith.index_cast %add3A_182 : i32 to index
        %get3A_217 = arith.constant 32 : index
        %get3A_218 = tpu.vector_load %arg12[%get3A_216, %get3A_217] {strides = array<i32>} : memref<128x128xf32, #tpu.memory_space<vmem>>, vector<1x16xf32>,
        %get3A_219 = vector.shape_cast %get3A_218 : vector<1x16xf32> to vector<16xf32>
        %slice3A_220 = vector.extract_strided_slice %get3A_190 {offsets = [2], sizes = [1], strides = [1]} : vector<16xf32> to vector<1xf32>
        %squeeze3A_221 = vector.extract %slice3A_220[0] : f32 from vector<1xf32>
        %broadcast_in_dim3A_222 = vector.broadcast %squeeze3A_221 : f32 to vector<16xf32>
        %mul3A_223 = arith.mulf %get3A_219, %broadcast_in_dim3A_222 : vector<16xf32>
        %swap3A_224 = arith.index_cast %add3A_182 : i32 to index
        %swap3A_225 = arith.constant 32 : index
        %swap3A_226 = tpu.vector_load %arg12[%swap3A_224, %swap3A_225] {strides = array<i32>} : memref<128x128xf32, #tpu.memory_space<vmem>>, vector<1x16xf32>,
        %swap3A_227 = vector.shape_cast %swap3A_226 : vector<1x16xf32> to vector<16xf32>
        %swap3A_228 = vector.shape_cast %mul3A_223 : vector<16xf32> to vector<1x16xf32>
        tpu.vector_store %arg12[%swap3A_224, %swap3A_225], %swap3A_228 {strides = array<i32>} : memref<128x128xf32, #tpu.memory_space<vmem>>, vector<1x16xf32>,
        %get3A_229 = arith.index_cast %add3A_182 : i32 to index
        %get3A_230 = arith.constant 48 : index
        %get3A_231 = tpu.vector_load %arg12[%get3A_229, %get3A_230] {strides = array<i32>} : memref<128x128xf32, #tpu.memory_space<vmem>>, vector<1x16xf32>,
        %get3A_232 = vector.shape_cast %get3A_231 : vector<1x16xf32> to vector<16xf32>
        %slice3A_233 = vector.extract_strided_slice %get3A_190 {offsets = [3], sizes = [1], strides = [1]} : vector<16xf32> to vector<1xf32>
        %squeeze3A_234 = vector.extract %slice3A_233[0] : f32 from vector<1xf32>
        %broadcast_in_dim3A_235 = vector.broadcast %squeeze3A_234 : f32 to vector<16xf32>
        %mul3A_236 = arith.mulf %get3A_232, %broadcast_in_dim3A_235 : vector<16xf32>
        %swap3A_237 = arith.index_cast %add3A_182 : i32 to index
        %swap3A_238 = arith.constant 48 : index
        %swap3A_239 = tpu.vector_load %arg12[%swap3A_237, %swap3A_238] {strides = array<i32>} : memref<128x128xf32, #tpu.memory_space<vmem>>, vector<1x16xf32>,
        %swap3A_240 = vector.shape_cast %swap3A_239 : vector<1x16xf32> to vector<16xf32>
        %swap3A_241 = vector.shape_cast %mul3A_236 : vector<16xf32> to vector<1x16xf32>
        tpu.vector_store %arg12[%swap3A_237, %swap3A_238], %swap3A_241 {strides = array<i32>} : memref<128x128xf32, #tpu.memory_space<vmem>>, vector<1x16xf32>,
        %get3A_242 = arith.index_cast %add3A_182 : i32 to index
        %get3A_243 = arith.constant 64 : index
        %get3A_244 = tpu.vector_load %arg12[%get3A_242, %get3A_243] {strides = array<i32>} : memref<128x128xf32, #tpu.memory_space<vmem>>, vector<1x16xf32>,
        %get3A_245 = vector.shape_cast %get3A_244 : vector<1x16xf32> to vector<16xf32>
        %slice3A_246 = vector.extract_strided_slice %get3A_190 {offsets = [4], sizes = [1], strides = [1]} : vector<16xf32> to vector<1xf32>
        %squeeze3A_247 = vector.extract %slice3A_246[0] : f32 from vector<1xf32>
        %broadcast_in_dim3A_248 = vector.broadcast %squeeze3A_247 : f32 to vector<16xf32>
        %mul3A_249 = arith.mulf %get3A_245, %broadcast_in_dim3A_248 : vector<16xf32>
        %swap3A_250 = arith.index_cast %add3A_182 : i32 to index
        %swap3A_251 = arith.constant 64 : index
        %swap3A_252 = tpu.vector_load %arg12[%swap3A_250, %swap3A_251] {strides = array<i32>} : memref<128x128xf32, #tpu.memory_space<vmem>>, vector<1x16xf32>,
        %swap3A_253 = vector.shape_cast %swap3A_252 : vector<1x16xf32> to vector<16xf32>
        %swap3A_254 = vector.shape_cast %mul3A_249 : vector<16xf32> to vector<1x16xf32>
        tpu.vector_store %arg12[%swap3A_250, %swap3A_251], %swap3A_254 {strides = array<i32>} : memref<128x128xf32, #tpu.memory_space<vmem>>, vector<1x16xf32>,
        %get3A_255 = arith.index_cast %add3A_182 : i32 to index
        %get3A_256 = arith.constant 80 : index
        %get3A_257 = tpu.vector_load %arg12[%get3A_255, %get3A_256] {strides = array<i32>} : memref<128x128xf32, #tpu.memory_space<vmem>>, vector<1x16xf32>,
        %get3A_258 = vector.shape_cast %get3A_257 : vector<1x16xf32> to vector<16xf32>
        %slice3A_259 = vector.extract_strided_slice %get3A_190 {offsets = [5], sizes = [1], strides = [1]} : vector<16xf32> to vector<1xf32>
        %squeeze3A_260 = vector.extract %slice3A_259[0] : f32 from vector<1xf32>
        %broadcast_in_dim3A_261 = vector.broadcast %squeeze3A_260 : f32 to vector<16xf32>
        %mul3A_262 = arith.mulf %get3A_258, %broadcast_in_dim3A_261 : vector<16xf32>
        %swap3A_263 = arith.index_cast %add3A_182 : i32 to index
        %swap3A_264 = arith.constant 80 : index
        %swap3A_265 = tpu.vector_load %arg12[%swap3A_263, %swap3A_264] {strides = array<i32>} : memref<128x128xf32, #tpu.memory_space<vmem>>, vector<1x16xf32>,
        %swap3A_266 = vector.shape_cast %swap3A_265 : vector<1x16xf32> to vector<16xf32>
        %swap3A_267 = vector.shape_cast %mul3A_262 : vector<16xf32> to vector<1x16xf32>
        tpu.vector_store %arg12[%swap3A_263, %swap3A_264], %swap3A_267 {strides = array<i32>} : memref<128x128xf32, #tpu.memory_space<vmem>>, vector<1x16xf32>,
        %get3A_268 = arith.index_cast %add3A_182 : i32 to index
        %get3A_269 = arith.constant 96 : index
        %get3A_270 = tpu.vector_load %arg12[%get3A_268, %get3A_269] {strides = array<i32>} : memref<128x128xf32, #tpu.memory_space<vmem>>, vector<1x16xf32>,
        %get3A_271 = vector.shape_cast %get3A_270 : vector<1x16xf32> to vector<16xf32>
        %slice3A_272 = vector.extract_strided_slice %get3A_190 {offsets = [6], sizes = [1], strides = [1]} : vector<16xf32> to vector<1xf32>
        %squeeze3A_273 = vector.extract %slice3A_272[0] : f32 from vector<1xf32>
        %broadcast_in_dim3A_274 = vector.broadcast %squeeze3A_273 : f32 to vector<16xf32>
        %mul3A_275 = arith.mulf %get3A_271, %broadcast_in_dim3A_274 : vector<16xf32>
        %swap3A_276 = arith.index_cast %add3A_182 : i32 to index
        %swap3A_277 = arith.constant 96 : index
        %swap3A_278 = tpu.vector_load %arg12[%swap3A_276, %swap3A_277] {strides = array<i32>} : memref<128x128xf32, #tpu.memory_space<vmem>>, vector<1x16xf32>,
        %swap3A_279 = vector.shape_cast %swap3A_278 : vector<1x16xf32> to vector<16xf32>
        %swap3A_280 = vector.shape_cast %mul3A_275 : vector<16xf32> to vector<1x16xf32>
        tpu.vector_store %arg12[%swap3A_276, %swap3A_277], %swap3A_280 {strides = array<i32>} : memref<128x128xf32, #tpu.memory_space<vmem>>, vector<1x16xf32>,
        %get3A_281 = arith.index_cast %add3A_182 : i32 to index
        %get3A_282 = arith.constant 112 : index
        %get3A_283 = tpu.vector_load %arg12[%get3A_281, %get3A_282] {strides = array<i32>} : memref<128x128xf32, #tpu.memory_space<vmem>>, vector<1x16xf32>,
        %get3A_284 = vector.shape_cast %get3A_283 : vector<1x16xf32> to vector<16xf32>
        %slice3A_285 = vector.extract_strided_slice %get3A_190 {offsets = [7], sizes = [1], strides = [1]} : vector<16xf32> to vector<1xf32>
        %squeeze3A_286 = vector.extract %slice3A_285[0] : f32 from vector<1xf32>
        %broadcast_in_dim3A_287 = vector.broadcast %squeeze3A_286 : f32 to vector<16xf32>
        %mul3A_288 = arith.mulf %get3A_284, %broadcast_in_dim3A_287 : vector<16xf32>
        %swap3A_289 = arith.index_cast %add3A_182 : i32 to index
        %swap3A_290 = arith.constant 112 : index
        %swap3A_291 = tpu.vector_load %arg12[%swap3A_289, %swap3A_290] {strides = array<i32>} : memref<128x128xf32, #tpu.memory_space<vmem>>, vector<1x16xf32>,
        %swap3A_292 = vector.shape_cast %swap3A_291 : vector<1x16xf32> to vector<16xf32>
        %swap3A_293 = vector.shape_cast %mul3A_288 : vector<16xf32> to vector<1x16xf32>
        tpu.vector_store %arg12[%swap3A_289, %swap3A_290], %swap3A_293 {strides = array<i32>} : memref<128x128xf32, #tpu.memory_space<vmem>>, vector<1x16xf32>,
        %mul3A_294 = arith.constant 16 : i32
        %mul3A_295 = arith.muli %scan3A_172, %mul3A_294 : i32
        %add3A_296 = arith.constant 1 : i32
        %add3A_297 = arith.addi %mul3A_295, %add3A_296 : i32
        %slice3A_298 = vector.extract_strided_slice %get3A_178 {offsets = [1], sizes = [1], strides = [1]} : vector<16xi32> to vector<1xi32>
        %squeeze3A_299 = vector.extract %slice3A_298[0] : i32 from vector<1xi32>
        %and3A_300 = arith.constant 7 : i32
        %and3A_301 = arith.andi %squeeze3A_299, %and3A_300 : i32
        %mul3A_302 = arith.constant 16 : i32
        %mul3A_303 = arith.muli %and3A_301, %mul3A_302 : i32
        %get3A_304 = arith.index_cast %add3A_297 : i32 to index
        %get3A_305 = arith.index_cast %mul3A_303 : i32 to index
        %get3A_306 = tpu.vector_load %arg13[%get3A_304, %get3A_305] {strides = array<i32>} : memref<128x128xf32, #tpu.memory_space<vmem>>, vector<1x16xf32>,
        %get3A_307 = vector.shape_cast %get3A_306 : vector<1x16xf32> to vector<16xf32>
        %get3A_308 = arith.index_cast %add3A_297 : i32 to index
        %get3A_309 = arith.constant 0 : index
        %get3A_310 = tpu.vector_load %arg12[%get3A_308, %get3A_309] {strides = array<i32>} : memref<128x128xf32, #tpu.memory_space<vmem>>, vector<1x16xf32>,
        %get3A_311 = vector.shape_cast %get3A_310 : vector<1x16xf32> to vector<16xf32>
        %slice3A_312 = vector.extract_strided_slice %get3A_307 {offsets = [0], sizes = [1], strides = [1]} : vector<16xf32> to vector<1xf32>
        %squeeze3A_313 = vector.extract %slice3A_312[0] : f32 from vector<1xf32>
        %broadcast_in_dim3A_314 = vector.broadcast %squeeze3A_313 : f32 to vector<16xf32>
        %mul3A_315 = arith.mulf %get3A_311, %broadcast_in_dim3A_314 : vector<16xf32>
        %swap3A_316 = arith.index_cast %add3A_297 : i32 to index
        %swap3A_317 = arith.constant 0 : index
        %swap3A_318 = tpu.vector_load %arg12[%swap3A_316, %swap3A_317] {strides = array<i32>} : memref<128x128xf32, #tpu.memory_space<vmem>>, vector<1x16xf32>,
        %swap3A_319 = vector.shape_cast %swap3A_318 : vector<1x16xf32> to vector<16xf32>
        %swap3A_320 = vector.shape_cast %mul3A_315 : vector<16xf32> to vector<1x16xf32>
        tpu.vector_store %arg12[%swap3A_316, %swap3A_317], %swap3A_320 {strides = array<i32>} : memref<128x128xf32, #tpu.memory_space<vmem>>, vector<1x16xf32>,
        %get3A_321 = arith.index_cast %add3A_297 : i32 to index
        %get3A_322 = arith.constant 16 : index
        %get3A_323 = tpu.vector_load %arg12[%get3A_321, %get3A_322] {strides = array<i32>} : memref<128x128xf32, #tpu.memory_space<vmem>>, vector<1x16xf32>,
        %get3A_324 = vector.shape_cast %get3A_323 : vector<1x16xf32> to vector<16xf32>
        %slice3A_325 = vector.extract_strided_slice %get3A_307 {offsets = [1], sizes = [1], strides = [1]} : vector<16xf32> to vector<1xf32>
        %squeeze3A_326 = vector.extract %slice3A_325[0] : f32 from vector<1xf32>
        %broadcast_in_dim3A_327 = vector.broadcast %squeeze3A_326 : f32 to vector<16xf32>
        %mul3A_328 = arith.mulf %get3A_324, %broadcast_in_dim3A_327 : vector<16xf32>
        %swap3A_329 = arith.index_cast %add3A_297 : i32 to index
        %swap3A_330 = arith.constant 16 : index
        %swap3A_331 = tpu.vector_load %arg12[%swap3A_329, %swap3A_330] {strides = array<i32>} : memref<128x128xf32, #tpu.memory_space<vmem>>, vector<1x16xf32>,
        %swap3A_332 = vector.shape_cast %swap3A_331 : vector<1x16xf32> to vector<16xf32>
        %swap3A_333 = vector.shape_cast %mul3A_328 : vector<16xf32> to vector<1x16xf32>
        tpu.vector_store %arg12[%swap3A_329, %swap3A_330], %swap3A_333 {strides = array<i32>} : memref<128x128xf32, #tpu.memory_space<vmem>>, vector<1x16xf32>,
        %get3A_334 = arith.index_cast %add3A_297 : i32 to index
        %get3A_335 = arith.constant 32 : index
        %get3A_336 = tpu.vector_load %arg12[%get3A_334, %get3A_335] {strides = array<i32>} : memref<128x128xf32, #tpu.memory_space<vmem>>, vector<1x16xf32>,
        %get3A_337 = vector.shape_cast %get3A_336 : vector<1x16xf32> to vector<16xf32>
        %slice3A_338 = vector.extract_strided_slice %get3A_307 {offsets = [2], sizes = [1], strides = [1]} : vector<16xf32> to vector<1xf32>
        %squeeze3A_339 = vector.extract %slice3A_338[0] : f32 from vector<1xf32>
        %broadcast_in_dim3A_340 = vector.broadcast %squeeze3A_339 : f32 to vector<16xf32>
        %mul3A_341 = arith.mulf %get3A_337, %broadcast_in_dim3A_340 : vector<16xf32>
        %swap3A_342 = arith.index_cast %add3A_297 : i32 to index
        %swap3A_343 = arith.constant 32 : index
        %swap3A_344 = tpu.vector_load %arg12[%swap3A_342, %swap3A_343] {strides = array<i32>} : memref<128x128xf32, #tpu.memory_space<vmem>>, vector<1x16xf32>,
        %swap3A_345 = vector.shape_cast %swap3A_344 : vector<1x16xf32> to vector<16xf32>
        %swap3A_346 = vector.shape_cast %mul3A_341 : vector<16xf32> to vector<1x16xf32>
        tpu.vector_store %arg12[%swap3A_342, %swap3A_343], %swap3A_346 {strides = array<i32>} : memref<128x128xf32, #tpu.memory_space<vmem>>, vector<1x16xf32>,
        %get3A_347 = arith.index_cast %add3A_297 : i32 to index
        %get3A_348 = arith.constant 48 : index
        %get3A_349 = tpu.vector_load %arg12[%get3A_347, %get3A_348] {strides = array<i32>} : memref<128x128xf32, #tpu.memory_space<vmem>>, vector<1x16xf32>,
        %get3A_350 = vector.shape_cast %get3A_349 : vector<1x16xf32> to vector<16xf32>
        %slice3A_351 = vector.extract_strided_slice %get3A_307 {offsets = [3], sizes = [1], strides = [1]} : vector<16xf32> to vector<1xf32>
        %squeeze3A_352 = vector.extract %slice3A_351[0] : f32 from vector<1xf32>
        %broadcast_in_dim3A_353 = vector.broadcast %squeeze3A_352 : f32 to vector<16xf32>
        %mul3A_354 = arith.mulf %get3A_350, %broadcast_in_dim3A_353 : vector<16xf32>
        %swap3A_355 = arith.index_cast %add3A_297 : i32 to index
        %swap3A_356 = arith.constant 48 : index
        %swap3A_357 = tpu.vector_load %arg12[%swap3A_355, %swap3A_356] {strides = array<i32>} : memref<128x128xf32, #tpu.memory_space<vmem>>, vector<1x16xf32>,
        %swap3A_358 = vector.shape_cast %swap3A_357 : vector<1x16xf32> to vector<16xf32>
        %swap3A_359 = vector.shape_cast %mul3A_354 : vector<16xf32> to vector<1x16xf32>
        tpu.vector_store %arg12[%swap3A_355, %swap3A_356], %swap3A_359 {strides = array<i32>} : memref<128x128xf32, #tpu.memory_space<vmem>>, vector<1x16xf32>,
        %get3A_360 = arith.index_cast %add3A_297 : i32 to index
        %get3A_361 = arith.constant 64 : index
        %get3A_362 = tpu.vector_load %arg12[%get3A_360, %get3A_361] {strides = array<i32>} : memref<128x128xf32, #tpu.memory_space<vmem>>, vector<1x16xf32>,
        %get3A_363 = vector.shape_cast %get3A_362 : vector<1x16xf32> to vector<16xf32>
        %slice3A_364 = vector.extract_strided_slice %get3A_307 {offsets = [4], sizes = [1], strides = [1]} : vector<16xf32> to vector<1xf32>
        %squeeze3A_365 = vector.extract %slice3A_364[0] : f32 from vector<1xf32>
        %broadcast_in_dim3A_366 = vector.broadcast %squeeze3A_365 : f32 to vector<16xf32>
        %mul3A_367 = arith.mulf %get3A_363, %broadcast_in_dim3A_366 : vector<16xf32>
        %swap3A_368 = arith.index_cast %add3A_297 : i32 to index
        %swap3A_369 = arith.constant 64 : index
        %swap3A_370 = tpu.vector_load %arg12[%swap3A_368, %swap3A_369] {strides = array<i32>} : memref<128x128xf32, #tpu.memory_space<vmem>>, vector<1x16xf32>,
        %swap3A_371 = vector.shape_cast %swap3A_370 : vector<1x16xf32> to vector<16xf32>
        %swap3A_372 = vector.shape_cast %mul3A_367 : vector<16xf32> to vector<1x16xf32>
        tpu.vector_store %arg12[%swap3A_368, %swap3A_369], %swap3A_372 {strides = array<i32>} : memref<128x128xf32, #tpu.memory_space<vmem>>, vector<1x16xf32>,
        %get3A_373 = arith.index_cast %add3A_297 : i32 to index
        %get3A_374 = arith.constant 80 : index
        %get3A_375 = tpu.vector_load %arg12[%get3A_373, %get3A_374] {strides = array<i32>} : memref<128x128xf32, #tpu.memory_space<vmem>>, vector<1x16xf32>,
        %get3A_376 = vector.shape_cast %get3A_375 : vector<1x16xf32> to vector<16xf32>
        %slice3A_377 = vector.extract_strided_slice %get3A_307 {offsets = [5], sizes = [1], strides = [1]} : vector<16xf32> to vector<1xf32>
        %squeeze3A_378 = vector.extract %slice3A_377[0] : f32 from vector<1xf32>
        %broadcast_in_dim3A_379 = vector.broadcast %squeeze3A_378 : f32 to vector<16xf32>
        %mul3A_380 = arith.mulf %get3A_376, %broadcast_in_dim3A_379 : vector<16xf32>
        %swap3A_381 = arith.index_cast %add3A_297 : i32 to index
        %swap3A_382 = arith.constant 80 : index
        %swap3A_383 = tpu.vector_load %arg12[%swap3A_381, %swap3A_382] {strides = array<i32>} : memref<128x128xf32, #tpu.memory_space<vmem>>, vector<1x16xf32>,
        %swap3A_384 = vector.shape_cast %swap3A_383 : vector<1x16xf32> to vector<16xf32>
        %swap3A_385 = vector.shape_cast %mul3A_380 : vector<16xf32> to vector<1x16xf32>
        tpu.vector_store %arg12[%swap3A_381, %swap3A_382], %swap3A_385 {strides = array<i32>} : memref<128x128xf32, #tpu.memory_space<vmem>>, vector<1x16xf32>,
        %get3A_386 = arith.index_cast %add3A_297 : i32 to index
        %get3A_387 = arith.constant 96 : index
        %get3A_388 = tpu.vector_load %arg12[%get3A_386, %get3A_387] {strides = array<i32>} : memref<128x128xf32, #tpu.memory_space<vmem>>, vector<1x16xf32>,
        %get3A_389 = vector.shape_cast %get3A_388 : vector<1x16xf32> to vector<16xf32>
        %slice3A_390 = vector.extract_strided_slice %get3A_307 {offsets = [6], sizes = [1], strides = [1]} : vector<16xf32> to vector<1xf32>
        %squeeze3A_391 = vector.extract %slice3A_390[0] : f32 from vector<1xf32>
        %broadcast_in_dim3A_392 = vector.broadcast %squeeze3A_391 : f32 to vector<16xf32>
        %mul3A_393 = arith.mulf %get3A_389, %broadcast_in_dim3A_392 : vector<16xf32>
        %swap3A_394 = arith.index_cast %add3A_297 : i32 to index
        %swap3A_395 = arith.constant 96 : index
        %swap3A_396 = tpu.vector_load %arg12[%swap3A_394, %swap3A_395] {strides = array<i32>} : memref<128x128xf32, #tpu.memory_space<vmem>>, vector<1x16xf32>,
        %swap3A_397 = vector.shape_cast %swap3A_396 : vector<1x16xf32> to vector<16xf32>
        %swap3A_398 = vector.shape_cast %mul3A_393 : vector<16xf32> to vector<1x16xf32>
        tpu.vector_store %arg12[%swap3A_394, %swap3A_395], %swap3A_398 {strides = array<i32>} : memref<128x128xf32, #tpu.memory_space<vmem>>, vector<1x16xf32>,
        %get3A_399 = arith.index_cast %add3A_297 : i32 to index
        %get3A_400 = arith.constant 112 : index
        %get3A_401 = tpu.vector_load %arg12[%get3A_399, %get3A_400] {strides = array<i32>} : memref<128x128xf32, #tpu.memory_space<vmem>>, vector<1x16xf32>,
        %get3A_402 = vector.shape_cast %get3A_401 : vector<1x16xf32> to vector<16xf32>
        %slice3A_403 = vector.extract_strided_slice %get3A_307 {offsets = [7], sizes = [1], strides = [1]} : vector<16xf32> to vector<1xf32>
        %squeeze3A_404 = vector.extract %slice3A_403[0] : f32 from vector<1xf32>
        %broadcast_in_dim3A_405 = vector.broadcast %squeeze3A_404 : f32 to vector<16xf32>
        %mul3A_406 = arith.mulf %get3A_402, %broadcast_in_dim3A_405 : vector<16xf32>
        %swap3A_407 = arith.index_cast %add3A_297 : i32 to index
        %swap3A_408 = arith.constant 112 : index
        %swap3A_409 = tpu.vector_load %arg12[%swap3A_407, %swap3A_408] {strides = array<i32>} : memref<128x128xf32, #tpu.memory_space<vmem>>, vector<1x16xf32>,
        %swap3A_410 = vector.shape_cast %swap3A_409 : vector<1x16xf32> to vector<16xf32>
        %swap3A_411 = vector.shape_cast %mul3A_406 : vector<16xf32> to vector<1x16xf32>
        tpu.vector_store %arg12[%swap3A_407, %swap3A_408], %swap3A_411 {strides = array<i32>} : memref<128x128xf32, #tpu.memory_space<vmem>>, vector<1x16xf32>,
        %mul3A_412 = arith.constant 16 : i32
        %mul3A_413 = arith.muli %scan3A_172, %mul3A_412 : i32
        %add3A_414 = arith.constant 2 : i32
        %add3A_415 = arith.addi %mul3A_413, %add3A_414 : i32
        %slice3A_416 = vector.extract_strided_slice %get3A_178 {offsets = [2], sizes = [1], strides = [1]} : vector<16xi32> to vector<1xi32>
        %squeeze3A_417 = vector.extract %slice3A_416[0] : i32 from vector<1xi32>
        %and3A_418 = arith.constant 7 : i32
        %and3A_419 = arith.andi %squeeze3A_417, %and3A_418 : i32
        %mul3A_420 = arith.constant 16 : i32
        %mul3A_421 = arith.muli %and3A_419, %mul3A_420 : i32
        %get3A_422 = arith.index_cast %add3A_415 : i32 to index
        %get3A_423 = arith.index_cast %mul3A_421 : i32 to index
        %get3A_424 = tpu.vector_load %arg13[%get3A_422, %get3A_423] {strides = array<i32>} : memref<128x128xf32, #tpu.memory_space<vmem>>, vector<1x16xf32>,
        %get3A_425 = vector.shape_cast %get3A_424 : vector<1x16xf32> to vector<16xf32>
        %get3A_426 = arith.index_cast %add3A_415 : i32 to index
        %get3A_427 = arith.constant 0 : index
        %get3A_428 = tpu.vector_load %arg12[%get3A_426, %get3A_427] {strides = array<i32>} : memref<128x128xf32, #tpu.memory_space<vmem>>, vector<1x16xf32>,
        %get3A_429 = vector.shape_cast %get3A_428 : vector<1x16xf32> to vector<16xf32>
        %slice3A_430 = vector.extract_strided_slice %get3A_425 {offsets = [0], sizes = [1], strides = [1]} : vector<16xf32> to vector<1xf32>
        %squeeze3A_431 = vector.extract %slice3A_430[0] : f32 from vector<1xf32>
        %broadcast_in_dim3A_432 = vector.broadcast %squeeze3A_431 : f32 to vector<16xf32>
        %mul3A_433 = arith.mulf %get3A_429, %broadcast_in_dim3A_432 : vector<16xf32>
        %swap3A_434 = arith.index_cast %add3A_415 : i32 to index
        %swap3A_435 = arith.constant 0 : index
        %swap3A_436 = tpu.vector_load %arg12[%swap3A_434, %swap3A_435] {strides = array<i32>} : memref<128x128xf32, #tpu.memory_space<vmem>>, vector<1x16xf32>,
        %swap3A_437 = vector.shape_cast %swap3A_436 : vector<1x16xf32> to vector<16xf32>
        %swap3A_438 = vector.shape_cast %mul3A_433 : vector<16xf32> to vector<1x16xf32>
        tpu.vector_store %arg12[%swap3A_434, %swap3A_435], %swap3A_438 {strides = array<i32>} : memref<128x128xf32, #tpu.memory_space<vmem>>, vector<1x16xf32>,
        %get3A_439 = arith.index_cast %add3A_415 : i32 to index
        %get3A_440 = arith.constant 16 : index
        %get3A_441 = tpu.vector_load %arg12[%get3A_439, %get3A_440] {strides = array<i32>} : memref<128x128xf32, #tpu.memory_space<vmem>>, vector<1x16xf32>,
        %get3A_442 = vector.shape_cast %get3A_441 : vector<1x16xf32> to vector<16xf32>
        %slice3A_443 = vector.extract_strided_slice %get3A_425 {offsets = [1], sizes = [1], strides = [1]} : vector<16xf32> to vector<1xf32>
        %squeeze3A_444 = vector.extract %slice3A_443[0] : f32 from vector<1xf32>
        %broadcast_in_dim3A_445 = vector.broadcast %squeeze3A_444 : f32 to vector<16xf32>
        %mul3A_446 = arith.mulf %get3A_442, %broadcast_in_dim3A_445 : vector<16xf32>
        %swap3A_447 = arith.index_cast %add3A_415 : i32 to index
        %swap3A_448 = arith.constant 16 : index
        %swap3A_449 = tpu.vector_load %arg12[%swap3A_447, %swap3A_448] {strides = array<i32>} : memref<128x128xf32, #tpu.memory_space<vmem>>, vector<1x16xf32>,
        %swap3A_450 = vector.shape_cast %swap3A_449 : vector<1x16xf32> to vector<16xf32>
        %swap3A_451 = vector.shape_cast %mul3A_446 : vector<16xf32> to vector<1x16xf32>
        tpu.vector_store %arg12[%swap3A_447, %swap3A_448], %swap3A_451 {strides = array<i32>} : memref<128x128xf32, #tpu.memory_space<vmem>>, vector<1x16xf32>,
        %get3A_452 = arith.index_cast %add3A_415 : i32 to index
        %get3A_453 = arith.constant 32 : index
        %get3A_454 = tpu.vector_load %arg12[%get3A_452, %get3A_453] {strides = array<i32>} : memref<128x128xf32, #tpu.memory_space<vmem>>, vector<1x16xf32>,
        %get3A_455 = vector.shape_cast %get3A_454 : vector<1x16xf32> to vector<16xf32>
        %slice3A_456 = vector.extract_strided_slice %get3A_425 {offsets = [2], sizes = [1], strides = [1]} : vector<16xf32> to vector<1xf32>
        %squeeze3A_457 = vector.extract %slice3A_456[0] : f32 from vector<1xf32>
        %broadcast_in_dim3A_458 = vector.broadcast %squeeze3A_457 : f32 to vector<16xf32>
        %mul3A_459 = arith.mulf %get3A_455, %broadcast_in_dim3A_458 : vector<16xf32>
        %swap3A_460 = arith.index_cast %add3A_415 : i32 to index
        %swap3A_461 = arith.constant 32 : index
        %swap3A_462 = tpu.vector_load %arg12[%swap3A_460, %swap3A_461] {strides = array<i32>} : memref<128x128xf32, #tpu.memory_space<vmem>>, vector<1x16xf32>,
        %swap3A_463 = vector.shape_cast %swap3A_462 : vector<1x16xf32> to vector<16xf32>
        %swap3A_464 = vector.shape_cast %mul3A_459 : vector<16xf32> to vector<1x16xf32>
        tpu.vector_store %arg12[%swap3A_460, %swap3A_461], %swap3A_464 {strides = array<i32>} : memref<128x128xf32, #tpu.memory_space<vmem>>, vector<1x16xf32>,
        %get3A_465 = arith.index_cast %add3A_415 : i32 to index
        %get3A_466 = arith.constant 48 : index
        %get3A_467 = tpu.vector_load %arg12[%get3A_465, %get3A_466] {strides = array<i32>} : memref<128x128xf32, #tpu.memory_space<vmem>>, vector<1x16xf32>,
        %get3A_468 = vector.shape_cast %get3A_467 : vector<1x16xf32> to vector<16xf32>
        %slice3A_469 = vector.extract_strided_slice %get3A_425 {offsets = [3], sizes = [1], strides = [1]} : vector<16xf32> to vector<1xf32>
        %squeeze3A_470 = vector.extract %slice3A_469[0] : f32 from vector<1xf32>
        %broadcast_in_dim3A_471 = vector.broadcast %squeeze3A_470 : f32 to vector<16xf32>
        %mul3A_472 = arith.mulf %get3A_468, %broadcast_in_dim3A_471 : vector<16xf32>
        %swap3A_473 = arith.index_cast %add3A_415 : i32 to index
        %swap3A_474 = arith.constant 48 : index
        %swap3A_475 = tpu.vector_load %arg12[%swap3A_473, %swap3A_474] {strides = array<i32>} : memref<128x128xf32, #tpu.memory_space<vmem>>, vector<1x16xf32>,
        %swap3A_476 = vector.shape_cast %swap3A_475 : vector<1x16xf32> to vector<16xf32>
        %swap3A_477 = vector.shape_cast %mul3A_472 : vector<16xf32> to vector<1x16xf32>
        tpu.vector_store %arg12[%swap3A_473, %swap3A_474], %swap3A_477 {strides = array<i32>} : memref<128x128xf32, #tpu.memory_space<vmem>>, vector<1x16xf32>,
        %get3A_478 = arith.index_cast %add3A_415 : i32 to index
        %get3A_479 = arith.constant 64 : index
        %get3A_480 = tpu.vector_load %arg12[%get3A_478, %get3A_479] {strides = array<i32>} : memref<128x128xf32, #tpu.memory_space<vmem>>, vector<1x16xf32>,
        %get3A_481 = vector.shape_cast %get3A_480 : vector<1x16xf32> to vector<16xf32>
        %slice3A_482 = vector.extract_strided_slice %get3A_425 {offsets = [4], sizes = [1], strides = [1]} : vector<16xf32> to vector<1xf32>
        %squeeze3A_483 = vector.extract %slice3A_482[0] : f32 from vector<1xf32>
        %broadcast_in_dim3A_484 = vector.broadcast %squeeze3A_483 : f32 to vector<16xf32>
        %mul3A_485 = arith.mulf %get3A_481, %broadcast_in_dim3A_484 : vector<16xf32>
        %swap3A_486 = arith.index_cast %add3A_415 : i32 to index
        %swap3A_487 = arith.constant 64 : index
        %swap3A_488 = tpu.vector_load %arg12[%swap3A_486, %swap3A_487] {strides = array<i32>} : memref<128x128xf32, #tpu.memory_space<vmem>>, vector<1x16xf32>,
        %swap3A_489 = vector.shape_cast %swap3A_488 : vector<1x16xf32> to vector<16xf32>
        %swap3A_490 = vector.shape_cast %mul3A_485 : vector<16xf32> to vector<1x16xf32>
        tpu.vector_store %arg12[%swap3A_486, %swap3A_487], %swap3A_490 {strides = array<i32>} : memref<128x128xf32, #tpu.memory_space<vmem>>, vector<1x16xf32>,
        %get3A_491 = arith.index_cast %add3A_415 : i32 to index
        %get3A_492 = arith.constant 80 : index
        %get3A_493 = tpu.vector_load %arg12[%get3A_491, %get3A_492] {strides = array<i32>} : memref<128x128xf32, #tpu.memory_space<vmem>>, vector<1x16xf32>,
        %get3A_494 = vector.shape_cast %get3A_493 : vector<1x16xf32> to vector<16xf32>
        %slice3A_495 = vector.extract_strided_slice %get3A_425 {offsets = [5], sizes = [1], strides = [1]} : vector<16xf32> to vector<1xf32>
        %squeeze3A_496 = vector.extract %slice3A_495[0] : f32 from vector<1xf32>
        %broadcast_in_dim3A_497 = vector.broadcast %squeeze3A_496 : f32 to vector<16xf32>
        %mul3A_498 = arith.mulf %get3A_494, %broadcast_in_dim3A_497 : vector<16xf32>
        %swap3A_499 = arith.index_cast %add3A_415 : i32 to index
        %swap3A_500 = arith.constant 80 : index
        %swap3A_501 = tpu.vector_load %arg12[%swap3A_499, %swap3A_500] {strides = array<i32>} : memref<128x128xf32, #tpu.memory_space<vmem>>, vector<1x16xf32>,
        %swap3A_502 = vector.shape_cast %swap3A_501 : vector<1x16xf32> to vector<16xf32>
        %swap3A_503 = vector.shape_cast %mul3A_498 : vector<16xf32> to vector<1x16xf32>
        tpu.vector_store %arg12[%swap3A_499, %swap3A_500], %swap3A_503 {strides = array<i32>} : memref<128x128xf32, #tpu.memory_space<vmem>>, vector<1x16xf32>,
        %get3A_504 = arith.index_cast %add3A_415 : i32 to index
        %get3A_505 = arith.constant 96 : index
        %get3A_506 = tpu.vector_load %arg12[%get3A_504, %get3A_505] {strides = array<i32>} : memref<128x128xf32, #tpu.memory_space<vmem>>, vector<1x16xf32>,
        %get3A_507 = vector.shape_cast %get3A_506 : vector<1x16xf32> to vector<16xf32>
        %slice3A_508 = vector.extract_strided_slice %get3A_425 {offsets = [6], sizes = [1], strides = [1]} : vector<16xf32> to vector<1xf32>
        %squeeze3A_509 = vector.extract %slice3A_508[0] : f32 from vector<1xf32>
        %broadcast_in_dim3A_510 = vector.broadcast %squeeze3A_509 : f32 to vector<16xf32>
        %mul3A_511 = arith.mulf %get3A_507, %broadcast_in_dim3A_510 : vector<16xf32>
        %swap3A_512 = arith.index_cast %add3A_415 : i32 to index
        %swap3A_513 = arith.constant 96 : index
        %swap3A_514 = tpu.vector_load %arg12[%swap3A_512, %swap3A_513] {strides = array<i32>} : memref<128x128xf32, #tpu.memory_space<vmem>>, vector<1x16xf32>,
        %swap3A_515 = vector.shape_cast %swap3A_514 : vector<1x16xf32> to vector<16xf32>
        %swap3A_516 = vector.shape_cast %mul3A_511 : vector<16xf32> to vector<1x16xf32>
        tpu.vector_store %arg12[%swap3A_512, %swap3A_513], %swap3A_516 {strides = array<i32>} : memref<128x128xf32, #tpu.memory_space<vmem>>, vector<1x16xf32>,
        %get3A_517 = arith.index_cast %add3A_415 : i32 to index
        %get3A_518 = arith.constant 112 : index
        %get3A_519 = tpu.vector_load %arg12[%get3A_517, %get3A_518] {strides = array<i32>} : memref<128x128xf32, #tpu.memory_space<vmem>>, vector<1x16xf32>,
        %get3A_520 = vector.shape_cast %get3A_519 : vector<1x16xf32> to vector<16xf32>
        %slice3A_521 = vector.extract_strided_slice %get3A_425 {offsets = [7], sizes = [1], strides = [1]} : vector<16xf32> to vector<1xf32>
        %squeeze3A_522 = vector.extract %slice3A_521[0] : f32 from vector<1xf32>
        %broadcast_in_dim3A_523 = vector.broadcast %squeeze3A_522 : f32 to vector<16xf32>
        %mul3A_524 = arith.mulf %get3A_520, %broadcast_in_dim3A_523 : vector<16xf32>
        %swap3A_525 = arith.index_cast %add3A_415 : i32 to index
        %swap3A_526 = arith.constant 112 : index
        %swap3A_527 = tpu.vector_load %arg12[%swap3A_525, %swap3A_526] {strides = array<i32>} : memref<128x128xf32, #tpu.memory_space<vmem>>, vector<1x16xf32>,
        %swap3A_528 = vector.shape_cast %swap3A_527 : vector<1x16xf32> to vector<16xf32>
        %swap3A_529 = vector.shape_cast %mul3A_524 : vector<16xf32> to vector<1x16xf32>
        tpu.vector_store %arg12[%swap3A_525, %swap3A_526], %swap3A_529 {strides = array<i32>} : memref<128x128xf32, #tpu.memory_space<vmem>>, vector<1x16xf32>,
        %mul3A_530 = arith.constant 16 : i32
        %mul3A_531 = arith.muli %scan3A_172, %mul3A_530 : i32
        %add3A_532 = arith.constant 3 : i32
        %add3A_533 = arith.addi %mul3A_531, %add3A_532 : i32
        %slice3A_534 = vector.extract_strided_slice %get3A_178 {offsets = [3], sizes = [1], strides = [1]} : vector<16xi32> to vector<1xi32>
        %squeeze3A_535 = vector.extract %slice3A_534[0] : i32 from vector<1xi32>
        %and3A_536 = arith.constant 7 : i32
        %and3A_537 = arith.andi %squeeze3A_535, %and3A_536 : i32
        %mul3A_538 = arith.constant 16 : i32
        %mul3A_539 = arith.muli %and3A_537, %mul3A_538 : i32
        %get3A_540 = arith.index_cast %add3A_533 : i32 to index
        %get3A_541 = arith.index_cast %mul3A_539 : i32 to index
        %get3A_542 = tpu.vector_load %arg13[%get3A_540, %get3A_541] {strides = array<i32>} : memref<128x128xf32, #tpu.memory_space<vmem>>, vector<1x16xf32>,
        %get3A_543 = vector.shape_cast %get3A_542 : vector<1x16xf32> to vector<16xf32>
        %get3A_544 = arith.index_cast %add3A_533 : i32 to index
        %get3A_545 = arith.constant 0 : index
        %get3A_546 = tpu.vector_load %arg12[%get3A_544, %get3A_545] {strides = array<i32>} : memref<128x128xf32, #tpu.memory_space<vmem>>, vector<1x16xf32>,
        %get3A_547 = vector.shape_cast %get3A_546 : vector<1x16xf32> to vector<16xf32>
        %slice3A_548 = vector.extract_strided_slice %get3A_543 {offsets = [0], sizes = [1], strides = [1]} : vector<16xf32> to vector<1xf32>
        %squeeze3A_549 = vector.extract %slice3A_548[0] : f32 from vector<1xf32>
        %broadcast_in_dim3A_550 = vector.broadcast %squeeze3A_549 : f32 to vector<16xf32>
        %mul3A_551 = arith.mulf %get3A_547, %broadcast_in_dim3A_550 : vector<16xf32>
        %swap3A_552 = arith.index_cast %add3A_533 : i32 to index
        %swap3A_553 = arith.constant 0 : index
        %swap3A_554 = tpu.vector_load %arg12[%swap3A_552, %swap3A_553] {strides = array<i32>} : memref<128x128xf32, #tpu.memory_space<vmem>>, vector<1x16xf32>,
        %swap3A_555 = vector.shape_cast %swap3A_554 : vector<1x16xf32> to vector<16xf32>
        %swap3A_556 = vector.shape_cast %mul3A_551 : vector<16xf32> to vector<1x16xf32>
        tpu.vector_store %arg12[%swap3A_552, %swap3A_553], %swap3A_556 {strides = array<i32>} : memref<128x128xf32, #tpu.memory_space<vmem>>, vector<1x16xf32>,
        %get3A_557 = arith.index_cast %add3A_533 : i32 to index
        %get3A_558 = arith.constant 16 : index
        %get3A_559 = tpu.vector_load %arg12[%get3A_557, %get3A_558] {strides = array<i32>} : memref<128x128xf32, #tpu.memory_space<vmem>>, vector<1x16xf32>,
        %get3A_560 = vector.shape_cast %get3A_559 : vector<1x16xf32> to vector<16xf32>
        %slice3A_561 = vector.extract_strided_slice %get3A_543 {offsets = [1], sizes = [1], strides = [1]} : vector<16xf32> to vector<1xf32>
        %squeeze3A_562 = vector.extract %slice3A_561[0] : f32 from vector<1xf32>
        %broadcast_in_dim3A_563 = vector.broadcast %squeeze3A_562 : f32 to vector<16xf32>
        %mul3A_564 = arith.mulf %get3A_560, %broadcast_in_dim3A_563 : vector<16xf32>
        %swap3A_565 = arith.index_cast %add3A_533 : i32 to index
        %swap3A_566 = arith.constant 16 : index
        %swap3A_567 = tpu.vector_load %arg12[%swap3A_565, %swap3A_566] {strides = array<i32>} : memref<128x128xf32, #tpu.memory_space<vmem>>, vector<1x16xf32>,
        %swap3A_568 = vector.shape_cast %swap3A_567 : vector<1x16xf32> to vector<16xf32>
        %swap3A_569 = vector.shape_cast %mul3A_564 : vector<16xf32> to vector<1x16xf32>
        tpu.vector_store %arg12[%swap3A_565, %swap3A_566], %swap3A_569 {strides = array<i32>} : memref<128x128xf32, #tpu.memory_space<vmem>>, vector<1x16xf32>,
        %get3A_570 = arith.index_cast %add3A_533 : i32 to index
        %get3A_571 = arith.constant 32 : index
        %get3A_572 = tpu.vector_load %arg12[%get3A_570, %get3A_571] {strides = array<i32>} : memref<128x128xf32, #tpu.memory_space<vmem>>, vector<1x16xf32>,
        %get3A_573 = vector.shape_cast %get3A_572 : vector<1x16xf32> to vector<16xf32>
        %slice3A_574 = vector.extract_strided_slice %get3A_543 {offsets = [2], sizes = [1], strides = [1]} : vector<16xf32> to vector<1xf32>
        %squeeze3A_575 = vector.extract %slice3A_574[0] : f32 from vector<1xf32>
        %broadcast_in_dim3A_576 = vector.broadcast %squeeze3A_575 : f32 to vector<16xf32>
        %mul3A_577 = arith.mulf %get3A_573, %broadcast_in_dim3A_576 : vector<16xf32>
        %swap3A_578 = arith.index_cast %add3A_533 : i32 to index
        %swap3A_579 = arith.constant 32 : index
        %swap3A_580 = tpu.vector_load %arg12[%swap3A_578, %swap3A_579] {strides = array<i32>} : memref<128x128xf32, #tpu.memory_space<vmem>>, vector<1x16xf32>,
        %swap3A_581 = vector.shape_cast %swap3A_580 : vector<1x16xf32> to vector<16xf32>
        %swap3A_582 = vector.shape_cast %mul3A_577 : vector<16xf32> to vector<1x16xf32>
        tpu.vector_store %arg12[%swap3A_578, %swap3A_579], %swap3A_582 {strides = array<i32>} : memref<128x128xf32, #tpu.memory_space<vmem>>, vector<1x16xf32>,
        %get3A_583 = arith.index_cast %add3A_533 : i32 to index
        %get3A_584 = arith.constant 48 : index
        %get3A_585 = tpu.vector_load %arg12[%get3A_583, %get3A_584] {strides = array<i32>} : memref<128x128xf32, #tpu.memory_space<vmem>>, vector<1x16xf32>,
        %get3A_586 = vector.shape_cast %get3A_585 : vector<1x16xf32> to vector<16xf32>
        %slice3A_587 = vector.extract_strided_slice %get3A_543 {offsets = [3], sizes = [1], strides = [1]} : vector<16xf32> to vector<1xf32>
        %squeeze3A_588 = vector.extract %slice3A_587[0] : f32 from vector<1xf32>
        %broadcast_in_dim3A_589 = vector.broadcast %squeeze3A_588 : f32 to vector<16xf32>
        %mul3A_590 = arith.mulf %get3A_586, %broadcast_in_dim3A_589 : vector<16xf32>
        %swap3A_591 = arith.index_cast %add3A_533 : i32 to index
        %swap3A_592 = arith.constant 48 : index
        %swap3A_593 = tpu.vector_load %arg12[%swap3A_591, %swap3A_592] {strides = array<i32>} : memref<128x128xf32, #tpu.memory_space<vmem>>, vector<1x16xf32>,
        %swap3A_594 = vector.shape_cast %swap3A_593 : vector<1x16xf32> to vector<16xf32>
        %swap3A_595 = vector.shape_cast %mul3A_590 : vector<16xf32> to vector<1x16xf32>
        tpu.vector_store %arg12[%swap3A_591, %swap3A_592], %swap3A_595 {strides = array<i32>} : memref<128x128xf32, #tpu.memory_space<vmem>>, vector<1x16xf32>,
        %get3A_596 = arith.index_cast %add3A_533 : i32 to index
        %get3A_597 = arith.constant 64 : index
        %get3A_598 = tpu.vector_load %arg12[%get3A_596, %get3A_597] {strides = array<i32>} : memref<128x128xf32, #tpu.memory_space<vmem>>, vector<1x16xf32>,
        %get3A_599 = vector.shape_cast %get3A_598 : vector<1x16xf32> to vector<16xf32>
        %slice3A_600 = vector.extract_strided_slice %get3A_543 {offsets = [4], sizes = [1], strides = [1]} : vector<16xf32> to vector<1xf32>
        %squeeze3A_601 = vector.extract %slice3A_600[0] : f32 from vector<1xf32>
        %broadcast_in_dim3A_602 = vector.broadcast %squeeze3A_601 : f32 to vector<16xf32>
        %mul3A_603 = arith.mulf %get3A_599, %broadcast_in_dim3A_602 : vector<16xf32>
        %swap3A_604 = arith.index_cast %add3A_533 : i32 to index
        %swap3A_605 = arith.constant 64 : index
        %swap3A_606 = tpu.vector_load %arg12[%swap3A_604, %swap3A_605] {strides = array<i32>} : memref<128x128xf32, #tpu.memory_space<vmem>>, vector<1x16xf32>,
        %swap3A_607 = vector.shape_cast %swap3A_606 : vector<1x16xf32> to vector<16xf32>
        %swap3A_608 = vector.shape_cast %mul3A_603 : vector<16xf32> to vector<1x16xf32>
        tpu.vector_store %arg12[%swap3A_604, %swap3A_605], %swap3A_608 {strides = array<i32>} : memref<128x128xf32, #tpu.memory_space<vmem>>, vector<1x16xf32>,
        %get3A_609 = arith.index_cast %add3A_533 : i32 to index
        %get3A_610 = arith.constant 80 : index
        %get3A_611 = tpu.vector_load %arg12[%get3A_609, %get3A_610] {strides = array<i32>} : memref<128x128xf32, #tpu.memory_space<vmem>>, vector<1x16xf32>,
        %get3A_612 = vector.shape_cast %get3A_611 : vector<1x16xf32> to vector<16xf32>
        %slice3A_613 = vector.extract_strided_slice %get3A_543 {offsets = [5], sizes = [1], strides = [1]} : vector<16xf32> to vector<1xf32>
        %squeeze3A_614 = vector.extract %slice3A_613[0] : f32 from vector<1xf32>
        %broadcast_in_dim3A_615 = vector.broadcast %squeeze3A_614 : f32 to vector<16xf32>
        %mul3A_616 = arith.mulf %get3A_612, %broadcast_in_dim3A_615 : vector<16xf32>
        %swap3A_617 = arith.index_cast %add3A_533 : i32 to index
        %swap3A_618 = arith.constant 80 : index
        %swap3A_619 = tpu.vector_load %arg12[%swap3A_617, %swap3A_618] {strides = array<i32>} : memref<128x128xf32, #tpu.memory_space<vmem>>, vector<1x16xf32>,
        %swap3A_620 = vector.shape_cast %swap3A_619 : vector<1x16xf32> to vector<16xf32>
        %swap3A_621 = vector.shape_cast %mul3A_616 : vector<16xf32> to vector<1x16xf32>
        tpu.vector_store %arg12[%swap3A_617, %swap3A_618], %swap3A_621 {strides = array<i32>} : memref<128x128xf32, #tpu.memory_space<vmem>>, vector<1x16xf32>,
        %get3A_622 = arith.index_cast %add3A_533 : i32 to index
        %get3A_623 = arith.constant 96 : index
        %get3A_624 = tpu.vector_load %arg12[%get3A_622, %get3A_623] {strides = array<i32>} : memref<128x128xf32, #tpu.memory_space<vmem>>, vector<1x16xf32>,
        %get3A_625 = vector.shape_cast %get3A_624 : vector<1x16xf32> to vector<16xf32>
        %slice3A_626 = vector.extract_strided_slice %get3A_543 {offsets = [6], sizes = [1], strides = [1]} : vector<16xf32> to vector<1xf32>
        %squeeze3A_627 = vector.extract %slice3A_626[0] : f32 from vector<1xf32>
        %broadcast_in_dim3A_628 = vector.broadcast %squeeze3A_627 : f32 to vector<16xf32>
        %mul3A_629 = arith.mulf %get3A_625, %broadcast_in_dim3A_628 : vector<16xf32>
        %swap3A_630 = arith.index_cast %add3A_533 : i32 to index
        %swap3A_631 = arith.constant 96 : index
        %swap3A_632 = tpu.vector_load %arg12[%swap3A_630, %swap3A_631] {strides = array<i32>} : memref<128x128xf32, #tpu.memory_space<vmem>>, vector<1x16xf32>,
        %swap3A_633 = vector.shape_cast %swap3A_632 : vector<1x16xf32> to vector<16xf32>
        %swap3A_634 = vector.shape_cast %mul3A_629 : vector<16xf32> to vector<1x16xf32>
        tpu.vector_store %arg12[%swap3A_630, %swap3A_631], %swap3A_634 {strides = array<i32>} : memref<128x128xf32, #tpu.memory_space<vmem>>, vector<1x16xf32>,
        %get3A_635 = arith.index_cast %add3A_533 : i32 to index
        %get3A_636 = arith.constant 112 : index
        %get3A_637 = tpu.vector_load %arg12[%get3A_635, %get3A_636] {strides = array<i32>} : memref<128x128xf32, #tpu.memory_space<vmem>>, vector<1x16xf32>,
        %get3A_638 = vector.shape_cast %get3A_637 : vector<1x16xf32> to vector<16xf32>
        %slice3A_639 = vector.extract_strided_slice %get3A_543 {offsets = [7], sizes = [1], strides = [1]} : vector<16xf32> to vector<1xf32>
        %squeeze3A_640 = vector.extract %slice3A_639[0] : f32 from vector<1xf32>
        %broadcast_in_dim3A_641 = vector.broadcast %squeeze3A_640 : f32 to vector<16xf32>
        %mul3A_642 = arith.mulf %get3A_638, %broadcast_in_dim3A_641 : vector<16xf32>
        %swap3A_643 = arith.index_cast %add3A_533 : i32 to index
        %swap3A_644 = arith.constant 112 : index
        %swap3A_645 = tpu.vector_load %arg12[%swap3A_643, %swap3A_644] {strides = array<i32>} : memref<128x128xf32, #tpu.memory_space<vmem>>, vector<1x16xf32>,
        %swap3A_646 = vector.shape_cast %swap3A_645 : vector<1x16xf32> to vector<16xf32>
        %swap3A_647 = vector.shape_cast %mul3A_642 : vector<16xf32> to vector<1x16xf32>
        tpu.vector_store %arg12[%swap3A_643, %swap3A_644], %swap3A_647 {strides = array<i32>} : memref<128x128xf32, #tpu.memory_space<vmem>>, vector<1x16xf32>,
        %mul3A_648 = arith.constant 16 : i32
        %mul3A_649 = arith.muli %scan3A_172, %mul3A_648 : i32
        %add3A_650 = arith.constant 4 : i32
        %add3A_651 = arith.addi %mul3A_649, %add3A_650 : i32
        %slice3A_652 = vector.extract_strided_slice %get3A_178 {offsets = [4], sizes = [1], strides = [1]} : vector<16xi32> to vector<1xi32>
        %squeeze3A_653 = vector.extract %slice3A_652[0] : i32 from vector<1xi32>
        %and3A_654 = arith.constant 7 : i32
        %and3A_655 = arith.andi %squeeze3A_653, %and3A_654 : i32
        %mul3A_656 = arith.constant 16 : i32
        %mul3A_657 = arith.muli %and3A_655, %mul3A_656 : i32
        %get3A_658 = arith.index_cast %add3A_651 : i32 to index
        %get3A_659 = arith.index_cast %mul3A_657 : i32 to index
        %get3A_660 = tpu.vector_load %arg13[%get3A_658, %get3A_659] {strides = array<i32>} : memref<128x128xf32, #tpu.memory_space<vmem>>, vector<1x16xf32>,
        %get3A_661 = vector.shape_cast %get3A_660 : vector<1x16xf32> to vector<16xf32>
        %get3A_662 = arith.index_cast %add3A_651 : i32 to index
        %get3A_663 = arith.constant 0 : index
        %get3A_664 = tpu.vector_load %arg12[%get3A_662, %get3A_663] {strides = array<i32>} : memref<128x128xf32, #tpu.memory_space<vmem>>, vector<1x16xf32>,
        %get3A_665 = vector.shape_cast %get3A_664 : vector<1x16xf32> to vector<16xf32>
        %slice3A_666 = vector.extract_strided_slice %get3A_661 {offsets = [0], sizes = [1], strides = [1]} : vector<16xf32> to vector<1xf32>
        %squeeze3A_667 = vector.extract %slice3A_666[0] : f32 from vector<1xf32>
        %broadcast_in_dim3A_668 = vector.broadcast %squeeze3A_667 : f32 to vector<16xf32>
        %mul3A_669 = arith.mulf %get3A_665, %broadcast_in_dim3A_668 : vector<16xf32>
        %swap3A_670 = arith.index_cast %add3A_651 : i32 to index
        %swap3A_671 = arith.constant 0 : index
        %swap3A_672 = tpu.vector_load %arg12[%swap3A_670, %swap3A_671] {strides = array<i32>} : memref<128x128xf32, #tpu.memory_space<vmem>>, vector<1x16xf32>,
        %swap3A_673 = vector.shape_cast %swap3A_672 : vector<1x16xf32> to vector<16xf32>
        %swap3A_674 = vector.shape_cast %mul3A_669 : vector<16xf32> to vector<1x16xf32>
        tpu.vector_store %arg12[%swap3A_670, %swap3A_671], %swap3A_674 {strides = array<i32>} : memref<128x128xf32, #tpu.memory_space<vmem>>, vector<1x16xf32>,
        %get3A_675 = arith.index_cast %add3A_651 : i32 to index
        %get3A_676 = arith.constant 16 : index
        %get3A_677 = tpu.vector_load %arg12[%get3A_675, %get3A_676] {strides = array<i32>} : memref<128x128xf32, #tpu.memory_space<vmem>>, vector<1x16xf32>,
        %get3A_678 = vector.shape_cast %get3A_677 : vector<1x16xf32> to vector<16xf32>
        %slice3A_679 = vector.extract_strided_slice %get3A_661 {offsets = [1], sizes = [1], strides = [1]} : vector<16xf32> to vector<1xf32>
        %squeeze3A_680 = vector.extract %slice3A_679[0] : f32 from vector<1xf32>
        %broadcast_in_dim3A_681 = vector.broadcast %squeeze3A_680 : f32 to vector<16xf32>
        %mul3A_682 = arith.mulf %get3A_678, %broadcast_in_dim3A_681 : vector<16xf32>
        %swap3A_683 = arith.index_cast %add3A_651 : i32 to index
        %swap3A_684 = arith.constant 16 : index
        %swap3A_685 = tpu.vector_load %arg12[%swap3A_683, %swap3A_684] {strides = array<i32>} : memref<128x128xf32, #tpu.memory_space<vmem>>, vector<1x16xf32>,
        %swap3A_686 = vector.shape_cast %swap3A_685 : vector<1x16xf32> to vector<16xf32>
        %swap3A_687 = vector.shape_cast %mul3A_682 : vector<16xf32> to vector<1x16xf32>
        tpu.vector_store %arg12[%swap3A_683, %swap3A_684], %swap3A_687 {strides = array<i32>} : memref<128x128xf32, #tpu.memory_space<vmem>>, vector<1x16xf32>,
        %get3A_688 = arith.index_cast %add3A_651 : i32 to index
        %get3A_689 = arith.constant 32 : index
        %get3A_690 = tpu.vector_load %arg12[%get3A_688, %get3A_689] {strides = array<i32>} : memref<128x128xf32, #tpu.memory_space<vmem>>, vector<1x16xf32>,
        %get3A_691 = vector.shape_cast %get3A_690 : vector<1x16xf32> to vector<16xf32>
        %slice3A_692 = vector.extract_strided_slice %get3A_661 {offsets = [2], sizes = [1], strides = [1]} : vector<16xf32> to vector<1xf32>
        %squeeze3A_693 = vector.extract %slice3A_692[0] : f32 from vector<1xf32>
        %broadcast_in_dim3A_694 = vector.broadcast %squeeze3A_693 : f32 to vector<16xf32>
        %mul3A_695 = arith.mulf %get3A_691, %broadcast_in_dim3A_694 : vector<16xf32>
        %swap3A_696 = arith.index_cast %add3A_651 : i32 to index
        %swap3A_697 = arith.constant 32 : index
        %swap3A_698 = tpu.vector_load %arg12[%swap3A_696, %swap3A_697] {strides = array<i32>} : memref<128x128xf32, #tpu.memory_space<vmem>>, vector<1x16xf32>,
        %swap3A_699 = vector.shape_cast %swap3A_698 : vector<1x16xf32> to vector<16xf32>
        %swap3A_700 = vector.shape_cast %mul3A_695 : vector<16xf32> to vector<1x16xf32>
        tpu.vector_store %arg12[%swap3A_696, %swap3A_697], %swap3A_700 {strides = array<i32>} : memref<128x128xf32, #tpu.memory_space<vmem>>, vector<1x16xf32>,
        %get3A_701 = arith.index_cast %add3A_651 : i32 to index
        %get3A_702 = arith.constant 48 : index
        %get3A_703 = tpu.vector_load %arg12[%get3A_701, %get3A_702] {strides = array<i32>} : memref<128x128xf32, #tpu.memory_space<vmem>>, vector<1x16xf32>,
        %get3A_704 = vector.shape_cast %get3A_703 : vector<1x16xf32> to vector<16xf32>
        %slice3A_705 = vector.extract_strided_slice %get3A_661 {offsets = [3], sizes = [1], strides = [1]} : vector<16xf32> to vector<1xf32>
        %squeeze3A_706 = vector.extract %slice3A_705[0] : f32 from vector<1xf32>
        %broadcast_in_dim3A_707 = vector.broadcast %squeeze3A_706 : f32 to vector<16xf32>
        %mul3A_708 = arith.mulf %get3A_704, %broadcast_in_dim3A_707 : vector<16xf32>
        %swap3A_709 = arith.index_cast %add3A_651 : i32 to index
        %swap3A_710 = arith.constant 48 : index
        %swap3A_711 = tpu.vector_load %arg12[%swap3A_709, %swap3A_710] {strides = array<i32>} : memref<128x128xf32, #tpu.memory_space<vmem>>, vector<1x16xf32>,
        %swap3A_712 = vector.shape_cast %swap3A_711 : vector<1x16xf32> to vector<16xf32>
        %swap3A_713 = vector.shape_cast %mul3A_708 : vector<16xf32> to vector<1x16xf32>
        tpu.vector_store %arg12[%swap3A_709, %swap3A_710], %swap3A_713 {strides = array<i32>} : memref<128x128xf32, #tpu.memory_space<vmem>>, vector<1x16xf32>,
        %get3A_714 = arith.index_cast %add3A_651 : i32 to index
        %get3A_715 = arith.constant 64 : index
        %get3A_716 = tpu.vector_load %arg12[%get3A_714, %get3A_715] {strides = array<i32>} : memref<128x128xf32, #tpu.memory_space<vmem>>, vector<1x16xf32>,
        %get3A_717 = vector.shape_cast %get3A_716 : vector<1x16xf32> to vector<16xf32>
        %slice3A_718 = vector.extract_strided_slice %get3A_661 {offsets = [4], sizes = [1], strides = [1]} : vector<16xf32> to vector<1xf32>
        %squeeze3A_719 = vector.extract %slice3A_718[0] : f32 from vector<1xf32>
        %broadcast_in_dim3A_720 = vector.broadcast %squeeze3A_719 : f32 to vector<16xf32>
        %mul3A_721 = arith.mulf %get3A_717, %broadcast_in_dim3A_720 : vector<16xf32>
        %swap3A_722 = arith.index_cast %add3A_651 : i32 to index
        %swap3A_723 = arith.constant 64 : index
        %swap3A_724 = tpu.vector_load %arg12[%swap3A_722, %swap3A_723] {strides = array<i32>} : memref<128x128xf32, #tpu.memory_space<vmem>>, vector<1x16xf32>,
        %swap3A_725 = vector.shape_cast %swap3A_724 : vector<1x16xf32> to vector<16xf32>
        %swap3A_726 = vector.shape_cast %mul3A_721 : vector<16xf32> to vector<1x16xf32>
        tpu.vector_store %arg12[%swap3A_722, %swap3A_723], %swap3A_726 {strides = array<i32>} : memref<128x128xf32, #tpu.memory_space<vmem>>, vector<1x16xf32>,
        %get3A_727 = arith.index_cast %add3A_651 : i32 to index
        %get3A_728 = arith.constant 80 : index
        %get3A_729 = tpu.vector_load %arg12[%get3A_727, %get3A_728] {strides = array<i32>} : memref<128x128xf32, #tpu.memory_space<vmem>>, vector<1x16xf32>,
        %get3A_730 = vector.shape_cast %get3A_729 : vector<1x16xf32> to vector<16xf32>
        %slice3A_731 = vector.extract_strided_slice %get3A_661 {offsets = [5], sizes = [1], strides = [1]} : vector<16xf32> to vector<1xf32>
        %squeeze3A_732 = vector.extract %slice3A_731[0] : f32 from vector<1xf32>
        %broadcast_in_dim3A_733 = vector.broadcast %squeeze3A_732 : f32 to vector<16xf32>
        %mul3A_734 = arith.mulf %get3A_730, %broadcast_in_dim3A_733 : vector<16xf32>
        %swap3A_735 = arith.index_cast %add3A_651 : i32 to index
        %swap3A_736 = arith.constant 80 : index
        %swap3A_737 = tpu.vector_load %arg12[%swap3A_735, %swap3A_736] {strides = array<i32>} : memref<128x128xf32, #tpu.memory_space<vmem>>, vector<1x16xf32>,
        %swap3A_738 = vector.shape_cast %swap3A_737 : vector<1x16xf32> to vector<16xf32>
        %swap3A_739 = vector.shape_cast %mul3A_734 : vector<16xf32> to vector<1x16xf32>
        tpu.vector_store %arg12[%swap3A_735, %swap3A_736], %swap3A_739 {strides = array<i32>} : memref<128x128xf32, #tpu.memory_space<vmem>>, vector<1x16xf32>,
        %get3A_740 = arith.index_cast %add3A_651 : i32 to index
        %get3A_741 = arith.constant 96 : index
        %get3A_742 = tpu.vector_load %arg12[%get3A_740, %get3A_741] {strides = array<i32>} : memref<128x128xf32, #tpu.memory_space<vmem>>, vector<1x16xf32>,
        %get3A_743 = vector.shape_cast %get3A_742 : vector<1x16xf32> to vector<16xf32>
        %slice3A_744 = vector.extract_strided_slice %get3A_661 {offsets = [6], sizes = [1], strides = [1]} : vector<16xf32> to vector<1xf32>
        %squeeze3A_745 = vector.extract %slice3A_744[0] : f32 from vector<1xf32>
        %broadcast_in_dim3A_746 = vector.broadcast %squeeze3A_745 : f32 to vector<16xf32>
        %mul3A_747 = arith.mulf %get3A_743, %broadcast_in_dim3A_746 : vector<16xf32>
        %swap3A_748 = arith.index_cast %add3A_651 : i32 to index
        %swap3A_749 = arith.constant 96 : index
        %swap3A_750 = tpu.vector_load %arg12[%swap3A_748, %swap3A_749] {strides = array<i32>} : memref<128x128xf32, #tpu.memory_space<vmem>>, vector<1x16xf32>,
        %swap3A_751 = vector.shape_cast %swap3A_750 : vector<1x16xf32> to vector<16xf32>
        %swap3A_752 = vector.shape_cast %mul3A_747 : vector<16xf32> to vector<1x16xf32>
        tpu.vector_store %arg12[%swap3A_748, %swap3A_749], %swap3A_752 {strides = array<i32>} : memref<128x128xf32, #tpu.memory_space<vmem>>, vector<1x16xf32>,
        %get3A_753 = arith.index_cast %add3A_651 : i32 to index
        %get3A_754 = arith.constant 112 : index
        %get3A_755 = tpu.vector_load %arg12[%get3A_753, %get3A_754] {strides = array<i32>} : memref<128x128xf32, #tpu.memory_space<vmem>>, vector<1x16xf32>,
        %get3A_756 = vector.shape_cast %get3A_755 : vector<1x16xf32> to vector<16xf32>
        %slice3A_757 = vector.extract_strided_slice %get3A_661 {offsets = [7], sizes = [1], strides = [1]} : vector<16xf32> to vector<1xf32>
        %squeeze3A_758 = vector.extract %slice3A_757[0] : f32 from vector<1xf32>
        %broadcast_in_dim3A_759 = vector.broadcast %squeeze3A_758 : f32 to vector<16xf32>
        %mul3A_760 = arith.mulf %get3A_756, %broadcast_in_dim3A_759 : vector<16xf32>
        %swap3A_761 = arith.index_cast %add3A_651 : i32 to index
        %swap3A_762 = arith.constant 112 : index
        %swap3A_763 = tpu.vector_load %arg12[%swap3A_761, %swap3A_762] {strides = array<i32>} : memref<128x128xf32, #tpu.memory_space<vmem>>, vector<1x16xf32>,
        %swap3A_764 = vector.shape_cast %swap3A_763 : vector<1x16xf32> to vector<16xf32>
        %swap3A_765 = vector.shape_cast %mul3A_760 : vector<16xf32> to vector<1x16xf32>
        tpu.vector_store %arg12[%swap3A_761, %swap3A_762], %swap3A_765 {strides = array<i32>} : memref<128x128xf32, #tpu.memory_space<vmem>>, vector<1x16xf32>,
        %mul3A_766 = arith.constant 16 : i32
        %mul3A_767 = arith.muli %scan3A_172, %mul3A_766 : i32
        %add3A_768 = arith.constant 5 : i32
        %add3A_769 = arith.addi %mul3A_767, %add3A_768 : i32
        %slice3A_770 = vector.extract_strided_slice %get3A_178 {offsets = [5], sizes = [1], strides = [1]} : vector<16xi32> to vector<1xi32>
        %squeeze3A_771 = vector.extract %slice3A_770[0] : i32 from vector<1xi32>
        %and3A_772 = arith.constant 7 : i32
        %and3A_773 = arith.andi %squeeze3A_771, %and3A_772 : i32
        %mul3A_774 = arith.constant 16 : i32
        %mul3A_775 = arith.muli %and3A_773, %mul3A_774 : i32
        %get3A_776 = arith.index_cast %add3A_769 : i32 to index
        %get3A_777 = arith.index_cast %mul3A_775 : i32 to index
        %get3A_778 = tpu.vector_load %arg13[%get3A_776, %get3A_777] {strides = array<i32>} : memref<128x128xf32, #tpu.memory_space<vmem>>, vector<1x16xf32>,
        %get3A_779 = vector.shape_cast %get3A_778 : vector<1x16xf32> to vector<16xf32>
        %get3A_780 = arith.index_cast %add3A_769 : i32 to index
        %get3A_781 = arith.constant 0 : index
        %get3A_782 = tpu.vector_load %arg12[%get3A_780, %get3A_781] {strides = array<i32>} : memref<128x128xf32, #tpu.memory_space<vmem>>, vector<1x16xf32>,
        %get3A_783 = vector.shape_cast %get3A_782 : vector<1x16xf32> to vector<16xf32>
        %slice3A_784 = vector.extract_strided_slice %get3A_779 {offsets = [0], sizes = [1], strides = [1]} : vector<16xf32> to vector<1xf32>
        %squeeze3A_785 = vector.extract %slice3A_784[0] : f32 from vector<1xf32>
        %broadcast_in_dim3A_786 = vector.broadcast %squeeze3A_785 : f32 to vector<16xf32>
        %mul3A_787 = arith.mulf %get3A_783, %broadcast_in_dim3A_786 : vector<16xf32>
        %swap3A_788 = arith.index_cast %add3A_769 : i32 to index
        %swap3A_789 = arith.constant 0 : index
        %swap3A_790 = tpu.vector_load %arg12[%swap3A_788, %swap3A_789] {strides = array<i32>} : memref<128x128xf32, #tpu.memory_space<vmem>>, vector<1x16xf32>,
        %swap3A_791 = vector.shape_cast %swap3A_790 : vector<1x16xf32> to vector<16xf32>
        %swap3A_792 = vector.shape_cast %mul3A_787 : vector<16xf32> to vector<1x16xf32>
        tpu.vector_store %arg12[%swap3A_788, %swap3A_789], %swap3A_792 {strides = array<i32>} : memref<128x128xf32, #tpu.memory_space<vmem>>, vector<1x16xf32>,
        %get3A_793 = arith.index_cast %add3A_769 : i32 to index
        %get3A_794 = arith.constant 16 : index
        %get3A_795 = tpu.vector_load %arg12[%get3A_793, %get3A_794] {strides = array<i32>} : memref<128x128xf32, #tpu.memory_space<vmem>>, vector<1x16xf32>,
        %get3A_796 = vector.shape_cast %get3A_795 : vector<1x16xf32> to vector<16xf32>
        %slice3A_797 = vector.extract_strided_slice %get3A_779 {offsets = [1], sizes = [1], strides = [1]} : vector<16xf32> to vector<1xf32>
        %squeeze3A_798 = vector.extract %slice3A_797[0] : f32 from vector<1xf32>
        %broadcast_in_dim3A_799 = vector.broadcast %squeeze3A_798 : f32 to vector<16xf32>
        %mul3A_800 = arith.mulf %get3A_796, %broadcast_in_dim3A_799 : vector<16xf32>
        %swap3A_801 = arith.index_cast %add3A_769 : i32 to index
        %swap3A_802 = arith.constant 16 : index
        %swap3A_803 = tpu.vector_load %arg12[%swap3A_801, %swap3A_802] {strides = array<i32>} : memref<128x128xf32, #tpu.memory_space<vmem>>, vector<1x16xf32>,
        %swap3A_804 = vector.shape_cast %swap3A_803 : vector<1x16xf32> to vector<16xf32>
        %swap3A_805 = vector.shape_cast %mul3A_800 : vector<16xf32> to vector<1x16xf32>
        tpu.vector_store %arg12[%swap3A_801, %swap3A_802], %swap3A_805 {strides = array<i32>} : memref<128x128xf32, #tpu.memory_space<vmem>>, vector<1x16xf32>,
        %get3A_806 = arith.index_cast %add3A_769 : i32 to index
        %get3A_807 = arith.constant 32 : index
        %get3A_808 = tpu.vector_load %arg12[%get3A_806, %get3A_807] {strides = array<i32>} : memref<128x128xf32, #tpu.memory_space<vmem>>, vector<1x16xf32>,
        %get3A_809 = vector.shape_cast %get3A_808 : vector<1x16xf32> to vector<16xf32>
        %slice3A_810 = vector.extract_strided_slice %get3A_779 {offsets = [2], sizes = [1], strides = [1]} : vector<16xf32> to vector<1xf32>
        %squeeze3A_811 = vector.extract %slice3A_810[0] : f32 from vector<1xf32>
        %broadcast_in_dim3A_812 = vector.broadcast %squeeze3A_811 : f32 to vector<16xf32>
        %mul3A_813 = arith.mulf %get3A_809, %broadcast_in_dim3A_812 : vector<16xf32>
        %swap3A_814 = arith.index_cast %add3A_769 : i32 to index
        %swap3A_815 = arith.constant 32 : index
        %swap3A_816 = tpu.vector_load %arg12[%swap3A_814, %swap3A_815] {strides = array<i32>} : memref<128x128xf32, #tpu.memory_space<vmem>>, vector<1x16xf32>,
        %swap3A_817 = vector.shape_cast %swap3A_816 : vector<1x16xf32> to vector<16xf32>
        %swap3A_818 = vector.shape_cast %mul3A_813 : vector<16xf32> to vector<1x16xf32>
        tpu.vector_store %arg12[%swap3A_814, %swap3A_815], %swap3A_818 {strides = array<i32>} : memref<128x128xf32, #tpu.memory_space<vmem>>, vector<1x16xf32>,
        %get3A_819 = arith.index_cast %add3A_769 : i32 to index
        %get3A_820 = arith.constant 48 : index
        %get3A_821 = tpu.vector_load %arg12[%get3A_819, %get3A_820] {strides = array<i32>} : memref<128x128xf32, #tpu.memory_space<vmem>>, vector<1x16xf32>,
        %get3A_822 = vector.shape_cast %get3A_821 : vector<1x16xf32> to vector<16xf32>
        %slice3A_823 = vector.extract_strided_slice %get3A_779 {offsets = [3], sizes = [1], strides = [1]} : vector<16xf32> to vector<1xf32>
        %squeeze3A_824 = vector.extract %slice3A_823[0] : f32 from vector<1xf32>
        %broadcast_in_dim3A_825 = vector.broadcast %squeeze3A_824 : f32 to vector<16xf32>
        %mul3A_826 = arith.mulf %get3A_822, %broadcast_in_dim3A_825 : vector<16xf32>
        %swap3A_827 = arith.index_cast %add3A_769 : i32 to index
        %swap3A_828 = arith.constant 48 : index
        %swap3A_829 = tpu.vector_load %arg12[%swap3A_827, %swap3A_828] {strides = array<i32>} : memref<128x128xf32, #tpu.memory_space<vmem>>, vector<1x16xf32>,
        %swap3A_830 = vector.shape_cast %swap3A_829 : vector<1x16xf32> to vector<16xf32>
        %swap3A_831 = vector.shape_cast %mul3A_826 : vector<16xf32> to vector<1x16xf32>
        tpu.vector_store %arg12[%swap3A_827, %swap3A_828], %swap3A_831 {strides = array<i32>} : memref<128x128xf32, #tpu.memory_space<vmem>>, vector<1x16xf32>,
        %get3A_832 = arith.index_cast %add3A_769 : i32 to index
        %get3A_833 = arith.constant 64 : index
        %get3A_834 = tpu.vector_load %arg12[%get3A_832, %get3A_833] {strides = array<i32>} : memref<128x128xf32, #tpu.memory_space<vmem>>, vector<1x16xf32>,
        %get3A_835 = vector.shape_cast %get3A_834 : vector<1x16xf32> to vector<16xf32>
        %slice3A_836 = vector.extract_strided_slice %get3A_779 {offsets = [4], sizes = [1], strides = [1]} : vector<16xf32> to vector<1xf32>
        %squeeze3A_837 = vector.extract %slice3A_836[0] : f32 from vector<1xf32>
        %broadcast_in_dim3A_838 = vector.broadcast %squeeze3A_837 : f32 to vector<16xf32>
        %mul3A_839 = arith.mulf %get3A_835, %broadcast_in_dim3A_838 : vector<16xf32>
        %swap3A_840 = arith.index_cast %add3A_769 : i32 to index
        %swap3A_841 = arith.constant 64 : index
        %swap3A_842 = tpu.vector_load %arg12[%swap3A_840, %swap3A_841] {strides = array<i32>} : memref<128x128xf32, #tpu.memory_space<vmem>>, vector<1x16xf32>,
        %swap3A_843 = vector.shape_cast %swap3A_842 : vector<1x16xf32> to vector<16xf32>
        %swap3A_844 = vector.shape_cast %mul3A_839 : vector<16xf32> to vector<1x16xf32>
        tpu.vector_store %arg12[%swap3A_840, %swap3A_841], %swap3A_844 {strides = array<i32>} : memref<128x128xf32, #tpu.memory_space<vmem>>, vector<1x16xf32>,
        %get3A_845 = arith.index_cast %add3A_769 : i32 to index
        %get3A_846 = arith.constant 80 : index
        %get3A_847 = tpu.vector_load %arg12[%get3A_845, %get3A_846] {strides = array<i32>} : memref<128x128xf32, #tpu.memory_space<vmem>>, vector<1x16xf32>,
        %get3A_848 = vector.shape_cast %get3A_847 : vector<1x16xf32> to vector<16xf32>
        %slice3A_849 = vector.extract_strided_slice %get3A_779 {offsets = [5], sizes = [1], strides = [1]} : vector<16xf32> to vector<1xf32>
        %squeeze3A_850 = vector.extract %slice3A_849[0] : f32 from vector<1xf32>
        %broadcast_in_dim3A_851 = vector.broadcast %squeeze3A_850 : f32 to vector<16xf32>
        %mul3A_852 = arith.mulf %get3A_848, %broadcast_in_dim3A_851 : vector<16xf32>
        %swap3A_853 = arith.index_cast %add3A_769 : i32 to index
        %swap3A_854 = arith.constant 80 : index
        %swap3A_855 = tpu.vector_load %arg12[%swap3A_853, %swap3A_854] {strides = array<i32>} : memref<128x128xf32, #tpu.memory_space<vmem>>, vector<1x16xf32>,
        %swap3A_856 = vector.shape_cast %swap3A_855 : vector<1x16xf32> to vector<16xf32>
        %swap3A_857 = vector.shape_cast %mul3A_852 : vector<16xf32> to vector<1x16xf32>
        tpu.vector_store %arg12[%swap3A_853, %swap3A_854], %swap3A_857 {strides = array<i32>} : memref<128x128xf32, #tpu.memory_space<vmem>>, vector<1x16xf32>,
        %get3A_858 = arith.index_cast %add3A_769 : i32 to index
        %get3A_859 = arith.constant 96 : index
        %get3A_860 = tpu.vector_load %arg12[%get3A_858, %get3A_859] {strides = array<i32>} : memref<128x128xf32, #tpu.memory_space<vmem>>, vector<1x16xf32>,
        %get3A_861 = vector.shape_cast %get3A_860 : vector<1x16xf32> to vector<16xf32>
        %slice3A_862 = vector.extract_strided_slice %get3A_779 {offsets = [6], sizes = [1], strides = [1]} : vector<16xf32> to vector<1xf32>
        %squeeze3A_863 = vector.extract %slice3A_862[0] : f32 from vector<1xf32>
        %broadcast_in_dim3A_864 = vector.broadcast %squeeze3A_863 : f32 to vector<16xf32>
        %mul3A_865 = arith.mulf %get3A_861, %broadcast_in_dim3A_864 : vector<16xf32>
        %swap3A_866 = arith.index_cast %add3A_769 : i32 to index
        %swap3A_867 = arith.constant 96 : index
        %swap3A_868 = tpu.vector_load %arg12[%swap3A_866, %swap3A_867] {strides = array<i32>} : memref<128x128xf32, #tpu.memory_space<vmem>>, vector<1x16xf32>,
        %swap3A_869 = vector.shape_cast %swap3A_868 : vector<1x16xf32> to vector<16xf32>
        %swap3A_870 = vector.shape_cast %mul3A_865 : vector<16xf32> to vector<1x16xf32>
        tpu.vector_store %arg12[%swap3A_866, %swap3A_867], %swap3A_870 {strides = array<i32>} : memref<128x128xf32, #tpu.memory_space<vmem>>, vector<1x16xf32>,
        %get3A_871 = arith.index_cast %add3A_769 : i32 to index
        %get3A_872 = arith.constant 112 : index
        %get3A_873 = tpu.vector_load %arg12[%get3A_871, %get3A_872] {strides = array<i32>} : memref<128x128xf32, #tpu.memory_space<vmem>>, vector<1x16xf32>,
        %get3A_874 = vector.shape_cast %get3A_873 : vector<1x16xf32> to vector<16xf32>
        %slice3A_875 = vector.extract_strided_slice %get3A_779 {offsets = [7], sizes = [1], strides = [1]} : vector<16xf32> to vector<1xf32>
        %squeeze3A_876 = vector.extract %slice3A_875[0] : f32 from vector<1xf32>
        %broadcast_in_dim3A_877 = vector.broadcast %squeeze3A_876 : f32 to vector<16xf32>
        %mul3A_878 = arith.mulf %get3A_874, %broadcast_in_dim3A_877 : vector<16xf32>
        %swap3A_879 = arith.index_cast %add3A_769 : i32 to index
        %swap3A_880 = arith.constant 112 : index
        %swap3A_881 = tpu.vector_load %arg12[%swap3A_879, %swap3A_880] {strides = array<i32>} : memref<128x128xf32, #tpu.memory_space<vmem>>, vector<1x16xf32>,
        %swap3A_882 = vector.shape_cast %swap3A_881 : vector<1x16xf32> to vector<16xf32>
        %swap3A_883 = vector.shape_cast %mul3A_878 : vector<16xf32> to vector<1x16xf32>
        tpu.vector_store %arg12[%swap3A_879, %swap3A_880], %swap3A_883 {strides = array<i32>} : memref<128x128xf32, #tpu.memory_space<vmem>>, vector<1x16xf32>,
        %mul3A_884 = arith.constant 16 : i32
        %mul3A_885 = arith.muli %scan3A_172, %mul3A_884 : i32
        %add3A_886 = arith.constant 6 : i32
        %add3A_887 = arith.addi %mul3A_885, %add3A_886 : i32
        %slice3A_888 = vector.extract_strided_slice %get3A_178 {offsets = [6], sizes = [1], strides = [1]} : vector<16xi32> to vector<1xi32>
        %squeeze3A_889 = vector.extract %slice3A_888[0] : i32 from vector<1xi32>
        %and3A_890 = arith.constant 7 : i32
        %and3A_891 = arith.andi %squeeze3A_889, %and3A_890 : i32
        %mul3A_892 = arith.constant 16 : i32
        %mul3A_893 = arith.muli %and3A_891, %mul3A_892 : i32
        %get3A_894 = arith.index_cast %add3A_887 : i32 to index
        %get3A_895 = arith.index_cast %mul3A_893 : i32 to index
        %get3A_896 = tpu.vector_load %arg13[%get3A_894, %get3A_895] {strides = array<i32>} : memref<128x128xf32, #tpu.memory_space<vmem>>, vector<1x16xf32>,
        %get3A_897 = vector.shape_cast %get3A_896 : vector<1x16xf32> to vector<16xf32>
        %get3A_898 = arith.index_cast %add3A_887 : i32 to index
        %get3A_899 = arith.constant 0 : index
        %get3A_900 = tpu.vector_load %arg12[%get3A_898, %get3A_899] {strides = array<i32>} : memref<128x128xf32, #tpu.memory_space<vmem>>, vector<1x16xf32>,
        %get3A_901 = vector.shape_cast %get3A_900 : vector<1x16xf32> to vector<16xf32>
        %slice3A_902 = vector.extract_strided_slice %get3A_897 {offsets = [0], sizes = [1], strides = [1]} : vector<16xf32> to vector<1xf32>
        %squeeze3A_903 = vector.extract %slice3A_902[0] : f32 from vector<1xf32>
        %broadcast_in_dim3A_904 = vector.broadcast %squeeze3A_903 : f32 to vector<16xf32>
        %mul3A_905 = arith.mulf %get3A_901, %broadcast_in_dim3A_904 : vector<16xf32>
        %swap3A_906 = arith.index_cast %add3A_887 : i32 to index
        %swap3A_907 = arith.constant 0 : index
        %swap3A_908 = tpu.vector_load %arg12[%swap3A_906, %swap3A_907] {strides = array<i32>} : memref<128x128xf32, #tpu.memory_space<vmem>>, vector<1x16xf32>,
        %swap3A_909 = vector.shape_cast %swap3A_908 : vector<1x16xf32> to vector<16xf32>
        %swap3A_910 = vector.shape_cast %mul3A_905 : vector<16xf32> to vector<1x16xf32>
        tpu.vector_store %arg12[%swap3A_906, %swap3A_907], %swap3A_910 {strides = array<i32>} : memref<128x128xf32, #tpu.memory_space<vmem>>, vector<1x16xf32>,
        %get3A_911 = arith.index_cast %add3A_887 : i32 to index
        %get3A_912 = arith.constant 16 : index
        %get3A_913 = tpu.vector_load %arg12[%get3A_911, %get3A_912] {strides = array<i32>} : memref<128x128xf32, #tpu.memory_space<vmem>>, vector<1x16xf32>,
        %get3A_914 = vector.shape_cast %get3A_913 : vector<1x16xf32> to vector<16xf32>
        %slice3A_915 = vector.extract_strided_slice %get3A_897 {offsets = [1], sizes = [1], strides = [1]} : vector<16xf32> to vector<1xf32>
        %squeeze3A_916 = vector.extract %slice3A_915[0] : f32 from vector<1xf32>
        %broadcast_in_dim3A_917 = vector.broadcast %squeeze3A_916 : f32 to vector<16xf32>
        %mul3A_918 = arith.mulf %get3A_914, %broadcast_in_dim3A_917 : vector<16xf32>
        %swap3A_919 = arith.index_cast %add3A_887 : i32 to index
        %swap3A_920 = arith.constant 16 : index
        %swap3A_921 = tpu.vector_load %arg12[%swap3A_919, %swap3A_920] {strides = array<i32>} : memref<128x128xf32, #tpu.memory_space<vmem>>, vector<1x16xf32>,
        %swap3A_922 = vector.shape_cast %swap3A_921 : vector<1x16xf32> to vector<16xf32>
        %swap3A_923 = vector.shape_cast %mul3A_918 : vector<16xf32> to vector<1x16xf32>
        tpu.vector_store %arg12[%swap3A_919, %swap3A_920], %swap3A_923 {strides = array<i32>} : memref<128x128xf32, #tpu.memory_space<vmem>>, vector<1x16xf32>,
        %get3A_924 = arith.index_cast %add3A_887 : i32 to index
        %get3A_925 = arith.constant 32 : index
        %get3A_926 = tpu.vector_load %arg12[%get3A_924, %get3A_925] {strides = array<i32>} : memref<128x128xf32, #tpu.memory_space<vmem>>, vector<1x16xf32>,
        %get3A_927 = vector.shape_cast %get3A_926 : vector<1x16xf32> to vector<16xf32>
        %slice3A_928 = vector.extract_strided_slice %get3A_897 {offsets = [2], sizes = [1], strides = [1]} : vector<16xf32> to vector<1xf32>
        %squeeze3A_929 = vector.extract %slice3A_928[0] : f32 from vector<1xf32>
        %broadcast_in_dim3A_930 = vector.broadcast %squeeze3A_929 : f32 to vector<16xf32>
        %mul3A_931 = arith.mulf %get3A_927, %broadcast_in_dim3A_930 : vector<16xf32>
        %swap3A_932 = arith.index_cast %add3A_887 : i32 to index
        %swap3A_933 = arith.constant 32 : index
        %swap3A_934 = tpu.vector_load %arg12[%swap3A_932, %swap3A_933] {strides = array<i32>} : memref<128x128xf32, #tpu.memory_space<vmem>>, vector<1x16xf32>,
        %swap3A_935 = vector.shape_cast %swap3A_934 : vector<1x16xf32> to vector<16xf32>
        %swap3A_936 = vector.shape_cast %mul3A_931 : vector<16xf32> to vector<1x16xf32>
        tpu.vector_store %arg12[%swap3A_932, %swap3A_933], %swap3A_936 {strides = array<i32>} : memref<128x128xf32, #tpu.memory_space<vmem>>, vector<1x16xf32>,
        %get3A_937 = arith.index_cast %add3A_887 : i32 to index
        %get3A_938 = arith.constant 48 : index
        %get3A_939 = tpu.vector_load %arg12[%get3A_937, %get3A_938] {strides = array<i32>} : memref<128x128xf32, #tpu.memory_space<vmem>>, vector<1x16xf32>,
        %get3A_940 = vector.shape_cast %get3A_939 : vector<1x16xf32> to vector<16xf32>
        %slice3A_941 = vector.extract_strided_slice %get3A_897 {offsets = [3], sizes = [1], strides = [1]} : vector<16xf32> to vector<1xf32>
        %squeeze3A_942 = vector.extract %slice3A_941[0] : f32 from vector<1xf32>
        %broadcast_in_dim3A_943 = vector.broadcast %squeeze3A_942 : f32 to vector<16xf32>
        %mul3A_944 = arith.mulf %get3A_940, %broadcast_in_dim3A_943 : vector<16xf32>
        %swap3A_945 = arith.index_cast %add3A_887 : i32 to index
        %swap3A_946 = arith.constant 48 : index
        %swap3A_947 = tpu.vector_load %arg12[%swap3A_945, %swap3A_946] {strides = array<i32>} : memref<128x128xf32, #tpu.memory_space<vmem>>, vector<1x16xf32>,
        %swap3A_948 = vector.shape_cast %swap3A_947 : vector<1x16xf32> to vector<16xf32>
        %swap3A_949 = vector.shape_cast %mul3A_944 : vector<16xf32> to vector<1x16xf32>
        tpu.vector_store %arg12[%swap3A_945, %swap3A_946], %swap3A_949 {strides = array<i32>} : memref<128x128xf32, #tpu.memory_space<vmem>>, vector<1x16xf32>,
        %get3A_950 = arith.index_cast %add3A_887 : i32 to index
        %get3A_951 = arith.constant 64 : index
        %get3A_952 = tpu.vector_load %arg12[%get3A_950, %get3A_951] {strides = array<i32>} : memref<128x128xf32, #tpu.memory_space<vmem>>, vector<1x16xf32>,
        %get3A_953 = vector.shape_cast %get3A_952 : vector<1x16xf32> to vector<16xf32>
        %slice3A_954 = vector.extract_strided_slice %get3A_897 {offsets = [4], sizes = [1], strides = [1]} : vector<16xf32> to vector<1xf32>
        %squeeze3A_955 = vector.extract %slice3A_954[0] : f32 from vector<1xf32>
        %broadcast_in_dim3A_956 = vector.broadcast %squeeze3A_955 : f32 to vector<16xf32>
        %mul3A_957 = arith.mulf %get3A_953, %broadcast_in_dim3A_956 : vector<16xf32>
        %swap3A_958 = arith.index_cast %add3A_887 : i32 to index
        %swap3A_959 = arith.constant 64 : index
        %swap3A_960 = tpu.vector_load %arg12[%swap3A_958, %swap3A_959] {strides = array<i32>} : memref<128x128xf32, #tpu.memory_space<vmem>>, vector<1x16xf32>,
        %swap3A_961 = vector.shape_cast %swap3A_960 : vector<1x16xf32> to vector<16xf32>
        %swap3A_962 = vector.shape_cast %mul3A_957 : vector<16xf32> to vector<1x16xf32>
        tpu.vector_store %arg12[%swap3A_958, %swap3A_959], %swap3A_962 {strides = array<i32>} : memref<128x128xf32, #tpu.memory_space<vmem>>, vector<1x16xf32>,
        %get3A_963 = arith.index_cast %add3A_887 : i32 to index
        %get3A_964 = arith.constant 80 : index
        %get3A_965 = tpu.vector_load %arg12[%get3A_963, %get3A_964] {strides = array<i32>} : memref<128x128xf32, #tpu.memory_space<vmem>>, vector<1x16xf32>,
        %get3A_966 = vector.shape_cast %get3A_965 : vector<1x16xf32> to vector<16xf32>
        %slice3A_967 = vector.extract_strided_slice %get3A_897 {offsets = [5], sizes = [1], strides = [1]} : vector<16xf32> to vector<1xf32>
        %squeeze3A_968 = vector.extract %slice3A_967[0] : f32 from vector<1xf32>
        %broadcast_in_dim3A_969 = vector.broadcast %squeeze3A_968 : f32 to vector<16xf32>
        %mul3A_970 = arith.mulf %get3A_966, %broadcast_in_dim3A_969 : vector<16xf32>
        %swap3A_971 = arith.index_cast %add3A_887 : i32 to index
        %swap3A_972 = arith.constant 80 : index
        %swap3A_973 = tpu.vector_load %arg12[%swap3A_971, %swap3A_972] {strides = array<i32>} : memref<128x128xf32, #tpu.memory_space<vmem>>, vector<1x16xf32>,
        %swap3A_974 = vector.shape_cast %swap3A_973 : vector<1x16xf32> to vector<16xf32>
        %swap3A_975 = vector.shape_cast %mul3A_970 : vector<16xf32> to vector<1x16xf32>
        tpu.vector_store %arg12[%swap3A_971, %swap3A_972], %swap3A_975 {strides = array<i32>} : memref<128x128xf32, #tpu.memory_space<vmem>>, vector<1x16xf32>,
        %get3A_976 = arith.index_cast %add3A_887 : i32 to index
        %get3A_977 = arith.constant 96 : index
        %get3A_978 = tpu.vector_load %arg12[%get3A_976, %get3A_977] {strides = array<i32>} : memref<128x128xf32, #tpu.memory_space<vmem>>, vector<1x16xf32>,
        %get3A_979 = vector.shape_cast %get3A_978 : vector<1x16xf32> to vector<16xf32>
        %slice3A_980 = vector.extract_strided_slice %get3A_897 {offsets = [6], sizes = [1], strides = [1]} : vector<16xf32> to vector<1xf32>
        %squeeze3A_981 = vector.extract %slice3A_980[0] : f32 from vector<1xf32>
        %broadcast_in_dim3A_982 = vector.broadcast %squeeze3A_981 : f32 to vector<16xf32>
        %mul3A_983 = arith.mulf %get3A_979, %broadcast_in_dim3A_982 : vector<16xf32>
        %swap3A_984 = arith.index_cast %add3A_887 : i32 to index
        %swap3A_985 = arith.constant 96 : index
        %swap3A_986 = tpu.vector_load %arg12[%swap3A_984, %swap3A_985] {strides = array<i32>} : memref<128x128xf32, #tpu.memory_space<vmem>>, vector<1x16xf32>,
        %swap3A_987 = vector.shape_cast %swap3A_986 : vector<1x16xf32> to vector<16xf32>
        %swap3A_988 = vector.shape_cast %mul3A_983 : vector<16xf32> to vector<1x16xf32>
        tpu.vector_store %arg12[%swap3A_984, %swap3A_985], %swap3A_988 {strides = array<i32>} : memref<128x128xf32, #tpu.memory_space<vmem>>, vector<1x16xf32>,
        %get3A_989 = arith.index_cast %add3A_887 : i32 to index
        %get3A_990 = arith.constant 112 : index
        %get3A_991 = tpu.vector_load %arg12[%get3A_989, %get3A_990] {strides = array<i32>} : memref<128x128xf32, #tpu.memory_space<vmem>>, vector<1x16xf32>,
        %get3A_992 = vector.shape_cast %get3A_991 : vector<1x16xf32> to vector<16xf32>
        %slice3A_993 = vector.extract_strided_slice %get3A_897 {offsets = [7], sizes = [1], strides = [1]} : vector<16xf32> to vector<1xf32>
        %squeeze3A_994 = vector.extract %slice3A_993[0] : f32 from vector<1xf32>
        %broadcast_in_dim3A_995 = vector.broadcast %squeeze3A_994 : f32 to vector<16xf32>
        %mul3A_996 = arith.mulf %get3A_992, %broadcast_in_dim3A_995 : vector<16xf32>
        %swap3A_997 = arith.index_cast %add3A_887 : i32 to index
        %swap3A_998 = arith.constant 112 : index
        %swap3A_999 = tpu.vector_load %arg12[%swap3A_997, %swap3A_998] {strides = array<i32>} : memref<128x128xf32, #tpu.memory_space<vmem>>, vector<1x16xf32>,
        %swap3A_1000 = vector.shape_cast %swap3A_999 : vector<1x16xf32> to vector<16xf32>
        %swap3A_1001 = vector.shape_cast %mul3A_996 : vector<16xf32> to vector<1x16xf32>
        tpu.vector_store %arg12[%swap3A_997, %swap3A_998], %swap3A_1001 {strides = array<i32>} : memref<128x128xf32, #tpu.memory_space<vmem>>, vector<1x16xf32>,
        %mul3A_1002 = arith.constant 16 : i32
        %mul3A_1003 = arith.muli %scan3A_172, %mul3A_1002 : i32
        %add3A_1004 = arith.constant 7 : i32
        %add3A_1005 = arith.addi %mul3A_1003, %add3A_1004 : i32
        %slice3A_1006 = vector.extract_strided_slice %get3A_178 {offsets = [7], sizes = [1], strides = [1]} : vector<16xi32> to vector<1xi32>
        %squeeze3A_1007 = vector.extract %slice3A_1006[0] : i32 from vector<1xi32>
        %and3A_1008 = arith.constant 7 : i32
        %and3A_1009 = arith.andi %squeeze3A_1007, %and3A_1008 : i32
        %mul3A_1010 = arith.constant 16 : i32
        %mul3A_1011 = arith.muli %and3A_1009, %mul3A_1010 : i32
        %get3A_1012 = arith.index_cast %add3A_1005 : i32 to index
        %get3A_1013 = arith.index_cast %mul3A_1011 : i32 to index
        %get3A_1014 = tpu.vector_load %arg13[%get3A_1012, %get3A_1013] {strides = array<i32>} : memref<128x128xf32, #tpu.memory_space<vmem>>, vector<1x16xf32>,
        %get3A_1015 = vector.shape_cast %get3A_1014 : vector<1x16xf32> to vector<16xf32>
        %get3A_1016 = arith.index_cast %add3A_1005 : i32 to index
        %get3A_1017 = arith.constant 0 : index
        %get3A_1018 = tpu.vector_load %arg12[%get3A_1016, %get3A_1017] {strides = array<i32>} : memref<128x128xf32, #tpu.memory_space<vmem>>, vector<1x16xf32>,
        %get3A_1019 = vector.shape_cast %get3A_1018 : vector<1x16xf32> to vector<16xf32>
        %slice3A_1020 = vector.extract_strided_slice %get3A_1015 {offsets = [0], sizes = [1], strides = [1]} : vector<16xf32> to vector<1xf32>
        %squeeze3A_1021 = vector.extract %slice3A_1020[0] : f32 from vector<1xf32>
        %broadcast_in_dim3A_1022 = vector.broadcast %squeeze3A_1021 : f32 to vector<16xf32>
        %mul3A_1023 = arith.mulf %get3A_1019, %broadcast_in_dim3A_1022 : vector<16xf32>
        %swap3A_1024 = arith.index_cast %add3A_1005 : i32 to index
        %swap3A_1025 = arith.constant 0 : index
        %swap3A_1026 = tpu.vector_load %arg12[%swap3A_1024, %swap3A_1025] {strides = array<i32>} : memref<128x128xf32, #tpu.memory_space<vmem>>, vector<1x16xf32>,
        %swap3A_1027 = vector.shape_cast %swap3A_1026 : vector<1x16xf32> to vector<16xf32>
        %swap3A_1028 = vector.shape_cast %mul3A_1023 : vector<16xf32> to vector<1x16xf32>
        tpu.vector_store %arg12[%swap3A_1024, %swap3A_1025], %swap3A_1028 {strides = array<i32>} : memref<128x128xf32, #tpu.memory_space<vmem>>, vector<1x16xf32>,
        %get3A_1029 = arith.index_cast %add3A_1005 : i32 to index
        %get3A_1030 = arith.constant 16 : index
        %get3A_1031 = tpu.vector_load %arg12[%get3A_1029, %get3A_1030] {strides = array<i32>} : memref<128x128xf32, #tpu.memory_space<vmem>>, vector<1x16xf32>,
        %get3A_1032 = vector.shape_cast %get3A_1031 : vector<1x16xf32> to vector<16xf32>
        %slice3A_1033 = vector.extract_strided_slice %get3A_1015 {offsets = [1], sizes = [1], strides = [1]} : vector<16xf32> to vector<1xf32>
        %squeeze3A_1034 = vector.extract %slice3A_1033[0] : f32 from vector<1xf32>
        %broadcast_in_dim3A_1035 = vector.broadcast %squeeze3A_1034 : f32 to vector<16xf32>
        %mul3A_1036 = arith.mulf %get3A_1032, %broadcast_in_dim3A_1035 : vector<16xf32>
        %swap3A_1037 = arith.index_cast %add3A_1005 : i32 to index
        %swap3A_1038 = arith.constant 16 : index
        %swap3A_1039 = tpu.vector_load %arg12[%swap3A_1037, %swap3A_1038] {strides = array<i32>} : memref<128x128xf32, #tpu.memory_space<vmem>>, vector<1x16xf32>,
        %swap3A_1040 = vector.shape_cast %swap3A_1039 : vector<1x16xf32> to vector<16xf32>
        %swap3A_1041 = vector.shape_cast %mul3A_1036 : vector<16xf32> to vector<1x16xf32>
        tpu.vector_store %arg12[%swap3A_1037, %swap3A_1038], %swap3A_1041 {strides = array<i32>} : memref<128x128xf32, #tpu.memory_space<vmem>>, vector<1x16xf32>,
        %get3A_1042 = arith.index_cast %add3A_1005 : i32 to index
        %get3A_1043 = arith.constant 32 : index
        %get3A_1044 = tpu.vector_load %arg12[%get3A_1042, %get3A_1043] {strides = array<i32>} : memref<128x128xf32, #tpu.memory_space<vmem>>, vector<1x16xf32>,
        %get3A_1045 = vector.shape_cast %get3A_1044 : vector<1x16xf32> to vector<16xf32>
        %slice3A_1046 = vector.extract_strided_slice %get3A_1015 {offsets = [2], sizes = [1], strides = [1]} : vector<16xf32> to vector<1xf32>
        %squeeze3A_1047 = vector.extract %slice3A_1046[0] : f32 from vector<1xf32>
        %broadcast_in_dim3A_1048 = vector.broadcast %squeeze3A_1047 : f32 to vector<16xf32>
        %mul3A_1049 = arith.mulf %get3A_1045, %broadcast_in_dim3A_1048 : vector<16xf32>
        %swap3A_1050 = arith.index_cast %add3A_1005 : i32 to index
        %swap3A_1051 = arith.constant 32 : index
        %swap3A_1052 = tpu.vector_load %arg12[%swap3A_1050, %swap3A_1051] {strides = array<i32>} : memref<128x128xf32, #tpu.memory_space<vmem>>, vector<1x16xf32>,
        %swap3A_1053 = vector.shape_cast %swap3A_1052 : vector<1x16xf32> to vector<16xf32>
        %swap3A_1054 = vector.shape_cast %mul3A_1049 : vector<16xf32> to vector<1x16xf32>
        tpu.vector_store %arg12[%swap3A_1050, %swap3A_1051], %swap3A_1054 {strides = array<i32>} : memref<128x128xf32, #tpu.memory_space<vmem>>, vector<1x16xf32>,
        %get3A_1055 = arith.index_cast %add3A_1005 : i32 to index
        %get3A_1056 = arith.constant 48 : index
        %get3A_1057 = tpu.vector_load %arg12[%get3A_1055, %get3A_1056] {strides = array<i32>} : memref<128x128xf32, #tpu.memory_space<vmem>>, vector<1x16xf32>,
        %get3A_1058 = vector.shape_cast %get3A_1057 : vector<1x16xf32> to vector<16xf32>
        %slice3A_1059 = vector.extract_strided_slice %get3A_1015 {offsets = [3], sizes = [1], strides = [1]} : vector<16xf32> to vector<1xf32>
        %squeeze3A_1060 = vector.extract %slice3A_1059[0] : f32 from vector<1xf32>
        %broadcast_in_dim3A_1061 = vector.broadcast %squeeze3A_1060 : f32 to vector<16xf32>
        %mul3A_1062 = arith.mulf %get3A_1058, %broadcast_in_dim3A_1061 : vector<16xf32>
        %swap3A_1063 = arith.index_cast %add3A_1005 : i32 to index
        %swap3A_1064 = arith.constant 48 : index
        %swap3A_1065 = tpu.vector_load %arg12[%swap3A_1063, %swap3A_1064] {strides = array<i32>} : memref<128x128xf32, #tpu.memory_space<vmem>>, vector<1x16xf32>,
        %swap3A_1066 = vector.shape_cast %swap3A_1065 : vector<1x16xf32> to vector<16xf32>
        %swap3A_1067 = vector.shape_cast %mul3A_1062 : vector<16xf32> to vector<1x16xf32>
        tpu.vector_store %arg12[%swap3A_1063, %swap3A_1064], %swap3A_1067 {strides = array<i32>} : memref<128x128xf32, #tpu.memory_space<vmem>>, vector<1x16xf32>,
        %get3A_1068 = arith.index_cast %add3A_1005 : i32 to index
        %get3A_1069 = arith.constant 64 : index
        %get3A_1070 = tpu.vector_load %arg12[%get3A_1068, %get3A_1069] {strides = array<i32>} : memref<128x128xf32, #tpu.memory_space<vmem>>, vector<1x16xf32>,
        %get3A_1071 = vector.shape_cast %get3A_1070 : vector<1x16xf32> to vector<16xf32>
        %slice3A_1072 = vector.extract_strided_slice %get3A_1015 {offsets = [4], sizes = [1], strides = [1]} : vector<16xf32> to vector<1xf32>
        %squeeze3A_1073 = vector.extract %slice3A_1072[0] : f32 from vector<1xf32>
        %broadcast_in_dim3A_1074 = vector.broadcast %squeeze3A_1073 : f32 to vector<16xf32>
        %mul3A_1075 = arith.mulf %get3A_1071, %broadcast_in_dim3A_1074 : vector<16xf32>
        %swap3A_1076 = arith.index_cast %add3A_1005 : i32 to index
        %swap3A_1077 = arith.constant 64 : index
        %swap3A_1078 = tpu.vector_load %arg12[%swap3A_1076, %swap3A_1077] {strides = array<i32>} : memref<128x128xf32, #tpu.memory_space<vmem>>, vector<1x16xf32>,
        %swap3A_1079 = vector.shape_cast %swap3A_1078 : vector<1x16xf32> to vector<16xf32>
        %swap3A_1080 = vector.shape_cast %mul3A_1075 : vector<16xf32> to vector<1x16xf32>
        tpu.vector_store %arg12[%swap3A_1076, %swap3A_1077], %swap3A_1080 {strides = array<i32>} : memref<128x128xf32, #tpu.memory_space<vmem>>, vector<1x16xf32>,
        %get3A_1081 = arith.index_cast %add3A_1005 : i32 to index
        %get3A_1082 = arith.constant 80 : index
        %get3A_1083 = tpu.vector_load %arg12[%get3A_1081, %get3A_1082] {strides = array<i32>} : memref<128x128xf32, #tpu.memory_space<vmem>>, vector<1x16xf32>,
        %get3A_1084 = vector.shape_cast %get3A_1083 : vector<1x16xf32> to vector<16xf32>
        %slice3A_1085 = vector.extract_strided_slice %get3A_1015 {offsets = [5], sizes = [1], strides = [1]} : vector<16xf32> to vector<1xf32>
        %squeeze3A_1086 = vector.extract %slice3A_1085[0] : f32 from vector<1xf32>
        %broadcast_in_dim3A_1087 = vector.broadcast %squeeze3A_1086 : f32 to vector<16xf32>
        %mul3A_1088 = arith.mulf %get3A_1084, %broadcast_in_dim3A_1087 : vector<16xf32>
        %swap3A_1089 = arith.index_cast %add3A_1005 : i32 to index
        %swap3A_1090 = arith.constant 80 : index
        %swap3A_1091 = tpu.vector_load %arg12[%swap3A_1089, %swap3A_1090] {strides = array<i32>} : memref<128x128xf32, #tpu.memory_space<vmem>>, vector<1x16xf32>,
        %swap3A_1092 = vector.shape_cast %swap3A_1091 : vector<1x16xf32> to vector<16xf32>
        %swap3A_1093 = vector.shape_cast %mul3A_1088 : vector<16xf32> to vector<1x16xf32>
        tpu.vector_store %arg12[%swap3A_1089, %swap3A_1090], %swap3A_1093 {strides = array<i32>} : memref<128x128xf32, #tpu.memory_space<vmem>>, vector<1x16xf32>,
        %get3A_1094 = arith.index_cast %add3A_1005 : i32 to index
        %get3A_1095 = arith.constant 96 : index
        %get3A_1096 = tpu.vector_load %arg12[%get3A_1094, %get3A_1095] {strides = array<i32>} : memref<128x128xf32, #tpu.memory_space<vmem>>, vector<1x16xf32>,
        %get3A_1097 = vector.shape_cast %get3A_1096 : vector<1x16xf32> to vector<16xf32>
        %slice3A_1098 = vector.extract_strided_slice %get3A_1015 {offsets = [6], sizes = [1], strides = [1]} : vector<16xf32> to vector<1xf32>
        %squeeze3A_1099 = vector.extract %slice3A_1098[0] : f32 from vector<1xf32>
        %broadcast_in_dim3A_1100 = vector.broadcast %squeeze3A_1099 : f32 to vector<16xf32>
        %mul3A_1101 = arith.mulf %get3A_1097, %broadcast_in_dim3A_1100 : vector<16xf32>
        %swap3A_1102 = arith.index_cast %add3A_1005 : i32 to index
        %swap3A_1103 = arith.constant 96 : index
        %swap3A_1104 = tpu.vector_load %arg12[%swap3A_1102, %swap3A_1103] {strides = array<i32>} : memref<128x128xf32, #tpu.memory_space<vmem>>, vector<1x16xf32>,
        %swap3A_1105 = vector.shape_cast %swap3A_1104 : vector<1x16xf32> to vector<16xf32>
        %swap3A_1106 = vector.shape_cast %mul3A_1101 : vector<16xf32> to vector<1x16xf32>
        tpu.vector_store %arg12[%swap3A_1102, %swap3A_1103], %swap3A_1106 {strides = array<i32>} : memref<128x128xf32, #tpu.memory_space<vmem>>, vector<1x16xf32>,
        %get3A_1107 = arith.index_cast %add3A_1005 : i32 to index
        %get3A_1108 = arith.constant 112 : index
        %get3A_1109 = tpu.vector_load %arg12[%get3A_1107, %get3A_1108] {strides = array<i32>} : memref<128x128xf32, #tpu.memory_space<vmem>>, vector<1x16xf32>,
        %get3A_1110 = vector.shape_cast %get3A_1109 : vector<1x16xf32> to vector<16xf32>
        %slice3A_1111 = vector.extract_strided_slice %get3A_1015 {offsets = [7], sizes = [1], strides = [1]} : vector<16xf32> to vector<1xf32>
        %squeeze3A_1112 = vector.extract %slice3A_1111[0] : f32 from vector<1xf32>
        %broadcast_in_dim3A_1113 = vector.broadcast %squeeze3A_1112 : f32 to vector<16xf32>
        %mul3A_1114 = arith.mulf %get3A_1110, %broadcast_in_dim3A_1113 : vector<16xf32>
        %swap3A_1115 = arith.index_cast %add3A_1005 : i32 to index
        %swap3A_1116 = arith.constant 112 : index
        %swap3A_1117 = tpu.vector_load %arg12[%swap3A_1115, %swap3A_1116] {strides = array<i32>} : memref<128x128xf32, #tpu.memory_space<vmem>>, vector<1x16xf32>,
        %swap3A_1118 = vector.shape_cast %swap3A_1117 : vector<1x16xf32> to vector<16xf32>
        %swap3A_1119 = vector.shape_cast %mul3A_1114 : vector<16xf32> to vector<1x16xf32>
        tpu.vector_store %arg12[%swap3A_1115, %swap3A_1116], %swap3A_1119 {strides = array<i32>} : memref<128x128xf32, #tpu.memory_space<vmem>>, vector<1x16xf32>,
        %mul3A_1120 = arith.constant 16 : i32
        %mul3A_1121 = arith.muli %scan3A_172, %mul3A_1120 : i32
        %add3A_1122 = arith.constant 8 : i32
        %add3A_1123 = arith.addi %mul3A_1121, %add3A_1122 : i32
        %slice3A_1124 = vector.extract_strided_slice %get3A_178 {offsets = [8], sizes = [1], strides = [1]} : vector<16xi32> to vector<1xi32>
        %squeeze3A_1125 = vector.extract %slice3A_1124[0] : i32 from vector<1xi32>
        %and3A_1126 = arith.constant 7 : i32
        %and3A_1127 = arith.andi %squeeze3A_1125, %and3A_1126 : i32
        %mul3A_1128 = arith.constant 16 : i32
        %mul3A_1129 = arith.muli %and3A_1127, %mul3A_1128 : i32
        %get3A_1130 = arith.index_cast %add3A_1123 : i32 to index
        %get3A_1131 = arith.index_cast %mul3A_1129 : i32 to index
        %get3A_1132 = tpu.vector_load %arg13[%get3A_1130, %get3A_1131] {strides = array<i32>} : memref<128x128xf32, #tpu.memory_space<vmem>>, vector<1x16xf32>,
        %get3A_1133 = vector.shape_cast %get3A_1132 : vector<1x16xf32> to vector<16xf32>
        %get3A_1134 = arith.index_cast %add3A_1123 : i32 to index
        %get3A_1135 = arith.constant 0 : index
        %get3A_1136 = tpu.vector_load %arg12[%get3A_1134, %get3A_1135] {strides = array<i32>} : memref<128x128xf32, #tpu.memory_space<vmem>>, vector<1x16xf32>,
        %get3A_1137 = vector.shape_cast %get3A_1136 : vector<1x16xf32> to vector<16xf32>
        %slice3A_1138 = vector.extract_strided_slice %get3A_1133 {offsets = [0], sizes = [1], strides = [1]} : vector<16xf32> to vector<1xf32>
        %squeeze3A_1139 = vector.extract %slice3A_1138[0] : f32 from vector<1xf32>
        %broadcast_in_dim3A_1140 = vector.broadcast %squeeze3A_1139 : f32 to vector<16xf32>
        %mul3A_1141 = arith.mulf %get3A_1137, %broadcast_in_dim3A_1140 : vector<16xf32>
        %swap3A_1142 = arith.index_cast %add3A_1123 : i32 to index
        %swap3A_1143 = arith.constant 0 : index
        %swap3A_1144 = tpu.vector_load %arg12[%swap3A_1142, %swap3A_1143] {strides = array<i32>} : memref<128x128xf32, #tpu.memory_space<vmem>>, vector<1x16xf32>,
        %swap3A_1145 = vector.shape_cast %swap3A_1144 : vector<1x16xf32> to vector<16xf32>
        %swap3A_1146 = vector.shape_cast %mul3A_1141 : vector<16xf32> to vector<1x16xf32>
        tpu.vector_store %arg12[%swap3A_1142, %swap3A_1143], %swap3A_1146 {strides = array<i32>} : memref<128x128xf32, #tpu.memory_space<vmem>>, vector<1x16xf32>,
        %get3A_1147 = arith.index_cast %add3A_1123 : i32 to index
        %get3A_1148 = arith.constant 16 : index
        %get3A_1149 = tpu.vector_load %arg12[%get3A_1147, %get3A_1148] {strides = array<i32>} : memref<128x128xf32, #tpu.memory_space<vmem>>, vector<1x16xf32>,
        %get3A_1150 = vector.shape_cast %get3A_1149 : vector<1x16xf32> to vector<16xf32>
        %slice3A_1151 = vector.extract_strided_slice %get3A_1133 {offsets = [1], sizes = [1], strides = [1]} : vector<16xf32> to vector<1xf32>
        %squeeze3A_1152 = vector.extract %slice3A_1151[0] : f32 from vector<1xf32>
        %broadcast_in_dim3A_1153 = vector.broadcast %squeeze3A_1152 : f32 to vector<16xf32>
        %mul3A_1154 = arith.mulf %get3A_1150, %broadcast_in_dim3A_1153 : vector<16xf32>
        %swap3A_1155 = arith.index_cast %add3A_1123 : i32 to index
        %swap3A_1156 = arith.constant 16 : index
        %swap3A_1157 = tpu.vector_load %arg12[%swap3A_1155, %swap3A_1156] {strides = array<i32>} : memref<128x128xf32, #tpu.memory_space<vmem>>, vector<1x16xf32>,
        %swap3A_1158 = vector.shape_cast %swap3A_1157 : vector<1x16xf32> to vector<16xf32>
        %swap3A_1159 = vector.shape_cast %mul3A_1154 : vector<16xf32> to vector<1x16xf32>
        tpu.vector_store %arg12[%swap3A_1155, %swap3A_1156], %swap3A_1159 {strides = array<i32>} : memref<128x128xf32, #tpu.memory_space<vmem>>, vector<1x16xf32>,
        %get3A_1160 = arith.index_cast %add3A_1123 : i32 to index
        %get3A_1161 = arith.constant 32 : index
        %get3A_1162 = tpu.vector_load %arg12[%get3A_1160, %get3A_1161] {strides = array<i32>} : memref<128x128xf32, #tpu.memory_space<vmem>>, vector<1x16xf32>,
        %get3A_1163 = vector.shape_cast %get3A_1162 : vector<1x16xf32> to vector<16xf32>
        %slice3A_1164 = vector.extract_strided_slice %get3A_1133 {offsets = [2], sizes = [1], strides = [1]} : vector<16xf32> to vector<1xf32>
        %squeeze3A_1165 = vector.extract %slice3A_1164[0] : f32 from vector<1xf32>
        %broadcast_in_dim3A_1166 = vector.broadcast %squeeze3A_1165 : f32 to vector<16xf32>
        %mul3A_1167 = arith.mulf %get3A_1163, %broadcast_in_dim3A_1166 : vector<16xf32>
        %swap3A_1168 = arith.index_cast %add3A_1123 : i32 to index
        %swap3A_1169 = arith.constant 32 : index
        %swap3A_1170 = tpu.vector_load %arg12[%swap3A_1168, %swap3A_1169] {strides = array<i32>} : memref<128x128xf32, #tpu.memory_space<vmem>>, vector<1x16xf32>,
        %swap3A_1171 = vector.shape_cast %swap3A_1170 : vector<1x16xf32> to vector<16xf32>
        %swap3A_1172 = vector.shape_cast %mul3A_1167 : vector<16xf32> to vector<1x16xf32>
        tpu.vector_store %arg12[%swap3A_1168, %swap3A_1169], %swap3A_1172 {strides = array<i32>} : memref<128x128xf32, #tpu.memory_space<vmem>>, vector<1x16xf32>,
        %get3A_1173 = arith.index_cast %add3A_1123 : i32 to index
        %get3A_1174 = arith.constant 48 : index
        %get3A_1175 = tpu.vector_load %arg12[%get3A_1173, %get3A_1174] {strides = array<i32>} : memref<128x128xf32, #tpu.memory_space<vmem>>, vector<1x16xf32>,
        %get3A_1176 = vector.shape_cast %get3A_1175 : vector<1x16xf32> to vector<16xf32>
        %slice3A_1177 = vector.extract_strided_slice %get3A_1133 {offsets = [3], sizes = [1], strides = [1]} : vector<16xf32> to vector<1xf32>
        %squeeze3A_1178 = vector.extract %slice3A_1177[0] : f32 from vector<1xf32>
        %broadcast_in_dim3A_1179 = vector.broadcast %squeeze3A_1178 : f32 to vector<16xf32>
        %mul3A_1180 = arith.mulf %get3A_1176, %broadcast_in_dim3A_1179 : vector<16xf32>
        %swap3A_1181 = arith.index_cast %add3A_1123 : i32 to index
        %swap3A_1182 = arith.constant 48 : index
        %swap3A_1183 = tpu.vector_load %arg12[%swap3A_1181, %swap3A_1182] {strides = array<i32>} : memref<128x128xf32, #tpu.memory_space<vmem>>, vector<1x16xf32>,
        %swap3A_1184 = vector.shape_cast %swap3A_1183 : vector<1x16xf32> to vector<16xf32>
        %swap3A_1185 = vector.shape_cast %mul3A_1180 : vector<16xf32> to vector<1x16xf32>
        tpu.vector_store %arg12[%swap3A_1181, %swap3A_1182], %swap3A_1185 {strides = array<i32>} : memref<128x128xf32, #tpu.memory_space<vmem>>, vector<1x16xf32>,
        %get3A_1186 = arith.index_cast %add3A_1123 : i32 to index
        %get3A_1187 = arith.constant 64 : index
        %get3A_1188 = tpu.vector_load %arg12[%get3A_1186, %get3A_1187] {strides = array<i32>} : memref<128x128xf32, #tpu.memory_space<vmem>>, vector<1x16xf32>,
        %get3A_1189 = vector.shape_cast %get3A_1188 : vector<1x16xf32> to vector<16xf32>
        %slice3A_1190 = vector.extract_strided_slice %get3A_1133 {offsets = [4], sizes = [1], strides = [1]} : vector<16xf32> to vector<1xf32>
        %squeeze3A_1191 = vector.extract %slice3A_1190[0] : f32 from vector<1xf32>
        %broadcast_in_dim3A_1192 = vector.broadcast %squeeze3A_1191 : f32 to vector<16xf32>
        %mul3A_1193 = arith.mulf %get3A_1189, %broadcast_in_dim3A_1192 : vector<16xf32>
        %swap3A_1194 = arith.index_cast %add3A_1123 : i32 to index
        %swap3A_1195 = arith.constant 64 : index
        %swap3A_1196 = tpu.vector_load %arg12[%swap3A_1194, %swap3A_1195] {strides = array<i32>} : memref<128x128xf32, #tpu.memory_space<vmem>>, vector<1x16xf32>,
        %swap3A_1197 = vector.shape_cast %swap3A_1196 : vector<1x16xf32> to vector<16xf32>
        %swap3A_1198 = vector.shape_cast %mul3A_1193 : vector<16xf32> to vector<1x16xf32>
        tpu.vector_store %arg12[%swap3A_1194, %swap3A_1195], %swap3A_1198 {strides = array<i32>} : memref<128x128xf32, #tpu.memory_space<vmem>>, vector<1x16xf32>,
        %get3A_1199 = arith.index_cast %add3A_1123 : i32 to index
        %get3A_1200 = arith.constant 80 : index
        %get3A_1201 = tpu.vector_load %arg12[%get3A_1199, %get3A_1200] {strides = array<i32>} : memref<128x128xf32, #tpu.memory_space<vmem>>, vector<1x16xf32>,
        %get3A_1202 = vector.shape_cast %get3A_1201 : vector<1x16xf32> to vector<16xf32>
        %slice3A_1203 = vector.extract_strided_slice %get3A_1133 {offsets = [5], sizes = [1], strides = [1]} : vector<16xf32> to vector<1xf32>
        %squeeze3A_1204 = vector.extract %slice3A_1203[0] : f32 from vector<1xf32>
        %broadcast_in_dim3A_1205 = vector.broadcast %squeeze3A_1204 : f32 to vector<16xf32>
        %mul3A_1206 = arith.mulf %get3A_1202, %broadcast_in_dim3A_1205 : vector<16xf32>
        %swap3A_1207 = arith.index_cast %add3A_1123 : i32 to index
        %swap3A_1208 = arith.constant 80 : index
        %swap3A_1209 = tpu.vector_load %arg12[%swap3A_1207, %swap3A_1208] {strides = array<i32>} : memref<128x128xf32, #tpu.memory_space<vmem>>, vector<1x16xf32>,
        %swap3A_1210 = vector.shape_cast %swap3A_1209 : vector<1x16xf32> to vector<16xf32>
        %swap3A_1211 = vector.shape_cast %mul3A_1206 : vector<16xf32> to vector<1x16xf32>
        tpu.vector_store %arg12[%swap3A_1207, %swap3A_1208], %swap3A_1211 {strides = array<i32>} : memref<128x128xf32, #tpu.memory_space<vmem>>, vector<1x16xf32>,
        %get3A_1212 = arith.index_cast %add3A_1123 : i32 to index
        %get3A_1213 = arith.constant 96 : index
        %get3A_1214 = tpu.vector_load %arg12[%get3A_1212, %get3A_1213] {strides = array<i32>} : memref<128x128xf32, #tpu.memory_space<vmem>>, vector<1x16xf32>,
        %get3A_1215 = vector.shape_cast %get3A_1214 : vector<1x16xf32> to vector<16xf32>
        %slice3A_1216 = vector.extract_strided_slice %get3A_1133 {offsets = [6], sizes = [1], strides = [1]} : vector<16xf32> to vector<1xf32>
        %squeeze3A_1217 = vector.extract %slice3A_1216[0] : f32 from vector<1xf32>
        %broadcast_in_dim3A_1218 = vector.broadcast %squeeze3A_1217 : f32 to vector<16xf32>
        %mul3A_1219 = arith.mulf %get3A_1215, %broadcast_in_dim3A_1218 : vector<16xf32>
        %swap3A_1220 = arith.index_cast %add3A_1123 : i32 to index
        %swap3A_1221 = arith.constant 96 : index
        %swap3A_1222 = tpu.vector_load %arg12[%swap3A_1220, %swap3A_1221] {strides = array<i32>} : memref<128x128xf32, #tpu.memory_space<vmem>>, vector<1x16xf32>,
        %swap3A_1223 = vector.shape_cast %swap3A_1222 : vector<1x16xf32> to vector<16xf32>
        %swap3A_1224 = vector.shape_cast %mul3A_1219 : vector<16xf32> to vector<1x16xf32>
        tpu.vector_store %arg12[%swap3A_1220, %swap3A_1221], %swap3A_1224 {strides = array<i32>} : memref<128x128xf32, #tpu.memory_space<vmem>>, vector<1x16xf32>,
        %get3A_1225 = arith.index_cast %add3A_1123 : i32 to index
        %get3A_1226 = arith.constant 112 : index
        %get3A_1227 = tpu.vector_load %arg12[%get3A_1225, %get3A_1226] {strides = array<i32>} : memref<128x128xf32, #tpu.memory_space<vmem>>, vector<1x16xf32>,
        %get3A_1228 = vector.shape_cast %get3A_1227 : vector<1x16xf32> to vector<16xf32>
        %slice3A_1229 = vector.extract_strided_slice %get3A_1133 {offsets = [7], sizes = [1], strides = [1]} : vector<16xf32> to vector<1xf32>
        %squeeze3A_1230 = vector.extract %slice3A_1229[0] : f32 from vector<1xf32>
        %broadcast_in_dim3A_1231 = vector.broadcast %squeeze3A_1230 : f32 to vector<16xf32>
        %mul3A_1232 = arith.mulf %get3A_1228, %broadcast_in_dim3A_1231 : vector<16xf32>
        %swap3A_1233 = arith.index_cast %add3A_1123 : i32 to index
        %swap3A_1234 = arith.constant 112 : index
        %swap3A_1235 = tpu.vector_load %arg12[%swap3A_1233, %swap3A_1234] {strides = array<i32>} : memref<128x128xf32, #tpu.memory_space<vmem>>, vector<1x16xf32>,
        %swap3A_1236 = vector.shape_cast %swap3A_1235 : vector<1x16xf32> to vector<16xf32>
        %swap3A_1237 = vector.shape_cast %mul3A_1232 : vector<16xf32> to vector<1x16xf32>
        tpu.vector_store %arg12[%swap3A_1233, %swap3A_1234], %swap3A_1237 {strides = array<i32>} : memref<128x128xf32, #tpu.memory_space<vmem>>, vector<1x16xf32>,
        %mul3A_1238 = arith.constant 16 : i32
        %mul3A_1239 = arith.muli %scan3A_172, %mul3A_1238 : i32
        %add3A_1240 = arith.constant 9 : i32
        %add3A_1241 = arith.addi %mul3A_1239, %add3A_1240 : i32
        %slice3A_1242 = vector.extract_strided_slice %get3A_178 {offsets = [9], sizes = [1], strides = [1]} : vector<16xi32> to vector<1xi32>
        %squeeze3A_1243 = vector.extract %slice3A_1242[0] : i32 from vector<1xi32>
        %and3A_1244 = arith.constant 7 : i32
        %and3A_1245 = arith.andi %squeeze3A_1243, %and3A_1244 : i32
        %mul3A_1246 = arith.constant 16 : i32
        %mul3A_1247 = arith.muli %and3A_1245, %mul3A_1246 : i32
        %get3A_1248 = arith.index_cast %add3A_1241 : i32 to index
        %get3A_1249 = arith.index_cast %mul3A_1247 : i32 to index
        %get3A_1250 = tpu.vector_load %arg13[%get3A_1248, %get3A_1249] {strides = array<i32>} : memref<128x128xf32, #tpu.memory_space<vmem>>, vector<1x16xf32>,
        %get3A_1251 = vector.shape_cast %get3A_1250 : vector<1x16xf32> to vector<16xf32>
        %get3A_1252 = arith.index_cast %add3A_1241 : i32 to index
        %get3A_1253 = arith.constant 0 : index
        %get3A_1254 = tpu.vector_load %arg12[%get3A_1252, %get3A_1253] {strides = array<i32>} : memref<128x128xf32, #tpu.memory_space<vmem>>, vector<1x16xf32>,
        %get3A_1255 = vector.shape_cast %get3A_1254 : vector<1x16xf32> to vector<16xf32>
        %slice3A_1256 = vector.extract_strided_slice %get3A_1251 {offsets = [0], sizes = [1], strides = [1]} : vector<16xf32> to vector<1xf32>
        %squeeze3A_1257 = vector.extract %slice3A_1256[0] : f32 from vector<1xf32>
        %broadcast_in_dim3A_1258 = vector.broadcast %squeeze3A_1257 : f32 to vector<16xf32>
        %mul3A_1259 = arith.mulf %get3A_1255, %broadcast_in_dim3A_1258 : vector<16xf32>
        %swap3A_1260 = arith.index_cast %add3A_1241 : i32 to index
        %swap3A_1261 = arith.constant 0 : index
        %swap3A_1262 = tpu.vector_load %arg12[%swap3A_1260, %swap3A_1261] {strides = array<i32>} : memref<128x128xf32, #tpu.memory_space<vmem>>, vector<1x16xf32>,
        %swap3A_1263 = vector.shape_cast %swap3A_1262 : vector<1x16xf32> to vector<16xf32>
        %swap3A_1264 = vector.shape_cast %mul3A_1259 : vector<16xf32> to vector<1x16xf32>
        tpu.vector_store %arg12[%swap3A_1260, %swap3A_1261], %swap3A_1264 {strides = array<i32>} : memref<128x128xf32, #tpu.memory_space<vmem>>, vector<1x16xf32>,
        %get3A_1265 = arith.index_cast %add3A_1241 : i32 to index
        %get3A_1266 = arith.constant 16 : index
        %get3A_1267 = tpu.vector_load %arg12[%get3A_1265, %get3A_1266] {strides = array<i32>} : memref<128x128xf32, #tpu.memory_space<vmem>>, vector<1x16xf32>,
        %get3A_1268 = vector.shape_cast %get3A_1267 : vector<1x16xf32> to vector<16xf32>
        %slice3A_1269 = vector.extract_strided_slice %get3A_1251 {offsets = [1], sizes = [1], strides = [1]} : vector<16xf32> to vector<1xf32>
        %squeeze3A_1270 = vector.extract %slice3A_1269[0] : f32 from vector<1xf32>
        %broadcast_in_dim3A_1271 = vector.broadcast %squeeze3A_1270 : f32 to vector<16xf32>
        %mul3A_1272 = arith.mulf %get3A_1268, %broadcast_in_dim3A_1271 : vector<16xf32>
        %swap3A_1273 = arith.index_cast %add3A_1241 : i32 to index
        %swap3A_1274 = arith.constant 16 : index
        %swap3A_1275 = tpu.vector_load %arg12[%swap3A_1273, %swap3A_1274] {strides = array<i32>} : memref<128x128xf32, #tpu.memory_space<vmem>>, vector<1x16xf32>,
        %swap3A_1276 = vector.shape_cast %swap3A_1275 : vector<1x16xf32> to vector<16xf32>
        %swap3A_1277 = vector.shape_cast %mul3A_1272 : vector<16xf32> to vector<1x16xf32>
        tpu.vector_store %arg12[%swap3A_1273, %swap3A_1274], %swap3A_1277 {strides = array<i32>} : memref<128x128xf32, #tpu.memory_space<vmem>>, vector<1x16xf32>,
        %get3A_1278 = arith.index_cast %add3A_1241 : i32 to index
        %get3A_1279 = arith.constant 32 : index
        %get3A_1280 = tpu.vector_load %arg12[%get3A_1278, %get3A_1279] {strides = array<i32>} : memref<128x128xf32, #tpu.memory_space<vmem>>, vector<1x16xf32>,
        %get3A_1281 = vector.shape_cast %get3A_1280 : vector<1x16xf32> to vector<16xf32>
        %slice3A_1282 = vector.extract_strided_slice %get3A_1251 {offsets = [2], sizes = [1], strides = [1]} : vector<16xf32> to vector<1xf32>
        %squeeze3A_1283 = vector.extract %slice3A_1282[0] : f32 from vector<1xf32>
        %broadcast_in_dim3A_1284 = vector.broadcast %squeeze3A_1283 : f32 to vector<16xf32>
        %mul3A_1285 = arith.mulf %get3A_1281, %broadcast_in_dim3A_1284 : vector<16xf32>
        %swap3A_1286 = arith.index_cast %add3A_1241 : i32 to index
        %swap3A_1287 = arith.constant 32 : index
        %swap3A_1288 = tpu.vector_load %arg12[%swap3A_1286, %swap3A_1287] {strides = array<i32>} : memref<128x128xf32, #tpu.memory_space<vmem>>, vector<1x16xf32>,
        %swap3A_1289 = vector.shape_cast %swap3A_1288 : vector<1x16xf32> to vector<16xf32>
        %swap3A_1290 = vector.shape_cast %mul3A_1285 : vector<16xf32> to vector<1x16xf32>
        tpu.vector_store %arg12[%swap3A_1286, %swap3A_1287], %swap3A_1290 {strides = array<i32>} : memref<128x128xf32, #tpu.memory_space<vmem>>, vector<1x16xf32>,
        %get3A_1291 = arith.index_cast %add3A_1241 : i32 to index
        %get3A_1292 = arith.constant 48 : index
        %get3A_1293 = tpu.vector_load %arg12[%get3A_1291, %get3A_1292] {strides = array<i32>} : memref<128x128xf32, #tpu.memory_space<vmem>>, vector<1x16xf32>,
        %get3A_1294 = vector.shape_cast %get3A_1293 : vector<1x16xf32> to vector<16xf32>
        %slice3A_1295 = vector.extract_strided_slice %get3A_1251 {offsets = [3], sizes = [1], strides = [1]} : vector<16xf32> to vector<1xf32>
        %squeeze3A_1296 = vector.extract %slice3A_1295[0] : f32 from vector<1xf32>
        %broadcast_in_dim3A_1297 = vector.broadcast %squeeze3A_1296 : f32 to vector<16xf32>
        %mul3A_1298 = arith.mulf %get3A_1294, %broadcast_in_dim3A_1297 : vector<16xf32>
        %swap3A_1299 = arith.index_cast %add3A_1241 : i32 to index
        %swap3A_1300 = arith.constant 48 : index
        %swap3A_1301 = tpu.vector_load %arg12[%swap3A_1299, %swap3A_1300] {strides = array<i32>} : memref<128x128xf32, #tpu.memory_space<vmem>>, vector<1x16xf32>,
        %swap3A_1302 = vector.shape_cast %swap3A_1301 : vector<1x16xf32> to vector<16xf32>
        %swap3A_1303 = vector.shape_cast %mul3A_1298 : vector<16xf32> to vector<1x16xf32>
        tpu.vector_store %arg12[%swap3A_1299, %swap3A_1300], %swap3A_1303 {strides = array<i32>} : memref<128x128xf32, #tpu.memory_space<vmem>>, vector<1x16xf32>,
        %get3A_1304 = arith.index_cast %add3A_1241 : i32 to index
        %get3A_1305 = arith.constant 64 : index
        %get3A_1306 = tpu.vector_load %arg12[%get3A_1304, %get3A_1305] {strides = array<i32>} : memref<128x128xf32, #tpu.memory_space<vmem>>, vector<1x16xf32>,
        %get3A_1307 = vector.shape_cast %get3A_1306 : vector<1x16xf32> to vector<16xf32>
        %slice3A_1308 = vector.extract_strided_slice %get3A_1251 {offsets = [4], sizes = [1], strides = [1]} : vector<16xf32> to vector<1xf32>
        %squeeze3A_1309 = vector.extract %slice3A_1308[0] : f32 from vector<1xf32>
        %broadcast_in_dim3A_1310 = vector.broadcast %squeeze3A_1309 : f32 to vector<16xf32>
        %mul3A_1311 = arith.mulf %get3A_1307, %broadcast_in_dim3A_1310 : vector<16xf32>
        %swap3A_1312 = arith.index_cast %add3A_1241 : i32 to index
        %swap3A_1313 = arith.constant 64 : index
        %swap3A_1314 = tpu.vector_load %arg12[%swap3A_1312, %swap3A_1313] {strides = array<i32>} : memref<128x128xf32, #tpu.memory_space<vmem>>, vector<1x16xf32>,
        %swap3A_1315 = vector.shape_cast %swap3A_1314 : vector<1x16xf32> to vector<16xf32>
        %swap3A_1316 = vector.shape_cast %mul3A_1311 : vector<16xf32> to vector<1x16xf32>
        tpu.vector_store %arg12[%swap3A_1312, %swap3A_1313], %swap3A_1316 {strides = array<i32>} : memref<128x128xf32, #tpu.memory_space<vmem>>, vector<1x16xf32>,
        %get3A_1317 = arith.index_cast %add3A_1241 : i32 to index
        %get3A_1318 = arith.constant 80 : index
        %get3A_1319 = tpu.vector_load %arg12[%get3A_1317, %get3A_1318] {strides = array<i32>} : memref<128x128xf32, #tpu.memory_space<vmem>>, vector<1x16xf32>,
        %get3A_1320 = vector.shape_cast %get3A_1319 : vector<1x16xf32> to vector<16xf32>
        %slice3A_1321 = vector.extract_strided_slice %get3A_1251 {offsets = [5], sizes = [1], strides = [1]} : vector<16xf32> to vector<1xf32>
        %squeeze3A_1322 = vector.extract %slice3A_1321[0] : f32 from vector<1xf32>
        %broadcast_in_dim3A_1323 = vector.broadcast %squeeze3A_1322 : f32 to vector<16xf32>
        %mul3A_1324 = arith.mulf %get3A_1320, %broadcast_in_dim3A_1323 : vector<16xf32>
        %swap3A_1325 = arith.index_cast %add3A_1241 : i32 to index
        %swap3A_1326 = arith.constant 80 : index
        %swap3A_1327 = tpu.vector_load %arg12[%swap3A_1325, %swap3A_1326] {strides = array<i32>} : memref<128x128xf32, #tpu.memory_space<vmem>>, vector<1x16xf32>,
        %swap3A_1328 = vector.shape_cast %swap3A_1327 : vector<1x16xf32> to vector<16xf32>
        %swap3A_1329 = vector.shape_cast %mul3A_1324 : vector<16xf32> to vector<1x16xf32>
        tpu.vector_store %arg12[%swap3A_1325, %swap3A_1326], %swap3A_1329 {strides = array<i32>} : memref<128x128xf32, #tpu.memory_space<vmem>>, vector<1x16xf32>,
        %get3A_1330 = arith.index_cast %add3A_1241 : i32 to index
        %get3A_1331 = arith.constant 96 : index
        %get3A_1332 = tpu.vector_load %arg12[%get3A_1330, %get3A_1331] {strides = array<i32>} : memref<128x128xf32, #tpu.memory_space<vmem>>, vector<1x16xf32>,
        %get3A_1333 = vector.shape_cast %get3A_1332 : vector<1x16xf32> to vector<16xf32>
        %slice3A_1334 = vector.extract_strided_slice %get3A_1251 {offsets = [6], sizes = [1], strides = [1]} : vector<16xf32> to vector<1xf32>
        %squeeze3A_1335 = vector.extract %slice3A_1334[0] : f32 from vector<1xf32>
        %broadcast_in_dim3A_1336 = vector.broadcast %squeeze3A_1335 : f32 to vector<16xf32>
        %mul3A_1337 = arith.mulf %get3A_1333, %broadcast_in_dim3A_1336 : vector<16xf32>
        %swap3A_1338 = arith.index_cast %add3A_1241 : i32 to index
        %swap3A_1339 = arith.constant 96 : index
        %swap3A_1340 = tpu.vector_load %arg12[%swap3A_1338, %swap3A_1339] {strides = array<i32>} : memref<128x128xf32, #tpu.memory_space<vmem>>, vector<1x16xf32>,
        %swap3A_1341 = vector.shape_cast %swap3A_1340 : vector<1x16xf32> to vector<16xf32>
        %swap3A_1342 = vector.shape_cast %mul3A_1337 : vector<16xf32> to vector<1x16xf32>
        tpu.vector_store %arg12[%swap3A_1338, %swap3A_1339], %swap3A_1342 {strides = array<i32>} : memref<128x128xf32, #tpu.memory_space<vmem>>, vector<1x16xf32>,
        %get3A_1343 = arith.index_cast %add3A_1241 : i32 to index
        %get3A_1344 = arith.constant 112 : index
        %get3A_1345 = tpu.vector_load %arg12[%get3A_1343, %get3A_1344] {strides = array<i32>} : memref<128x128xf32, #tpu.memory_space<vmem>>, vector<1x16xf32>,
        %get3A_1346 = vector.shape_cast %get3A_1345 : vector<1x16xf32> to vector<16xf32>
        %slice3A_1347 = vector.extract_strided_slice %get3A_1251 {offsets = [7], sizes = [1], strides = [1]} : vector<16xf32> to vector<1xf32>
        %squeeze3A_1348 = vector.extract %slice3A_1347[0] : f32 from vector<1xf32>
        %broadcast_in_dim3A_1349 = vector.broadcast %squeeze3A_1348 : f32 to vector<16xf32>
        %mul3A_1350 = arith.mulf %get3A_1346, %broadcast_in_dim3A_1349 : vector<16xf32>
        %swap3A_1351 = arith.index_cast %add3A_1241 : i32 to index
        %swap3A_1352 = arith.constant 112 : index
        %swap3A_1353 = tpu.vector_load %arg12[%swap3A_1351, %swap3A_1352] {strides = array<i32>} : memref<128x128xf32, #tpu.memory_space<vmem>>, vector<1x16xf32>,
        %swap3A_1354 = vector.shape_cast %swap3A_1353 : vector<1x16xf32> to vector<16xf32>
        %swap3A_1355 = vector.shape_cast %mul3A_1350 : vector<16xf32> to vector<1x16xf32>
        tpu.vector_store %arg12[%swap3A_1351, %swap3A_1352], %swap3A_1355 {strides = array<i32>} : memref<128x128xf32, #tpu.memory_space<vmem>>, vector<1x16xf32>,
        %mul3A_1356 = arith.constant 16 : i32
        %mul3A_1357 = arith.muli %scan3A_172, %mul3A_1356 : i32
        %add3A_1358 = arith.constant 10 : i32
        %add3A_1359 = arith.addi %mul3A_1357, %add3A_1358 : i32
        %slice3A_1360 = vector.extract_strided_slice %get3A_178 {offsets = [10], sizes = [1], strides = [1]} : vector<16xi32> to vector<1xi32>
        %squeeze3A_1361 = vector.extract %slice3A_1360[0] : i32 from vector<1xi32>
        %and3A_1362 = arith.constant 7 : i32
        %and3A_1363 = arith.andi %squeeze3A_1361, %and3A_1362 : i32
        %mul3A_1364 = arith.constant 16 : i32
        %mul3A_1365 = arith.muli %and3A_1363, %mul3A_1364 : i32
        %get3A_1366 = arith.index_cast %add3A_1359 : i32 to index
        %get3A_1367 = arith.index_cast %mul3A_1365 : i32 to index
        %get3A_1368 = tpu.vector_load %arg13[%get3A_1366, %get3A_1367] {strides = array<i32>} : memref<128x128xf32, #tpu.memory_space<vmem>>, vector<1x16xf32>,
        %get3A_1369 = vector.shape_cast %get3A_1368 : vector<1x16xf32> to vector<16xf32>
        %get3A_1370 = arith.index_cast %add3A_1359 : i32 to index
        %get3A_1371 = arith.constant 0 : index
        %get3A_1372 = tpu.vector_load %arg12[%get3A_1370, %get3A_1371] {strides = array<i32>} : memref<128x128xf32, #tpu.memory_space<vmem>>, vector<1x16xf32>,
        %get3A_1373 = vector.shape_cast %get3A_1372 : vector<1x16xf32> to vector<16xf32>
        %slice3A_1374 = vector.extract_strided_slice %get3A_1369 {offsets = [0], sizes = [1], strides = [1]} : vector<16xf32> to vector<1xf32>
        %squeeze3A_1375 = vector.extract %slice3A_1374[0] : f32 from vector<1xf32>
        %broadcast_in_dim3A_1376 = vector.broadcast %squeeze3A_1375 : f32 to vector<16xf32>
        %mul3A_1377 = arith.mulf %get3A_1373, %broadcast_in_dim3A_1376 : vector<16xf32>
        %swap3A_1378 = arith.index_cast %add3A_1359 : i32 to index
        %swap3A_1379 = arith.constant 0 : index
        %swap3A_1380 = tpu.vector_load %arg12[%swap3A_1378, %swap3A_1379] {strides = array<i32>} : memref<128x128xf32, #tpu.memory_space<vmem>>, vector<1x16xf32>,
        %swap3A_1381 = vector.shape_cast %swap3A_1380 : vector<1x16xf32> to vector<16xf32>
        %swap3A_1382 = vector.shape_cast %mul3A_1377 : vector<16xf32> to vector<1x16xf32>
        tpu.vector_store %arg12[%swap3A_1378, %swap3A_1379], %swap3A_1382 {strides = array<i32>} : memref<128x128xf32, #tpu.memory_space<vmem>>, vector<1x16xf32>,
        %get3A_1383 = arith.index_cast %add3A_1359 : i32 to index
        %get3A_1384 = arith.constant 16 : index
        %get3A_1385 = tpu.vector_load %arg12[%get3A_1383, %get3A_1384] {strides = array<i32>} : memref<128x128xf32, #tpu.memory_space<vmem>>, vector<1x16xf32>,
        %get3A_1386 = vector.shape_cast %get3A_1385 : vector<1x16xf32> to vector<16xf32>
        %slice3A_1387 = vector.extract_strided_slice %get3A_1369 {offsets = [1], sizes = [1], strides = [1]} : vector<16xf32> to vector<1xf32>
        %squeeze3A_1388 = vector.extract %slice3A_1387[0] : f32 from vector<1xf32>
        %broadcast_in_dim3A_1389 = vector.broadcast %squeeze3A_1388 : f32 to vector<16xf32>
        %mul3A_1390 = arith.mulf %get3A_1386, %broadcast_in_dim3A_1389 : vector<16xf32>
        %swap3A_1391 = arith.index_cast %add3A_1359 : i32 to index
        %swap3A_1392 = arith.constant 16 : index
        %swap3A_1393 = tpu.vector_load %arg12[%swap3A_1391, %swap3A_1392] {strides = array<i32>} : memref<128x128xf32, #tpu.memory_space<vmem>>, vector<1x16xf32>,
        %swap3A_1394 = vector.shape_cast %swap3A_1393 : vector<1x16xf32> to vector<16xf32>
        %swap3A_1395 = vector.shape_cast %mul3A_1390 : vector<16xf32> to vector<1x16xf32>
        tpu.vector_store %arg12[%swap3A_1391, %swap3A_1392], %swap3A_1395 {strides = array<i32>} : memref<128x128xf32, #tpu.memory_space<vmem>>, vector<1x16xf32>,
        %get3A_1396 = arith.index_cast %add3A_1359 : i32 to index
        %get3A_1397 = arith.constant 32 : index
        %get3A_1398 = tpu.vector_load %arg12[%get3A_1396, %get3A_1397] {strides = array<i32>} : memref<128x128xf32, #tpu.memory_space<vmem>>, vector<1x16xf32>,
        %get3A_1399 = vector.shape_cast %get3A_1398 : vector<1x16xf32> to vector<16xf32>
        %slice3A_1400 = vector.extract_strided_slice %get3A_1369 {offsets = [2], sizes = [1], strides = [1]} : vector<16xf32> to vector<1xf32>
        %squeeze3A_1401 = vector.extract %slice3A_1400[0] : f32 from vector<1xf32>
        %broadcast_in_dim3A_1402 = vector.broadcast %squeeze3A_1401 : f32 to vector<16xf32>
        %mul3A_1403 = arith.mulf %get3A_1399, %broadcast_in_dim3A_1402 : vector<16xf32>
        %swap3A_1404 = arith.index_cast %add3A_1359 : i32 to index
        %swap3A_1405 = arith.constant 32 : index
        %swap3A_1406 = tpu.vector_load %arg12[%swap3A_1404, %swap3A_1405] {strides = array<i32>} : memref<128x128xf32, #tpu.memory_space<vmem>>, vector<1x16xf32>,
        %swap3A_1407 = vector.shape_cast %swap3A_1406 : vector<1x16xf32> to vector<16xf32>
        %swap3A_1408 = vector.shape_cast %mul3A_1403 : vector<16xf32> to vector<1x16xf32>
        tpu.vector_store %arg12[%swap3A_1404, %swap3A_1405], %swap3A_1408 {strides = array<i32>} : memref<128x128xf32, #tpu.memory_space<vmem>>, vector<1x16xf32>,
        %get3A_1409 = arith.index_cast %add3A_1359 : i32 to index
        %get3A_1410 = arith.constant 48 : index
        %get3A_1411 = tpu.vector_load %arg12[%get3A_1409, %get3A_1410] {strides = array<i32>} : memref<128x128xf32, #tpu.memory_space<vmem>>, vector<1x16xf32>,
        %get3A_1412 = vector.shape_cast %get3A_1411 : vector<1x16xf32> to vector<16xf32>
        %slice3A_1413 = vector.extract_strided_slice %get3A_1369 {offsets = [3], sizes = [1], strides = [1]} : vector<16xf32> to vector<1xf32>
        %squeeze3A_1414 = vector.extract %slice3A_1413[0] : f32 from vector<1xf32>
        %broadcast_in_dim3A_1415 = vector.broadcast %squeeze3A_1414 : f32 to vector<16xf32>
        %mul3A_1416 = arith.mulf %get3A_1412, %broadcast_in_dim3A_1415 : vector<16xf32>
        %swap3A_1417 = arith.index_cast %add3A_1359 : i32 to index
        %swap3A_1418 = arith.constant 48 : index
        %swap3A_1419 = tpu.vector_load %arg12[%swap3A_1417, %swap3A_1418] {strides = array<i32>} : memref<128x128xf32, #tpu.memory_space<vmem>>, vector<1x16xf32>,
        %swap3A_1420 = vector.shape_cast %swap3A_1419 : vector<1x16xf32> to vector<16xf32>
        %swap3A_1421 = vector.shape_cast %mul3A_1416 : vector<16xf32> to vector<1x16xf32>
        tpu.vector_store %arg12[%swap3A_1417, %swap3A_1418], %swap3A_1421 {strides = array<i32>} : memref<128x128xf32, #tpu.memory_space<vmem>>, vector<1x16xf32>,
        %get3A_1422 = arith.index_cast %add3A_1359 : i32 to index
        %get3A_1423 = arith.constant 64 : index
        %get3A_1424 = tpu.vector_load %arg12[%get3A_1422, %get3A_1423] {strides = array<i32>} : memref<128x128xf32, #tpu.memory_space<vmem>>, vector<1x16xf32>,
        %get3A_1425 = vector.shape_cast %get3A_1424 : vector<1x16xf32> to vector<16xf32>
        %slice3A_1426 = vector.extract_strided_slice %get3A_1369 {offsets = [4], sizes = [1], strides = [1]} : vector<16xf32> to vector<1xf32>
        %squeeze3A_1427 = vector.extract %slice3A_1426[0] : f32 from vector<1xf32>
        %broadcast_in_dim3A_1428 = vector.broadcast %squeeze3A_1427 : f32 to vector<16xf32>
        %mul3A_1429 = arith.mulf %get3A_1425, %broadcast_in_dim3A_1428 : vector<16xf32>
        %swap3A_1430 = arith.index_cast %add3A_1359 : i32 to index
        %swap3A_1431 = arith.constant 64 : index
        %swap3A_1432 = tpu.vector_load %arg12[%swap3A_1430, %swap3A_1431] {strides = array<i32>} : memref<128x128xf32, #tpu.memory_space<vmem>>, vector<1x16xf32>,
        %swap3A_1433 = vector.shape_cast %swap3A_1432 : vector<1x16xf32> to vector<16xf32>
        %swap3A_1434 = vector.shape_cast %mul3A_1429 : vector<16xf32> to vector<1x16xf32>
        tpu.vector_store %arg12[%swap3A_1430, %swap3A_1431], %swap3A_1434 {strides = array<i32>} : memref<128x128xf32, #tpu.memory_space<vmem>>, vector<1x16xf32>,
        %get3A_1435 = arith.index_cast %add3A_1359 : i32 to index
        %get3A_1436 = arith.constant 80 : index
        %get3A_1437 = tpu.vector_load %arg12[%get3A_1435, %get3A_1436] {strides = array<i32>} : memref<128x128xf32, #tpu.memory_space<vmem>>, vector<1x16xf32>,
        %get3A_1438 = vector.shape_cast %get3A_1437 : vector<1x16xf32> to vector<16xf32>
        %slice3A_1439 = vector.extract_strided_slice %get3A_1369 {offsets = [5], sizes = [1], strides = [1]} : vector<16xf32> to vector<1xf32>
        %squeeze3A_1440 = vector.extract %slice3A_1439[0] : f32 from vector<1xf32>
        %broadcast_in_dim3A_1441 = vector.broadcast %squeeze3A_1440 : f32 to vector<16xf32>
        %mul3A_1442 = arith.mulf %get3A_1438, %broadcast_in_dim3A_1441 : vector<16xf32>
        %swap3A_1443 = arith.index_cast %add3A_1359 : i32 to index
        %swap3A_1444 = arith.constant 80 : index
        %swap3A_1445 = tpu.vector_load %arg12[%swap3A_1443, %swap3A_1444] {strides = array<i32>} : memref<128x128xf32, #tpu.memory_space<vmem>>, vector<1x16xf32>,
        %swap3A_1446 = vector.shape_cast %swap3A_1445 : vector<1x16xf32> to vector<16xf32>
        %swap3A_1447 = vector.shape_cast %mul3A_1442 : vector<16xf32> to vector<1x16xf32>
        tpu.vector_store %arg12[%swap3A_1443, %swap3A_1444], %swap3A_1447 {strides = array<i32>} : memref<128x128xf32, #tpu.memory_space<vmem>>, vector<1x16xf32>,
        %get3A_1448 = arith.index_cast %add3A_1359 : i32 to index
        %get3A_1449 = arith.constant 96 : index
        %get3A_1450 = tpu.vector_load %arg12[%get3A_1448, %get3A_1449] {strides = array<i32>} : memref<128x128xf32, #tpu.memory_space<vmem>>, vector<1x16xf32>,
        %get3A_1451 = vector.shape_cast %get3A_1450 : vector<1x16xf32> to vector<16xf32>
        %slice3A_1452 = vector.extract_strided_slice %get3A_1369 {offsets = [6], sizes = [1], strides = [1]} : vector<16xf32> to vector<1xf32>
        %squeeze3A_1453 = vector.extract %slice3A_1452[0] : f32 from vector<1xf32>
        %broadcast_in_dim3A_1454 = vector.broadcast %squeeze3A_1453 : f32 to vector<16xf32>
        %mul3A_1455 = arith.mulf %get3A_1451, %broadcast_in_dim3A_1454 : vector<16xf32>
        %swap3A_1456 = arith.index_cast %add3A_1359 : i32 to index
        %swap3A_1457 = arith.constant 96 : index
        %swap3A_1458 = tpu.vector_load %arg12[%swap3A_1456, %swap3A_1457] {strides = array<i32>} : memref<128x128xf32, #tpu.memory_space<vmem>>, vector<1x16xf32>,
        %swap3A_1459 = vector.shape_cast %swap3A_1458 : vector<1x16xf32> to vector<16xf32>
        %swap3A_1460 = vector.shape_cast %mul3A_1455 : vector<16xf32> to vector<1x16xf32>
        tpu.vector_store %arg12[%swap3A_1456, %swap3A_1457], %swap3A_1460 {strides = array<i32>} : memref<128x128xf32, #tpu.memory_space<vmem>>, vector<1x16xf32>,
        %get3A_1461 = arith.index_cast %add3A_1359 : i32 to index
        %get3A_1462 = arith.constant 112 : index
        %get3A_1463 = tpu.vector_load %arg12[%get3A_1461, %get3A_1462] {strides = array<i32>} : memref<128x128xf32, #tpu.memory_space<vmem>>, vector<1x16xf32>,
        %get3A_1464 = vector.shape_cast %get3A_1463 : vector<1x16xf32> to vector<16xf32>
        %slice3A_1465 = vector.extract_strided_slice %get3A_1369 {offsets = [7], sizes = [1], strides = [1]} : vector<16xf32> to vector<1xf32>
        %squeeze3A_1466 = vector.extract %slice3A_1465[0] : f32 from vector<1xf32>
        %broadcast_in_dim3A_1467 = vector.broadcast %squeeze3A_1466 : f32 to vector<16xf32>
        %mul3A_1468 = arith.mulf %get3A_1464, %broadcast_in_dim3A_1467 : vector<16xf32>
        %swap3A_1469 = arith.index_cast %add3A_1359 : i32 to index
        %swap3A_1470 = arith.constant 112 : index
        %swap3A_1471 = tpu.vector_load %arg12[%swap3A_1469, %swap3A_1470] {strides = array<i32>} : memref<128x128xf32, #tpu.memory_space<vmem>>, vector<1x16xf32>,
        %swap3A_1472 = vector.shape_cast %swap3A_1471 : vector<1x16xf32> to vector<16xf32>
        %swap3A_1473 = vector.shape_cast %mul3A_1468 : vector<16xf32> to vector<1x16xf32>
        tpu.vector_store %arg12[%swap3A_1469, %swap3A_1470], %swap3A_1473 {strides = array<i32>} : memref<128x128xf32, #tpu.memory_space<vmem>>, vector<1x16xf32>,
        %mul3A_1474 = arith.constant 16 : i32
        %mul3A_1475 = arith.muli %scan3A_172, %mul3A_1474 : i32
        %add3A_1476 = arith.constant 11 : i32
        %add3A_1477 = arith.addi %mul3A_1475, %add3A_1476 : i32
        %slice3A_1478 = vector.extract_strided_slice %get3A_178 {offsets = [11], sizes = [1], strides = [1]} : vector<16xi32> to vector<1xi32>
        %squeeze3A_1479 = vector.extract %slice3A_1478[0] : i32 from vector<1xi32>
        %and3A_1480 = arith.constant 7 : i32
        %and3A_1481 = arith.andi %squeeze3A_1479, %and3A_1480 : i32
        %mul3A_1482 = arith.constant 16 : i32
        %mul3A_1483 = arith.muli %and3A_1481, %mul3A_1482 : i32
        %get3A_1484 = arith.index_cast %add3A_1477 : i32 to index
        %get3A_1485 = arith.index_cast %mul3A_1483 : i32 to index
        %get3A_1486 = tpu.vector_load %arg13[%get3A_1484, %get3A_1485] {strides = array<i32>} : memref<128x128xf32, #tpu.memory_space<vmem>>, vector<1x16xf32>,
        %get3A_1487 = vector.shape_cast %get3A_1486 : vector<1x16xf32> to vector<16xf32>
        %get3A_1488 = arith.index_cast %add3A_1477 : i32 to index
        %get3A_1489 = arith.constant 0 : index
        %get3A_1490 = tpu.vector_load %arg12[%get3A_1488, %get3A_1489] {strides = array<i32>} : memref<128x128xf32, #tpu.memory_space<vmem>>, vector<1x16xf32>,
        %get3A_1491 = vector.shape_cast %get3A_1490 : vector<1x16xf32> to vector<16xf32>
        %slice3A_1492 = vector.extract_strided_slice %get3A_1487 {offsets = [0], sizes = [1], strides = [1]} : vector<16xf32> to vector<1xf32>
        %squeeze3A_1493 = vector.extract %slice3A_1492[0] : f32 from vector<1xf32>
        %broadcast_in_dim3A_1494 = vector.broadcast %squeeze3A_1493 : f32 to vector<16xf32>
        %mul3A_1495 = arith.mulf %get3A_1491, %broadcast_in_dim3A_1494 : vector<16xf32>
        %swap3A_1496 = arith.index_cast %add3A_1477 : i32 to index
        %swap3A_1497 = arith.constant 0 : index
        %swap3A_1498 = tpu.vector_load %arg12[%swap3A_1496, %swap3A_1497] {strides = array<i32>} : memref<128x128xf32, #tpu.memory_space<vmem>>, vector<1x16xf32>,
        %swap3A_1499 = vector.shape_cast %swap3A_1498 : vector<1x16xf32> to vector<16xf32>
        %swap3A_1500 = vector.shape_cast %mul3A_1495 : vector<16xf32> to vector<1x16xf32>
        tpu.vector_store %arg12[%swap3A_1496, %swap3A_1497], %swap3A_1500 {strides = array<i32>} : memref<128x128xf32, #tpu.memory_space<vmem>>, vector<1x16xf32>,
        %get3A_1501 = arith.index_cast %add3A_1477 : i32 to index
        %get3A_1502 = arith.constant 16 : index
        %get3A_1503 = tpu.vector_load %arg12[%get3A_1501, %get3A_1502] {strides = array<i32>} : memref<128x128xf32, #tpu.memory_space<vmem>>, vector<1x16xf32>,
        %get3A_1504 = vector.shape_cast %get3A_1503 : vector<1x16xf32> to vector<16xf32>
        %slice3A_1505 = vector.extract_strided_slice %get3A_1487 {offsets = [1], sizes = [1], strides = [1]} : vector<16xf32> to vector<1xf32>
        %squeeze3A_1506 = vector.extract %slice3A_1505[0] : f32 from vector<1xf32>
        %broadcast_in_dim3A_1507 = vector.broadcast %squeeze3A_1506 : f32 to vector<16xf32>
        %mul3A_1508 = arith.mulf %get3A_1504, %broadcast_in_dim3A_1507 : vector<16xf32>
        %swap3A_1509 = arith.index_cast %add3A_1477 : i32 to index
        %swap3A_1510 = arith.constant 16 : index
        %swap3A_1511 = tpu.vector_load %arg12[%swap3A_1509, %swap3A_1510] {strides = array<i32>} : memref<128x128xf32, #tpu.memory_space<vmem>>, vector<1x16xf32>,
        %swap3A_1512 = vector.shape_cast %swap3A_1511 : vector<1x16xf32> to vector<16xf32>
        %swap3A_1513 = vector.shape_cast %mul3A_1508 : vector<16xf32> to vector<1x16xf32>
        tpu.vector_store %arg12[%swap3A_1509, %swap3A_1510], %swap3A_1513 {strides = array<i32>} : memref<128x128xf32, #tpu.memory_space<vmem>>, vector<1x16xf32>,
        %get3A_1514 = arith.index_cast %add3A_1477 : i32 to index
        %get3A_1515 = arith.constant 32 : index
        %get3A_1516 = tpu.vector_load %arg12[%get3A_1514, %get3A_1515] {strides = array<i32>} : memref<128x128xf32, #tpu.memory_space<vmem>>, vector<1x16xf32>,
        %get3A_1517 = vector.shape_cast %get3A_1516 : vector<1x16xf32> to vector<16xf32>
        %slice3A_1518 = vector.extract_strided_slice %get3A_1487 {offsets = [2], sizes = [1], strides = [1]} : vector<16xf32> to vector<1xf32>
        %squeeze3A_1519 = vector.extract %slice3A_1518[0] : f32 from vector<1xf32>
        %broadcast_in_dim3A_1520 = vector.broadcast %squeeze3A_1519 : f32 to vector<16xf32>
        %mul3A_1521 = arith.mulf %get3A_1517, %broadcast_in_dim3A_1520 : vector<16xf32>
        %swap3A_1522 = arith.index_cast %add3A_1477 : i32 to index
        %swap3A_1523 = arith.constant 32 : index
        %swap3A_1524 = tpu.vector_load %arg12[%swap3A_1522, %swap3A_1523] {strides = array<i32>} : memref<128x128xf32, #tpu.memory_space<vmem>>, vector<1x16xf32>,
        %swap3A_1525 = vector.shape_cast %swap3A_1524 : vector<1x16xf32> to vector<16xf32>
        %swap3A_1526 = vector.shape_cast %mul3A_1521 : vector<16xf32> to vector<1x16xf32>
        tpu.vector_store %arg12[%swap3A_1522, %swap3A_1523], %swap3A_1526 {strides = array<i32>} : memref<128x128xf32, #tpu.memory_space<vmem>>, vector<1x16xf32>,
        %get3A_1527 = arith.index_cast %add3A_1477 : i32 to index
        %get3A_1528 = arith.constant 48 : index
        %get3A_1529 = tpu.vector_load %arg12[%get3A_1527, %get3A_1528] {strides = array<i32>} : memref<128x128xf32, #tpu.memory_space<vmem>>, vector<1x16xf32>,
        %get3A_1530 = vector.shape_cast %get3A_1529 : vector<1x16xf32> to vector<16xf32>
        %slice3A_1531 = vector.extract_strided_slice %get3A_1487 {offsets = [3], sizes = [1], strides = [1]} : vector<16xf32> to vector<1xf32>
        %squeeze3A_1532 = vector.extract %slice3A_1531[0] : f32 from vector<1xf32>
        %broadcast_in_dim3A_1533 = vector.broadcast %squeeze3A_1532 : f32 to vector<16xf32>
        %mul3A_1534 = arith.mulf %get3A_1530, %broadcast_in_dim3A_1533 : vector<16xf32>
        %swap3A_1535 = arith.index_cast %add3A_1477 : i32 to index
        %swap3A_1536 = arith.constant 48 : index
        %swap3A_1537 = tpu.vector_load %arg12[%swap3A_1535, %swap3A_1536] {strides = array<i32>} : memref<128x128xf32, #tpu.memory_space<vmem>>, vector<1x16xf32>,
        %swap3A_1538 = vector.shape_cast %swap3A_1537 : vector<1x16xf32> to vector<16xf32>
        %swap3A_1539 = vector.shape_cast %mul3A_1534 : vector<16xf32> to vector<1x16xf32>
        tpu.vector_store %arg12[%swap3A_1535, %swap3A_1536], %swap3A_1539 {strides = array<i32>} : memref<128x128xf32, #tpu.memory_space<vmem>>, vector<1x16xf32>,
        %get3A_1540 = arith.index_cast %add3A_1477 : i32 to index
        %get3A_1541 = arith.constant 64 : index
        %get3A_1542 = tpu.vector_load %arg12[%get3A_1540, %get3A_1541] {strides = array<i32>} : memref<128x128xf32, #tpu.memory_space<vmem>>, vector<1x16xf32>,
        %get3A_1543 = vector.shape_cast %get3A_1542 : vector<1x16xf32> to vector<16xf32>
        %slice3A_1544 = vector.extract_strided_slice %get3A_1487 {offsets = [4], sizes = [1], strides = [1]} : vector<16xf32> to vector<1xf32>
        %squeeze3A_1545 = vector.extract %slice3A_1544[0] : f32 from vector<1xf32>
        %broadcast_in_dim3A_1546 = vector.broadcast %squeeze3A_1545 : f32 to vector<16xf32>
        %mul3A_1547 = arith.mulf %get3A_1543, %broadcast_in_dim3A_1546 : vector<16xf32>
        %swap3A_1548 = arith.index_cast %add3A_1477 : i32 to index
        %swap3A_1549 = arith.constant 64 : index
        %swap3A_1550 = tpu.vector_load %arg12[%swap3A_1548, %swap3A_1549] {strides = array<i32>} : memref<128x128xf32, #tpu.memory_space<vmem>>, vector<1x16xf32>,
        %swap3A_1551 = vector.shape_cast %swap3A_1550 : vector<1x16xf32> to vector<16xf32>
        %swap3A_1552 = vector.shape_cast %mul3A_1547 : vector<16xf32> to vector<1x16xf32>
        tpu.vector_store %arg12[%swap3A_1548, %swap3A_1549], %swap3A_1552 {strides = array<i32>} : memref<128x128xf32, #tpu.memory_space<vmem>>, vector<1x16xf32>,
        %get3A_1553 = arith.index_cast %add3A_1477 : i32 to index
        %get3A_1554 = arith.constant 80 : index
        %get3A_1555 = tpu.vector_load %arg12[%get3A_1553, %get3A_1554] {strides = array<i32>} : memref<128x128xf32, #tpu.memory_space<vmem>>, vector<1x16xf32>,
        %get3A_1556 = vector.shape_cast %get3A_1555 : vector<1x16xf32> to vector<16xf32>
        %slice3A_1557 = vector.extract_strided_slice %get3A_1487 {offsets = [5], sizes = [1], strides = [1]} : vector<16xf32> to vector<1xf32>
        %squeeze3A_1558 = vector.extract %slice3A_1557[0] : f32 from vector<1xf32>
        %broadcast_in_dim3A_1559 = vector.broadcast %squeeze3A_1558 : f32 to vector<16xf32>
        %mul3A_1560 = arith.mulf %get3A_1556, %broadcast_in_dim3A_1559 : vector<16xf32>
        %swap3A_1561 = arith.index_cast %add3A_1477 : i32 to index
        %swap3A_1562 = arith.constant 80 : index
        %swap3A_1563 = tpu.vector_load %arg12[%swap3A_1561, %swap3A_1562] {strides = array<i32>} : memref<128x128xf32, #tpu.memory_space<vmem>>, vector<1x16xf32>,
        %swap3A_1564 = vector.shape_cast %swap3A_1563 : vector<1x16xf32> to vector<16xf32>
        %swap3A_1565 = vector.shape_cast %mul3A_1560 : vector<16xf32> to vector<1x16xf32>
        tpu.vector_store %arg12[%swap3A_1561, %swap3A_1562], %swap3A_1565 {strides = array<i32>} : memref<128x128xf32, #tpu.memory_space<vmem>>, vector<1x16xf32>,
        %get3A_1566 = arith.index_cast %add3A_1477 : i32 to index
        %get3A_1567 = arith.constant 96 : index
        %get3A_1568 = tpu.vector_load %arg12[%get3A_1566, %get3A_1567] {strides = array<i32>} : memref<128x128xf32, #tpu.memory_space<vmem>>, vector<1x16xf32>,
        %get3A_1569 = vector.shape_cast %get3A_1568 : vector<1x16xf32> to vector<16xf32>
        %slice3A_1570 = vector.extract_strided_slice %get3A_1487 {offsets = [6], sizes = [1], strides = [1]} : vector<16xf32> to vector<1xf32>
        %squeeze3A_1571 = vector.extract %slice3A_1570[0] : f32 from vector<1xf32>
        %broadcast_in_dim3A_1572 = vector.broadcast %squeeze3A_1571 : f32 to vector<16xf32>
        %mul3A_1573 = arith.mulf %get3A_1569, %broadcast_in_dim3A_1572 : vector<16xf32>
        %swap3A_1574 = arith.index_cast %add3A_1477 : i32 to index
        %swap3A_1575 = arith.constant 96 : index
        %swap3A_1576 = tpu.vector_load %arg12[%swap3A_1574, %swap3A_1575] {strides = array<i32>} : memref<128x128xf32, #tpu.memory_space<vmem>>, vector<1x16xf32>,
        %swap3A_1577 = vector.shape_cast %swap3A_1576 : vector<1x16xf32> to vector<16xf32>
        %swap3A_1578 = vector.shape_cast %mul3A_1573 : vector<16xf32> to vector<1x16xf32>
        tpu.vector_store %arg12[%swap3A_1574, %swap3A_1575], %swap3A_1578 {strides = array<i32>} : memref<128x128xf32, #tpu.memory_space<vmem>>, vector<1x16xf32>,
        %get3A_1579 = arith.index_cast %add3A_1477 : i32 to index
        %get3A_1580 = arith.constant 112 : index
        %get3A_1581 = tpu.vector_load %arg12[%get3A_1579, %get3A_1580] {strides = array<i32>} : memref<128x128xf32, #tpu.memory_space<vmem>>, vector<1x16xf32>,
        %get3A_1582 = vector.shape_cast %get3A_1581 : vector<1x16xf32> to vector<16xf32>
        %slice3A_1583 = vector.extract_strided_slice %get3A_1487 {offsets = [7], sizes = [1], strides = [1]} : vector<16xf32> to vector<1xf32>
        %squeeze3A_1584 = vector.extract %slice3A_1583[0] : f32 from vector<1xf32>
        %broadcast_in_dim3A_1585 = vector.broadcast %squeeze3A_1584 : f32 to vector<16xf32>
        %mul3A_1586 = arith.mulf %get3A_1582, %broadcast_in_dim3A_1585 : vector<16xf32>
        %swap3A_1587 = arith.index_cast %add3A_1477 : i32 to index
        %swap3A_1588 = arith.constant 112 : index
        %swap3A_1589 = tpu.vector_load %arg12[%swap3A_1587, %swap3A_1588] {strides = array<i32>} : memref<128x128xf32, #tpu.memory_space<vmem>>, vector<1x16xf32>,
        %swap3A_1590 = vector.shape_cast %swap3A_1589 : vector<1x16xf32> to vector<16xf32>
        %swap3A_1591 = vector.shape_cast %mul3A_1586 : vector<16xf32> to vector<1x16xf32>
        tpu.vector_store %arg12[%swap3A_1587, %swap3A_1588], %swap3A_1591 {strides = array<i32>} : memref<128x128xf32, #tpu.memory_space<vmem>>, vector<1x16xf32>,
        %mul3A_1592 = arith.constant 16 : i32
        %mul3A_1593 = arith.muli %scan3A_172, %mul3A_1592 : i32
        %add3A_1594 = arith.constant 12 : i32
        %add3A_1595 = arith.addi %mul3A_1593, %add3A_1594 : i32
        %slice3A_1596 = vector.extract_strided_slice %get3A_178 {offsets = [12], sizes = [1], strides = [1]} : vector<16xi32> to vector<1xi32>
        %squeeze3A_1597 = vector.extract %slice3A_1596[0] : i32 from vector<1xi32>
        %and3A_1598 = arith.constant 7 : i32
        %and3A_1599 = arith.andi %squeeze3A_1597, %and3A_1598 : i32
        %mul3A_1600 = arith.constant 16 : i32
        %mul3A_1601 = arith.muli %and3A_1599, %mul3A_1600 : i32
        %get3A_1602 = arith.index_cast %add3A_1595 : i32 to index
        %get3A_1603 = arith.index_cast %mul3A_1601 : i32 to index
        %get3A_1604 = tpu.vector_load %arg13[%get3A_1602, %get3A_1603] {strides = array<i32>} : memref<128x128xf32, #tpu.memory_space<vmem>>, vector<1x16xf32>,
        %get3A_1605 = vector.shape_cast %get3A_1604 : vector<1x16xf32> to vector<16xf32>
        %get3A_1606 = arith.index_cast %add3A_1595 : i32 to index
        %get3A_1607 = arith.constant 0 : index
        %get3A_1608 = tpu.vector_load %arg12[%get3A_1606, %get3A_1607] {strides = array<i32>} : memref<128x128xf32, #tpu.memory_space<vmem>>, vector<1x16xf32>,
        %get3A_1609 = vector.shape_cast %get3A_1608 : vector<1x16xf32> to vector<16xf32>
        %slice3A_1610 = vector.extract_strided_slice %get3A_1605 {offsets = [0], sizes = [1], strides = [1]} : vector<16xf32> to vector<1xf32>
        %squeeze3A_1611 = vector.extract %slice3A_1610[0] : f32 from vector<1xf32>
        %broadcast_in_dim3A_1612 = vector.broadcast %squeeze3A_1611 : f32 to vector<16xf32>
        %mul3A_1613 = arith.mulf %get3A_1609, %broadcast_in_dim3A_1612 : vector<16xf32>
        %swap3A_1614 = arith.index_cast %add3A_1595 : i32 to index
        %swap3A_1615 = arith.constant 0 : index
        %swap3A_1616 = tpu.vector_load %arg12[%swap3A_1614, %swap3A_1615] {strides = array<i32>} : memref<128x128xf32, #tpu.memory_space<vmem>>, vector<1x16xf32>,
        %swap3A_1617 = vector.shape_cast %swap3A_1616 : vector<1x16xf32> to vector<16xf32>
        %swap3A_1618 = vector.shape_cast %mul3A_1613 : vector<16xf32> to vector<1x16xf32>
        tpu.vector_store %arg12[%swap3A_1614, %swap3A_1615], %swap3A_1618 {strides = array<i32>} : memref<128x128xf32, #tpu.memory_space<vmem>>, vector<1x16xf32>,
        %get3A_1619 = arith.index_cast %add3A_1595 : i32 to index
        %get3A_1620 = arith.constant 16 : index
        %get3A_1621 = tpu.vector_load %arg12[%get3A_1619, %get3A_1620] {strides = array<i32>} : memref<128x128xf32, #tpu.memory_space<vmem>>, vector<1x16xf32>,
        %get3A_1622 = vector.shape_cast %get3A_1621 : vector<1x16xf32> to vector<16xf32>
        %slice3A_1623 = vector.extract_strided_slice %get3A_1605 {offsets = [1], sizes = [1], strides = [1]} : vector<16xf32> to vector<1xf32>
        %squeeze3A_1624 = vector.extract %slice3A_1623[0] : f32 from vector<1xf32>
        %broadcast_in_dim3A_1625 = vector.broadcast %squeeze3A_1624 : f32 to vector<16xf32>
        %mul3A_1626 = arith.mulf %get3A_1622, %broadcast_in_dim3A_1625 : vector<16xf32>
        %swap3A_1627 = arith.index_cast %add3A_1595 : i32 to index
        %swap3A_1628 = arith.constant 16 : index
        %swap3A_1629 = tpu.vector_load %arg12[%swap3A_1627, %swap3A_1628] {strides = array<i32>} : memref<128x128xf32, #tpu.memory_space<vmem>>, vector<1x16xf32>,
        %swap3A_1630 = vector.shape_cast %swap3A_1629 : vector<1x16xf32> to vector<16xf32>
        %swap3A_1631 = vector.shape_cast %mul3A_1626 : vector<16xf32> to vector<1x16xf32>
        tpu.vector_store %arg12[%swap3A_1627, %swap3A_1628], %swap3A_1631 {strides = array<i32>} : memref<128x128xf32, #tpu.memory_space<vmem>>, vector<1x16xf32>,
        %get3A_1632 = arith.index_cast %add3A_1595 : i32 to index
        %get3A_1633 = arith.constant 32 : index
        %get3A_1634 = tpu.vector_load %arg12[%get3A_1632, %get3A_1633] {strides = array<i32>} : memref<128x128xf32, #tpu.memory_space<vmem>>, vector<1x16xf32>,
        %get3A_1635 = vector.shape_cast %get3A_1634 : vector<1x16xf32> to vector<16xf32>
        %slice3A_1636 = vector.extract_strided_slice %get3A_1605 {offsets = [2], sizes = [1], strides = [1]} : vector<16xf32> to vector<1xf32>
        %squeeze3A_1637 = vector.extract %slice3A_1636[0] : f32 from vector<1xf32>
        %broadcast_in_dim3A_1638 = vector.broadcast %squeeze3A_1637 : f32 to vector<16xf32>
        %mul3A_1639 = arith.mulf %get3A_1635, %broadcast_in_dim3A_1638 : vector<16xf32>
        %swap3A_1640 = arith.index_cast %add3A_1595 : i32 to index
        %swap3A_1641 = arith.constant 32 : index
        %swap3A_1642 = tpu.vector_load %arg12[%swap3A_1640, %swap3A_1641] {strides = array<i32>} : memref<128x128xf32, #tpu.memory_space<vmem>>, vector<1x16xf32>,
        %swap3A_1643 = vector.shape_cast %swap3A_1642 : vector<1x16xf32> to vector<16xf32>
        %swap3A_1644 = vector.shape_cast %mul3A_1639 : vector<16xf32> to vector<1x16xf32>
        tpu.vector_store %arg12[%swap3A_1640, %swap3A_1641], %swap3A_1644 {strides = array<i32>} : memref<128x128xf32, #tpu.memory_space<vmem>>, vector<1x16xf32>,
        %get3A_1645 = arith.index_cast %add3A_1595 : i32 to index
        %get3A_1646 = arith.constant 48 : index
        %get3A_1647 = tpu.vector_load %arg12[%get3A_1645, %get3A_1646] {strides = array<i32>} : memref<128x128xf32, #tpu.memory_space<vmem>>, vector<1x16xf32>,
        %get3A_1648 = vector.shape_cast %get3A_1647 : vector<1x16xf32> to vector<16xf32>
        %slice3A_1649 = vector.extract_strided_slice %get3A_1605 {offsets = [3], sizes = [1], strides = [1]} : vector<16xf32> to vector<1xf32>
        %squeeze3A_1650 = vector.extract %slice3A_1649[0] : f32 from vector<1xf32>
        %broadcast_in_dim3A_1651 = vector.broadcast %squeeze3A_1650 : f32 to vector<16xf32>
        %mul3A_1652 = arith.mulf %get3A_1648, %broadcast_in_dim3A_1651 : vector<16xf32>
        %swap3A_1653 = arith.index_cast %add3A_1595 : i32 to index
        %swap3A_1654 = arith.constant 48 : index
        %swap3A_1655 = tpu.vector_load %arg12[%swap3A_1653, %swap3A_1654] {strides = array<i32>} : memref<128x128xf32, #tpu.memory_space<vmem>>, vector<1x16xf32>,
        %swap3A_1656 = vector.shape_cast %swap3A_1655 : vector<1x16xf32> to vector<16xf32>
        %swap3A_1657 = vector.shape_cast %mul3A_1652 : vector<16xf32> to vector<1x16xf32>
        tpu.vector_store %arg12[%swap3A_1653, %swap3A_1654], %swap3A_1657 {strides = array<i32>} : memref<128x128xf32, #tpu.memory_space<vmem>>, vector<1x16xf32>,
        %get3A_1658 = arith.index_cast %add3A_1595 : i32 to index
        %get3A_1659 = arith.constant 64 : index
        %get3A_1660 = tpu.vector_load %arg12[%get3A_1658, %get3A_1659] {strides = array<i32>} : memref<128x128xf32, #tpu.memory_space<vmem>>, vector<1x16xf32>,
        %get3A_1661 = vector.shape_cast %get3A_1660 : vector<1x16xf32> to vector<16xf32>
        %slice3A_1662 = vector.extract_strided_slice %get3A_1605 {offsets = [4], sizes = [1], strides = [1]} : vector<16xf32> to vector<1xf32>
        %squeeze3A_1663 = vector.extract %slice3A_1662[0] : f32 from vector<1xf32>
        %broadcast_in_dim3A_1664 = vector.broadcast %squeeze3A_1663 : f32 to vector<16xf32>
        %mul3A_1665 = arith.mulf %get3A_1661, %broadcast_in_dim3A_1664 : vector<16xf32>
        %swap3A_1666 = arith.index_cast %add3A_1595 : i32 to index
        %swap3A_1667 = arith.constant 64 : index
        %swap3A_1668 = tpu.vector_load %arg12[%swap3A_1666, %swap3A_1667] {strides = array<i32>} : memref<128x128xf32, #tpu.memory_space<vmem>>, vector<1x16xf32>,
        %swap3A_1669 = vector.shape_cast %swap3A_1668 : vector<1x16xf32> to vector<16xf32>
        %swap3A_1670 = vector.shape_cast %mul3A_1665 : vector<16xf32> to vector<1x16xf32>
        tpu.vector_store %arg12[%swap3A_1666, %swap3A_1667], %swap3A_1670 {strides = array<i32>} : memref<128x128xf32, #tpu.memory_space<vmem>>, vector<1x16xf32>,
        %get3A_1671 = arith.index_cast %add3A_1595 : i32 to index
        %get3A_1672 = arith.constant 80 : index
        %get3A_1673 = tpu.vector_load %arg12[%get3A_1671, %get3A_1672] {strides = array<i32>} : memref<128x128xf32, #tpu.memory_space<vmem>>, vector<1x16xf32>,
        %get3A_1674 = vector.shape_cast %get3A_1673 : vector<1x16xf32> to vector<16xf32>
        %slice3A_1675 = vector.extract_strided_slice %get3A_1605 {offsets = [5], sizes = [1], strides = [1]} : vector<16xf32> to vector<1xf32>
        %squeeze3A_1676 = vector.extract %slice3A_1675[0] : f32 from vector<1xf32>
        %broadcast_in_dim3A_1677 = vector.broadcast %squeeze3A_1676 : f32 to vector<16xf32>
        %mul3A_1678 = arith.mulf %get3A_1674, %broadcast_in_dim3A_1677 : vector<16xf32>
        %swap3A_1679 = arith.index_cast %add3A_1595 : i32 to index
        %swap3A_1680 = arith.constant 80 : index
        %swap3A_1681 = tpu.vector_load %arg12[%swap3A_1679, %swap3A_1680] {strides = array<i32>} : memref<128x128xf32, #tpu.memory_space<vmem>>, vector<1x16xf32>,
        %swap3A_1682 = vector.shape_cast %swap3A_1681 : vector<1x16xf32> to vector<16xf32>
        %swap3A_1683 = vector.shape_cast %mul3A_1678 : vector<16xf32> to vector<1x16xf32>
        tpu.vector_store %arg12[%swap3A_1679, %swap3A_1680], %swap3A_1683 {strides = array<i32>} : memref<128x128xf32, #tpu.memory_space<vmem>>, vector<1x16xf32>,
        %get3A_1684 = arith.index_cast %add3A_1595 : i32 to index
        %get3A_1685 = arith.constant 96 : index
        %get3A_1686 = tpu.vector_load %arg12[%get3A_1684, %get3A_1685] {strides = array<i32>} : memref<128x128xf32, #tpu.memory_space<vmem>>, vector<1x16xf32>,
        %get3A_1687 = vector.shape_cast %get3A_1686 : vector<1x16xf32> to vector<16xf32>
        %slice3A_1688 = vector.extract_strided_slice %get3A_1605 {offsets = [6], sizes = [1], strides = [1]} : vector<16xf32> to vector<1xf32>
        %squeeze3A_1689 = vector.extract %slice3A_1688[0] : f32 from vector<1xf32>
        %broadcast_in_dim3A_1690 = vector.broadcast %squeeze3A_1689 : f32 to vector<16xf32>
        %mul3A_1691 = arith.mulf %get3A_1687, %broadcast_in_dim3A_1690 : vector<16xf32>
        %swap3A_1692 = arith.index_cast %add3A_1595 : i32 to index
        %swap3A_1693 = arith.constant 96 : index
        %swap3A_1694 = tpu.vector_load %arg12[%swap3A_1692, %swap3A_1693] {strides = array<i32>} : memref<128x128xf32, #tpu.memory_space<vmem>>, vector<1x16xf32>,
        %swap3A_1695 = vector.shape_cast %swap3A_1694 : vector<1x16xf32> to vector<16xf32>
        %swap3A_1696 = vector.shape_cast %mul3A_1691 : vector<16xf32> to vector<1x16xf32>
        tpu.vector_store %arg12[%swap3A_1692, %swap3A_1693], %swap3A_1696 {strides = array<i32>} : memref<128x128xf32, #tpu.memory_space<vmem>>, vector<1x16xf32>,
        %get3A_1697 = arith.index_cast %add3A_1595 : i32 to index
        %get3A_1698 = arith.constant 112 : index
        %get3A_1699 = tpu.vector_load %arg12[%get3A_1697, %get3A_1698] {strides = array<i32>} : memref<128x128xf32, #tpu.memory_space<vmem>>, vector<1x16xf32>,
        %get3A_1700 = vector.shape_cast %get3A_1699 : vector<1x16xf32> to vector<16xf32>
        %slice3A_1701 = vector.extract_strided_slice %get3A_1605 {offsets = [7], sizes = [1], strides = [1]} : vector<16xf32> to vector<1xf32>
        %squeeze3A_1702 = vector.extract %slice3A_1701[0] : f32 from vector<1xf32>
        %broadcast_in_dim3A_1703 = vector.broadcast %squeeze3A_1702 : f32 to vector<16xf32>
        %mul3A_1704 = arith.mulf %get3A_1700, %broadcast_in_dim3A_1703 : vector<16xf32>
        %swap3A_1705 = arith.index_cast %add3A_1595 : i32 to index
        %swap3A_1706 = arith.constant 112 : index
        %swap3A_1707 = tpu.vector_load %arg12[%swap3A_1705, %swap3A_1706] {strides = array<i32>} : memref<128x128xf32, #tpu.memory_space<vmem>>, vector<1x16xf32>,
        %swap3A_1708 = vector.shape_cast %swap3A_1707 : vector<1x16xf32> to vector<16xf32>
        %swap3A_1709 = vector.shape_cast %mul3A_1704 : vector<16xf32> to vector<1x16xf32>
        tpu.vector_store %arg12[%swap3A_1705, %swap3A_1706], %swap3A_1709 {strides = array<i32>} : memref<128x128xf32, #tpu.memory_space<vmem>>, vector<1x16xf32>,
        %mul3A_1710 = arith.constant 16 : i32
        %mul3A_1711 = arith.muli %scan3A_172, %mul3A_1710 : i32
        %add3A_1712 = arith.constant 13 : i32
        %add3A_1713 = arith.addi %mul3A_1711, %add3A_1712 : i32
        %slice3A_1714 = vector.extract_strided_slice %get3A_178 {offsets = [13], sizes = [1], strides = [1]} : vector<16xi32> to vector<1xi32>
        %squeeze3A_1715 = vector.extract %slice3A_1714[0] : i32 from vector<1xi32>
        %and3A_1716 = arith.constant 7 : i32
        %and3A_1717 = arith.andi %squeeze3A_1715, %and3A_1716 : i32
        %mul3A_1718 = arith.constant 16 : i32
        %mul3A_1719 = arith.muli %and3A_1717, %mul3A_1718 : i32
        %get3A_1720 = arith.index_cast %add3A_1713 : i32 to index
        %get3A_1721 = arith.index_cast %mul3A_1719 : i32 to index
        %get3A_1722 = tpu.vector_load %arg13[%get3A_1720, %get3A_1721] {strides = array<i32>} : memref<128x128xf32, #tpu.memory_space<vmem>>, vector<1x16xf32>,
        %get3A_1723 = vector.shape_cast %get3A_1722 : vector<1x16xf32> to vector<16xf32>
        %get3A_1724 = arith.index_cast %add3A_1713 : i32 to index
        %get3A_1725 = arith.constant 0 : index
        %get3A_1726 = tpu.vector_load %arg12[%get3A_1724, %get3A_1725] {strides = array<i32>} : memref<128x128xf32, #tpu.memory_space<vmem>>, vector<1x16xf32>,
        %get3A_1727 = vector.shape_cast %get3A_1726 : vector<1x16xf32> to vector<16xf32>
        %slice3A_1728 = vector.extract_strided_slice %get3A_1723 {offsets = [0], sizes = [1], strides = [1]} : vector<16xf32> to vector<1xf32>
        %squeeze3A_1729 = vector.extract %slice3A_1728[0] : f32 from vector<1xf32>
        %broadcast_in_dim3A_1730 = vector.broadcast %squeeze3A_1729 : f32 to vector<16xf32>
        %mul3A_1731 = arith.mulf %get3A_1727, %broadcast_in_dim3A_1730 : vector<16xf32>
        %swap3A_1732 = arith.index_cast %add3A_1713 : i32 to index
        %swap3A_1733 = arith.constant 0 : index
        %swap3A_1734 = tpu.vector_load %arg12[%swap3A_1732, %swap3A_1733] {strides = array<i32>} : memref<128x128xf32, #tpu.memory_space<vmem>>, vector<1x16xf32>,
        %swap3A_1735 = vector.shape_cast %swap3A_1734 : vector<1x16xf32> to vector<16xf32>
        %swap3A_1736 = vector.shape_cast %mul3A_1731 : vector<16xf32> to vector<1x16xf32>
        tpu.vector_store %arg12[%swap3A_1732, %swap3A_1733], %swap3A_1736 {strides = array<i32>} : memref<128x128xf32, #tpu.memory_space<vmem>>, vector<1x16xf32>,
        %get3A_1737 = arith.index_cast %add3A_1713 : i32 to index
        %get3A_1738 = arith.constant 16 : index
        %get3A_1739 = tpu.vector_load %arg12[%get3A_1737, %get3A_1738] {strides = array<i32>} : memref<128x128xf32, #tpu.memory_space<vmem>>, vector<1x16xf32>,
        %get3A_1740 = vector.shape_cast %get3A_1739 : vector<1x16xf32> to vector<16xf32>
        %slice3A_1741 = vector.extract_strided_slice %get3A_1723 {offsets = [1], sizes = [1], strides = [1]} : vector<16xf32> to vector<1xf32>
        %squeeze3A_1742 = vector.extract %slice3A_1741[0] : f32 from vector<1xf32>
        %broadcast_in_dim3A_1743 = vector.broadcast %squeeze3A_1742 : f32 to vector<16xf32>
        %mul3A_1744 = arith.mulf %get3A_1740, %broadcast_in_dim3A_1743 : vector<16xf32>
        %swap3A_1745 = arith.index_cast %add3A_1713 : i32 to index
        %swap3A_1746 = arith.constant 16 : index
        %swap3A_1747 = tpu.vector_load %arg12[%swap3A_1745, %swap3A_1746] {strides = array<i32>} : memref<128x128xf32, #tpu.memory_space<vmem>>, vector<1x16xf32>,
        %swap3A_1748 = vector.shape_cast %swap3A_1747 : vector<1x16xf32> to vector<16xf32>
        %swap3A_1749 = vector.shape_cast %mul3A_1744 : vector<16xf32> to vector<1x16xf32>
        tpu.vector_store %arg12[%swap3A_1745, %swap3A_1746], %swap3A_1749 {strides = array<i32>} : memref<128x128xf32, #tpu.memory_space<vmem>>, vector<1x16xf32>,
        %get3A_1750 = arith.index_cast %add3A_1713 : i32 to index
        %get3A_1751 = arith.constant 32 : index
        %get3A_1752 = tpu.vector_load %arg12[%get3A_1750, %get3A_1751] {strides = array<i32>} : memref<128x128xf32, #tpu.memory_space<vmem>>, vector<1x16xf32>,
        %get3A_1753 = vector.shape_cast %get3A_1752 : vector<1x16xf32> to vector<16xf32>
        %slice3A_1754 = vector.extract_strided_slice %get3A_1723 {offsets = [2], sizes = [1], strides = [1]} : vector<16xf32> to vector<1xf32>
        %squeeze3A_1755 = vector.extract %slice3A_1754[0] : f32 from vector<1xf32>
        %broadcast_in_dim3A_1756 = vector.broadcast %squeeze3A_1755 : f32 to vector<16xf32>
        %mul3A_1757 = arith.mulf %get3A_1753, %broadcast_in_dim3A_1756 : vector<16xf32>
        %swap3A_1758 = arith.index_cast %add3A_1713 : i32 to index
        %swap3A_1759 = arith.constant 32 : index
        %swap3A_1760 = tpu.vector_load %arg12[%swap3A_1758, %swap3A_1759] {strides = array<i32>} : memref<128x128xf32, #tpu.memory_space<vmem>>, vector<1x16xf32>,
        %swap3A_1761 = vector.shape_cast %swap3A_1760 : vector<1x16xf32> to vector<16xf32>
        %swap3A_1762 = vector.shape_cast %mul3A_1757 : vector<16xf32> to vector<1x16xf32>
        tpu.vector_store %arg12[%swap3A_1758, %swap3A_1759], %swap3A_1762 {strides = array<i32>} : memref<128x128xf32, #tpu.memory_space<vmem>>, vector<1x16xf32>,
        %get3A_1763 = arith.index_cast %add3A_1713 : i32 to index
        %get3A_1764 = arith.constant 48 : index
        %get3A_1765 = tpu.vector_load %arg12[%get3A_1763, %get3A_1764] {strides = array<i32>} : memref<128x128xf32, #tpu.memory_space<vmem>>, vector<1x16xf32>,
        %get3A_1766 = vector.shape_cast %get3A_1765 : vector<1x16xf32> to vector<16xf32>
        %slice3A_1767 = vector.extract_strided_slice %get3A_1723 {offsets = [3], sizes = [1], strides = [1]} : vector<16xf32> to vector<1xf32>
        %squeeze3A_1768 = vector.extract %slice3A_1767[0] : f32 from vector<1xf32>
        %broadcast_in_dim3A_1769 = vector.broadcast %squeeze3A_1768 : f32 to vector<16xf32>
        %mul3A_1770 = arith.mulf %get3A_1766, %broadcast_in_dim3A_1769 : vector<16xf32>
        %swap3A_1771 = arith.index_cast %add3A_1713 : i32 to index
        %swap3A_1772 = arith.constant 48 : index
        %swap3A_1773 = tpu.vector_load %arg12[%swap3A_1771, %swap3A_1772] {strides = array<i32>} : memref<128x128xf32, #tpu.memory_space<vmem>>, vector<1x16xf32>,
        %swap3A_1774 = vector.shape_cast %swap3A_1773 : vector<1x16xf32> to vector<16xf32>
        %swap3A_1775 = vector.shape_cast %mul3A_1770 : vector<16xf32> to vector<1x16xf32>
        tpu.vector_store %arg12[%swap3A_1771, %swap3A_1772], %swap3A_1775 {strides = array<i32>} : memref<128x128xf32, #tpu.memory_space<vmem>>, vector<1x16xf32>,
        %get3A_1776 = arith.index_cast %add3A_1713 : i32 to index
        %get3A_1777 = arith.constant 64 : index
        %get3A_1778 = tpu.vector_load %arg12[%get3A_1776, %get3A_1777] {strides = array<i32>} : memref<128x128xf32, #tpu.memory_space<vmem>>, vector<1x16xf32>,
        %get3A_1779 = vector.shape_cast %get3A_1778 : vector<1x16xf32> to vector<16xf32>
        %slice3A_1780 = vector.extract_strided_slice %get3A_1723 {offsets = [4], sizes = [1], strides = [1]} : vector<16xf32> to vector<1xf32>
        %squeeze3A_1781 = vector.extract %slice3A_1780[0] : f32 from vector<1xf32>
        %broadcast_in_dim3A_1782 = vector.broadcast %squeeze3A_1781 : f32 to vector<16xf32>
        %mul3A_1783 = arith.mulf %get3A_1779, %broadcast_in_dim3A_1782 : vector<16xf32>
        %swap3A_1784 = arith.index_cast %add3A_1713 : i32 to index
        %swap3A_1785 = arith.constant 64 : index
        %swap3A_1786 = tpu.vector_load %arg12[%swap3A_1784, %swap3A_1785] {strides = array<i32>} : memref<128x128xf32, #tpu.memory_space<vmem>>, vector<1x16xf32>,
        %swap3A_1787 = vector.shape_cast %swap3A_1786 : vector<1x16xf32> to vector<16xf32>
        %swap3A_1788 = vector.shape_cast %mul3A_1783 : vector<16xf32> to vector<1x16xf32>
        tpu.vector_store %arg12[%swap3A_1784, %swap3A_1785], %swap3A_1788 {strides = array<i32>} : memref<128x128xf32, #tpu.memory_space<vmem>>, vector<1x16xf32>,
        %get3A_1789 = arith.index_cast %add3A_1713 : i32 to index
        %get3A_1790 = arith.constant 80 : index
        %get3A_1791 = tpu.vector_load %arg12[%get3A_1789, %get3A_1790] {strides = array<i32>} : memref<128x128xf32, #tpu.memory_space<vmem>>, vector<1x16xf32>,
        %get3A_1792 = vector.shape_cast %get3A_1791 : vector<1x16xf32> to vector<16xf32>
        %slice3A_1793 = vector.extract_strided_slice %get3A_1723 {offsets = [5], sizes = [1], strides = [1]} : vector<16xf32> to vector<1xf32>
        %squeeze3A_1794 = vector.extract %slice3A_1793[0] : f32 from vector<1xf32>
        %broadcast_in_dim3A_1795 = vector.broadcast %squeeze3A_1794 : f32 to vector<16xf32>
        %mul3A_1796 = arith.mulf %get3A_1792, %broadcast_in_dim3A_1795 : vector<16xf32>
        %swap3A_1797 = arith.index_cast %add3A_1713 : i32 to index
        %swap3A_1798 = arith.constant 80 : index
        %swap3A_1799 = tpu.vector_load %arg12[%swap3A_1797, %swap3A_1798] {strides = array<i32>} : memref<128x128xf32, #tpu.memory_space<vmem>>, vector<1x16xf32>,
        %swap3A_1800 = vector.shape_cast %swap3A_1799 : vector<1x16xf32> to vector<16xf32>
        %swap3A_1801 = vector.shape_cast %mul3A_1796 : vector<16xf32> to vector<1x16xf32>
        tpu.vector_store %arg12[%swap3A_1797, %swap3A_1798], %swap3A_1801 {strides = array<i32>} : memref<128x128xf32, #tpu.memory_space<vmem>>, vector<1x16xf32>,
        %get3A_1802 = arith.index_cast %add3A_1713 : i32 to index
        %get3A_1803 = arith.constant 96 : index
        %get3A_1804 = tpu.vector_load %arg12[%get3A_1802, %get3A_1803] {strides = array<i32>} : memref<128x128xf32, #tpu.memory_space<vmem>>, vector<1x16xf32>,
        %get3A_1805 = vector.shape_cast %get3A_1804 : vector<1x16xf32> to vector<16xf32>
        %slice3A_1806 = vector.extract_strided_slice %get3A_1723 {offsets = [6], sizes = [1], strides = [1]} : vector<16xf32> to vector<1xf32>
        %squeeze3A_1807 = vector.extract %slice3A_1806[0] : f32 from vector<1xf32>
        %broadcast_in_dim3A_1808 = vector.broadcast %squeeze3A_1807 : f32 to vector<16xf32>
        %mul3A_1809 = arith.mulf %get3A_1805, %broadcast_in_dim3A_1808 : vector<16xf32>
        %swap3A_1810 = arith.index_cast %add3A_1713 : i32 to index
        %swap3A_1811 = arith.constant 96 : index
        %swap3A_1812 = tpu.vector_load %arg12[%swap3A_1810, %swap3A_1811] {strides = array<i32>} : memref<128x128xf32, #tpu.memory_space<vmem>>, vector<1x16xf32>,
        %swap3A_1813 = vector.shape_cast %swap3A_1812 : vector<1x16xf32> to vector<16xf32>
        %swap3A_1814 = vector.shape_cast %mul3A_1809 : vector<16xf32> to vector<1x16xf32>
        tpu.vector_store %arg12[%swap3A_1810, %swap3A_1811], %swap3A_1814 {strides = array<i32>} : memref<128x128xf32, #tpu.memory_space<vmem>>, vector<1x16xf32>,
        %get3A_1815 = arith.index_cast %add3A_1713 : i32 to index
        %get3A_1816 = arith.constant 112 : index
        %get3A_1817 = tpu.vector_load %arg12[%get3A_1815, %get3A_1816] {strides = array<i32>} : memref<128x128xf32, #tpu.memory_space<vmem>>, vector<1x16xf32>,
        %get3A_1818 = vector.shape_cast %get3A_1817 : vector<1x16xf32> to vector<16xf32>
        %slice3A_1819 = vector.extract_strided_slice %get3A_1723 {offsets = [7], sizes = [1], strides = [1]} : vector<16xf32> to vector<1xf32>
        %squeeze3A_1820 = vector.extract %slice3A_1819[0] : f32 from vector<1xf32>
        %broadcast_in_dim3A_1821 = vector.broadcast %squeeze3A_1820 : f32 to vector<16xf32>
        %mul3A_1822 = arith.mulf %get3A_1818, %broadcast_in_dim3A_1821 : vector<16xf32>
        %swap3A_1823 = arith.index_cast %add3A_1713 : i32 to index
        %swap3A_1824 = arith.constant 112 : index
        %swap3A_1825 = tpu.vector_load %arg12[%swap3A_1823, %swap3A_1824] {strides = array<i32>} : memref<128x128xf32, #tpu.memory_space<vmem>>, vector<1x16xf32>,
        %swap3A_1826 = vector.shape_cast %swap3A_1825 : vector<1x16xf32> to vector<16xf32>
        %swap3A_1827 = vector.shape_cast %mul3A_1822 : vector<16xf32> to vector<1x16xf32>
        tpu.vector_store %arg12[%swap3A_1823, %swap3A_1824], %swap3A_1827 {strides = array<i32>} : memref<128x128xf32, #tpu.memory_space<vmem>>, vector<1x16xf32>,
        %mul3A_1828 = arith.constant 16 : i32
        %mul3A_1829 = arith.muli %scan3A_172, %mul3A_1828 : i32
        %add3A_1830 = arith.constant 14 : i32
        %add3A_1831 = arith.addi %mul3A_1829, %add3A_1830 : i32
        %slice3A_1832 = vector.extract_strided_slice %get3A_178 {offsets = [14], sizes = [1], strides = [1]} : vector<16xi32> to vector<1xi32>
        %squeeze3A_1833 = vector.extract %slice3A_1832[0] : i32 from vector<1xi32>
        %and3A_1834 = arith.constant 7 : i32
        %and3A_1835 = arith.andi %squeeze3A_1833, %and3A_1834 : i32
        %mul3A_1836 = arith.constant 16 : i32
        %mul3A_1837 = arith.muli %and3A_1835, %mul3A_1836 : i32
        %get3A_1838 = arith.index_cast %add3A_1831 : i32 to index
        %get3A_1839 = arith.index_cast %mul3A_1837 : i32 to index
        %get3A_1840 = tpu.vector_load %arg13[%get3A_1838, %get3A_1839] {strides = array<i32>} : memref<128x128xf32, #tpu.memory_space<vmem>>, vector<1x16xf32>,
        %get3A_1841 = vector.shape_cast %get3A_1840 : vector<1x16xf32> to vector<16xf32>
        %get3A_1842 = arith.index_cast %add3A_1831 : i32 to index
        %get3A_1843 = arith.constant 0 : index
        %get3A_1844 = tpu.vector_load %arg12[%get3A_1842, %get3A_1843] {strides = array<i32>} : memref<128x128xf32, #tpu.memory_space<vmem>>, vector<1x16xf32>,
        %get3A_1845 = vector.shape_cast %get3A_1844 : vector<1x16xf32> to vector<16xf32>
        %slice3A_1846 = vector.extract_strided_slice %get3A_1841 {offsets = [0], sizes = [1], strides = [1]} : vector<16xf32> to vector<1xf32>
        %squeeze3A_1847 = vector.extract %slice3A_1846[0] : f32 from vector<1xf32>
        %broadcast_in_dim3A_1848 = vector.broadcast %squeeze3A_1847 : f32 to vector<16xf32>
        %mul3A_1849 = arith.mulf %get3A_1845, %broadcast_in_dim3A_1848 : vector<16xf32>
        %swap3A_1850 = arith.index_cast %add3A_1831 : i32 to index
        %swap3A_1851 = arith.constant 0 : index
        %swap3A_1852 = tpu.vector_load %arg12[%swap3A_1850, %swap3A_1851] {strides = array<i32>} : memref<128x128xf32, #tpu.memory_space<vmem>>, vector<1x16xf32>,
        %swap3A_1853 = vector.shape_cast %swap3A_1852 : vector<1x16xf32> to vector<16xf32>
        %swap3A_1854 = vector.shape_cast %mul3A_1849 : vector<16xf32> to vector<1x16xf32>
        tpu.vector_store %arg12[%swap3A_1850, %swap3A_1851], %swap3A_1854 {strides = array<i32>} : memref<128x128xf32, #tpu.memory_space<vmem>>, vector<1x16xf32>,
        %get3A_1855 = arith.index_cast %add3A_1831 : i32 to index
        %get3A_1856 = arith.constant 16 : index
        %get3A_1857 = tpu.vector_load %arg12[%get3A_1855, %get3A_1856] {strides = array<i32>} : memref<128x128xf32, #tpu.memory_space<vmem>>, vector<1x16xf32>,
        %get3A_1858 = vector.shape_cast %get3A_1857 : vector<1x16xf32> to vector<16xf32>
        %slice3A_1859 = vector.extract_strided_slice %get3A_1841 {offsets = [1], sizes = [1], strides = [1]} : vector<16xf32> to vector<1xf32>
        %squeeze3A_1860 = vector.extract %slice3A_1859[0] : f32 from vector<1xf32>
        %broadcast_in_dim3A_1861 = vector.broadcast %squeeze3A_1860 : f32 to vector<16xf32>
        %mul3A_1862 = arith.mulf %get3A_1858, %broadcast_in_dim3A_1861 : vector<16xf32>
        %swap3A_1863 = arith.index_cast %add3A_1831 : i32 to index
        %swap3A_1864 = arith.constant 16 : index
        %swap3A_1865 = tpu.vector_load %arg12[%swap3A_1863, %swap3A_1864] {strides = array<i32>} : memref<128x128xf32, #tpu.memory_space<vmem>>, vector<1x16xf32>,
        %swap3A_1866 = vector.shape_cast %swap3A_1865 : vector<1x16xf32> to vector<16xf32>
        %swap3A_1867 = vector.shape_cast %mul3A_1862 : vector<16xf32> to vector<1x16xf32>
        tpu.vector_store %arg12[%swap3A_1863, %swap3A_1864], %swap3A_1867 {strides = array<i32>} : memref<128x128xf32, #tpu.memory_space<vmem>>, vector<1x16xf32>,
        %get3A_1868 = arith.index_cast %add3A_1831 : i32 to index
        %get3A_1869 = arith.constant 32 : index
        %get3A_1870 = tpu.vector_load %arg12[%get3A_1868, %get3A_1869] {strides = array<i32>} : memref<128x128xf32, #tpu.memory_space<vmem>>, vector<1x16xf32>,
        %get3A_1871 = vector.shape_cast %get3A_1870 : vector<1x16xf32> to vector<16xf32>
        %slice3A_1872 = vector.extract_strided_slice %get3A_1841 {offsets = [2], sizes = [1], strides = [1]} : vector<16xf32> to vector<1xf32>
        %squeeze3A_1873 = vector.extract %slice3A_1872[0] : f32 from vector<1xf32>
        %broadcast_in_dim3A_1874 = vector.broadcast %squeeze3A_1873 : f32 to vector<16xf32>
        %mul3A_1875 = arith.mulf %get3A_1871, %broadcast_in_dim3A_1874 : vector<16xf32>
        %swap3A_1876 = arith.index_cast %add3A_1831 : i32 to index
        %swap3A_1877 = arith.constant 32 : index
        %swap3A_1878 = tpu.vector_load %arg12[%swap3A_1876, %swap3A_1877] {strides = array<i32>} : memref<128x128xf32, #tpu.memory_space<vmem>>, vector<1x16xf32>,
        %swap3A_1879 = vector.shape_cast %swap3A_1878 : vector<1x16xf32> to vector<16xf32>
        %swap3A_1880 = vector.shape_cast %mul3A_1875 : vector<16xf32> to vector<1x16xf32>
        tpu.vector_store %arg12[%swap3A_1876, %swap3A_1877], %swap3A_1880 {strides = array<i32>} : memref<128x128xf32, #tpu.memory_space<vmem>>, vector<1x16xf32>,
        %get3A_1881 = arith.index_cast %add3A_1831 : i32 to index
        %get3A_1882 = arith.constant 48 : index
        %get3A_1883 = tpu.vector_load %arg12[%get3A_1881, %get3A_1882] {strides = array<i32>} : memref<128x128xf32, #tpu.memory_space<vmem>>, vector<1x16xf32>,
        %get3A_1884 = vector.shape_cast %get3A_1883 : vector<1x16xf32> to vector<16xf32>
        %slice3A_1885 = vector.extract_strided_slice %get3A_1841 {offsets = [3], sizes = [1], strides = [1]} : vector<16xf32> to vector<1xf32>
        %squeeze3A_1886 = vector.extract %slice3A_1885[0] : f32 from vector<1xf32>
        %broadcast_in_dim3A_1887 = vector.broadcast %squeeze3A_1886 : f32 to vector<16xf32>
        %mul3A_1888 = arith.mulf %get3A_1884, %broadcast_in_dim3A_1887 : vector<16xf32>
        %swap3A_1889 = arith.index_cast %add3A_1831 : i32 to index
        %swap3A_1890 = arith.constant 48 : index
        %swap3A_1891 = tpu.vector_load %arg12[%swap3A_1889, %swap3A_1890] {strides = array<i32>} : memref<128x128xf32, #tpu.memory_space<vmem>>, vector<1x16xf32>,
        %swap3A_1892 = vector.shape_cast %swap3A_1891 : vector<1x16xf32> to vector<16xf32>
        %swap3A_1893 = vector.shape_cast %mul3A_1888 : vector<16xf32> to vector<1x16xf32>
        tpu.vector_store %arg12[%swap3A_1889, %swap3A_1890], %swap3A_1893 {strides = array<i32>} : memref<128x128xf32, #tpu.memory_space<vmem>>, vector<1x16xf32>,
        %get3A_1894 = arith.index_cast %add3A_1831 : i32 to index
        %get3A_1895 = arith.constant 64 : index
        %get3A_1896 = tpu.vector_load %arg12[%get3A_1894, %get3A_1895] {strides = array<i32>} : memref<128x128xf32, #tpu.memory_space<vmem>>, vector<1x16xf32>,
        %get3A_1897 = vector.shape_cast %get3A_1896 : vector<1x16xf32> to vector<16xf32>
        %slice3A_1898 = vector.extract_strided_slice %get3A_1841 {offsets = [4], sizes = [1], strides = [1]} : vector<16xf32> to vector<1xf32>
        %squeeze3A_1899 = vector.extract %slice3A_1898[0] : f32 from vector<1xf32>
        %broadcast_in_dim3A_1900 = vector.broadcast %squeeze3A_1899 : f32 to vector<16xf32>
        %mul3A_1901 = arith.mulf %get3A_1897, %broadcast_in_dim3A_1900 : vector<16xf32>
        %swap3A_1902 = arith.index_cast %add3A_1831 : i32 to index
        %swap3A_1903 = arith.constant 64 : index
        %swap3A_1904 = tpu.vector_load %arg12[%swap3A_1902, %swap3A_1903] {strides = array<i32>} : memref<128x128xf32, #tpu.memory_space<vmem>>, vector<1x16xf32>,
        %swap3A_1905 = vector.shape_cast %swap3A_1904 : vector<1x16xf32> to vector<16xf32>
        %swap3A_1906 = vector.shape_cast %mul3A_1901 : vector<16xf32> to vector<1x16xf32>
        tpu.vector_store %arg12[%swap3A_1902, %swap3A_1903], %swap3A_1906 {strides = array<i32>} : memref<128x128xf32, #tpu.memory_space<vmem>>, vector<1x16xf32>,
        %get3A_1907 = arith.index_cast %add3A_1831 : i32 to index
        %get3A_1908 = arith.constant 80 : index
        %get3A_1909 = tpu.vector_load %arg12[%get3A_1907, %get3A_1908] {strides = array<i32>} : memref<128x128xf32, #tpu.memory_space<vmem>>, vector<1x16xf32>,
        %get3A_1910 = vector.shape_cast %get3A_1909 : vector<1x16xf32> to vector<16xf32>
        %slice3A_1911 = vector.extract_strided_slice %get3A_1841 {offsets = [5], sizes = [1], strides = [1]} : vector<16xf32> to vector<1xf32>
        %squeeze3A_1912 = vector.extract %slice3A_1911[0] : f32 from vector<1xf32>
        %broadcast_in_dim3A_1913 = vector.broadcast %squeeze3A_1912 : f32 to vector<16xf32>
        %mul3A_1914 = arith.mulf %get3A_1910, %broadcast_in_dim3A_1913 : vector<16xf32>
        %swap3A_1915 = arith.index_cast %add3A_1831 : i32 to index
        %swap3A_1916 = arith.constant 80 : index
        %swap3A_1917 = tpu.vector_load %arg12[%swap3A_1915, %swap3A_1916] {strides = array<i32>} : memref<128x128xf32, #tpu.memory_space<vmem>>, vector<1x16xf32>,
        %swap3A_1918 = vector.shape_cast %swap3A_1917 : vector<1x16xf32> to vector<16xf32>
        %swap3A_1919 = vector.shape_cast %mul3A_1914 : vector<16xf32> to vector<1x16xf32>
        tpu.vector_store %arg12[%swap3A_1915, %swap3A_1916], %swap3A_1919 {strides = array<i32>} : memref<128x128xf32, #tpu.memory_space<vmem>>, vector<1x16xf32>,
        %get3A_1920 = arith.index_cast %add3A_1831 : i32 to index
        %get3A_1921 = arith.constant 96 : index
        %get3A_1922 = tpu.vector_load %arg12[%get3A_1920, %get3A_1921] {strides = array<i32>} : memref<128x128xf32, #tpu.memory_space<vmem>>, vector<1x16xf32>,
        %get3A_1923 = vector.shape_cast %get3A_1922 : vector<1x16xf32> to vector<16xf32>
        %slice3A_1924 = vector.extract_strided_slice %get3A_1841 {offsets = [6], sizes = [1], strides = [1]} : vector<16xf32> to vector<1xf32>
        %squeeze3A_1925 = vector.extract %slice3A_1924[0] : f32 from vector<1xf32>
        %broadcast_in_dim3A_1926 = vector.broadcast %squeeze3A_1925 : f32 to vector<16xf32>
        %mul3A_1927 = arith.mulf %get3A_1923, %broadcast_in_dim3A_1926 : vector<16xf32>
        %swap3A_1928 = arith.index_cast %add3A_1831 : i32 to index
        %swap3A_1929 = arith.constant 96 : index
        %swap3A_1930 = tpu.vector_load %arg12[%swap3A_1928, %swap3A_1929] {strides = array<i32>} : memref<128x128xf32, #tpu.memory_space<vmem>>, vector<1x16xf32>,
        %swap3A_1931 = vector.shape_cast %swap3A_1930 : vector<1x16xf32> to vector<16xf32>
        %swap3A_1932 = vector.shape_cast %mul3A_1927 : vector<16xf32> to vector<1x16xf32>
        tpu.vector_store %arg12[%swap3A_1928, %swap3A_1929], %swap3A_1932 {strides = array<i32>} : memref<128x128xf32, #tpu.memory_space<vmem>>, vector<1x16xf32>,
        %get3A_1933 = arith.index_cast %add3A_1831 : i32 to index
        %get3A_1934 = arith.constant 112 : index
        %get3A_1935 = tpu.vector_load %arg12[%get3A_1933, %get3A_1934] {strides = array<i32>} : memref<128x128xf32, #tpu.memory_space<vmem>>, vector<1x16xf32>,
        %get3A_1936 = vector.shape_cast %get3A_1935 : vector<1x16xf32> to vector<16xf32>
        %slice3A_1937 = vector.extract_strided_slice %get3A_1841 {offsets = [7], sizes = [1], strides = [1]} : vector<16xf32> to vector<1xf32>
        %squeeze3A_1938 = vector.extract %slice3A_1937[0] : f32 from vector<1xf32>
        %broadcast_in_dim3A_1939 = vector.broadcast %squeeze3A_1938 : f32 to vector<16xf32>
        %mul3A_1940 = arith.mulf %get3A_1936, %broadcast_in_dim3A_1939 : vector<16xf32>
        %swap3A_1941 = arith.index_cast %add3A_1831 : i32 to index
        %swap3A_1942 = arith.constant 112 : index
        %swap3A_1943 = tpu.vector_load %arg12[%swap3A_1941, %swap3A_1942] {strides = array<i32>} : memref<128x128xf32, #tpu.memory_space<vmem>>, vector<1x16xf32>,
        %swap3A_1944 = vector.shape_cast %swap3A_1943 : vector<1x16xf32> to vector<16xf32>
        %swap3A_1945 = vector.shape_cast %mul3A_1940 : vector<16xf32> to vector<1x16xf32>
        tpu.vector_store %arg12[%swap3A_1941, %swap3A_1942], %swap3A_1945 {strides = array<i32>} : memref<128x128xf32, #tpu.memory_space<vmem>>, vector<1x16xf32>,
        %mul3A_1946 = arith.constant 16 : i32
        %mul3A_1947 = arith.muli %scan3A_172, %mul3A_1946 : i32
        %add3A_1948 = arith.constant 15 : i32
        %add3A_1949 = arith.addi %mul3A_1947, %add3A_1948 : i32
        %slice3A_1950 = vector.extract_strided_slice %get3A_178 {offsets = [15], sizes = [1], strides = [1]} : vector<16xi32> to vector<1xi32>
        %squeeze3A_1951 = vector.extract %slice3A_1950[0] : i32 from vector<1xi32>
        %and3A_1952 = arith.constant 7 : i32
        %and3A_1953 = arith.andi %squeeze3A_1951, %and3A_1952 : i32
        %mul3A_1954 = arith.constant 16 : i32
        %mul3A_1955 = arith.muli %and3A_1953, %mul3A_1954 : i32
        %get3A_1956 = arith.index_cast %add3A_1949 : i32 to index
        %get3A_1957 = arith.index_cast %mul3A_1955 : i32 to index
        %get3A_1958 = tpu.vector_load %arg13[%get3A_1956, %get3A_1957] {strides = array<i32>} : memref<128x128xf32, #tpu.memory_space<vmem>>, vector<1x16xf32>,
        %get3A_1959 = vector.shape_cast %get3A_1958 : vector<1x16xf32> to vector<16xf32>
        %get3A_1960 = arith.index_cast %add3A_1949 : i32 to index
        %get3A_1961 = arith.constant 0 : index
        %get3A_1962 = tpu.vector_load %arg12[%get3A_1960, %get3A_1961] {strides = array<i32>} : memref<128x128xf32, #tpu.memory_space<vmem>>, vector<1x16xf32>,
        %get3A_1963 = vector.shape_cast %get3A_1962 : vector<1x16xf32> to vector<16xf32>
        %slice3A_1964 = vector.extract_strided_slice %get3A_1959 {offsets = [0], sizes = [1], strides = [1]} : vector<16xf32> to vector<1xf32>
        %squeeze3A_1965 = vector.extract %slice3A_1964[0] : f32 from vector<1xf32>
        %broadcast_in_dim3A_1966 = vector.broadcast %squeeze3A_1965 : f32 to vector<16xf32>
        %mul3A_1967 = arith.mulf %get3A_1963, %broadcast_in_dim3A_1966 : vector<16xf32>
        %swap3A_1968 = arith.index_cast %add3A_1949 : i32 to index
        %swap3A_1969 = arith.constant 0 : index
        %swap3A_1970 = tpu.vector_load %arg12[%swap3A_1968, %swap3A_1969] {strides = array<i32>} : memref<128x128xf32, #tpu.memory_space<vmem>>, vector<1x16xf32>,
        %swap3A_1971 = vector.shape_cast %swap3A_1970 : vector<1x16xf32> to vector<16xf32>
        %swap3A_1972 = vector.shape_cast %mul3A_1967 : vector<16xf32> to vector<1x16xf32>
        tpu.vector_store %arg12[%swap3A_1968, %swap3A_1969], %swap3A_1972 {strides = array<i32>} : memref<128x128xf32, #tpu.memory_space<vmem>>, vector<1x16xf32>,
        %get3A_1973 = arith.index_cast %add3A_1949 : i32 to index
        %get3A_1974 = arith.constant 16 : index
        %get3A_1975 = tpu.vector_load %arg12[%get3A_1973, %get3A_1974] {strides = array<i32>} : memref<128x128xf32, #tpu.memory_space<vmem>>, vector<1x16xf32>,
        %get3A_1976 = vector.shape_cast %get3A_1975 : vector<1x16xf32> to vector<16xf32>
        %slice3A_1977 = vector.extract_strided_slice %get3A_1959 {offsets = [1], sizes = [1], strides = [1]} : vector<16xf32> to vector<1xf32>
        %squeeze3A_1978 = vector.extract %slice3A_1977[0] : f32 from vector<1xf32>
        %broadcast_in_dim3A_1979 = vector.broadcast %squeeze3A_1978 : f32 to vector<16xf32>
        %mul3A_1980 = arith.mulf %get3A_1976, %broadcast_in_dim3A_1979 : vector<16xf32>
        %swap3A_1981 = arith.index_cast %add3A_1949 : i32 to index
        %swap3A_1982 = arith.constant 16 : index
        %swap3A_1983 = tpu.vector_load %arg12[%swap3A_1981, %swap3A_1982] {strides = array<i32>} : memref<128x128xf32, #tpu.memory_space<vmem>>, vector<1x16xf32>,
        %swap3A_1984 = vector.shape_cast %swap3A_1983 : vector<1x16xf32> to vector<16xf32>
        %swap3A_1985 = vector.shape_cast %mul3A_1980 : vector<16xf32> to vector<1x16xf32>
        tpu.vector_store %arg12[%swap3A_1981, %swap3A_1982], %swap3A_1985 {strides = array<i32>} : memref<128x128xf32, #tpu.memory_space<vmem>>, vector<1x16xf32>,
        %get3A_1986 = arith.index_cast %add3A_1949 : i32 to index
        %get3A_1987 = arith.constant 32 : index
        %get3A_1988 = tpu.vector_load %arg12[%get3A_1986, %get3A_1987] {strides = array<i32>} : memref<128x128xf32, #tpu.memory_space<vmem>>, vector<1x16xf32>,
        %get3A_1989 = vector.shape_cast %get3A_1988 : vector<1x16xf32> to vector<16xf32>
        %slice3A_1990 = vector.extract_strided_slice %get3A_1959 {offsets = [2], sizes = [1], strides = [1]} : vector<16xf32> to vector<1xf32>
        %squeeze3A_1991 = vector.extract %slice3A_1990[0] : f32 from vector<1xf32>
        %broadcast_in_dim3A_1992 = vector.broadcast %squeeze3A_1991 : f32 to vector<16xf32>
        %mul3A_1993 = arith.mulf %get3A_1989, %broadcast_in_dim3A_1992 : vector<16xf32>
        %swap3A_1994 = arith.index_cast %add3A_1949 : i32 to index
        %swap3A_1995 = arith.constant 32 : index
        %swap3A_1996 = tpu.vector_load %arg12[%swap3A_1994, %swap3A_1995] {strides = array<i32>} : memref<128x128xf32, #tpu.memory_space<vmem>>, vector<1x16xf32>,
        %swap3A_1997 = vector.shape_cast %swap3A_1996 : vector<1x16xf32> to vector<16xf32>
        %swap3A_1998 = vector.shape_cast %mul3A_1993 : vector<16xf32> to vector<1x16xf32>
        tpu.vector_store %arg12[%swap3A_1994, %swap3A_1995], %swap3A_1998 {strides = array<i32>} : memref<128x128xf32, #tpu.memory_space<vmem>>, vector<1x16xf32>,
        %get3A_1999 = arith.index_cast %add3A_1949 : i32 to index
        %get3A_2000 = arith.constant 48 : index
        %get3A_2001 = tpu.vector_load %arg12[%get3A_1999, %get3A_2000] {strides = array<i32>} : memref<128x128xf32, #tpu.memory_space<vmem>>, vector<1x16xf32>,
        %get3A_2002 = vector.shape_cast %get3A_2001 : vector<1x16xf32> to vector<16xf32>
        %slice3A_2003 = vector.extract_strided_slice %get3A_1959 {offsets = [3], sizes = [1], strides = [1]} : vector<16xf32> to vector<1xf32>
        %squeeze3A_2004 = vector.extract %slice3A_2003[0] : f32 from vector<1xf32>
        %broadcast_in_dim3A_2005 = vector.broadcast %squeeze3A_2004 : f32 to vector<16xf32>
        %mul3A_2006 = arith.mulf %get3A_2002, %broadcast_in_dim3A_2005 : vector<16xf32>
        %swap3A_2007 = arith.index_cast %add3A_1949 : i32 to index
        %swap3A_2008 = arith.constant 48 : index
        %swap3A_2009 = tpu.vector_load %arg12[%swap3A_2007, %swap3A_2008] {strides = array<i32>} : memref<128x128xf32, #tpu.memory_space<vmem>>, vector<1x16xf32>,
        %swap3A_2010 = vector.shape_cast %swap3A_2009 : vector<1x16xf32> to vector<16xf32>
        %swap3A_2011 = vector.shape_cast %mul3A_2006 : vector<16xf32> to vector<1x16xf32>
        tpu.vector_store %arg12[%swap3A_2007, %swap3A_2008], %swap3A_2011 {strides = array<i32>} : memref<128x128xf32, #tpu.memory_space<vmem>>, vector<1x16xf32>,
        %get3A_2012 = arith.index_cast %add3A_1949 : i32 to index
        %get3A_2013 = arith.constant 64 : index
        %get3A_2014 = tpu.vector_load %arg12[%get3A_2012, %get3A_2013] {strides = array<i32>} : memref<128x128xf32, #tpu.memory_space<vmem>>, vector<1x16xf32>,
        %get3A_2015 = vector.shape_cast %get3A_2014 : vector<1x16xf32> to vector<16xf32>
        %slice3A_2016 = vector.extract_strided_slice %get3A_1959 {offsets = [4], sizes = [1], strides = [1]} : vector<16xf32> to vector<1xf32>
        %squeeze3A_2017 = vector.extract %slice3A_2016[0] : f32 from vector<1xf32>
        %broadcast_in_dim3A_2018 = vector.broadcast %squeeze3A_2017 : f32 to vector<16xf32>
        %mul3A_2019 = arith.mulf %get3A_2015, %broadcast_in_dim3A_2018 : vector<16xf32>
        %swap3A_2020 = arith.index_cast %add3A_1949 : i32 to index
        %swap3A_2021 = arith.constant 64 : index
        %swap3A_2022 = tpu.vector_load %arg12[%swap3A_2020, %swap3A_2021] {strides = array<i32>} : memref<128x128xf32, #tpu.memory_space<vmem>>, vector<1x16xf32>,
        %swap3A_2023 = vector.shape_cast %swap3A_2022 : vector<1x16xf32> to vector<16xf32>
        %swap3A_2024 = vector.shape_cast %mul3A_2019 : vector<16xf32> to vector<1x16xf32>
        tpu.vector_store %arg12[%swap3A_2020, %swap3A_2021], %swap3A_2024 {strides = array<i32>} : memref<128x128xf32, #tpu.memory_space<vmem>>, vector<1x16xf32>,
        %get3A_2025 = arith.index_cast %add3A_1949 : i32 to index
        %get3A_2026 = arith.constant 80 : index
        %get3A_2027 = tpu.vector_load %arg12[%get3A_2025, %get3A_2026] {strides = array<i32>} : memref<128x128xf32, #tpu.memory_space<vmem>>, vector<1x16xf32>,
        %get3A_2028 = vector.shape_cast %get3A_2027 : vector<1x16xf32> to vector<16xf32>
        %slice3A_2029 = vector.extract_strided_slice %get3A_1959 {offsets = [5], sizes = [1], strides = [1]} : vector<16xf32> to vector<1xf32>
        %squeeze3A_2030 = vector.extract %slice3A_2029[0] : f32 from vector<1xf32>
        %broadcast_in_dim3A_2031 = vector.broadcast %squeeze3A_2030 : f32 to vector<16xf32>
        %mul3A_2032 = arith.mulf %get3A_2028, %broadcast_in_dim3A_2031 : vector<16xf32>
        %swap3A_2033 = arith.index_cast %add3A_1949 : i32 to index
        %swap3A_2034 = arith.constant 80 : index
        %swap3A_2035 = tpu.vector_load %arg12[%swap3A_2033, %swap3A_2034] {strides = array<i32>} : memref<128x128xf32, #tpu.memory_space<vmem>>, vector<1x16xf32>,
        %swap3A_2036 = vector.shape_cast %swap3A_2035 : vector<1x16xf32> to vector<16xf32>
        %swap3A_2037 = vector.shape_cast %mul3A_2032 : vector<16xf32> to vector<1x16xf32>
        tpu.vector_store %arg12[%swap3A_2033, %swap3A_2034], %swap3A_2037 {strides = array<i32>} : memref<128x128xf32, #tpu.memory_space<vmem>>, vector<1x16xf32>,
        %get3A_2038 = arith.index_cast %add3A_1949 : i32 to index
        %get3A_2039 = arith.constant 96 : index
        %get3A_2040 = tpu.vector_load %arg12[%get3A_2038, %get3A_2039] {strides = array<i32>} : memref<128x128xf32, #tpu.memory_space<vmem>>, vector<1x16xf32>,
        %get3A_2041 = vector.shape_cast %get3A_2040 : vector<1x16xf32> to vector<16xf32>
        %slice3A_2042 = vector.extract_strided_slice %get3A_1959 {offsets = [6], sizes = [1], strides = [1]} : vector<16xf32> to vector<1xf32>
        %squeeze3A_2043 = vector.extract %slice3A_2042[0] : f32 from vector<1xf32>
        %broadcast_in_dim3A_2044 = vector.broadcast %squeeze3A_2043 : f32 to vector<16xf32>
        %mul3A_2045 = arith.mulf %get3A_2041, %broadcast_in_dim3A_2044 : vector<16xf32>
        %swap3A_2046 = arith.index_cast %add3A_1949 : i32 to index
        %swap3A_2047 = arith.constant 96 : index
        %swap3A_2048 = tpu.vector_load %arg12[%swap3A_2046, %swap3A_2047] {strides = array<i32>} : memref<128x128xf32, #tpu.memory_space<vmem>>, vector<1x16xf32>,
        %swap3A_2049 = vector.shape_cast %swap3A_2048 : vector<1x16xf32> to vector<16xf32>
        %swap3A_2050 = vector.shape_cast %mul3A_2045 : vector<16xf32> to vector<1x16xf32>
        tpu.vector_store %arg12[%swap3A_2046, %swap3A_2047], %swap3A_2050 {strides = array<i32>} : memref<128x128xf32, #tpu.memory_space<vmem>>, vector<1x16xf32>,
        %get3A_2051 = arith.index_cast %add3A_1949 : i32 to index
        %get3A_2052 = arith.constant 112 : index
        %get3A_2053 = tpu.vector_load %arg12[%get3A_2051, %get3A_2052] {strides = array<i32>} : memref<128x128xf32, #tpu.memory_space<vmem>>, vector<1x16xf32>,
        %get3A_2054 = vector.shape_cast %get3A_2053 : vector<1x16xf32> to vector<16xf32>
        %slice3A_2055 = vector.extract_strided_slice %get3A_1959 {offsets = [7], sizes = [1], strides = [1]} : vector<16xf32> to vector<1xf32>
        %squeeze3A_2056 = vector.extract %slice3A_2055[0] : f32 from vector<1xf32>
        %broadcast_in_dim3A_2057 = vector.broadcast %squeeze3A_2056 : f32 to vector<16xf32>
        %mul3A_2058 = arith.mulf %get3A_2054, %broadcast_in_dim3A_2057 : vector<16xf32>
        %swap3A_2059 = arith.index_cast %add3A_1949 : i32 to index
        %swap3A_2060 = arith.constant 112 : index
        %swap3A_2061 = tpu.vector_load %arg12[%swap3A_2059, %swap3A_2060] {strides = array<i32>} : memref<128x128xf32, #tpu.memory_space<vmem>>, vector<1x16xf32>,
        %swap3A_2062 = vector.shape_cast %swap3A_2061 : vector<1x16xf32> to vector<16xf32>
        %swap3A_2063 = vector.shape_cast %mul3A_2058 : vector<16xf32> to vector<1x16xf32>
        tpu.vector_store %arg12[%swap3A_2059, %swap3A_2060], %swap3A_2063 {strides = array<i32>} : memref<128x128xf32, #tpu.memory_space<vmem>>, vector<1x16xf32>,
        %scan3A_2064 = arith.constant 0 : i32
        scf.yield %scan3A_2064 : i32
      }
      %scan3A_158 = arith.constant 8 : i32
      %dma_start3A_159 = arith.constant 0 : i32
      %dma_start3A_160 = tpu.memref_slice %arg10[%and3A_63, %dma_start3A_159] : memref<2x128xi32, #tpu.memory_space<vmem>> -> memref<1x128xi32, #tpu.memory_space<vmem>>
      %dma_start3A_161 = tpu.memref_squeeze %dma_start3A_160 : memref<1x128xi32, #tpu.memory_space<vmem>> -> memref<128xi32, #tpu.memory_space<vmem>>
      %dma_start3A_162 = arith.constant 0 : i32
      %dma_start3A_163 = arith.constant 0 : i32
      %dma_start3A_164 = tpu.memref_slice %arg18[%dma_start3A_162, %dma_start3A_163] : memref<10112x128xf32, #tpu.memory_space<vmem_shared>> -> memref<10112x128xf32, #tpu.memory_space<vmem_shared>>
      tpu.enqueue_indirect_dma source(%arg12 : memref<128x128xf32, #tpu.memory_space<vmem>>) target(%dma_start3A_164 : memref<10112x128xf32, #tpu.memory_space<vmem_shared>>) offsets(%dma_start3A_161 : memref<128xi32, #tpu.memory_space<vmem>>) semaphore(%arg14 : memref<!tpu.dma_semaphore, #tpu.memory_space<semaphore_mem>>) {add = true}
      %dma_start3A_165 = arith.constant 0 : i32
      %dma_start3A_166 = tpu.memref_slice %arg11[%and3A_63, %dma_start3A_165] : memref<2x128xi32, #tpu.memory_space<vmem>> -> memref<1x128xi32, #tpu.memory_space<vmem>>
      %dma_start3A_167 = tpu.memref_squeeze %dma_start3A_166 : memref<1x128xi32, #tpu.memory_space<vmem>> -> memref<128xi32, #tpu.memory_space<vmem>>
      %dma_start3A_168 = arith.constant 0 : i32
      %dma_start3A_169 = arith.constant 0 : i32
      %dma_start3A_170 = tpu.memref_slice %arg19[%dma_start3A_168, %dma_start3A_169] : memref<1280x128xf32, #tpu.memory_space<vmem_shared>> -> memref<1280x128xf32, #tpu.memory_space<vmem_shared>>
      tpu.enqueue_indirect_dma source(%arg13 : memref<128x128xf32, #tpu.memory_space<vmem>>) target(%dma_start3A_170 : memref<1280x128xf32, #tpu.memory_space<vmem_shared>>) offsets(%dma_start3A_167 : memref<128xi32, #tpu.memory_space<vmem>>) semaphore(%arg15 : memref<!tpu.dma_semaphore, #tpu.memory_space<semaphore_mem>>) {add = true}
      %scan3A_171 = arith.constant 0 : i32
      scf.yield %scan3A_171 : i32
    }
    %scan3A_38 = arith.constant 40 : i32
    %dma_wait3A = arith.constant 1 : i32
    %dma_wait3A_39 = arith.constant 0 : i32
    %dma_wait3A_40 = tpu.memref_slice %arg10[%dma_wait3A, %dma_wait3A_39] : memref<2x128xi32, #tpu.memory_space<vmem>> -> memref<1x128xi32, #tpu.memory_space<vmem>>
    %dma_wait3A_41 = tpu.memref_squeeze %dma_wait3A_40 : memref<1x128xi32, #tpu.memory_space<vmem>> -> memref<128xi32, #tpu.memory_space<vmem>>
    %dma_wait3A_42 = arith.constant 0 : i32
    %dma_wait3A_43 = arith.constant 0 : i32
    %dma_wait3A_44 = tpu.memref_slice %arg18[%dma_wait3A_42, %dma_wait3A_43] : memref<10112x128xf32, #tpu.memory_space<vmem_shared>> -> memref<10112x128xf32, #tpu.memory_space<vmem_shared>>
    tpu.wait_indirect_dma semaphore(%arg14 : memref<!tpu.dma_semaphore, #tpu.memory_space<semaphore_mem>>) src(%arg12 : memref<128x128xf32, #tpu.memory_space<vmem>>) dst(%dma_wait3A_44 : memref<10112x128xf32, #tpu.memory_space<vmem_shared>>)
    %dma_wait3A_45 = arith.constant 1 : i32
    %dma_wait3A_46 = arith.constant 0 : i32
    %dma_wait3A_47 = tpu.memref_slice %arg11[%dma_wait3A_45, %dma_wait3A_46] : memref<2x128xi32, #tpu.memory_space<vmem>> -> memref<1x128xi32, #tpu.memory_space<vmem>>
    %dma_wait3A_48 = tpu.memref_squeeze %dma_wait3A_47 : memref<1x128xi32, #tpu.memory_space<vmem>> -> memref<128xi32, #tpu.memory_space<vmem>>
    %dma_wait3A_49 = arith.constant 0 : i32
    %dma_wait3A_50 = arith.constant 0 : i32
    %dma_wait3A_51 = tpu.memref_slice %arg19[%dma_wait3A_49, %dma_wait3A_50] : memref<1280x128xf32, #tpu.memory_space<vmem_shared>> -> memref<1280x128xf32, #tpu.memory_space<vmem_shared>>
    tpu.wait_indirect_dma semaphore(%arg15 : memref<!tpu.dma_semaphore, #tpu.memory_space<semaphore_mem>>) src(%arg13 : memref<128x128xf32, #tpu.memory_space<vmem>>) dst(%dma_wait3A_51 : memref<1280x128xf32, #tpu.memory_space<vmem_shared>>)
    %barrier3A_52 = arith.constant 0 : index
    tpu.barrier barrier_id(%barrier3A_52)
    %mul3A_53 = arith.constant 632 : i32
    %mul3A_54 = arith.muli %arg1, %mul3A_53 : i32
    %mul3A_55 = arith.constant 632 : i32
    %mul3A_56 = arith.muli %arg1, %mul3A_55 : i32
    "tpu.region"() ({
      %run_scoped3A = tpu.sem_alloc : memref<!tpu.dma_semaphore, #tpu.memory_space<semaphore_mem>>
      %dma_start3A = arith.constant 0 : i32
      %dma_start3A_61 = tpu.memref_slice %arg7[%arg0, %mul3A_56, %dma_start3A] : memref<2x10112x128xf32, #tpu.memory_space<hbm>> -> memref<1x632x128xf32, #tpu.memory_space<hbm>>
      %dma_start3A_62 = tpu.memref_squeeze %dma_start3A_61 : memref<1x632x128xf32, #tpu.memory_space<hbm>> -> memref<632x128xf32, #tpu.memory_space<hbm>>
      %dma_start3A_63 = arith.constant 0 : i32
      %dma_start3A_64 = tpu.memref_slice %arg18[%mul3A_54, %dma_start3A_63] : memref<10112x128xf32, #tpu.memory_space<vmem_shared>> -> memref<632x128xf32, #tpu.memory_space<vmem_shared>>
      tpu.enqueue_dma source(%dma_start3A_64 : memref<632x128xf32, #tpu.memory_space<vmem_shared>>) target(%dma_start3A_62 : memref<632x128xf32, #tpu.memory_space<hbm>>) target_semaphore(%run_scoped3A : memref<!tpu.dma_semaphore, #tpu.memory_space<semaphore_mem>>)
      %dma_wait3A_65 = arith.constant 0 : i32
      %dma_wait3A_66 = tpu.memref_slice %arg7[%arg0, %mul3A_56, %dma_wait3A_65] : memref<2x10112x128xf32, #tpu.memory_space<hbm>> -> memref<1x632x128xf32, #tpu.memory_space<hbm>>
      %dma_wait3A_67 = tpu.memref_squeeze %dma_wait3A_66 : memref<1x632x128xf32, #tpu.memory_space<hbm>> -> memref<632x128xf32, #tpu.memory_space<hbm>>
      %dma_wait3A_68 = arith.constant 0 : i32
      %dma_wait3A_69 = tpu.memref_slice %arg18[%mul3A_54, %dma_wait3A_68] : memref<10112x128xf32, #tpu.memory_space<vmem_shared>> -> memref<632x128xf32, #tpu.memory_space<vmem_shared>>
      tpu.wait_dma2 semaphore(%run_scoped3A : memref<!tpu.dma_semaphore, #tpu.memory_space<semaphore_mem>>) src(%dma_wait3A_69 : memref<632x128xf32, #tpu.memory_space<vmem_shared>>) dst(%dma_wait3A_67 : memref<632x128xf32, #tpu.memory_space<hbm>>)
      tpu.yield
    }) : () -> ()
    %mul3A_57 = arith.constant 80 : i32
    %mul3A_58 = arith.muli %arg1, %mul3A_57 : i32
    %mul3A_59 = arith.constant 80 : i32
    %mul3A_60 = arith.muli %arg1, %mul3A_59 : i32
    "tpu.region"() ({
      %run_scoped3A = tpu.sem_alloc : memref<!tpu.dma_semaphore, #tpu.memory_space<semaphore_mem>>
      %dma_start3A = arith.constant 0 : i32
      %dma_start3A_61 = tpu.memref_slice %arg8[%arg0, %mul3A_60, %dma_start3A] : memref<2x1280x128xf32, #tpu.memory_space<hbm>> -> memref<1x80x128xf32, #tpu.memory_space<hbm>>
      %dma_start3A_62 = tpu.memref_squeeze %dma_start3A_61 : memref<1x80x128xf32, #tpu.memory_space<hbm>> -> memref<80x128xf32, #tpu.memory_space<hbm>>
      %dma_start3A_63 = arith.constant 0 : i32
      %dma_start3A_64 = tpu.memref_slice %arg19[%mul3A_58, %dma_start3A_63] : memref<1280x128xf32, #tpu.memory_space<vmem_shared>> -> memref<80x128xf32, #tpu.memory_space<vmem_shared>>
      tpu.enqueue_dma source(%dma_start3A_64 : memref<80x128xf32, #tpu.memory_space<vmem_shared>>) target(%dma_start3A_62 : memref<80x128xf32, #tpu.memory_space<hbm>>) target_semaphore(%run_scoped3A : memref<!tpu.dma_semaphore, #tpu.memory_space<semaphore_mem>>)
      %dma_wait3A_65 = arith.constant 0 : i32
      %dma_wait3A_66 = tpu.memref_slice %arg8[%arg0, %mul3A_60, %dma_wait3A_65] : memref<2x1280x128xf32, #tpu.memory_space<hbm>> -> memref<1x80x128xf32, #tpu.memory_space<hbm>>
      %dma_wait3A_67 = tpu.memref_squeeze %dma_wait3A_66 : memref<1x80x128xf32, #tpu.memory_space<hbm>> -> memref<80x128xf32, #tpu.memory_space<hbm>>
      %dma_wait3A_68 = arith.constant 0 : i32
      %dma_wait3A_69 = tpu.memref_slice %arg19[%mul3A_58, %dma_wait3A_68] : memref<1280x128xf32, #tpu.memory_space<vmem_shared>> -> memref<80x128xf32, #tpu.memory_space<vmem_shared>>
      tpu.wait_dma2 semaphore(%run_scoped3A : memref<!tpu.dma_semaphore, #tpu.memory_space<semaphore_mem>>) src(%dma_wait3A_69 : memref<80x128xf32, #tpu.memory_space<vmem_shared>>) dst(%dma_wait3A_67 : memref<80x128xf32, #tpu.memory_space<hbm>>)
      tpu.yield
    }) : () -> ()
    return
  }
}

module attributes {stable_mosaic.version = 14 : i64} {
  func.func @_node_body(%arg0: i32, %arg1: memref<1000x128xf32, #tpu.memory_space<vmem>>, %arg2: memref<1000x1xf32, #tpu.memory_space<vmem>>, %arg3: memref<1x128xf32, #tpu.memory_space<vmem>>, %arg4: memref<1x128xf32, #tpu.memory_space<vmem>>, %arg5: memref<1x128xf32, #tpu.memory_space<vmem>>, %arg6: memref<128x128xf32, #tpu.memory_space<vmem>>, %arg7: memref<128x128xf32, #tpu.memory_space<vmem>>, %arg8: memref<1x128xf32, #tpu.memory_space<vmem>>, %arg9: memref<128x128xf32, #tpu.memory_space<vmem>>, %arg10: memref<1x1xf32, #tpu.memory_space<vmem>>, %arg11: memref<1000x128xf32, #tpu.memory_space<vmem>>, %arg12: memref<1000x128xf32, #tpu.memory_space<vmem>>) attributes {dimension_semantics = [#tpu.dimension_semantics<arbitrary>], iteration_bounds = array<i64: 170>, scalar_prefetch = 0 : i64, scratch_operands = 0 : i64, tpu.core_type = #tpu.core_type<tc>, window_params = [{transform_indices = @transform_0, window_bounds = array<i64: 1000, 128>}, {transform_indices = @transform_1, window_bounds = array<i64: 1000, 1>}, {pipeline_mode = #tpu.pipeline_mode<synchronous>, transform_indices = @transform_2, window_bounds = array<i64: 1, 128>}, {pipeline_mode = #tpu.pipeline_mode<synchronous>, transform_indices = @transform_3, window_bounds = array<i64: 1, 128>}, {pipeline_mode = #tpu.pipeline_mode<synchronous>, transform_indices = @transform_4, window_bounds = array<i64: 1, 128>}, {pipeline_mode = #tpu.pipeline_mode<synchronous>, transform_indices = @transform_5, window_bounds = array<i64: 128, 128>}, {pipeline_mode = #tpu.pipeline_mode<synchronous>, transform_indices = @transform_6, window_bounds = array<i64: 128, 128>}, {pipeline_mode = #tpu.pipeline_mode<synchronous>, transform_indices = @transform_7, window_bounds = array<i64: 1, 128>}, {pipeline_mode = #tpu.pipeline_mode<synchronous>, transform_indices = @transform_8, window_bounds = array<i64: 128, 128>}, {pipeline_mode = #tpu.pipeline_mode<synchronous>, transform_indices = @transform_9, window_bounds = array<i64: 1, 1>}, {transform_indices = @transform_10, window_bounds = array<i64: 1000, 128>}, {transform_indices = @transform_11, window_bounds = array<i64: 1000, 128>}]} {
    %get3A = arith.constant 0 : index
    %get3A_0 = arith.constant 0 : index
    %get3A_1 = vector.load %arg1[%get3A, %get3A_0] : memref<1000x128xf32, #tpu.memory_space<vmem>>, vector<1000x128xf32>
    %get3A_2 = arith.constant 0 : index
    %get3A_3 = arith.constant 0 : index
    %get3A_4 = vector.load %arg2[%get3A_2, %get3A_3] : memref<1000x1xf32, #tpu.memory_space<vmem>>, vector<1000x1xf32>
    %get3A_5 = arith.constant 0 : index
    %get3A_6 = arith.constant 0 : index
    %get3A_7 = vector.load %arg3[%get3A_5, %get3A_6] : memref<1x128xf32, #tpu.memory_space<vmem>>, vector<1x128xf32>
    %mul3A = vector.broadcast %get3A_4 : vector<1000x1xf32> to vector<1000x128xf32>
    %mul3A_8 = vector.broadcast %get3A_7 : vector<1x128xf32> to vector<1000x128xf32>
    %mul3A_9 = arith.mulf %mul3A, %mul3A_8 : vector<1000x128xf32>
    %get3A_10 = arith.constant 0 : index
    %get3A_11 = arith.constant 0 : index
    %get3A_12 = vector.load %arg4[%get3A_10, %get3A_11] : memref<1x128xf32, #tpu.memory_space<vmem>>, vector<1x128xf32>
    %add3A = vector.broadcast %get3A_12 : vector<1x128xf32> to vector<1000x128xf32>
    %add3A_13 = arith.addf %mul3A_9, %add3A : vector<1000x128xf32>
    %cos3A = math.cos %add3A_13 : vector<1000x128xf32>
    %get3A_14 = arith.constant 0 : index
    %get3A_15 = arith.constant 0 : index
    %get3A_16 = vector.load %arg5[%get3A_14, %get3A_15] : memref<1x128xf32, #tpu.memory_space<vmem>>, vector<1x128xf32>
    %mul3A_17 = vector.broadcast %get3A_16 : vector<1x128xf32> to vector<1000x128xf32>
    %mul3A_18 = arith.mulf %cos3A, %mul3A_17 : vector<1000x128xf32>
    %mul3A_19 = arith.mulf %get3A_1, %get3A_1 : vector<1000x128xf32>
    %reduce_sum3A = arith.constant dense<0.000000e+00> : vector<1000xf32>
    %reduce_sum3A_20 = vector.multi_reduction <add>, %mul3A_19, %reduce_sum3A [1] : vector<1000x128xf32> to vector<1000xf32>
    %broadcast_in_dim3A = vector.shape_cast %reduce_sum3A_20 : vector<1000xf32> to vector<1000x1xf32>
    %sqrt3A = math.sqrt %broadcast_in_dim3A : vector<1000x1xf32>
    %max3A = arith.constant 1.000000e-15 : f32
    %max3A_21 = vector.broadcast %max3A : f32 to vector<1000x1xf32>
    %max3A_22 = arith.maximumf %sqrt3A, %max3A_21 : vector<1000x1xf32>
    %jit3A = arith.constant 0.000000e+00 : f32
    %jit3A_23 = arith.constant 0.99999988 : f32
    %max3A_24 = vector.broadcast %jit3A : f32 to vector<1000x1xf32>
    %max3A_25 = arith.maximumf %max3A_24, %max3A_22 : vector<1000x1xf32>
    %min3A = vector.broadcast %jit3A_23 : f32 to vector<1000x1xf32>
    %min3A_26 = arith.minimumf %min3A, %max3A_25 : vector<1000x1xf32>
    %add3A_27 = arith.constant 1.000000e+00 : f32
    %add3A_28 = vector.broadcast %add3A_27 : f32 to vector<1000x1xf32>
    %add3A_29 = arith.addf %add3A_28, %min3A_26 : vector<1000x1xf32>
    %sub3A = arith.constant 1.000000e+00 : f32
    %sub3A_30 = vector.broadcast %sub3A : f32 to vector<1000x1xf32>
    %sub3A_31 = arith.subf %sub3A_30, %min3A_26 : vector<1000x1xf32>
    %div3A = arith.divf %add3A_29, %sub3A_31 : vector<1000x1xf32>
    %log3A = math.log %div3A : vector<1000x1xf32>
    %mul3A_32 = arith.constant 5.000000e-01 : f32
    %mul3A_33 = vector.broadcast %mul3A_32 : f32 to vector<1000x1xf32>
    %mul3A_34 = arith.mulf %mul3A_33, %log3A : vector<1000x1xf32>
    %mul3A_35 = vector.broadcast %mul3A_34 : vector<1000x1xf32> to vector<1000x128xf32>
    %mul3A_36 = arith.mulf %mul3A_35, %get3A_1 : vector<1000x128xf32>
    %div3A_37 = vector.broadcast %max3A_22 : vector<1000x1xf32> to vector<1000x128xf32>
    %div3A_38 = arith.divf %mul3A_36, %div3A_37 : vector<1000x128xf32>
    %mul3A_39 = arith.mulf %mul3A_18, %mul3A_18 : vector<1000x128xf32>
    %reduce_sum3A_40 = arith.constant dense<0.000000e+00> : vector<1000xf32>
    %reduce_sum3A_41 = vector.multi_reduction <add>, %mul3A_39, %reduce_sum3A_40 [1] : vector<1000x128xf32> to vector<1000xf32>
    %broadcast_in_dim3A_42 = vector.shape_cast %reduce_sum3A_41 : vector<1000xf32> to vector<1000x1xf32>
    %mul3A_43 = arith.mulf %div3A_38, %div3A_38 : vector<1000x128xf32>
    %reduce_sum3A_44 = arith.constant dense<0.000000e+00> : vector<1000xf32>
    %reduce_sum3A_45 = vector.multi_reduction <add>, %mul3A_43, %reduce_sum3A_44 [1] : vector<1000x128xf32> to vector<1000xf32>
    %broadcast_in_dim3A_46 = vector.shape_cast %reduce_sum3A_45 : vector<1000xf32> to vector<1000x1xf32>
    %add3A_47 = arith.addf %broadcast_in_dim3A_42, %broadcast_in_dim3A_46 : vector<1000x1xf32>
    %sqrt3A_48 = math.sqrt %add3A_47 : vector<1000x1xf32>
    %max3A_49 = arith.constant 1.000000e-15 : f32
    %max3A_50 = vector.broadcast %max3A_49 : f32 to vector<1000x1xf32>
    %max3A_51 = arith.maximumf %sqrt3A_48, %max3A_50 : vector<1000x1xf32>
    %gt3A = arith.constant 0.999989986 : f32
    %gt3A_52 = vector.broadcast %gt3A : f32 to vector<1000x1xf32>
    %gt3A_53 = arith.cmpf ogt, %max3A_51, %gt3A_52 : vector<1000x1xf32>
    %div3A_54 = arith.constant 0.999989986 : f32
    %div3A_55 = vector.broadcast %div3A_54 : f32 to vector<1000x1xf32>
    %div3A_56 = arith.divf %div3A_55, %max3A_51 : vector<1000x1xf32>
    %jit3A_57 = arith.constant 1.000000e+00 : f32
    %broadcast_in_dim3A_58 = vector.broadcast %jit3A_57 : f32 to vector<1000x1xf32>
    %select_n3A = arith.select %gt3A_53, %div3A_56, %broadcast_in_dim3A_58 : vector<1000x1xi1>, vector<1000x1xf32>
    %mul3A_59 = arith.mulf %max3A_51, %select_n3A : vector<1000x1xf32>
    %max3A_60 = arith.constant 1.000000e-15 : f32
    %max3A_61 = vector.broadcast %max3A_60 : f32 to vector<1000x1xf32>
    %max3A_62 = arith.maximumf %mul3A_59, %max3A_61 : vector<1000x1xf32>
    %get3A_63 = arith.constant 0 : index
    %get3A_64 = arith.constant 0 : index
    %get3A_65 = vector.load %arg6[%get3A_63, %get3A_64] : memref<128x128xf32, #tpu.memory_space<vmem>>, vector<128x128xf32>
    %dot_general3A = arith.constant dense<0.000000e+00> : vector<1000x128xf32>
    %dot_general3A_66 = tpu.matmul %mul3A_18, %get3A_65, %dot_general3A {dimension_numbers = #tpu.dot_dimension_numbers<[1], [0], [0], [1], [0, 0, 1, 1], [], []>, transpose_lhs_hint = false} : vector<1000x128xf32>, vector<128x128xf32>, vector<1000x128xf32> -> vector<1000x128xf32>
    %get3A_67 = arith.constant 0 : index
    %get3A_68 = arith.constant 0 : index
    %get3A_69 = vector.load %arg7[%get3A_67, %get3A_68] : memref<128x128xf32, #tpu.memory_space<vmem>>, vector<128x128xf32>
    %dot_general3A_70 = arith.constant dense<0.000000e+00> : vector<1000x128xf32>
    %dot_general3A_71 = tpu.matmul %div3A_38, %get3A_69, %dot_general3A_70 {dimension_numbers = #tpu.dot_dimension_numbers<[1], [0], [0], [1], [0, 0, 1, 1], [], []>, transpose_lhs_hint = false} : vector<1000x128xf32>, vector<128x128xf32>, vector<1000x128xf32> -> vector<1000x128xf32>
    %add3A_72 = arith.addf %dot_general3A_66, %dot_general3A_71 : vector<1000x128xf32>
    %mul3A_73 = vector.broadcast %select_n3A : vector<1000x1xf32> to vector<1000x128xf32>
    %mul3A_74 = arith.mulf %add3A_72, %mul3A_73 : vector<1000x128xf32>
    %mul3A_75 = arith.mulf %mul3A_74, %mul3A_74 : vector<1000x128xf32>
    %reduce_sum3A_76 = arith.constant dense<0.000000e+00> : vector<1000xf32>
    %reduce_sum3A_77 = vector.multi_reduction <add>, %mul3A_75, %reduce_sum3A_76 [1] : vector<1000x128xf32> to vector<1000xf32>
    %broadcast_in_dim3A_78 = vector.shape_cast %reduce_sum3A_77 : vector<1000xf32> to vector<1000x1xf32>
    %sqrt3A_79 = math.sqrt %broadcast_in_dim3A_78 : vector<1000x1xf32>
    %max3A_80 = arith.constant 1.000000e-15 : f32
    %max3A_81 = vector.broadcast %max3A_80 : f32 to vector<1000x1xf32>
    %max3A_82 = arith.maximumf %sqrt3A_79, %max3A_81 : vector<1000x1xf32>
    %div3A_83 = arith.divf %max3A_82, %max3A_62 : vector<1000x1xf32>
    %jit3A_84 = arith.constant 0.000000e+00 : f32
    %jit3A_85 = arith.constant 0.99999988 : f32
    %max3A_86 = vector.broadcast %jit3A_84 : f32 to vector<1000x1xf32>
    %max3A_87 = arith.maximumf %max3A_86, %max3A_62 : vector<1000x1xf32>
    %min3A_88 = vector.broadcast %jit3A_85 : f32 to vector<1000x1xf32>
    %min3A_89 = arith.minimumf %min3A_88, %max3A_87 : vector<1000x1xf32>
    %add3A_90 = arith.constant 1.000000e+00 : f32
    %add3A_91 = vector.broadcast %add3A_90 : f32 to vector<1000x1xf32>
    %add3A_92 = arith.addf %add3A_91, %min3A_89 : vector<1000x1xf32>
    %sub3A_93 = arith.constant 1.000000e+00 : f32
    %sub3A_94 = vector.broadcast %sub3A_93 : f32 to vector<1000x1xf32>
    %sub3A_95 = arith.subf %sub3A_94, %min3A_89 : vector<1000x1xf32>
    %div3A_96 = arith.divf %add3A_92, %sub3A_95 : vector<1000x1xf32>
    %log3A_97 = math.log %div3A_96 : vector<1000x1xf32>
    %mul3A_98 = arith.constant 5.000000e-01 : f32
    %mul3A_99 = vector.broadcast %mul3A_98 : f32 to vector<1000x1xf32>
    %mul3A_100 = arith.mulf %mul3A_99, %log3A_97 : vector<1000x1xf32>
    %mul3A_101 = arith.mulf %div3A_83, %mul3A_100 : vector<1000x1xf32>
    %tanh3A = math.tanh %mul3A_101 : vector<1000x1xf32>
    %mul3A_102 = vector.broadcast %tanh3A : vector<1000x1xf32> to vector<1000x128xf32>
    %mul3A_103 = arith.mulf %mul3A_102, %mul3A_74 : vector<1000x128xf32>
    %div3A_104 = vector.broadcast %max3A_82 : vector<1000x1xf32> to vector<1000x128xf32>
    %div3A_105 = arith.divf %mul3A_103, %div3A_104 : vector<1000x128xf32>
    %mul3A_106 = arith.mulf %div3A_105, %div3A_105 : vector<1000x128xf32>
    %reduce_sum3A_107 = arith.constant dense<0.000000e+00> : vector<1000xf32>
    %reduce_sum3A_108 = vector.multi_reduction <add>, %mul3A_106, %reduce_sum3A_107 [1] : vector<1000x128xf32> to vector<1000xf32>
    %broadcast_in_dim3A_109 = vector.shape_cast %reduce_sum3A_108 : vector<1000xf32> to vector<1000x1xf32>
    %sqrt3A_110 = math.sqrt %broadcast_in_dim3A_109 : vector<1000x1xf32>
    %max3A_111 = arith.constant 1.000000e-15 : f32
    %max3A_112 = vector.broadcast %max3A_111 : f32 to vector<1000x1xf32>
    %max3A_113 = arith.maximumf %sqrt3A_110, %max3A_112 : vector<1000x1xf32>
    %gt3A_114 = arith.constant 0.999989986 : f32
    %gt3A_115 = vector.broadcast %gt3A_114 : f32 to vector<1000x1xf32>
    %gt3A_116 = arith.cmpf ogt, %max3A_113, %gt3A_115 : vector<1000x1xf32>
    %div3A_117 = arith.constant 0.999989986 : f32
    %div3A_118 = vector.broadcast %div3A_117 : f32 to vector<1000x1xf32>
    %div3A_119 = arith.divf %div3A_118, %max3A_113 : vector<1000x1xf32>
    %jit3A_120 = arith.constant 1.000000e+00 : f32
    %broadcast_in_dim3A_121 = vector.broadcast %jit3A_120 : f32 to vector<1000x1xf32>
    %select_n3A_122 = arith.select %gt3A_116, %div3A_119, %broadcast_in_dim3A_121 : vector<1000x1xi1>, vector<1000x1xf32>
    %mul3A_123 = vector.broadcast %select_n3A_122 : vector<1000x1xf32> to vector<1000x128xf32>
    %mul3A_124 = arith.mulf %mul3A_123, %div3A_105 : vector<1000x128xf32>
    %get3A_125 = arith.constant 0 : index
    %get3A_126 = arith.constant 0 : index
    %get3A_127 = vector.load %arg8[%get3A_125, %get3A_126] : memref<1x128xf32, #tpu.memory_space<vmem>>, vector<1x128xf32>
    %mul3A_128 = arith.mulf %mul3A_124, %mul3A_124 : vector<1000x128xf32>
    %reduce_sum3A_129 = arith.constant dense<0.000000e+00> : vector<1000xf32>
    %reduce_sum3A_130 = vector.multi_reduction <add>, %mul3A_128, %reduce_sum3A_129 [1] : vector<1000x128xf32> to vector<1000xf32>
    %broadcast_in_dim3A_131 = vector.shape_cast %reduce_sum3A_130 : vector<1000xf32> to vector<1000x1xf32>
    %mul3A_132 = arith.mulf %get3A_127, %get3A_127 : vector<1x128xf32>
    %reduce_sum3A_133 = arith.constant dense<0.000000e+00> : vector<1xf32>
    %reduce_sum3A_134 = vector.multi_reduction <add>, %mul3A_132, %reduce_sum3A_133 [1] : vector<1x128xf32> to vector<1xf32>
    %broadcast_in_dim3A_135 = vector.shape_cast %reduce_sum3A_134 : vector<1xf32> to vector<1x1xf32>
    %mul3A_136 = vector.broadcast %get3A_127 : vector<1x128xf32> to vector<1000x128xf32>
    %mul3A_137 = arith.mulf %mul3A_124, %mul3A_136 : vector<1000x128xf32>
    %reduce_sum3A_138 = arith.constant dense<0.000000e+00> : vector<1000xf32>
    %reduce_sum3A_139 = vector.multi_reduction <add>, %mul3A_137, %reduce_sum3A_138 [1] : vector<1000x128xf32> to vector<1000xf32>
    %broadcast_in_dim3A_140 = vector.shape_cast %reduce_sum3A_139 : vector<1000xf32> to vector<1000x1xf32>
    %mul3A_141 = arith.constant 2.000000e+00 : f32
    %mul3A_142 = vector.broadcast %mul3A_141 : f32 to vector<1000x1xf32>
    %mul3A_143 = arith.mulf %mul3A_142, %broadcast_in_dim3A_140 : vector<1000x1xf32>
    %add3A_144 = arith.constant 1.000000e+00 : f32
    %add3A_145 = vector.broadcast %add3A_144 : f32 to vector<1000x1xf32>
    %add3A_146 = arith.addf %add3A_145, %mul3A_143 : vector<1000x1xf32>
    %add3A_147 = vector.broadcast %broadcast_in_dim3A_135 : vector<1x1xf32> to vector<1000x1xf32>
    %add3A_148 = arith.addf %add3A_146, %add3A_147 : vector<1000x1xf32>
    %mul3A_149 = vector.broadcast %add3A_148 : vector<1000x1xf32> to vector<1000x128xf32>
    %mul3A_150 = arith.mulf %mul3A_149, %mul3A_124 : vector<1000x128xf32>
    %sub3A_151 = arith.constant 1.000000e+00 : f32
    %sub3A_152 = vector.broadcast %sub3A_151 : f32 to vector<1000x1xf32>
    %sub3A_153 = arith.subf %sub3A_152, %broadcast_in_dim3A_131 : vector<1000x1xf32>
    %mul3A_154 = vector.broadcast %sub3A_153 : vector<1000x1xf32> to vector<1000x128xf32>
    %mul3A_155 = vector.broadcast %get3A_127 : vector<1x128xf32> to vector<1000x128xf32>
    %mul3A_156 = arith.mulf %mul3A_154, %mul3A_155 : vector<1000x128xf32>
    %add3A_157 = arith.addf %mul3A_150, %mul3A_156 : vector<1000x128xf32>
    %mul3A_158 = arith.constant 2.000000e+00 : f32
    %mul3A_159 = vector.broadcast %mul3A_158 : f32 to vector<1000x1xf32>
    %mul3A_160 = arith.mulf %mul3A_159, %broadcast_in_dim3A_140 : vector<1000x1xf32>
    %add3A_161 = arith.constant 1.000000e+00 : f32
    %add3A_162 = vector.broadcast %add3A_161 : f32 to vector<1000x1xf32>
    %add3A_163 = arith.addf %add3A_162, %mul3A_160 : vector<1000x1xf32>
    %mul3A_164 = vector.broadcast %broadcast_in_dim3A_135 : vector<1x1xf32> to vector<1000x1xf32>
    %mul3A_165 = arith.mulf %broadcast_in_dim3A_131, %mul3A_164 : vector<1000x1xf32>
    %add3A_166 = arith.addf %add3A_163, %mul3A_165 : vector<1000x1xf32>
    %max3A_167 = arith.constant 1.000000e-15 : f32
    %max3A_168 = vector.broadcast %max3A_167 : f32 to vector<1000x1xf32>
    %max3A_169 = arith.maximumf %add3A_166, %max3A_168 : vector<1000x1xf32>
    %div3A_170 = vector.broadcast %max3A_169 : vector<1000x1xf32> to vector<1000x128xf32>
    %div3A_171 = arith.divf %add3A_157, %div3A_170 : vector<1000x128xf32>
    %mul3A_172 = arith.mulf %div3A_171, %div3A_171 : vector<1000x128xf32>
    %reduce_sum3A_173 = arith.constant dense<0.000000e+00> : vector<1000xf32>
    %reduce_sum3A_174 = vector.multi_reduction <add>, %mul3A_172, %reduce_sum3A_173 [1] : vector<1000x128xf32> to vector<1000xf32>
    %broadcast_in_dim3A_175 = vector.shape_cast %reduce_sum3A_174 : vector<1000xf32> to vector<1000x1xf32>
    %sqrt3A_176 = math.sqrt %broadcast_in_dim3A_175 : vector<1000x1xf32>
    %max3A_177 = arith.constant 1.000000e-15 : f32
    %max3A_178 = vector.broadcast %max3A_177 : f32 to vector<1000x1xf32>
    %max3A_179 = arith.maximumf %sqrt3A_176, %max3A_178 : vector<1000x1xf32>
    %gt3A_180 = arith.constant 0.999989986 : f32
    %gt3A_181 = vector.broadcast %gt3A_180 : f32 to vector<1000x1xf32>
    %gt3A_182 = arith.cmpf ogt, %max3A_179, %gt3A_181 : vector<1000x1xf32>
    %div3A_183 = arith.constant 0.999989986 : f32
    %div3A_184 = vector.broadcast %div3A_183 : f32 to vector<1000x1xf32>
    %div3A_185 = arith.divf %div3A_184, %max3A_179 : vector<1000x1xf32>
    %jit3A_186 = arith.constant 1.000000e+00 : f32
    %broadcast_in_dim3A_187 = vector.broadcast %jit3A_186 : f32 to vector<1000x1xf32>
    %select_n3A_188 = arith.select %gt3A_182, %div3A_185, %broadcast_in_dim3A_187 : vector<1000x1xi1>, vector<1000x1xf32>
    %mul3A_189 = vector.broadcast %select_n3A_188 : vector<1000x1xf32> to vector<1000x128xf32>
    %mul3A_190 = arith.mulf %mul3A_189, %div3A_171 : vector<1000x128xf32>
    %mul3A_191 = arith.mulf %mul3A_190, %mul3A_190 : vector<1000x128xf32>
    %reduce_sum3A_192 = arith.constant dense<0.000000e+00> : vector<1000xf32>
    %reduce_sum3A_193 = vector.multi_reduction <add>, %mul3A_191, %reduce_sum3A_192 [1] : vector<1000x128xf32> to vector<1000xf32>
    %broadcast_in_dim3A_194 = vector.shape_cast %reduce_sum3A_193 : vector<1000xf32> to vector<1000x1xf32>
    %sqrt3A_195 = math.sqrt %broadcast_in_dim3A_194 : vector<1000x1xf32>
    %max3A_196 = arith.constant 1.000000e-15 : f32
    %max3A_197 = vector.broadcast %max3A_196 : f32 to vector<1000x1xf32>
    %max3A_198 = arith.maximumf %sqrt3A_195, %max3A_197 : vector<1000x1xf32>
    %jit3A_199 = arith.constant 0.000000e+00 : f32
    %jit3A_200 = arith.constant 0.99999988 : f32
    %max3A_201 = vector.broadcast %jit3A_199 : f32 to vector<1000x1xf32>
    %max3A_202 = arith.maximumf %max3A_201, %max3A_198 : vector<1000x1xf32>
    %min3A_203 = vector.broadcast %jit3A_200 : f32 to vector<1000x1xf32>
    %min3A_204 = arith.minimumf %min3A_203, %max3A_202 : vector<1000x1xf32>
    %add3A_205 = arith.constant 1.000000e+00 : f32
    %add3A_206 = vector.broadcast %add3A_205 : f32 to vector<1000x1xf32>
    %add3A_207 = arith.addf %add3A_206, %min3A_204 : vector<1000x1xf32>
    %sub3A_208 = arith.constant 1.000000e+00 : f32
    %sub3A_209 = vector.broadcast %sub3A_208 : f32 to vector<1000x1xf32>
    %sub3A_210 = arith.subf %sub3A_209, %min3A_204 : vector<1000x1xf32>
    %div3A_211 = arith.divf %add3A_207, %sub3A_210 : vector<1000x1xf32>
    %log3A_212 = math.log %div3A_211 : vector<1000x1xf32>
    %mul3A_213 = arith.constant 5.000000e-01 : f32
    %mul3A_214 = vector.broadcast %mul3A_213 : f32 to vector<1000x1xf32>
    %mul3A_215 = arith.mulf %mul3A_214, %log3A_212 : vector<1000x1xf32>
    %mul3A_216 = vector.broadcast %mul3A_215 : vector<1000x1xf32> to vector<1000x128xf32>
    %mul3A_217 = arith.mulf %mul3A_216, %mul3A_190 : vector<1000x128xf32>
    %div3A_218 = vector.broadcast %max3A_198 : vector<1000x1xf32> to vector<1000x128xf32>
    %div3A_219 = arith.divf %mul3A_217, %div3A_218 : vector<1000x128xf32>
    %swap3A = arith.constant 0 : index
    %swap3A_220 = arith.constant 0 : index
    %swap3A_221 = vector.load %arg11[%swap3A, %swap3A_220] : memref<1000x128xf32, #tpu.memory_space<vmem>>, vector<1000x128xf32>
    tpu.vector_store %arg11[%swap3A, %swap3A_220], %div3A_219 {strides = array<i32>} : memref<1000x128xf32, #tpu.memory_space<vmem>>, vector<1000x128xf32>,
    %get3A_222 = arith.constant 0 : index
    %get3A_223 = arith.constant 0 : index
    %get3A_224 = vector.load %arg9[%get3A_222, %get3A_223] : memref<128x128xf32, #tpu.memory_space<vmem>>, vector<128x128xf32>
    %dot_general3A_225 = arith.constant dense<0.000000e+00> : vector<1000x128xf32>
    %dot_general3A_226 = tpu.matmul %div3A_219, %get3A_224, %dot_general3A_225 {dimension_numbers = #tpu.dot_dimension_numbers<[1], [0], [0], [1], [0, 0, 1, 1], [], []>, transpose_lhs_hint = false} : vector<1000x128xf32>, vector<128x128xf32>, vector<1000x128xf32> -> vector<1000x128xf32>
    %get3A_227 = arith.constant 0 : index
    %get3A_228 = arith.constant 0 : index
    %get3A_229 = vector.load %arg10[%get3A_227, %get3A_228] : memref<1x1xf32, #tpu.memory_space<vmem>>, vector<1x1xf32>
    %add3A_230 = vector.broadcast %get3A_229 : vector<1x1xf32> to vector<1000x128xf32>
    %add3A_231 = arith.addf %dot_general3A_226, %add3A_230 : vector<1000x128xf32>
    %swap3A_232 = arith.constant 0 : index
    %swap3A_233 = arith.constant 0 : index
    %swap3A_234 = vector.load %arg12[%swap3A_232, %swap3A_233] : memref<1000x128xf32, #tpu.memory_space<vmem>>, vector<1000x128xf32>
    tpu.vector_store %arg12[%swap3A_232, %swap3A_233], %add3A_231 {strides = array<i32>} : memref<1000x128xf32, #tpu.memory_space<vmem>>, vector<1000x128xf32>,
    return
  }
  func.func @transform_0(%arg0: i32) -> (i32, i32) {
    %c0_i32 = arith.constant 0 : i32
    %c0_i32_0 = arith.constant 0 : i32
    return %arg0, %c0_i32 : i32, i32
  }
  func.func @transform_1(%arg0: i32) -> (i32, i32) {
    %c0_i32 = arith.constant 0 : i32
    %c0_i32_0 = arith.constant 0 : i32
    return %arg0, %c0_i32 : i32, i32
  }
  func.func @transform_2(%arg0: i32) -> (i32, i32) {
    %c0_i32 = arith.constant 0 : i32
    %c0_i32_0 = arith.constant 0 : i32
    %c0_i32_1 = arith.constant 0 : i32
    return %c0_i32, %c0_i32_0 : i32, i32
  }
  func.func @transform_3(%arg0: i32) -> (i32, i32) {
    %c0_i32 = arith.constant 0 : i32
    %c0_i32_0 = arith.constant 0 : i32
    %c0_i32_1 = arith.constant 0 : i32
    return %c0_i32, %c0_i32_0 : i32, i32
  }
  func.func @transform_4(%arg0: i32) -> (i32, i32) {
    %c0_i32 = arith.constant 0 : i32
    %c0_i32_0 = arith.constant 0 : i32
    %c0_i32_1 = arith.constant 0 : i32
    return %c0_i32, %c0_i32_0 : i32, i32
  }
  func.func @transform_5(%arg0: i32) -> (i32, i32) {
    %c0_i32 = arith.constant 0 : i32
    %c0_i32_0 = arith.constant 0 : i32
    %c0_i32_1 = arith.constant 0 : i32
    return %c0_i32, %c0_i32_0 : i32, i32
  }
  func.func @transform_6(%arg0: i32) -> (i32, i32) {
    %c0_i32 = arith.constant 0 : i32
    %c0_i32_0 = arith.constant 0 : i32
    %c0_i32_1 = arith.constant 0 : i32
    return %c0_i32, %c0_i32_0 : i32, i32
  }
  func.func @transform_7(%arg0: i32) -> (i32, i32) {
    %c0_i32 = arith.constant 0 : i32
    %c0_i32_0 = arith.constant 0 : i32
    %c0_i32_1 = arith.constant 0 : i32
    return %c0_i32, %c0_i32_0 : i32, i32
  }
  func.func @transform_8(%arg0: i32) -> (i32, i32) {
    %c0_i32 = arith.constant 0 : i32
    %c0_i32_0 = arith.constant 0 : i32
    %c0_i32_1 = arith.constant 0 : i32
    return %c0_i32, %c0_i32_0 : i32, i32
  }
  func.func @transform_9(%arg0: i32) -> (i32, i32) {
    %c0_i32 = arith.constant 0 : i32
    %c0_i32_0 = arith.constant 0 : i32
    %c0_i32_1 = arith.constant 0 : i32
    return %c0_i32, %c0_i32_0 : i32, i32
  }
  func.func @transform_10(%arg0: i32) -> (i32, i32) {
    %c0_i32 = arith.constant 0 : i32
    %c0_i32_0 = arith.constant 0 : i32
    return %arg0, %c0_i32 : i32, i32
  }
  func.func @transform_11(%arg0: i32) -> (i32, i32) {
    %c0_i32 = arith.constant 0 : i32
    %c0_i32_0 = arith.constant 0 : i32
    return %arg0, %c0_i32 : i32, i32
  }
}

module attributes {stable_mosaic.version = 14 : i64} {
  func.func @_node_body(%arg0: i32, %arg1: memref<1000x128xf32, #tpu.memory_space<vmem>>, %arg2: memref<1000x1xf32, #tpu.memory_space<vmem>>, %arg3: memref<1x128xf32, #tpu.memory_space<vmem>>, %arg4: memref<1x128xf32, #tpu.memory_space<vmem>>, %arg5: memref<1x128xf32, #tpu.memory_space<vmem>>, %arg6: memref<128x128xf32, #tpu.memory_space<vmem>>, %arg7: memref<128x128xf32, #tpu.memory_space<vmem>>, %arg8: memref<1x128xf32, #tpu.memory_space<vmem>>, %arg9: memref<128x128xf32, #tpu.memory_space<vmem>>, %arg10: memref<1x1xf32, #tpu.memory_space<vmem>>, %arg11: memref<1000x128xf32, #tpu.memory_space<vmem>>, %arg12: memref<1000x128xf32, #tpu.memory_space<vmem>>) attributes {dimension_semantics = [#tpu.dimension_semantics<arbitrary>], iteration_bounds = array<i64: 10>, scalar_prefetch = 0 : i64, scratch_operands = 0 : i64, tpu.core_type = #tpu.core_type<tc>, window_params = [{transform_indices = @transform_0, window_bounds = array<i64: 1000, 128>}, {transform_indices = @transform_1, window_bounds = array<i64: 1000, 1>}, {pipeline_mode = #tpu.pipeline_mode<synchronous>, transform_indices = @transform_2, window_bounds = array<i64: 1, 128>}, {pipeline_mode = #tpu.pipeline_mode<synchronous>, transform_indices = @transform_3, window_bounds = array<i64: 1, 128>}, {pipeline_mode = #tpu.pipeline_mode<synchronous>, transform_indices = @transform_4, window_bounds = array<i64: 1, 128>}, {pipeline_mode = #tpu.pipeline_mode<synchronous>, transform_indices = @transform_5, window_bounds = array<i64: 128, 128>}, {pipeline_mode = #tpu.pipeline_mode<synchronous>, transform_indices = @transform_6, window_bounds = array<i64: 128, 128>}, {pipeline_mode = #tpu.pipeline_mode<synchronous>, transform_indices = @transform_7, window_bounds = array<i64: 1, 128>}, {pipeline_mode = #tpu.pipeline_mode<synchronous>, transform_indices = @transform_8, window_bounds = array<i64: 128, 128>}, {pipeline_mode = #tpu.pipeline_mode<synchronous>, transform_indices = @transform_9, window_bounds = array<i64: 1, 1>}, {transform_indices = @transform_10, window_bounds = array<i64: 1000, 128>}, {transform_indices = @transform_11, window_bounds = array<i64: 1000, 128>}]} {
    %get3A = arith.constant 0 : index
    %get3A_0 = arith.constant 0 : index
    %get3A_1 = vector.load %arg1[%get3A, %get3A_0] : memref<1000x128xf32, #tpu.memory_space<vmem>>, vector<1000x128xf32>
    %get3A_2 = arith.constant 0 : index
    %get3A_3 = arith.constant 0 : index
    %get3A_4 = vector.load %arg2[%get3A_2, %get3A_3] : memref<1000x1xf32, #tpu.memory_space<vmem>>, vector<1000x1xf32>
    %get3A_5 = arith.constant 0 : index
    %get3A_6 = arith.constant 0 : index
    %get3A_7 = vector.load %arg3[%get3A_5, %get3A_6] : memref<1x128xf32, #tpu.memory_space<vmem>>, vector<1x128xf32>
    %mul3A = vector.broadcast %get3A_4 : vector<1000x1xf32> to vector<1000x128xf32>
    %mul3A_8 = vector.broadcast %get3A_7 : vector<1x128xf32> to vector<1000x128xf32>
    %mul3A_9 = arith.mulf %mul3A, %mul3A_8 : vector<1000x128xf32>
    %get3A_10 = arith.constant 0 : index
    %get3A_11 = arith.constant 0 : index
    %get3A_12 = vector.load %arg4[%get3A_10, %get3A_11] : memref<1x128xf32, #tpu.memory_space<vmem>>, vector<1x128xf32>
    %add3A = vector.broadcast %get3A_12 : vector<1x128xf32> to vector<1000x128xf32>
    %add3A_13 = arith.addf %mul3A_9, %add3A : vector<1000x128xf32>
    %cos3A = math.cos %add3A_13 : vector<1000x128xf32>
    %get3A_14 = arith.constant 0 : index
    %get3A_15 = arith.constant 0 : index
    %get3A_16 = vector.load %arg5[%get3A_14, %get3A_15] : memref<1x128xf32, #tpu.memory_space<vmem>>, vector<1x128xf32>
    %mul3A_17 = vector.broadcast %get3A_16 : vector<1x128xf32> to vector<1000x128xf32>
    %mul3A_18 = arith.mulf %cos3A, %mul3A_17 : vector<1000x128xf32>
    %mul3A_19 = arith.mulf %get3A_1, %get3A_1 : vector<1000x128xf32>
    %reduce_sum3A = arith.constant dense<0.000000e+00> : vector<1000xf32>
    %reduce_sum3A_20 = vector.multi_reduction <add>, %mul3A_19, %reduce_sum3A [1] : vector<1000x128xf32> to vector<1000xf32>
    %broadcast_in_dim3A = vector.shape_cast %reduce_sum3A_20 : vector<1000xf32> to vector<1000x1xf32>
    %sqrt3A = math.sqrt %broadcast_in_dim3A : vector<1000x1xf32>
    %max3A = arith.constant 1.000000e-15 : f32
    %max3A_21 = vector.broadcast %max3A : f32 to vector<1000x1xf32>
    %max3A_22 = arith.maximumf %sqrt3A, %max3A_21 : vector<1000x1xf32>
    %jit3A = arith.constant 0.000000e+00 : f32
    %jit3A_23 = arith.constant 0.99999988 : f32
    %max3A_24 = vector.broadcast %jit3A : f32 to vector<1000x1xf32>
    %max3A_25 = arith.maximumf %max3A_24, %max3A_22 : vector<1000x1xf32>
    %min3A = vector.broadcast %jit3A_23 : f32 to vector<1000x1xf32>
    %min3A_26 = arith.minimumf %min3A, %max3A_25 : vector<1000x1xf32>
    %add3A_27 = arith.constant 1.000000e+00 : f32
    %add3A_28 = vector.broadcast %add3A_27 : f32 to vector<1000x1xf32>
    %add3A_29 = arith.addf %add3A_28, %min3A_26 : vector<1000x1xf32>
    %sub3A = arith.constant 1.000000e+00 : f32
    %sub3A_30 = vector.broadcast %sub3A : f32 to vector<1000x1xf32>
    %sub3A_31 = arith.subf %sub3A_30, %min3A_26 : vector<1000x1xf32>
    %div3A = arith.divf %add3A_29, %sub3A_31 : vector<1000x1xf32>
    %log3A = math.log %div3A : vector<1000x1xf32>
    %mul3A_32 = arith.constant 5.000000e-01 : f32
    %mul3A_33 = vector.broadcast %mul3A_32 : f32 to vector<1000x1xf32>
    %mul3A_34 = arith.mulf %mul3A_33, %log3A : vector<1000x1xf32>
    %mul3A_35 = vector.broadcast %mul3A_34 : vector<1000x1xf32> to vector<1000x128xf32>
    %mul3A_36 = arith.mulf %mul3A_35, %get3A_1 : vector<1000x128xf32>
    %div3A_37 = vector.broadcast %max3A_22 : vector<1000x1xf32> to vector<1000x128xf32>
    %div3A_38 = arith.divf %mul3A_36, %div3A_37 : vector<1000x128xf32>
    %mul3A_39 = arith.mulf %mul3A_18, %mul3A_18 : vector<1000x128xf32>
    %reduce_sum3A_40 = arith.constant dense<0.000000e+00> : vector<1000xf32>
    %reduce_sum3A_41 = vector.multi_reduction <add>, %mul3A_39, %reduce_sum3A_40 [1] : vector<1000x128xf32> to vector<1000xf32>
    %broadcast_in_dim3A_42 = vector.shape_cast %reduce_sum3A_41 : vector<1000xf32> to vector<1000x1xf32>
    %mul3A_43 = arith.mulf %div3A_38, %div3A_38 : vector<1000x128xf32>
    %reduce_sum3A_44 = arith.constant dense<0.000000e+00> : vector<1000xf32>
    %reduce_sum3A_45 = vector.multi_reduction <add>, %mul3A_43, %reduce_sum3A_44 [1] : vector<1000x128xf32> to vector<1000xf32>
    %broadcast_in_dim3A_46 = vector.shape_cast %reduce_sum3A_45 : vector<1000xf32> to vector<1000x1xf32>
    %add3A_47 = arith.addf %broadcast_in_dim3A_42, %broadcast_in_dim3A_46 : vector<1000x1xf32>
    %sqrt3A_48 = math.sqrt %add3A_47 : vector<1000x1xf32>
    %max3A_49 = arith.constant 1.000000e-15 : f32
    %max3A_50 = vector.broadcast %max3A_49 : f32 to vector<1000x1xf32>
    %max3A_51 = arith.maximumf %sqrt3A_48, %max3A_50 : vector<1000x1xf32>
    %gt3A = arith.constant 0.999989986 : f32
    %gt3A_52 = vector.broadcast %gt3A : f32 to vector<1000x1xf32>
    %gt3A_53 = arith.cmpf ogt, %max3A_51, %gt3A_52 : vector<1000x1xf32>
    %div3A_54 = arith.constant 0.999989986 : f32
    %div3A_55 = vector.broadcast %div3A_54 : f32 to vector<1000x1xf32>
    %div3A_56 = arith.divf %div3A_55, %max3A_51 : vector<1000x1xf32>
    %jit3A_57 = arith.constant 1.000000e+00 : f32
    %broadcast_in_dim3A_58 = vector.broadcast %jit3A_57 : f32 to vector<1000x1xf32>
    %select_n3A = arith.select %gt3A_53, %div3A_56, %broadcast_in_dim3A_58 : vector<1000x1xi1>, vector<1000x1xf32>
    %mul3A_59 = arith.mulf %max3A_51, %select_n3A : vector<1000x1xf32>
    %max3A_60 = arith.constant 1.000000e-15 : f32
    %max3A_61 = vector.broadcast %max3A_60 : f32 to vector<1000x1xf32>
    %max3A_62 = arith.maximumf %mul3A_59, %max3A_61 : vector<1000x1xf32>
    %get3A_63 = arith.constant 0 : index
    %get3A_64 = arith.constant 0 : index
    %get3A_65 = vector.load %arg6[%get3A_63, %get3A_64] : memref<128x128xf32, #tpu.memory_space<vmem>>, vector<128x128xf32>
    %dot_general3A = arith.constant dense<0.000000e+00> : vector<1000x128xf32>
    %dot_general3A_66 = tpu.matmul %mul3A_18, %get3A_65, %dot_general3A {dimension_numbers = #tpu.dot_dimension_numbers<[1], [0], [0], [1], [0, 0, 1, 1], [], []>, transpose_lhs_hint = false} : vector<1000x128xf32>, vector<128x128xf32>, vector<1000x128xf32> -> vector<1000x128xf32>
    %get3A_67 = arith.constant 0 : index
    %get3A_68 = arith.constant 0 : index
    %get3A_69 = vector.load %arg7[%get3A_67, %get3A_68] : memref<128x128xf32, #tpu.memory_space<vmem>>, vector<128x128xf32>
    %dot_general3A_70 = arith.constant dense<0.000000e+00> : vector<1000x128xf32>
    %dot_general3A_71 = tpu.matmul %div3A_38, %get3A_69, %dot_general3A_70 {dimension_numbers = #tpu.dot_dimension_numbers<[1], [0], [0], [1], [0, 0, 1, 1], [], []>, transpose_lhs_hint = false} : vector<1000x128xf32>, vector<128x128xf32>, vector<1000x128xf32> -> vector<1000x128xf32>
    %add3A_72 = arith.addf %dot_general3A_66, %dot_general3A_71 : vector<1000x128xf32>
    %mul3A_73 = vector.broadcast %select_n3A : vector<1000x1xf32> to vector<1000x128xf32>
    %mul3A_74 = arith.mulf %add3A_72, %mul3A_73 : vector<1000x128xf32>
    %mul3A_75 = arith.mulf %mul3A_74, %mul3A_74 : vector<1000x128xf32>
    %reduce_sum3A_76 = arith.constant dense<0.000000e+00> : vector<1000xf32>
    %reduce_sum3A_77 = vector.multi_reduction <add>, %mul3A_75, %reduce_sum3A_76 [1] : vector<1000x128xf32> to vector<1000xf32>
    %broadcast_in_dim3A_78 = vector.shape_cast %reduce_sum3A_77 : vector<1000xf32> to vector<1000x1xf32>
    %sqrt3A_79 = math.sqrt %broadcast_in_dim3A_78 : vector<1000x1xf32>
    %max3A_80 = arith.constant 1.000000e-15 : f32
    %max3A_81 = vector.broadcast %max3A_80 : f32 to vector<1000x1xf32>
    %max3A_82 = arith.maximumf %sqrt3A_79, %max3A_81 : vector<1000x1xf32>
    %div3A_83 = arith.divf %max3A_82, %max3A_62 : vector<1000x1xf32>
    %jit3A_84 = arith.constant 0.000000e+00 : f32
    %jit3A_85 = arith.constant 0.99999988 : f32
    %max3A_86 = vector.broadcast %jit3A_84 : f32 to vector<1000x1xf32>
    %max3A_87 = arith.maximumf %max3A_86, %max3A_62 : vector<1000x1xf32>
    %min3A_88 = vector.broadcast %jit3A_85 : f32 to vector<1000x1xf32>
    %min3A_89 = arith.minimumf %min3A_88, %max3A_87 : vector<1000x1xf32>
    %add3A_90 = arith.constant 1.000000e+00 : f32
    %add3A_91 = vector.broadcast %add3A_90 : f32 to vector<1000x1xf32>
    %add3A_92 = arith.addf %add3A_91, %min3A_89 : vector<1000x1xf32>
    %sub3A_93 = arith.constant 1.000000e+00 : f32
    %sub3A_94 = vector.broadcast %sub3A_93 : f32 to vector<1000x1xf32>
    %sub3A_95 = arith.subf %sub3A_94, %min3A_89 : vector<1000x1xf32>
    %div3A_96 = arith.divf %add3A_92, %sub3A_95 : vector<1000x1xf32>
    %log3A_97 = math.log %div3A_96 : vector<1000x1xf32>
    %mul3A_98 = arith.constant 5.000000e-01 : f32
    %mul3A_99 = vector.broadcast %mul3A_98 : f32 to vector<1000x1xf32>
    %mul3A_100 = arith.mulf %mul3A_99, %log3A_97 : vector<1000x1xf32>
    %mul3A_101 = arith.mulf %div3A_83, %mul3A_100 : vector<1000x1xf32>
    %tanh3A = math.tanh %mul3A_101 : vector<1000x1xf32>
    %mul3A_102 = vector.broadcast %tanh3A : vector<1000x1xf32> to vector<1000x128xf32>
    %mul3A_103 = arith.mulf %mul3A_102, %mul3A_74 : vector<1000x128xf32>
    %div3A_104 = vector.broadcast %max3A_82 : vector<1000x1xf32> to vector<1000x128xf32>
    %div3A_105 = arith.divf %mul3A_103, %div3A_104 : vector<1000x128xf32>
    %mul3A_106 = arith.mulf %div3A_105, %div3A_105 : vector<1000x128xf32>
    %reduce_sum3A_107 = arith.constant dense<0.000000e+00> : vector<1000xf32>
    %reduce_sum3A_108 = vector.multi_reduction <add>, %mul3A_106, %reduce_sum3A_107 [1] : vector<1000x128xf32> to vector<1000xf32>
    %broadcast_in_dim3A_109 = vector.shape_cast %reduce_sum3A_108 : vector<1000xf32> to vector<1000x1xf32>
    %sqrt3A_110 = math.sqrt %broadcast_in_dim3A_109 : vector<1000x1xf32>
    %max3A_111 = arith.constant 1.000000e-15 : f32
    %max3A_112 = vector.broadcast %max3A_111 : f32 to vector<1000x1xf32>
    %max3A_113 = arith.maximumf %sqrt3A_110, %max3A_112 : vector<1000x1xf32>
    %gt3A_114 = arith.constant 0.999989986 : f32
    %gt3A_115 = vector.broadcast %gt3A_114 : f32 to vector<1000x1xf32>
    %gt3A_116 = arith.cmpf ogt, %max3A_113, %gt3A_115 : vector<1000x1xf32>
    %div3A_117 = arith.constant 0.999989986 : f32
    %div3A_118 = vector.broadcast %div3A_117 : f32 to vector<1000x1xf32>
    %div3A_119 = arith.divf %div3A_118, %max3A_113 : vector<1000x1xf32>
    %jit3A_120 = arith.constant 1.000000e+00 : f32
    %broadcast_in_dim3A_121 = vector.broadcast %jit3A_120 : f32 to vector<1000x1xf32>
    %select_n3A_122 = arith.select %gt3A_116, %div3A_119, %broadcast_in_dim3A_121 : vector<1000x1xi1>, vector<1000x1xf32>
    %mul3A_123 = vector.broadcast %select_n3A_122 : vector<1000x1xf32> to vector<1000x128xf32>
    %mul3A_124 = arith.mulf %mul3A_123, %div3A_105 : vector<1000x128xf32>
    %get3A_125 = arith.constant 0 : index
    %get3A_126 = arith.constant 0 : index
    %get3A_127 = vector.load %arg8[%get3A_125, %get3A_126] : memref<1x128xf32, #tpu.memory_space<vmem>>, vector<1x128xf32>
    %mul3A_128 = arith.mulf %mul3A_124, %mul3A_124 : vector<1000x128xf32>
    %reduce_sum3A_129 = arith.constant dense<0.000000e+00> : vector<1000xf32>
    %reduce_sum3A_130 = vector.multi_reduction <add>, %mul3A_128, %reduce_sum3A_129 [1] : vector<1000x128xf32> to vector<1000xf32>
    %broadcast_in_dim3A_131 = vector.shape_cast %reduce_sum3A_130 : vector<1000xf32> to vector<1000x1xf32>
    %mul3A_132 = arith.mulf %get3A_127, %get3A_127 : vector<1x128xf32>
    %reduce_sum3A_133 = arith.constant dense<0.000000e+00> : vector<1xf32>
    %reduce_sum3A_134 = vector.multi_reduction <add>, %mul3A_132, %reduce_sum3A_133 [1] : vector<1x128xf32> to vector<1xf32>
    %broadcast_in_dim3A_135 = vector.shape_cast %reduce_sum3A_134 : vector<1xf32> to vector<1x1xf32>
    %mul3A_136 = vector.broadcast %get3A_127 : vector<1x128xf32> to vector<1000x128xf32>
    %mul3A_137 = arith.mulf %mul3A_124, %mul3A_136 : vector<1000x128xf32>
    %reduce_sum3A_138 = arith.constant dense<0.000000e+00> : vector<1000xf32>
    %reduce_sum3A_139 = vector.multi_reduction <add>, %mul3A_137, %reduce_sum3A_138 [1] : vector<1000x128xf32> to vector<1000xf32>
    %broadcast_in_dim3A_140 = vector.shape_cast %reduce_sum3A_139 : vector<1000xf32> to vector<1000x1xf32>
    %mul3A_141 = arith.constant 2.000000e+00 : f32
    %mul3A_142 = vector.broadcast %mul3A_141 : f32 to vector<1000x1xf32>
    %mul3A_143 = arith.mulf %mul3A_142, %broadcast_in_dim3A_140 : vector<1000x1xf32>
    %add3A_144 = arith.constant 1.000000e+00 : f32
    %add3A_145 = vector.broadcast %add3A_144 : f32 to vector<1000x1xf32>
    %add3A_146 = arith.addf %add3A_145, %mul3A_143 : vector<1000x1xf32>
    %add3A_147 = vector.broadcast %broadcast_in_dim3A_135 : vector<1x1xf32> to vector<1000x1xf32>
    %add3A_148 = arith.addf %add3A_146, %add3A_147 : vector<1000x1xf32>
    %mul3A_149 = vector.broadcast %add3A_148 : vector<1000x1xf32> to vector<1000x128xf32>
    %mul3A_150 = arith.mulf %mul3A_149, %mul3A_124 : vector<1000x128xf32>
    %sub3A_151 = arith.constant 1.000000e+00 : f32
    %sub3A_152 = vector.broadcast %sub3A_151 : f32 to vector<1000x1xf32>
    %sub3A_153 = arith.subf %sub3A_152, %broadcast_in_dim3A_131 : vector<1000x1xf32>
    %mul3A_154 = vector.broadcast %sub3A_153 : vector<1000x1xf32> to vector<1000x128xf32>
    %mul3A_155 = vector.broadcast %get3A_127 : vector<1x128xf32> to vector<1000x128xf32>
    %mul3A_156 = arith.mulf %mul3A_154, %mul3A_155 : vector<1000x128xf32>
    %add3A_157 = arith.addf %mul3A_150, %mul3A_156 : vector<1000x128xf32>
    %mul3A_158 = arith.constant 2.000000e+00 : f32
    %mul3A_159 = vector.broadcast %mul3A_158 : f32 to vector<1000x1xf32>
    %mul3A_160 = arith.mulf %mul3A_159, %broadcast_in_dim3A_140 : vector<1000x1xf32>
    %add3A_161 = arith.constant 1.000000e+00 : f32
    %add3A_162 = vector.broadcast %add3A_161 : f32 to vector<1000x1xf32>
    %add3A_163 = arith.addf %add3A_162, %mul3A_160 : vector<1000x1xf32>
    %mul3A_164 = vector.broadcast %broadcast_in_dim3A_135 : vector<1x1xf32> to vector<1000x1xf32>
    %mul3A_165 = arith.mulf %broadcast_in_dim3A_131, %mul3A_164 : vector<1000x1xf32>
    %add3A_166 = arith.addf %add3A_163, %mul3A_165 : vector<1000x1xf32>
    %max3A_167 = arith.constant 1.000000e-15 : f32
    %max3A_168 = vector.broadcast %max3A_167 : f32 to vector<1000x1xf32>
    %max3A_169 = arith.maximumf %add3A_166, %max3A_168 : vector<1000x1xf32>
    %div3A_170 = vector.broadcast %max3A_169 : vector<1000x1xf32> to vector<1000x128xf32>
    %div3A_171 = arith.divf %add3A_157, %div3A_170 : vector<1000x128xf32>
    %mul3A_172 = arith.mulf %div3A_171, %div3A_171 : vector<1000x128xf32>
    %reduce_sum3A_173 = arith.constant dense<0.000000e+00> : vector<1000xf32>
    %reduce_sum3A_174 = vector.multi_reduction <add>, %mul3A_172, %reduce_sum3A_173 [1] : vector<1000x128xf32> to vector<1000xf32>
    %broadcast_in_dim3A_175 = vector.shape_cast %reduce_sum3A_174 : vector<1000xf32> to vector<1000x1xf32>
    %sqrt3A_176 = math.sqrt %broadcast_in_dim3A_175 : vector<1000x1xf32>
    %max3A_177 = arith.constant 1.000000e-15 : f32
    %max3A_178 = vector.broadcast %max3A_177 : f32 to vector<1000x1xf32>
    %max3A_179 = arith.maximumf %sqrt3A_176, %max3A_178 : vector<1000x1xf32>
    %gt3A_180 = arith.constant 0.999989986 : f32
    %gt3A_181 = vector.broadcast %gt3A_180 : f32 to vector<1000x1xf32>
    %gt3A_182 = arith.cmpf ogt, %max3A_179, %gt3A_181 : vector<1000x1xf32>
    %div3A_183 = arith.constant 0.999989986 : f32
    %div3A_184 = vector.broadcast %div3A_183 : f32 to vector<1000x1xf32>
    %div3A_185 = arith.divf %div3A_184, %max3A_179 : vector<1000x1xf32>
    %jit3A_186 = arith.constant 1.000000e+00 : f32
    %broadcast_in_dim3A_187 = vector.broadcast %jit3A_186 : f32 to vector<1000x1xf32>
    %select_n3A_188 = arith.select %gt3A_182, %div3A_185, %broadcast_in_dim3A_187 : vector<1000x1xi1>, vector<1000x1xf32>
    %mul3A_189 = vector.broadcast %select_n3A_188 : vector<1000x1xf32> to vector<1000x128xf32>
    %mul3A_190 = arith.mulf %mul3A_189, %div3A_171 : vector<1000x128xf32>
    %mul3A_191 = arith.mulf %mul3A_190, %mul3A_190 : vector<1000x128xf32>
    %reduce_sum3A_192 = arith.constant dense<0.000000e+00> : vector<1000xf32>
    %reduce_sum3A_193 = vector.multi_reduction <add>, %mul3A_191, %reduce_sum3A_192 [1] : vector<1000x128xf32> to vector<1000xf32>
    %broadcast_in_dim3A_194 = vector.shape_cast %reduce_sum3A_193 : vector<1000xf32> to vector<1000x1xf32>
    %sqrt3A_195 = math.sqrt %broadcast_in_dim3A_194 : vector<1000x1xf32>
    %max3A_196 = arith.constant 1.000000e-15 : f32
    %max3A_197 = vector.broadcast %max3A_196 : f32 to vector<1000x1xf32>
    %max3A_198 = arith.maximumf %sqrt3A_195, %max3A_197 : vector<1000x1xf32>
    %jit3A_199 = arith.constant 0.000000e+00 : f32
    %jit3A_200 = arith.constant 0.99999988 : f32
    %max3A_201 = vector.broadcast %jit3A_199 : f32 to vector<1000x1xf32>
    %max3A_202 = arith.maximumf %max3A_201, %max3A_198 : vector<1000x1xf32>
    %min3A_203 = vector.broadcast %jit3A_200 : f32 to vector<1000x1xf32>
    %min3A_204 = arith.minimumf %min3A_203, %max3A_202 : vector<1000x1xf32>
    %add3A_205 = arith.constant 1.000000e+00 : f32
    %add3A_206 = vector.broadcast %add3A_205 : f32 to vector<1000x1xf32>
    %add3A_207 = arith.addf %add3A_206, %min3A_204 : vector<1000x1xf32>
    %sub3A_208 = arith.constant 1.000000e+00 : f32
    %sub3A_209 = vector.broadcast %sub3A_208 : f32 to vector<1000x1xf32>
    %sub3A_210 = arith.subf %sub3A_209, %min3A_204 : vector<1000x1xf32>
    %div3A_211 = arith.divf %add3A_207, %sub3A_210 : vector<1000x1xf32>
    %log3A_212 = math.log %div3A_211 : vector<1000x1xf32>
    %mul3A_213 = arith.constant 5.000000e-01 : f32
    %mul3A_214 = vector.broadcast %mul3A_213 : f32 to vector<1000x1xf32>
    %mul3A_215 = arith.mulf %mul3A_214, %log3A_212 : vector<1000x1xf32>
    %mul3A_216 = vector.broadcast %mul3A_215 : vector<1000x1xf32> to vector<1000x128xf32>
    %mul3A_217 = arith.mulf %mul3A_216, %mul3A_190 : vector<1000x128xf32>
    %div3A_218 = vector.broadcast %max3A_198 : vector<1000x1xf32> to vector<1000x128xf32>
    %div3A_219 = arith.divf %mul3A_217, %div3A_218 : vector<1000x128xf32>
    %swap3A = arith.constant 0 : index
    %swap3A_220 = arith.constant 0 : index
    %swap3A_221 = vector.load %arg11[%swap3A, %swap3A_220] : memref<1000x128xf32, #tpu.memory_space<vmem>>, vector<1000x128xf32>
    tpu.vector_store %arg11[%swap3A, %swap3A_220], %div3A_219 {strides = array<i32>} : memref<1000x128xf32, #tpu.memory_space<vmem>>, vector<1000x128xf32>,
    %get3A_222 = arith.constant 0 : index
    %get3A_223 = arith.constant 0 : index
    %get3A_224 = vector.load %arg9[%get3A_222, %get3A_223] : memref<128x128xf32, #tpu.memory_space<vmem>>, vector<128x128xf32>
    %dot_general3A_225 = arith.constant dense<0.000000e+00> : vector<1000x128xf32>
    %dot_general3A_226 = tpu.matmul %div3A_219, %get3A_224, %dot_general3A_225 {dimension_numbers = #tpu.dot_dimension_numbers<[1], [0], [0], [1], [0, 0, 1, 1], [], []>, transpose_lhs_hint = false} : vector<1000x128xf32>, vector<128x128xf32>, vector<1000x128xf32> -> vector<1000x128xf32>
    %get3A_227 = arith.constant 0 : index
    %get3A_228 = arith.constant 0 : index
    %get3A_229 = vector.load %arg10[%get3A_227, %get3A_228] : memref<1x1xf32, #tpu.memory_space<vmem>>, vector<1x1xf32>
    %add3A_230 = vector.broadcast %get3A_229 : vector<1x1xf32> to vector<1000x128xf32>
    %add3A_231 = arith.addf %dot_general3A_226, %add3A_230 : vector<1000x128xf32>
    %swap3A_232 = arith.constant 0 : index
    %swap3A_233 = arith.constant 0 : index
    %swap3A_234 = vector.load %arg12[%swap3A_232, %swap3A_233] : memref<1000x128xf32, #tpu.memory_space<vmem>>, vector<1000x128xf32>
    tpu.vector_store %arg12[%swap3A_232, %swap3A_233], %add3A_231 {strides = array<i32>} : memref<1000x128xf32, #tpu.memory_space<vmem>>, vector<1000x128xf32>,
    return
  }
  func.func @transform_0(%arg0: i32) -> (i32, i32) {
    %c0_i32 = arith.constant 0 : i32
    %c0_i32_0 = arith.constant 0 : i32
    return %arg0, %c0_i32 : i32, i32
  }
  func.func @transform_1(%arg0: i32) -> (i32, i32) {
    %c0_i32 = arith.constant 0 : i32
    %c0_i32_0 = arith.constant 0 : i32
    return %arg0, %c0_i32 : i32, i32
  }
  func.func @transform_2(%arg0: i32) -> (i32, i32) {
    %c0_i32 = arith.constant 0 : i32
    %c0_i32_0 = arith.constant 0 : i32
    %c0_i32_1 = arith.constant 0 : i32
    return %c0_i32, %c0_i32_0 : i32, i32
  }
  func.func @transform_3(%arg0: i32) -> (i32, i32) {
    %c0_i32 = arith.constant 0 : i32
    %c0_i32_0 = arith.constant 0 : i32
    %c0_i32_1 = arith.constant 0 : i32
    return %c0_i32, %c0_i32_0 : i32, i32
  }
  func.func @transform_4(%arg0: i32) -> (i32, i32) {
    %c0_i32 = arith.constant 0 : i32
    %c0_i32_0 = arith.constant 0 : i32
    %c0_i32_1 = arith.constant 0 : i32
    return %c0_i32, %c0_i32_0 : i32, i32
  }
  func.func @transform_5(%arg0: i32) -> (i32, i32) {
    %c0_i32 = arith.constant 0 : i32
    %c0_i32_0 = arith.constant 0 : i32
    %c0_i32_1 = arith.constant 0 : i32
    return %c0_i32, %c0_i32_0 : i32, i32
  }
  func.func @transform_6(%arg0: i32) -> (i32, i32) {
    %c0_i32 = arith.constant 0 : i32
    %c0_i32_0 = arith.constant 0 : i32
    %c0_i32_1 = arith.constant 0 : i32
    return %c0_i32, %c0_i32_0 : i32, i32
  }
  func.func @transform_7(%arg0: i32) -> (i32, i32) {
    %c0_i32 = arith.constant 0 : i32
    %c0_i32_0 = arith.constant 0 : i32
    %c0_i32_1 = arith.constant 0 : i32
    return %c0_i32, %c0_i32_0 : i32, i32
  }
  func.func @transform_8(%arg0: i32) -> (i32, i32) {
    %c0_i32 = arith.constant 0 : i32
    %c0_i32_0 = arith.constant 0 : i32
    %c0_i32_1 = arith.constant 0 : i32
    return %c0_i32, %c0_i32_0 : i32, i32
  }
  func.func @transform_9(%arg0: i32) -> (i32, i32) {
    %c0_i32 = arith.constant 0 : i32
    %c0_i32_0 = arith.constant 0 : i32
    %c0_i32_1 = arith.constant 0 : i32
    return %c0_i32, %c0_i32_0 : i32, i32
  }
  func.func @transform_10(%arg0: i32) -> (i32, i32) {
    %c0_i32 = arith.constant 0 : i32
    %c0_i32_0 = arith.constant 0 : i32
    return %arg0, %c0_i32 : i32, i32
  }
  func.func @transform_11(%arg0: i32) -> (i32, i32) {
    %c0_i32 = arith.constant 0 : i32
    %c0_i32_0 = arith.constant 0 : i32
    return %arg0, %c0_i32 : i32, i32
  }
}

module attributes {stable_mosaic.version = 14 : i64} {
  func.func @_final_body(%arg0: i32, %arg1: memref<2x1000x128xf32, #tpu.memory_space<vmem>>, %arg2: memref<2x1000x16xf32, #tpu.memory_space<vmem>>, %arg3: memref<16x128xf32, #tpu.memory_space<vmem>>, %arg4: memref<1000x128xf32, #tpu.memory_space<vmem>>) attributes {dimension_semantics = [#tpu.dimension_semantics<arbitrary>], iteration_bounds = array<i64: 10>, scalar_prefetch = 0 : i64, scratch_operands = 0 : i64, tpu.core_type = #tpu.core_type<tc>, window_params = [{transform_indices = @transform_0, window_bounds = array<i64: 2, 1000, 128>}, {transform_indices = @transform_1, window_bounds = array<i64: 2, 1000, 16>}, {pipeline_mode = #tpu.pipeline_mode<synchronous>, transform_indices = @transform_2, window_bounds = array<i64: 16, 128>}, {transform_indices = @transform_3, window_bounds = array<i64: 1000, 128>}]} {
    %get3A = arith.constant 0 : index
    %get3A_0 = arith.constant 0 : index
    %get3A_1 = arith.constant 0 : index
    %get3A_2 = vector.load %arg1[%get3A, %get3A_0, %get3A_1] : memref<2x1000x128xf32, #tpu.memory_space<vmem>>, vector<1x1000x128xf32>
    %get3A_3 = vector.shape_cast %get3A_2 : vector<1x1000x128xf32> to vector<1000x128xf32>
    %get3A_4 = arith.constant 1 : index
    %get3A_5 = arith.constant 0 : index
    %get3A_6 = arith.constant 0 : index
    %get3A_7 = vector.load %arg1[%get3A_4, %get3A_5, %get3A_6] : memref<2x1000x128xf32, #tpu.memory_space<vmem>>, vector<1x1000x128xf32>
    %get3A_8 = vector.shape_cast %get3A_7 : vector<1x1000x128xf32> to vector<1000x128xf32>
    %add3A = arith.addf %get3A_3, %get3A_8 : vector<1000x128xf32>
    %get3A_9 = arith.constant 0 : index
    %get3A_10 = arith.constant 0 : index
    %get3A_11 = arith.constant 0 : index
    %get3A_12 = vector.load %arg2[%get3A_9, %get3A_10, %get3A_11] : memref<2x1000x16xf32, #tpu.memory_space<vmem>>, vector<1x1000x16xf32>
    %get3A_13 = vector.shape_cast %get3A_12 : vector<1x1000x16xf32> to vector<1000x16xf32>
    %get3A_14 = arith.constant 1 : index
    %get3A_15 = arith.constant 0 : index
    %get3A_16 = arith.constant 0 : index
    %get3A_17 = vector.load %arg2[%get3A_14, %get3A_15, %get3A_16] : memref<2x1000x16xf32, #tpu.memory_space<vmem>>, vector<1x1000x16xf32>
    %get3A_18 = vector.shape_cast %get3A_17 : vector<1x1000x16xf32> to vector<1000x16xf32>
    %add3A_19 = arith.addf %get3A_13, %get3A_18 : vector<1000x16xf32>
    %max3A = arith.constant 1.000000e-15 : f32
    %max3A_20 = vector.broadcast %max3A : f32 to vector<1000x16xf32>
    %max3A_21 = arith.maximumf %add3A_19, %max3A_20 : vector<1000x16xf32>
    %div3A = arith.constant 1.000000e+00 : f32
    %div3A_22 = vector.broadcast %div3A : f32 to vector<1000x16xf32>
    %div3A_23 = arith.divf %div3A_22, %max3A_21 : vector<1000x16xf32>
    %get3A_24 = arith.constant 0 : index
    %get3A_25 = arith.constant 0 : index
    %get3A_26 = vector.load %arg3[%get3A_24, %get3A_25] : memref<16x128xf32, #tpu.memory_space<vmem>>, vector<16x128xf32>
    %dot_general3A = arith.constant dense<0.000000e+00> : vector<1000x128xf32>
    %dot_general3A_27 = tpu.matmul %div3A_23, %get3A_26, %dot_general3A {dimension_numbers = #tpu.dot_dimension_numbers<[1], [0], [0], [1], [0, 0, 1, 1], [], []>, transpose_lhs_hint = false} : vector<1000x16xf32>, vector<16x128xf32>, vector<1000x128xf32> -> vector<1000x128xf32>
    %mul3A = arith.mulf %add3A, %dot_general3A_27 : vector<1000x128xf32>
    %mul3A_28 = arith.mulf %mul3A, %mul3A : vector<1000x128xf32>
    %reduce_sum3A = arith.constant dense<0.000000e+00> : vector<1000xf32>
    %reduce_sum3A_29 = vector.multi_reduction <add>, %mul3A_28, %reduce_sum3A [1] : vector<1000x128xf32> to vector<1000xf32>
    %broadcast_in_dim3A = vector.shape_cast %reduce_sum3A_29 : vector<1000xf32> to vector<1000x1xf32>
    %sqrt3A = math.sqrt %broadcast_in_dim3A : vector<1000x1xf32>
    %max3A_30 = arith.constant 1.000000e-15 : f32
    %max3A_31 = vector.broadcast %max3A_30 : f32 to vector<1000x1xf32>
    %max3A_32 = arith.maximumf %sqrt3A, %max3A_31 : vector<1000x1xf32>
    %tanh3A = math.tanh %max3A_32 : vector<1000x1xf32>
    %mul3A_33 = vector.broadcast %tanh3A : vector<1000x1xf32> to vector<1000x128xf32>
    %mul3A_34 = arith.mulf %mul3A_33, %mul3A : vector<1000x128xf32>
    %div3A_35 = vector.broadcast %max3A_32 : vector<1000x1xf32> to vector<1000x128xf32>
    %div3A_36 = arith.divf %mul3A_34, %div3A_35 : vector<1000x128xf32>
    %mul3A_37 = arith.mulf %div3A_36, %div3A_36 : vector<1000x128xf32>
    %reduce_sum3A_38 = arith.constant dense<0.000000e+00> : vector<1000xf32>
    %reduce_sum3A_39 = vector.multi_reduction <add>, %mul3A_37, %reduce_sum3A_38 [1] : vector<1000x128xf32> to vector<1000xf32>
    %broadcast_in_dim3A_40 = vector.shape_cast %reduce_sum3A_39 : vector<1000xf32> to vector<1000x1xf32>
    %sqrt3A_41 = math.sqrt %broadcast_in_dim3A_40 : vector<1000x1xf32>
    %max3A_42 = arith.constant 1.000000e-15 : f32
    %max3A_43 = vector.broadcast %max3A_42 : f32 to vector<1000x1xf32>
    %max3A_44 = arith.maximumf %sqrt3A_41, %max3A_43 : vector<1000x1xf32>
    %gt3A = arith.constant 0.999989986 : f32
    %gt3A_45 = vector.broadcast %gt3A : f32 to vector<1000x1xf32>
    %gt3A_46 = arith.cmpf ogt, %max3A_44, %gt3A_45 : vector<1000x1xf32>
    %div3A_47 = arith.constant 0.999989986 : f32
    %div3A_48 = vector.broadcast %div3A_47 : f32 to vector<1000x1xf32>
    %div3A_49 = arith.divf %div3A_48, %max3A_44 : vector<1000x1xf32>
    %jit3A = arith.constant 1.000000e+00 : f32
    %broadcast_in_dim3A_50 = vector.broadcast %jit3A : f32 to vector<1000x1xf32>
    %select_n3A = arith.select %gt3A_46, %div3A_49, %broadcast_in_dim3A_50 : vector<1000x1xi1>, vector<1000x1xf32>
    %mul3A_51 = vector.broadcast %select_n3A : vector<1000x1xf32> to vector<1000x128xf32>
    %mul3A_52 = arith.mulf %mul3A_51, %div3A_36 : vector<1000x128xf32>
    %mul3A_53 = arith.mulf %mul3A_52, %mul3A_52 : vector<1000x128xf32>
    %reduce_sum3A_54 = arith.constant dense<0.000000e+00> : vector<1000xf32>
    %reduce_sum3A_55 = vector.multi_reduction <add>, %mul3A_53, %reduce_sum3A_54 [1] : vector<1000x128xf32> to vector<1000xf32>
    %broadcast_in_dim3A_56 = vector.shape_cast %reduce_sum3A_55 : vector<1000xf32> to vector<1000x1xf32>
    %sqrt3A_57 = math.sqrt %broadcast_in_dim3A_56 : vector<1000x1xf32>
    %max3A_58 = arith.constant 1.000000e-15 : f32
    %max3A_59 = vector.broadcast %max3A_58 : f32 to vector<1000x1xf32>
    %max3A_60 = arith.maximumf %sqrt3A_57, %max3A_59 : vector<1000x1xf32>
    %jit3A_61 = arith.constant 0.000000e+00 : f32
    %jit3A_62 = arith.constant 0.99999988 : f32
    %max3A_63 = vector.broadcast %jit3A_61 : f32 to vector<1000x1xf32>
    %max3A_64 = arith.maximumf %max3A_63, %max3A_60 : vector<1000x1xf32>
    %min3A = vector.broadcast %jit3A_62 : f32 to vector<1000x1xf32>
    %min3A_65 = arith.minimumf %min3A, %max3A_64 : vector<1000x1xf32>
    %add3A_66 = arith.constant 1.000000e+00 : f32
    %add3A_67 = vector.broadcast %add3A_66 : f32 to vector<1000x1xf32>
    %add3A_68 = arith.addf %add3A_67, %min3A_65 : vector<1000x1xf32>
    %sub3A = arith.constant 1.000000e+00 : f32
    %sub3A_69 = vector.broadcast %sub3A : f32 to vector<1000x1xf32>
    %sub3A_70 = arith.subf %sub3A_69, %min3A_65 : vector<1000x1xf32>
    %div3A_71 = arith.divf %add3A_68, %sub3A_70 : vector<1000x1xf32>
    %log3A = math.log %div3A_71 : vector<1000x1xf32>
    %mul3A_72 = arith.constant 5.000000e-01 : f32
    %mul3A_73 = vector.broadcast %mul3A_72 : f32 to vector<1000x1xf32>
    %mul3A_74 = arith.mulf %mul3A_73, %log3A : vector<1000x1xf32>
    %mul3A_75 = vector.broadcast %mul3A_74 : vector<1000x1xf32> to vector<1000x128xf32>
    %mul3A_76 = arith.mulf %mul3A_75, %mul3A_52 : vector<1000x128xf32>
    %div3A_77 = vector.broadcast %max3A_60 : vector<1000x1xf32> to vector<1000x128xf32>
    %div3A_78 = arith.divf %mul3A_76, %div3A_77 : vector<1000x128xf32>
    %max3A_79 = arith.constant 0.000000e+00 : f32
    %max3A_80 = vector.broadcast %max3A_79 : f32 to vector<1000x128xf32>
    %max3A_81 = arith.maximumf %div3A_78, %max3A_80 : vector<1000x128xf32>
    %mul3A_82 = arith.mulf %max3A_81, %max3A_81 : vector<1000x128xf32>
    %reduce_sum3A_83 = arith.constant dense<0.000000e+00> : vector<1000xf32>
    %reduce_sum3A_84 = vector.multi_reduction <add>, %mul3A_82, %reduce_sum3A_83 [1] : vector<1000x128xf32> to vector<1000xf32>
    %broadcast_in_dim3A_85 = vector.shape_cast %reduce_sum3A_84 : vector<1000xf32> to vector<1000x1xf32>
    %sqrt3A_86 = math.sqrt %broadcast_in_dim3A_85 : vector<1000x1xf32>
    %max3A_87 = arith.constant 1.000000e-15 : f32
    %max3A_88 = vector.broadcast %max3A_87 : f32 to vector<1000x1xf32>
    %max3A_89 = arith.maximumf %sqrt3A_86, %max3A_88 : vector<1000x1xf32>
    %tanh3A_90 = math.tanh %max3A_89 : vector<1000x1xf32>
    %mul3A_91 = vector.broadcast %tanh3A_90 : vector<1000x1xf32> to vector<1000x128xf32>
    %mul3A_92 = arith.mulf %mul3A_91, %max3A_81 : vector<1000x128xf32>
    %div3A_93 = vector.broadcast %max3A_89 : vector<1000x1xf32> to vector<1000x128xf32>
    %div3A_94 = arith.divf %mul3A_92, %div3A_93 : vector<1000x128xf32>
    %mul3A_95 = arith.mulf %div3A_94, %div3A_94 : vector<1000x128xf32>
    %reduce_sum3A_96 = arith.constant dense<0.000000e+00> : vector<1000xf32>
    %reduce_sum3A_97 = vector.multi_reduction <add>, %mul3A_95, %reduce_sum3A_96 [1] : vector<1000x128xf32> to vector<1000xf32>
    %broadcast_in_dim3A_98 = vector.shape_cast %reduce_sum3A_97 : vector<1000xf32> to vector<1000x1xf32>
    %sqrt3A_99 = math.sqrt %broadcast_in_dim3A_98 : vector<1000x1xf32>
    %max3A_100 = arith.constant 1.000000e-15 : f32
    %max3A_101 = vector.broadcast %max3A_100 : f32 to vector<1000x1xf32>
    %max3A_102 = arith.maximumf %sqrt3A_99, %max3A_101 : vector<1000x1xf32>
    %gt3A_103 = arith.constant 0.999989986 : f32
    %gt3A_104 = vector.broadcast %gt3A_103 : f32 to vector<1000x1xf32>
    %gt3A_105 = arith.cmpf ogt, %max3A_102, %gt3A_104 : vector<1000x1xf32>
    %div3A_106 = arith.constant 0.999989986 : f32
    %div3A_107 = vector.broadcast %div3A_106 : f32 to vector<1000x1xf32>
    %div3A_108 = arith.divf %div3A_107, %max3A_102 : vector<1000x1xf32>
    %jit3A_109 = arith.constant 1.000000e+00 : f32
    %broadcast_in_dim3A_110 = vector.broadcast %jit3A_109 : f32 to vector<1000x1xf32>
    %select_n3A_111 = arith.select %gt3A_105, %div3A_108, %broadcast_in_dim3A_110 : vector<1000x1xi1>, vector<1000x1xf32>
    %mul3A_112 = vector.broadcast %select_n3A_111 : vector<1000x1xf32> to vector<1000x128xf32>
    %mul3A_113 = arith.mulf %mul3A_112, %div3A_94 : vector<1000x128xf32>
    %swap3A = arith.constant 0 : index
    %swap3A_114 = arith.constant 0 : index
    %swap3A_115 = vector.load %arg4[%swap3A, %swap3A_114] : memref<1000x128xf32, #tpu.memory_space<vmem>>, vector<1000x128xf32>
    tpu.vector_store %arg4[%swap3A, %swap3A_114], %mul3A_113 {strides = array<i32>} : memref<1000x128xf32, #tpu.memory_space<vmem>>, vector<1000x128xf32>,
    return
  }
  func.func @transform_0(%arg0: i32) -> (i32, i32, i32) {
    %c0_i32 = arith.constant 0 : i32
    %c0_i32_0 = arith.constant 0 : i32
    %c0_i32_1 = arith.constant 0 : i32
    return %c0_i32, %arg0, %c0_i32_0 : i32, i32, i32
  }
  func.func @transform_1(%arg0: i32) -> (i32, i32, i32) {
    %c0_i32 = arith.constant 0 : i32
    %c0_i32_0 = arith.constant 0 : i32
    %c0_i32_1 = arith.constant 0 : i32
    return %c0_i32, %arg0, %c0_i32_0 : i32, i32, i32
  }
  func.func @transform_2(%arg0: i32) -> (i32, i32) {
    %c0_i32 = arith.constant 0 : i32
    %c0_i32_0 = arith.constant 0 : i32
    %c0_i32_1 = arith.constant 0 : i32
    return %c0_i32, %c0_i32_0 : i32, i32
  }
  func.func @transform_3(%arg0: i32) -> (i32, i32) {
    %c0_i32 = arith.constant 0 : i32
    %c0_i32_0 = arith.constant 0 : i32
    return %arg0, %c0_i32 : i32, i32
  }
}

</mosaic_0001>

<sc_bundles>
// kernel: kernel.6.cloned.1.call-start
scs
__scs_entry_jumppad:
0x0: {  	(pc) =	sbr.rel $0x88, $3  }
0x1: {  	(tag) =	ssettag $0x0;
	lr =	simm.s32 $0x1  }
0x2: {  	[smem:$0x3F93] =	sst lr;
	_ =	strace $0xD0000000  }
0x3: {  	_ = 	snop  }
0x4: {  	_ = 	snop  }
0x5: {  	_ = 	snop  }
0x6: {  	_ = 	snop  }
0x7: {  	_ = 	snop  }
__scs_overlays_trampoline_lowered:
0x8: {  	[smem:$0x3FA2] =	sst s0  }
0x9: {  	[smem:$0x3FA3] =	sst s1  }
0xa: {  	[smem:$0x3FA4] =	sst s2  }
0xb: {  	[smem:$0x3FA5] =	sst s3  }
0xc: {  	[smem:$0x3FA6] =	sst s4  }
0xd: {  	[smem:$0x3FA7] =	sst s5  }
0xe: {  	[smem:$0x3FA8] =	sst s6  }
0xf: {  	[smem:$0x3FA9] =	sst s7  }
0x10: {  	[smem:$0x3FAA] =	sst s8  }
0x11: {  	[smem:$0x3FAB] =	sst s9;
	s0 =	simm.s32 @!p0 $0x0  }
0x12: {  	s1 =	sld [smem:$0x3F91];
	s0 =	simm.s32 @p0 $0x1  }
0x13: {  	[smem:$0x3FAC] =	sst s0;
	s0 =	simm.s32 @!p1 $0x0  }
0x14: {  	s2 =	sld [smem:$0x3F90];
	s0 =	simm.s32 @p1 $0x1  }
0x15: {  	[smem:$0x3FAD] =	sst s0;
	s0 =	simm.s32 @!p2 $0x0  }
0x16: {  	s3 =	sld [smem:$0x3FDB];
	s0 =	simm.s32 @p2 $0x1  }
0x17: {  	s4 =	simm.s32 $0x1BF5;
	[smem:$0x3FAF] =	sst s0  }
0x18: {  	s0 =	sld [smem:$0x3F92];
	_ =	swait.ge [sflag:s4], $0x0  }
0x19: {  	s7 =	sld [smem:$0x3F93]  }
0x1a: {  	s8 =	sadd.s32 $0xFFFFE003, lr  }
0x1b: {  	s9 =	sadd.s32 $0xFFFFFEF7, lr;
	s5 =	simm.s32 $0xFFFFFFFF;
	p2 =	slt.u32 s8, $0xFFFFF086  }
0x1c: {  	p1 =	slt.u32 s9, $0xF7A;
	s5 =	simm.s32 @!p2 $0x0  }
0x1d: {  	s5 =	simm.s32 @p1 $0x1;
	p0 =	seq.s32 s7, s2  }
0x1e: {  	s7 =	smul.u32 @!p0 $0xF7A, s2;
	p2 =	seq.s32 @!p0 s5, $0x0  }
0x1f: {  	s9 =	smul.u32 $0xF7A, s1;
	s8 =	simm.s32 @!p0 $0x1BF5;
	p2 =	por !p2, p0  }
0x20: {  	[sflag:s8] =	ssyncset.s32 @!p0 $0xFFFFF086;
	s6 =	sadd.s32 @!p0 s3, s7;
	s7 =	simm.s32 @!p0 $0x108  }
0x21: {  	s3 =	sadd.s32 s3, s9;
	s6 =	sadd.s32 @!p0 $0x88, s6;
	s7 =	simm.s32 @p2 $0x1082  }
0x22: {  	[simem:s7], [sflag:s8] =	dma.local @!p0 [hbm:s6], $0xF7A  }
0x23: {  	s9 =	sor.u32 $0xD0000000, s2;
	s6 =	simm.s32 $0x108;
	_ =	swait.ge @!p0 [sflag:s8], $0x0  }
0x24: {  	s3 =	sadd.s32 $0x88, s3;
	s6 =	simm.s32 @!p1 $0x1082;
	[sflag:s4] =	ssyncset.s32 $0xFFFFF086  }
0x25: {  	[simem:s6], [sflag:s4] =	dma.local [hbm:s3], $0xF7A  }
0x26: {  	[smem:$0x3F93] =	sst s1;
	(tag) =	ssettag s2;
	_ =	strace s9  }
0x27: {  	s1 =	sld [smem:$0x3FA3]  }
0x28: {  	s2 =	sld [smem:$0x3FA4]  }
0x29: {  	s4 =	sld [smem:$0x3FA6]  }
0x2a: {  	p0 =	seq.s32 s5, $0x0;
	s5 =	sld [smem:$0x3FA7]  }
0x2b: {  	s6 =	sld [smem:$0x3FA8]  }
0x2c: {  	s7 =	sld [smem:$0x3FA9]  }
0x2d: {  	s3 =	simm.s32 $0x108;
	s8 =	sld [smem:$0x3FAA]  }
0x2e: {  	s3 =	simm.s32 @!p0 $0x1082;
	s9 =	sld [smem:$0x3FAB]  }
0x2f: {  	lr =	sadd.s32 s0, s3;
	s0 =	sld [smem:$0x3FA2]  }
0x30: {  	s3 =	sld [smem:$0x3FA5]  }
0x31: {  	[smem:$0x3FAE] =	sst s10  }
0x32: {  	s10 =	sld [smem:$0x3FAC];
	_ =	sdelay $0x3  }
0x33: {  	p0 =	seq.s32 s10, $0x1;
	s10 =	sld [smem:$0x3FAE];
	_ =	sdelay $0x3  }
0x34: {  	[smem:$0x3FAE] =	sst s10  }
0x35: {  	s10 =	sld [smem:$0x3FAD];
	_ =	sdelay $0x3  }
0x36: {  	p1 =	seq.s32 s10, $0x1;
	s10 =	sld [smem:$0x3FAE];
	_ =	sdelay $0x3  }
0x37: {  	[smem:$0x3FAE] =	sst s10  }
0x38: {  	s10 =	sld [smem:$0x3FAF]  }
0x39: {  	_ = 	snop;
	(pc) =	sbr.ind lr, $3  }
0x3a: {  	_ = 	snop  }
0x3b: {  	_ = 	snop  }
0x3c: {  	p2 =	seq.s32 s10, $0x1;
	s10 =	sld [smem:$0x3FAE]  }
0x3d: {  	_ =	shalt  }
0x3e: {  	_ =	shalt  }
0x3f: {  	_ =	shalt  }
0x40: {  	_ =	shalt  }
0x41: {  	_ =	shalt  }
0x42: {  	_ =	shalt  }
0x43: {  	_ =	shalt  }
0x44: {  	_ =	shalt  }
0x45: {  	_ =	shalt  }
0x46: {  	_ =	shalt  }
0x47: {  	_ =	shalt  }
0x48: {  	_ =	shalt  }
0x49: {  	_ =	shalt  }
0x4a: {  	_ =	shalt  }
0x4b: {  	_ =	shalt  }
0x4c: {  	_ =	shalt  }
0x4d: {  	_ =	shalt  }
0x4e: {  	_ =	shalt  }
0x4f: {  	_ =	shalt  }
0x50: {  	_ =	shalt  }
0x51: {  	_ =	shalt  }
0x52: {  	_ =	shalt  }
0x53: {  	_ =	shalt  }
0x54: {  	_ =	shalt  }
0x55: {  	_ =	shalt  }
0x56: {  	_ =	shalt  }
0x57: {  	_ =	shalt  }
0x58: {  	_ =	shalt  }
0x59: {  	_ =	shalt  }
0x5a: {  	_ =	shalt  }
0x5b: {  	_ =	shalt  }
0x5c: {  	_ =	shalt  }
0x5d: {  	_ =	shalt  }
0x5e: {  	_ =	shalt  }
0x5f: {  	_ =	shalt  }
0x60: {  	_ =	shalt  }
0x61: {  	_ =	shalt  }
0x62: {  	_ =	shalt  }
0x63: {  	_ =	shalt  }
0x64: {  	_ =	shalt  }
0x65: {  	_ =	shalt  }
0x66: {  	_ =	shalt  }
0x67: {  	_ =	shalt  }
0x68: {  	_ =	shalt  }
0x69: {  	_ =	shalt  }
0x6a: {  	_ =	shalt  }
0x6b: {  	_ =	shalt  }
0x6c: {  	_ =	shalt  }
0x6d: {  	_ =	shalt  }
0x6e: {  	_ =	shalt  }
0x6f: {  	_ =	shalt  }
0x70: {  	_ =	shalt  }
0x71: {  	_ =	shalt  }
0x72: {  	_ =	shalt  }
0x73: {  	_ =	shalt  }
0x74: {  	_ =	shalt  }
0x75: {  	_ =	shalt  }
0x76: {  	_ =	shalt  }
0x77: {  	_ =	shalt  }
0x78: {  	_ =	shalt  }
0x79: {  	_ =	shalt  }
0x7a: {  	_ =	shalt  }
0x7b: {  	_ =	shalt  }
0x7c: {  	_ =	shalt  }
0x7d: {  	_ =	shalt  }
0x7e: {  	_ =	shalt  }
0x7f: {  	_ =	shalt  }
0x80: {  	_ =	shalt  }
0x81: {  	_ =	shalt  }
0x82: {  	_ =	shalt  }
0x83: {  	_ =	shalt  }
0x84: {  	_ =	shalt  }
0x85: {  	_ =	shalt  }
0x86: {  	_ =	shalt  }
0x87: {  	_ =	shalt  }
.Lfunc_end0:
.L_simem_size_0:
called_computation_lowered:
.L_overlay_start_0:
0x88: {  	s2 =	sld [smem:$0x3FD9]  }
0x89: {  	s3 =	sld [smem:$0x3FFE];
	_ =	sdelay $0x1  }
0x8a: {  	s1 =	srdreg.scid  }
0x8b: {  	s0 =	sand.u32 $0x1, s1  }
0x8c: {  	s17 =	sshll.u32 s0, $0xA;
	s2 =	sadd.s32 s3, s2  }
0x8d: {  	s2 =	sadd.s32 s2, s17  }
0x8e: {  	[smem:$0x3FBA] =	sst s2  }
0x8f: {  	_ = 	snop  }
0x90: {  	s2 =	sld [smem:$0x3FD0];
	(tm) =	ssettm $0x1  }
0x91: {  	s18 =	sld [smem:$0x3FFB];
	_ =	sdelay $0x3  }
0x92: {  	_ =	strace s18  }
0x93: {  	s3 =	sld [smem:$0x3FFC];
	_ =	sdelay $0x3  }
0x94: {  	_ =	strace s3  }
0x95: {  	s3 =	sld [smem:$0x3FFD];
	_ =	sdelay $0x3  }
0x96: {  	_ =	strace s3  }
0x97: {  	_ =	strace $0x8FFFFFFF  }
0x98: {  	s19 =	sld [smem:$0x3FDB];
	_ =	sdelay $0x1  }
0x99: {  	s4 =	simm.s32 $_scs_section_size  }
0x9a: {  	s5 =	simm.s32 $_size__tile_overlayer_lowered;
	s6 =	simm.s32 $_tile_overlayer_lowered  }
0x9b: {  	s22 =	simm.s32 $0x1BFF;
	s21 =	sshll.u32 s6, $0x1;
	s3 =	sadd.s32 s4, s19  }
0x9c: {  	s7 =	simm.s32 $0x0;
	s20 =	sshll.u32 s5, $0x1;
	s5 =	sadd.s32 s21, s3  }
0x9d: {  	[timem:s7], [sflag:s22] =	dma.local [hbm:s5], s20  }
0x9e: {  	_ =	swait.ge [sflag:s22], s20  }
0x9f: {  	s4 =	ssub.s32 $0x0, s20;
	[sflag:s22] =	ssyncset.done $0x0  }
0xa0: {  	[sflag:s22] =	ssyncadd.s32 s4;
	_ =	sdelay $0x1  }
0xa1: {  	s23 =	simm.s32 $0x1B8B  }
0xa2: {  	_ =	swait.ge [sflag:s23], $0x1  }
0xa3: {  	[sflag:s23] =	ssyncset.done $0x0  }
0xa4: {  	s25 =	simm.s32 $0x1B8E;
	s24 =	sld [smem:$0x3FFE];
	[sflag:s23] =	ssyncadd.s32 $0xFFFFFFFF  }
0xa5: {  	s26 =	simm.s32 $execute0_lowered;
	[smem:$0x3FD2] =	sst s25  }
0xa6: {  	s5 =	sshll.u32 s26, $0x1;
	_ =	strace $0x80000046;
	[dreg:$0x1] =	wrdreg $0xFFFFFFFF  }
0xa7: {  	s28 =	simm.s32 $_size_execute0_lowered;
	s3 =	sadd.s32 s3, s5;
	[dreg:$0x0] =	wrdreg $0x0  }
0xa8: {  	s5 =	sshll.u32 s28, $0x1;
	[dreg:$0x2] =	wrdreg s3  }
0xa9: {  	[dreg:$0x3] =	wrdreg s5  }
0xaa: {  	[dreg:$0x4] =	wrdreg $0xC0  }
0xab: {  	_ =	task [dreg:s7], $0x5FFFF  }
0xac: {  	[dreg:$0x1] =	wrdreg $0xFFFFFFFF  }
0xad: {  	[dreg:$0x0] =	wrdreg $0x60  }
0xae: {  	[dreg:$0x2] =	wrdreg s24  }
0xaf: {  	[dreg:$0x3] =	wrdreg s2  }
0xb0: {  	[dreg:$0x4] =	wrdreg $0x83000  }
0xb1: {  	[dreg:$0x5] =	wrdreg $0x1BF000  }
0xb2: {  	[dreg:$0x6] =	wrdreg $0x9  }
0xb3: {  	_ =	task.clear_ibuf [dreg:s7], $0x7FFFF;
	_ =	strace $0x90000046  }
0xb4: {  	s29 =	simm.s32 $0x9;
	_ =	strace $0x80000048  }
0xb5: {  	_ =	swait.ge [sflag:s29], $0x1  }
0xb6: {  	[sflag:s29] =	ssyncadd.s32 $0xFFFFFFFF  }
0xb7: {  	_ =	strace $0x90000048  }
0xb8: {  	_ =	sfence  }
0xb9: {  	s30 =	sld [smem:$0x0];
	_ =	sdelay $0x2  }
0xba: {  	s31 =	sshll.u32 s1, $0xD;
	s1 =	sshrl.u32 s1, $0x2  }
0xbb: {  	s3 =	sand.u32 $0x4000, s31;
	s1 =	sadd.s32 s1, s30  }
0xbc: {  	s0 =	sor.u32 s3, s0;
	s1 =	sshll.u32 s1, $0x11  }
0xbd: {  	s0 =	sor.u32 s1, s0  }
0xbe: {  	s0 =	sadd.s32 $0x8F2B, s0  }
0xbf: {  	[sflag:s0] =	ssyncadd.remote.s32 $0x1  }
0xc0: {  	_ =	sfence.sel $0xFFFF  }
0xc1: {  	[dreg:$0x0] =	wrdreg $0xFFFFFFFF;
	(pc) =	sbr.abs _section_cstart, $3  }
0xc2: {  	[dreg:$0x1] =	wrdreg $0xFFFFFFFF  }
0xc3: {  	_ =	task.clear_ibuf [dreg:s7], $0x2FFFF;
	_ =	strace $0x9FFFFFFF  }
0xc4: {  	(tm) =	ssettm $0x7FFFFFFF  }
0xc5: {  	_ =	shalt  }
tec
execute0_lowered:
.L_overlay_start_1:
0x0: {  	(tag) =	ssettag $0x1  }
0x1: {  	s0 =	rddreg [dreg:$0x0]  }
0x2: {  	s7 =	rddreg [dreg:$0x2]  }
0x3: {  	s8 =	rddreg [dreg:$0x3]  }
0x4: {  	s2 =	simm.s32 $0x0;
	s1 =	srdreg.scid;
	s9 =	stileid.u32  }
0x5: {  	[smem:$0x7FF] =	sst s2;
	s3 =	smul.u32 $0x13C00, s9  }
0x6: {  	s28 =	simm.s32 $0x2;
	s4 =	sadd.s32 $0x2A3A00, s0;
	s5 =	sadd.s32 $0x53BC00, s0  }
0x7: {  	s1 =	sand.u32 $0x1, s1;
	s16 =	smul.u32 $0x2800, s9;
	s6 =	sadd.s32 $0x299A00, s0  }
0x8: {  	s19 =	smul.u32 $0x4F000, s9;
	_ =	strace $0x80000047;
	[dreg:$0x5] =	wrdreg s4  }
0x9: {  	s17 =	sadd.s32 $0x29EA00, s0;
	s23 =	smul.u32 $0xA000, s9;
	[dreg:$0x6] =	wrdreg s5  }
0xa: {  	s22 =	sshll.u32 s9, $0x1;
	s14 =	smul.u32 $0x13C000, s1;
	[dreg:$0x7] =	wrdreg s6  }
0xb: {  	s15 =	smul.u32 $0x28000, s1;
	[dreg:$0x8] =	wrdreg s17;
	s20 =	ssub.s32 $0x2, s1  }
0xc: {  	s1 =	sor.u32 s1, s22;
	s22 =	simm.s32 $0x4300;
	s21 =	sshrl.u32 s20, $0x1  }
0xd: {  	s4 =	sshrl.u32 s19, $0x2;
	s1 =	smul.u32 $0x28, s1;
	s2 =	sadd.s32 s3, s14  }
0xe: {  	s18 =	sadd.s32 s16, s15;
	s7 =	sadd.s32 s4, s7;
	s4 =	sshrl.u32 s23, $0x2  }
0xf: {  	s23 =	simm.s32 $0x1;
	s2 =	sshrl.u32 s2, $0x3;
	[dreg:$0xf] =	wrdreg s1  }
0x10: {  	s3 =	sshrl.u32 s18, $0x3;
	s24 =	sadd.s32 $0x4000, s7;
	[dreg:$0x9] =	wrdreg s7  }
0x11: {  	s25 =	sadd.s32 $0x8000, s7;
	s26 =	sadd.s32 $0xC000, s7;
	[dreg:$0xa] =	wrdreg s24  }
0x12: {  	s29 =	sadd.s32 $0x10000, s7;
	s4 =	sadd.s32 s4, s8;
	[dreg:$0xb] =	wrdreg s25  }
0x13: {  	s1 =	simm.s32 $0x0;
	s2 =	sadd.s32 s2, s0;
	[dreg:$0xc] =	wrdreg s26  }
0x14: {  	s0 =	sadd.s32 s3, s0;
	s3 =	ssub.s32 s20, s21;
	[dreg:$0xd] =	wrdreg s29  }
0x15: {  	s20 =	simm.s32 $0x300;
	[dreg:$0xe] =	wrdreg s4;
	s30 =	sadd.s32 $0xB600, s2  }
0x16: {  	s24 =	simm.s32 $0x3;
	s0 =	sadd.s32 $0x1600, s0;
	[dreg:$0x10] =	wrdreg s30  }
0x17: {  	s25 =	simm.s32 $0x4;
	s31 =	smax.u32 s3, $0x1;
	[dreg:$0x11] =	wrdreg s0  }
0x18: {  	v0 =	vimm.f32 $0.0e+00;
	s26 =	simm.s32 $0x80;
	s3 =	simm.s32 $0x5;
	[dreg:$0x12] =	wrdreg s31  }
.LBB2_1:
0x19: {  	[dreg:$0x13] =	wrdreg s1;
	s0 =	simm.s32 $0x0;
	s1 =	simm.s32 $0x200  }
.LBB2_2:
0x1a: {  	p0 =	sne.s32 s1, $0xFE00;
	[tilespmem:s0+$0x4370] =	vst v0  }
0x1b: {  	[tilespmem:s0+$0x300] =	vst v0  }
0x1c: {  	[tilespmem:s0+$0x4300] =	vst v0  }
0x1d: {  	[tilespmem:s0+$0x310] =	vst v0  }
0x1e: {  	[tilespmem:s0+$0x4310] =	vst v0  }
0x1f: {  	[tilespmem:s0+$0x320] =	vst v0  }
0x20: {  	[tilespmem:s0+$0x4320] =	vst v0  }
0x21: {  	[tilespmem:s0+$0x330] =	vst v0  }
0x22: {  	[tilespmem:s0+$0x4330] =	vst v0  }
0x23: {  	[tilespmem:s0+$0x340] =	vst v0  }
0x24: {  	[tilespmem:s0+$0x4340] =	vst v0  }
.Ltmp0:
0x25: {  	[tilespmem:s0+$0x350] =	vst v0;
	(pc) =	sbr.rel @p0 .LBB2_2-.Ltmp0, $4  }
0x26: {  	[tilespmem:s0+$0x4350] =	vst v0  }
0x27: {  	[tilespmem:s0+$0x360] =	vst v0  }
0x28: {  	[tilespmem:s0+$0x4360] =	vst v0  }
0x29: {  	[tilespmem:s0+$0x370] =	vst v0;
	s0 =	sshra.s32 s1, $0x2;
	s1 =	sadd.s32 $0x200, s1  }
0x2a: {  	[tilespmem:s0+$0x4370] =	vst v0  }
0x2b: {  	[tilespmem:s0+$0x300] =	vst v0  }
0x2c: {  	[tilespmem:s0+$0x4300] =	vst v0  }
0x2d: {  	[tilespmem:s0+$0x310] =	vst v0  }
0x2e: {  	[tilespmem:s0+$0x4310] =	vst v0  }
0x2f: {  	[tilespmem:s0+$0x320] =	vst v0  }
0x30: {  	[tilespmem:s0+$0x4320] =	vst v0  }
0x31: {  	[tilespmem:s0+$0x330] =	vst v0  }
0x32: {  	[tilespmem:s0+$0x4330] =	vst v0  }
0x33: {  	[tilespmem:s0+$0x340] =	vst v0  }
0x34: {  	[tilespmem:s0+$0x4340] =	vst v0  }
0x35: {  	[tilespmem:s0+$0x350] =	vst v0  }
0x36: {  	[tilespmem:s0+$0x4350] =	vst v0  }
0x37: {  	[tilespmem:s0+$0x360] =	vst v0  }
0x38: {  	[tilespmem:s0+$0x4360] =	vst v0  }
0x39: {  	[tilespmem:s0+$0x370] =	vst v0  }
0x3a: {  	[spmem:s7] =	stream.linear.scatter [tilespmem:s20], [sflag:$0x5], $0x4000, $0x38;
	[tilespmem:$0x1E700] =	vst v63  }
0x3b: {  	_ =	swait.ge [sflag:s3], $0x4000  }
0x3c: {  	[sflag:s3] =	ssyncset.done $0x0  }
0x3d: {  	s19 =	rddreg [dreg:$0xa];
	[sflag:s3] =	ssyncadd.s32 $0xFFFFC000  }
0x3e: {  	[spmem:s19] =	stream.linear.scatter [tilespmem:s20], [sflag:$0x5], $0x4000, $0x38;
	[tilespmem:$0x1E700] =	vst v63  }
0x3f: {  	_ =	swait.ge [sflag:s3], $0x4000  }
0x40: {  	[sflag:s3] =	ssyncset.done $0x0  }
0x41: {  	s21 =	rddreg [dreg:$0xb];
	[sflag:s3] =	ssyncadd.s32 $0xFFFFC000  }
0x42: {  	[spmem:s21] =	stream.linear.scatter [tilespmem:s20], [sflag:$0x5], $0x4000, $0x38;
	[tilespmem:$0x1E700] =	vst v63  }
0x43: {  	_ =	swait.ge [sflag:s3], $0x4000  }
0x44: {  	[sflag:s3] =	ssyncset.done $0x0  }
0x45: {  	s29 =	rddreg [dreg:$0xc];
	[sflag:s3] =	ssyncadd.s32 $0xFFFFC000  }
0x46: {  	[spmem:s29] =	stream.linear.scatter [tilespmem:s20], [sflag:$0x5], $0x4000, $0x38;
	[tilespmem:$0x1E700] =	vst v63  }
0x47: {  	_ =	swait.ge [sflag:s3], $0x4000  }
0x48: {  	[sflag:s3] =	ssyncset.done $0x0  }
0x49: {  	s31 =	rddreg [dreg:$0xd];
	[sflag:s3] =	ssyncadd.s32 $0xFFFFC000  }
0x4a: {  	[spmem:s31] =	stream.linear.scatter [tilespmem:s20], [sflag:$0x5], $0x3C00, $0x38;
	[tilespmem:$0x1E700] =	vst v63  }
0x4b: {  	_ =	swait.ge [sflag:s3], $0x3C00  }
0x4c: {  	[sflag:s3] =	ssyncset.done $0x0  }
0x4d: {  	[sflag:s3] =	ssyncadd.s32 $0xFFFFC400  }
0x4e: {  	[spmem:s4] =	stream.linear.scatter [tilespmem:s22], [sflag:$0x5], $0x2800, $0x38;
	[tilespmem:$0x1E700] =	vst v63  }
0x4f: {  	_ =	swait.ge [sflag:s3], $0x2800  }
0x50: {  	[sflag:s3] =	ssyncset.done $0x0  }
0x51: {  	[sflag:s3] =	ssyncadd.s32 $0xFFFFD800  }
0x52: {  	s30 =	simm.s32 $0x0;
	p0 =	por $0x0, $0x0;
	[bflag:$0x0] =	sbarrier.arrive $0xFFFF  }
.LBB2_4:
0x53: {  	s0 =	rddreg [dreg:$0xf]  }
0x54: {  	s1 =	sshll.u32 s30, $0x7;
	s0 =	sadd.s32 s0, s30  }
0x55: {  	s21 =	rddreg [dreg:$0x7];
	s3 =	simm.s32 $0x0;
	s2 =	sshll.u32 s0, $0x4  }
0x56: {  	s29 =	rddreg [dreg:$0x8];
	s0 =	sand.u32 $0x80, s1;
	s1 =	sadd.s32 s21, s2  }
0x57: {  	[tilespmem:s0], [sflag:$0x3] =	stream.linear.gather [hbm4b:s1+s3], $0x80, $0x38;
	[tilespmem:$0x1E700] =	vst v63  }
0x58: {  	p1 =	seq.s32 s30, $0x0;
	s31 =	sor.u32 $0x100, s0;
	s1 =	sadd.s32 s29, s2  }
0x59: {  	[tilespmem:s31], [sflag:$0x4] =	stream.linear.gather [hbm4b:s1+s3], $0x80, $0x38;
	[tilespmem:$0x1E700] =	vst v63  }
0x5a: {  	s1 =	simm.s32 @!p1 $0x1  }
0x5b: {  	_ =	swait.ge @!p1 [sflag:s1], $0x4000  }
0x5c: {  	[sflag:s1] =	ssyncset.done @!p1 $0x0  }
0x5d: {  	[sflag:s1] =	ssyncadd.s32 @!p1 $0xFFFFC000;
	s1 =	simm.s32 @!p1 $0x2  }
0x5e: {  	_ =	swait.ge @!p1 [sflag:s1], $0x4000  }
0x5f: {  	[sflag:s1] =	ssyncset.done @!p1 $0x0  }
0x60: {  	[sflag:s1] =	ssyncadd.s32 @!p1 $0xFFFFC000  }
0x61: {  	_ =	swait.ge [sflag:s24], $0x80  }
0x62: {  	[sflag:s24] =	ssyncset.done $0x0  }
0x63: {  	[sflag:s24] =	ssyncadd.s32 $0xFFFFFF80  }
0x64: {  	_ =	swait.ge [sflag:s25], $0x80  }
0x65: {  	[sflag:s25] =	ssyncset.done $0x0  }
0x66: {  	s3 =	rddreg [dreg:$0x6];
	[sflag:s25] =	ssyncadd.s32 $0xFFFFFF80  }
0x67: {  	[tilespmem:s20], [sflag:$0x1] =	stream.indirect.gather [hbm4b:s3+s26], $0x80, s0, s26, $0xb8;
	[tilespmem:$0x1E700] =	vst v63  }
0x68: {  	s4 =	rddreg [dreg:$0x1]  }
0x69: {  	[tilespmem:s22], [sflag:$0x2] =	stream.indirect.gather [hbm4b:s4+s26], $0x80, s31, s26, $0xb8;
	[tilespmem:$0x1E700] =	vst v63  }
0x6a: {  	_ =	swait.ge [sflag:s23], $0x4000  }
0x6b: {  	[sflag:s23] =	ssyncset.done $0x0  }
0x6c: {  	s1 =	simm.s32 $0x1;
	[sflag:s23] =	ssyncadd.s32 $0xFFFFC000  }
0x6d: {  	s1 =	simm.s32 @!p0 $0x0;
	_ =	swait.ge [sflag:s28], $0x4000  }
0x6e: {  	s1 =	sshll.u32 s1, $0x7;
	[sflag:s28] =	ssyncset.done $0x0  }
0x6f: {  	s4 =	sor.u32 $0x100, s1;
	[sflag:s28] =	ssyncadd.s32 $0xFFFFC000  }
0x70: {  	s10 =	simm.s32 $0x0;
	v1 =	vld [tilespmem:s4+$0x0]  }
0x71: {  	v2 =	vld [tilespmem:s10+$0x4300]  }
0x72: {  	v3 =	vld [tilespmem:s10+$0x300];
	_ =	sdelay $0x2  }
0x73: {  	(v2sf) =	vpush v1, $0x0;
	_ =	sdelay $0x1  }
0x74: {  	v2 =	vadd.f32 v2, v3;
	_ =	sdelay $0x1  }
0x75: {  	v3 =	vmul.f32 $2.000000030e-01, v2  }
0x76: {  	vm0 =	vge.f32 v2, $0.0e+00  }
0x77: {  	v2 =	vsel vm0, v2, v3  }
0x78: {  	v2 =	vmul.f32 $1.442695020e+00, v2;
	_ =	sdelay $0x1  }
0x79: {  	(erf) = vpow2.f32 v2;
	_ =	sdelay $0x1  }
0x7a: {  	[tilespmem:s10+$0x4370] =	vst v0  }
0x7b: {  	[tilespmem:s10+$0x4360] =	vst v0  }
0x7c: {  	[tilespmem:s10+$0x4350] =	vst v0  }
0x7d: {  	[tilespmem:s10+$0x4340] =	vst v0  }
0x7e: {  	[tilespmem:s10+$0x4330] =	vst v0;
	s5 =	spop (v2sf)  }
0x7f: {  	[tilespmem:s10+$0x4320] =	vst v0;
	s1 =	sand.u32 $0x7, s5  }
0x80: {  	[tilespmem:s10+$0x4310] =	vst v0;
	s1 =	sshll.u32 s1, $0x4  }
0x81: {  	[tilespmem:s10+$0x4300] =	vst v0;
	v2 =	vpop (erf);
	s1 =	sadd.s32 $0x0, s1  }
0x82: {  	[tilespmem:s1+$0x4300] =	vst v2  }
0x83: {  	v2 =	vld [tilespmem:s10+$0x380]  }
0x84: {  	v3 =	vld [tilespmem:s10+$0x4380];
	_ =	sdelay $0x2  }
0x85: {  	(v2sf) =	vpush v1, $0x1;
	_ =	sdelay $0x1  }
0x86: {  	v2 =	vadd.f32 v3, v2;
	_ =	sdelay $0x1  }
0x87: {  	v3 =	vmul.f32 $2.000000030e-01, v2  }
0x88: {  	vm14 =	vge.f32 v2, $0.0e+00  }
0x89: {  	v2 =	vsel vm14, v2, v3  }
0x8a: {  	v2 =	vmul.f32 $1.442695020e+00, v2;
	_ =	sdelay $0x1  }
0x8b: {  	(erf) = vpow2.f32 v2;
	_ =	sdelay $0x1  }
0x8c: {  	[tilespmem:s10+$0x43F0] =	vst v0  }
0x8d: {  	[tilespmem:s10+$0x43E0] =	vst v0  }
0x8e: {  	[tilespmem:s10+$0x43D0] =	vst v0  }
0x8f: {  	[tilespmem:s10+$0x43C0] =	vst v0  }
0x90: {  	s6 =	spop (v2sf);
	[tilespmem:s10+$0x43B0] =	vst v0  }
0x91: {  	s1 =	sand.u32 $0x7, s6;
	[tilespmem:s10+$0x43A0] =	vst v0  }
0x92: {  	s1 =	sshll.u32 s1, $0x4;
	[tilespmem:s10+$0x4390] =	vst v0  }
0x93: {  	[tilespmem:s10+$0x4380] =	vst v0;
	s1 =	sadd.s32 $0x4300, s1;
	v2 =	vpop (erf)  }
0x94: {  	[tilespmem:s1+$0x80] =	vst v2  }
0x95: {  	v2 =	vld [tilespmem:s10+$0x400]  }
0x96: {  	v3 =	vld [tilespmem:s10+$0x4400];
	_ =	sdelay $0x2  }
0x97: {  	(v2sf) =	vpush v1, $0x2;
	_ =	sdelay $0x1  }
0x98: {  	v2 =	vadd.f32 v3, v2;
	_ =	sdelay $0x1  }
0x99: {  	v3 =	vmul.f32 $2.000000030e-01, v2  }
0x9a: {  	vm15 =	vge.f32 v2, $0.0e+00  }
0x9b: {  	v2 =	vsel vm15, v2, v3  }
0x9c: {  	v2 =	vmul.f32 $1.442695020e+00, v2;
	_ =	sdelay $0x1  }
0x9d: {  	(erf) = vpow2.f32 v2;
	_ =	sdelay $0x1  }
0x9e: {  	[tilespmem:s10+$0x4470] =	vst v0  }
0x9f: {  	[tilespmem:s10+$0x4460] =	vst v0  }
0xa0: {  	[tilespmem:s10+$0x4450] =	vst v0  }
0xa1: {  	[tilespmem:s10+$0x4440] =	vst v0  }
0xa2: {  	s7 =	spop (v2sf);
	[tilespmem:s10+$0x4430] =	vst v0  }
0xa3: {  	s1 =	sand.u32 $0x7, s7;
	[tilespmem:s10+$0x4420] =	vst v0  }
0xa4: {  	[tilespmem:s10+$0x4410] =	vst v0;
	s1 =	sshll.u32 s1, $0x4  }
0xa5: {  	[tilespmem:s10+$0x4400] =	vst v0;
	s1 =	sadd.s32 $0x4300, s1;
	v2 =	vpop (erf)  }
0xa6: {  	[tilespmem:s1+$0x100] =	vst v2  }
0xa7: {  	v2 =	vld [tilespmem:s10+$0x480]  }
0xa8: {  	v3 =	vld [tilespmem:s10+$0x4480];
	_ =	sdelay $0x2  }
0xa9: {  	(v2sf) =	vpush v1, $0x3;
	_ =	sdelay $0x1  }
0xaa: {  	v2 =	vadd.f32 v3, v2;
	_ =	sdelay $0x1  }
0xab: {  	v3 =	vmul.f32 $2.000000030e-01, v2  }
0xac: {  	vm4 =	vge.f32 v2, $0.0e+00  }
0xad: {  	v2 =	vsel vm4, v2, v3  }
0xae: {  	v2 =	vmul.f32 $1.442695020e+00, v2;
	_ =	sdelay $0x1  }
0xaf: {  	(erf) = vpow2.f32 v2;
	_ =	sdelay $0x1  }
0xb0: {  	[tilespmem:s10+$0x44F0] =	vst v0  }
0xb1: {  	[tilespmem:s10+$0x44E0] =	vst v0  }
0xb2: {  	[tilespmem:s10+$0x44D0] =	vst v0  }
0xb3: {  	[tilespmem:s10+$0x44C0] =	vst v0  }
0xb4: {  	s8 =	spop (v2sf);
	[tilespmem:s10+$0x44B0] =	vst v0  }
0xb5: {  	s1 =	sand.u32 $0x7, s8;
	[tilespmem:s10+$0x44A0] =	vst v0  }
0xb6: {  	s1 =	sshll.u32 s1, $0x4;
	[tilespmem:s10+$0x4490] =	vst v0  }
0xb7: {  	[tilespmem:s10+$0x4480] =	vst v0;
	s1 =	sadd.s32 $0x4300, s1;
	v2 =	vpop (erf)  }
0xb8: {  	[tilespmem:s1+$0x180] =	vst v2  }
0xb9: {  	v2 =	vld [tilespmem:s10+$0x500]  }
0xba: {  	v3 =	vld [tilespmem:s10+$0x4500];
	_ =	sdelay $0x2  }
0xbb: {  	(v2sf) =	vpush v1, $0x4;
	_ =	sdelay $0x1  }
0xbc: {  	v2 =	vadd.f32 v3, v2;
	_ =	sdelay $0x1  }
0xbd: {  	v3 =	vmul.f32 $2.000000030e-01, v2  }
0xbe: {  	vm5 =	vge.f32 v2, $0.0e+00  }
0xbf: {  	v2 =	vsel vm5, v2, v3  }
0xc0: {  	v2 =	vmul.f32 $1.442695020e+00, v2;
	_ =	sdelay $0x1  }
0xc1: {  	(erf) = vpow2.f32 v2;
	_ =	sdelay $0x1  }
0xc2: {  	[tilespmem:s10+$0x4570] =	vst v0  }
0xc3: {  	[tilespmem:s10+$0x4560] =	vst v0  }
0xc4: {  	[tilespmem:s10+$0x4550] =	vst v0  }
0xc5: {  	[tilespmem:s10+$0x4540] =	vst v0  }
0xc6: {  	s9 =	spop (v2sf);
	[tilespmem:s10+$0x4530] =	vst v0  }
0xc7: {  	s1 =	sand.u32 $0x7, s9;
	[tilespmem:s10+$0x4520] =	vst v0  }
0xc8: {  	s1 =	sshll.u32 s1, $0x4;
	[tilespmem:s10+$0x4510] =	vst v0  }
0xc9: {  	[tilespmem:s10+$0x4500] =	vst v0;
	s1 =	sadd.s32 $0x4300, s1;
	v2 =	vpop (erf)  }
0xca: {  	[tilespmem:s1+$0x200] =	vst v2  }
0xcb: {  	v2 =	vld [tilespmem:s10+$0x580]  }
0xcc: {  	v3 =	vld [tilespmem:s10+$0x4580];
	_ =	sdelay $0x2  }
0xcd: {  	(v2sf) =	vpush v1, $0x5;
	_ =	sdelay $0x1  }
0xce: {  	v2 =	vadd.f32 v3, v2;
	_ =	sdelay $0x1  }
0xcf: {  	v3 =	vmul.f32 $2.000000030e-01, v2  }
0xd0: {  	vm6 =	vge.f32 v2, $0.0e+00  }
0xd1: {  	v2 =	vsel vm6, v2, v3  }
0xd2: {  	v2 =	vmul.f32 $1.442695020e+00, v2;
	_ =	sdelay $0x1  }
0xd3: {  	(erf) = vpow2.f32 v2;
	_ =	sdelay $0x1  }
0xd4: {  	[tilespmem:s10+$0x45F0] =	vst v0  }
0xd5: {  	[tilespmem:s10+$0x45E0] =	vst v0  }
0xd6: {  	[tilespmem:s10+$0x45D0] =	vst v0  }
0xd7: {  	[tilespmem:s10+$0x45C0] =	vst v0  }
0xd8: {  	s11 =	spop (v2sf);
	[tilespmem:s10+$0x45B0] =	vst v0  }
0xd9: {  	s1 =	sand.u32 $0x7, s11;
	[tilespmem:s10+$0x45A0] =	vst v0  }
0xda: {  	[tilespmem:s10+$0x4590] =	vst v0;
	s1 =	sshll.u32 s1, $0x4  }
0xdb: {  	[tilespmem:s10+$0x4580] =	vst v0;
	s1 =	sadd.s32 $0x4300, s1;
	v2 =	vpop (erf)  }
0xdc: {  	[tilespmem:s1+$0x280] =	vst v2  }
0xdd: {  	v2 =	vld [tilespmem:s10+$0x600]  }
0xde: {  	v3 =	vld [tilespmem:s10+$0x4600];
	_ =	sdelay $0x2  }
0xdf: {  	(v2sf) =	vpush v1, $0x6;
	_ =	sdelay $0x1  }
0xe0: {  	v2 =	vadd.f32 v3, v2;
	_ =	sdelay $0x1  }
0xe1: {  	v3 =	vmul.f32 $2.000000030e-01, v2  }
0xe2: {  	vm7 =	vge.f32 v2, $0.0e+00  }
0xe3: {  	v2 =	vsel vm7, v2, v3  }
0xe4: {  	v2 =	vmul.f32 $1.442695020e+00, v2;
	_ =	sdelay $0x1  }
0xe5: {  	(erf) = vpow2.f32 v2;
	_ =	sdelay $0x1  }
0xe6: {  	[tilespmem:s10+$0x4670] =	vst v0  }
0xe7: {  	[tilespmem:s10+$0x4660] =	vst v0  }
0xe8: {  	[tilespmem:s10+$0x4650] =	vst v0  }
0xe9: {  	[tilespmem:s10+$0x4640] =	vst v0  }
0xea: {  	s12 =	spop (v2sf);
	[tilespmem:s10+$0x4630] =	vst v0  }
0xeb: {  	s1 =	sand.u32 $0x7, s12;
	[tilespmem:s10+$0x4620] =	vst v0  }
0xec: {  	[tilespmem:s10+$0x4610] =	vst v0;
	s1 =	sshll.u32 s1, $0x4  }
0xed: {  	[tilespmem:s10+$0x4600] =	vst v0;
	s1 =	sadd.s32 $0x4300, s1;
	v2 =	vpop (erf)  }
0xee: {  	[tilespmem:s1+$0x300] =	vst v2  }
0xef: {  	v2 =	vld [tilespmem:s10+$0x680]  }
0xf0: {  	v3 =	vld [tilespmem:s10+$0x4680];
	_ =	sdelay $0x2  }
0xf1: {  	(v2sf) =	vpush v1, $0x7;
	_ =	sdelay $0x1  }
0xf2: {  	v2 =	vadd.f32 v3, v2;
	_ =	sdelay $0x1  }
0xf3: {  	v3 =	vmul.f32 $2.000000030e-01, v2  }
0xf4: {  	vm8 =	vge.f32 v2, $0.0e+00  }
0xf5: {  	v2 =	vsel vm8, v2, v3  }
0xf6: {  	v2 =	vmul.f32 $1.442695020e+00, v2;
	_ =	sdelay $0x1  }
0xf7: {  	(erf) = vpow2.f32 v2;
	_ =	sdelay $0x1  }
0xf8: {  	[tilespmem:s10+$0x46F0] =	vst v0  }
0xf9: {  	[tilespmem:s10+$0x46E0] =	vst v0  }
0xfa: {  	[tilespmem:s10+$0x46D0] =	vst v0  }
0xfb: {  	[tilespmem:s10+$0x46C0] =	vst v0  }
0xfc: {  	s13 =	spop (v2sf);
	[tilespmem:s10+$0x46B0] =	vst v0  }
0xfd: {  	s1 =	sand.u32 $0x7, s13;
	[tilespmem:s10+$0x46A0] =	vst v0  }
0xfe: {  	s1 =	sshll.u32 s1, $0x4;
	[tilespmem:s10+$0x4690] =	vst v0  }
0xff: {  	[tilespmem:s10+$0x4680] =	vst v0;
	s1 =	sadd.s32 $0x4300, s1;
	v2 =	vpop (erf)  }
0x100: {  	[tilespmem:s1+$0x380] =	vst v2  }
0x101: {  	v2 =	vld [tilespmem:s10+$0x700]  }
0x102: {  	v3 =	vld [tilespmem:s10+$0x4700];
	_ =	sdelay $0x2  }
0x103: {  	(v2sf) =	vpush v1, $0x8;
	_ =	sdelay $0x1  }
0x104: {  	v2 =	vadd.f32 v3, v2;
	_ =	sdelay $0x1  }
0x105: {  	v3 =	vmul.f32 $2.000000030e-01, v2  }
0x106: {  	vm9 =	vge.f32 v2, $0.0e+00  }
0x107: {  	v2 =	vsel vm9, v2, v3  }
0x108: {  	v2 =	vmul.f32 $1.442695020e+00, v2;
	_ =	sdelay $0x1  }
0x109: {  	(erf) = vpow2.f32 v2;
	_ =	sdelay $0x1  }
0x10a: {  	[tilespmem:s10+$0x4710] =	vst v0  }
0x10b: {  	[tilespmem:s10+$0x4720] =	vst v0  }
0x10c: {  	[tilespmem:s10+$0x4700] =	vst v0  }
0x10d: {  	[tilespmem:s10+$0x4730] =	vst v0  }
0x10e: {  	s14 =	spop (v2sf);
	[tilespmem:s10+$0x4740] =	vst v0  }
0x10f: {  	s1 =	sand.u32 $0x7, s14;
	[tilespmem:s10+$0x4750] =	vst v0  }
0x110: {  	s1 =	sshll.u32 s1, $0x4;
	[tilespmem:s10+$0x4760] =	vst v0  }
0x111: {  	[tilespmem:s10+$0x4770] =	vst v0;
	s1 =	sadd.s32 $0x4300, s1;
	v2 =	vpop (erf)  }
0x112: {  	[tilespmem:s1+$0x400] =	vst v2  }
0x113: {  	v2 =	vld [tilespmem:s10+$0x780]  }
0x114: {  	v3 =	vld [tilespmem:s10+$0x4780];
	_ =	sdelay $0x2  }
0x115: {  	(v2sf) =	vpush v1, $0x9;
	_ =	sdelay $0x1  }
0x116: {  	v2 =	vadd.f32 v3, v2;
	_ =	sdelay $0x1  }
0x117: {  	v3 =	vmul.f32 $2.000000030e-01, v2  }
0x118: {  	vm10 =	vge.f32 v2, $0.0e+00  }
0x119: {  	v2 =	vsel vm10, v2, v3  }
0x11a: {  	v2 =	vmul.f32 $1.442695020e+00, v2;
	_ =	sdelay $0x1  }
0x11b: {  	(erf) = vpow2.f32 v2;
	_ =	sdelay $0x1  }
0x11c: {  	[tilespmem:s10+$0x4790] =	vst v0  }
0x11d: {  	[tilespmem:s10+$0x47A0] =	vst v0  }
0x11e: {  	[tilespmem:s10+$0x4780] =	vst v0  }
0x11f: {  	[tilespmem:s10+$0x47B0] =	vst v0  }
0x120: {  	s15 =	spop (v2sf);
	[tilespmem:s10+$0x47C0] =	vst v0  }
0x121: {  	s1 =	sand.u32 $0x7, s15;
	[tilespmem:s10+$0x47D0] =	vst v0  }
0x122: {  	[tilespmem:s10+$0x47E0] =	vst v0;
	s1 =	sshll.u32 s1, $0x4  }
0x123: {  	[tilespmem:s10+$0x47F0] =	vst v0;
	s1 =	sadd.s32 $0x4300, s1;
	v2 =	vpop (erf)  }
0x124: {  	[tilespmem:s1+$0x480] =	vst v2  }
0x125: {  	v2 =	vld [tilespmem:s10+$0x800]  }
0x126: {  	v3 =	vld [tilespmem:s10+$0x4800];
	_ =	sdelay $0x2  }
0x127: {  	(v2sf) =	vpush v1, $0xA;
	_ =	sdelay $0x1  }
0x128: {  	v2 =	vadd.f32 v3, v2;
	_ =	sdelay $0x1  }
0x129: {  	v3 =	vmul.f32 $2.000000030e-01, v2  }
0x12a: {  	vm11 =	vge.f32 v2, $0.0e+00  }
0x12b: {  	v2 =	vsel vm11, v2, v3  }
0x12c: {  	v2 =	vmul.f32 $1.442695020e+00, v2;
	_ =	sdelay $0x1  }
0x12d: {  	(erf) = vpow2.f32 v2;
	_ =	sdelay $0x1  }
0x12e: {  	[tilespmem:s10+$0x4810] =	vst v0  }
0x12f: {  	[tilespmem:s10+$0x4820] =	vst v0  }
0x130: {  	[tilespmem:s10+$0x4800] =	vst v0  }
0x131: {  	[tilespmem:s10+$0x4830] =	vst v0  }
0x132: {  	s16 =	spop (v2sf);
	[tilespmem:s10+$0x4840] =	vst v0  }
0x133: {  	s1 =	sand.u32 $0x7, s16;
	[tilespmem:s10+$0x4850] =	vst v0  }
0x134: {  	[tilespmem:s10+$0x4860] =	vst v0;
	s1 =	sshll.u32 s1, $0x4  }
0x135: {  	[tilespmem:s10+$0x4870] =	vst v0;
	s1 =	sadd.s32 $0x4300, s1;
	v2 =	vpop (erf)  }
0x136: {  	[tilespmem:s1+$0x500] =	vst v2  }
0x137: {  	v2 =	vld [tilespmem:s10+$0x880]  }
0x138: {  	v3 =	vld [tilespmem:s10+$0x4880];
	_ =	sdelay $0x2  }
0x139: {  	(v2sf) =	vpush v1, $0xB;
	_ =	sdelay $0x1  }
0x13a: {  	v2 =	vadd.f32 v3, v2;
	_ =	sdelay $0x1  }
0x13b: {  	v3 =	vmul.f32 $2.000000030e-01, v2  }
0x13c: {  	vm12 =	vge.f32 v2, $0.0e+00  }
0x13d: {  	v2 =	vsel vm12, v2, v3  }
0x13e: {  	v2 =	vmul.f32 $1.442695020e+00, v2;
	_ =	sdelay $0x1  }
0x13f: {  	(erf) = vpow2.f32 v2;
	_ =	sdelay $0x1  }
0x140: {  	[tilespmem:s10+$0x4890] =	vst v0  }
0x141: {  	[tilespmem:s10+$0x48A0] =	vst v0  }
0x142: {  	[tilespmem:s10+$0x4880] =	vst v0  }
0x143: {  	[tilespmem:s10+$0x48B0] =	vst v0  }
0x144: {  	s17 =	spop (v2sf);
	[tilespmem:s10+$0x48C0] =	vst v0  }
0x145: {  	s1 =	sand.u32 $0x7, s17;
	[tilespmem:s10+$0x48D0] =	vst v0  }
0x146: {  	[tilespmem:s10+$0x48E0] =	vst v0;
	s1 =	sshll.u32 s1, $0x4  }
0x147: {  	[tilespmem:s10+$0x48F0] =	vst v0;
	s1 =	sadd.s32 $0x4300, s1;
	v2 =	vpop (erf)  }
0x148: {  	[tilespmem:s1+$0x580] =	vst v2  }
0x149: {  	v2 =	vld [tilespmem:s10+$0x900]  }
0x14a: {  	v3 =	vld [tilespmem:s10+$0x4900];
	_ =	sdelay $0x2  }
0x14b: {  	(v2sf) =	vpush v1, $0xC;
	_ =	sdelay $0x1  }
0x14c: {  	v2 =	vadd.f32 v3, v2;
	_ =	sdelay $0x1  }
0x14d: {  	v3 =	vmul.f32 $2.000000030e-01, v2  }
0x14e: {  	vm13 =	vge.f32 v2, $0.0e+00  }
0x14f: {  	v2 =	vsel vm13, v2, v3  }
0x150: {  	v2 =	vmul.f32 $1.442695020e+00, v2;
	_ =	sdelay $0x1  }
0x151: {  	(erf) = vpow2.f32 v2;
	_ =	sdelay $0x1  }
0x152: {  	[tilespmem:s10+$0x4910] =	vst v0  }
0x153: {  	[tilespmem:s10+$0x4920] =	vst v0  }
0x154: {  	[tilespmem:s10+$0x4900] =	vst v0  }
0x155: {  	[tilespmem:s10+$0x4930] =	vst v0  }
0x156: {  	s18 =	spop (v2sf);
	[tilespmem:s10+$0x4940] =	vst v0  }
0x157: {  	s1 =	sand.u32 $0x7, s18;
	[tilespmem:s10+$0x4950] =	vst v0  }
0x158: {  	[tilespmem:s10+$0x4960] =	vst v0;
	s1 =	sshll.u32 s1, $0x4  }
0x159: {  	[tilespmem:s10+$0x4970] =	vst v0;
	s1 =	sadd.s32 $0x4300, s1;
	v2 =	vpop (erf)  }
0x15a: {  	[tilespmem:s1+$0x600] =	vst v2  }
0x15b: {  	v2 =	vld [tilespmem:s10+$0x980]  }
0x15c: {  	v3 =	vld [tilespmem:s10+$0x4980];
	_ =	sdelay $0x2  }
0x15d: {  	(v2sf) =	vpush v1, $0xD;
	_ =	sdelay $0x1  }
0x15e: {  	v2 =	vadd.f32 v3, v2;
	_ =	sdelay $0x1  }
0x15f: {  	v3 =	vmul.f32 $2.000000030e-01, v2  }
0x160: {  	vm14 =	vge.f32 v2, $0.0e+00  }
0x161: {  	v2 =	vsel vm14, v2, v3  }
0x162: {  	v2 =	vmul.f32 $1.442695020e+00, v2;
	_ =	sdelay $0x1  }
0x163: {  	(erf) = vpow2.f32 v2;
	_ =	sdelay $0x1  }
0x164: {  	[tilespmem:s10+$0x4990] =	vst v0  }
0x165: {  	[tilespmem:s10+$0x49A0] =	vst v0  }
0x166: {  	[tilespmem:s10+$0x4980] =	vst v0  }
0x167: {  	[tilespmem:s10+$0x49B0] =	vst v0  }
0x168: {  	s19 =	spop (v2sf);
	[tilespmem:s10+$0x49C0] =	vst v0  }
0x169: {  	s1 =	sand.u32 $0x7, s19;
	[tilespmem:s10+$0x49D0] =	vst v0  }
0x16a: {  	[tilespmem:s10+$0x49E0] =	vst v0;
	s1 =	sshll.u32 s1, $0x4  }
0x16b: {  	[tilespmem:s10+$0x49F0] =	vst v0;
	s1 =	sadd.s32 $0x4300, s1;
	v2 =	vpop (erf)  }
0x16c: {  	[tilespmem:s1+$0x680] =	vst v2  }
0x16d: {  	v2 =	vld [tilespmem:s10+$0xA00]  }
0x16e: {  	v3 =	vld [tilespmem:s10+$0x4A00];
	_ =	sdelay $0x2  }
0x16f: {  	(v2sf) =	vpush v1, $0xE;
	_ =	sdelay $0x1  }
0x170: {  	v2 =	vadd.f32 v3, v2;
	_ =	sdelay $0x1  }
0x171: {  	v3 =	vmul.f32 $2.000000030e-01, v2  }
0x172: {  	vm15 =	vge.f32 v2, $0.0e+00  }
0x173: {  	v2 =	vsel vm15, v2, v3  }
0x174: {  	v2 =	vmul.f32 $1.442695020e+00, v2;
	_ =	sdelay $0x1  }
0x175: {  	(v2sf) =	vpush v1, $0xF;
	(erf) = vpow2.f32 v2;
	_ =	sdelay $0x1  }
0x176: {  	[tilespmem:s10+$0x4A10] =	vst v0  }
0x177: {  	[tilespmem:s10+$0x4A20] =	vst v0  }
0x178: {  	[tilespmem:s10+$0x4A00] =	vst v0  }
0x179: {  	[tilespmem:s10+$0x4A30] =	vst v0  }
0x17a: {  	s21 =	spop (v2sf);
	[tilespmem:s10+$0x4A40] =	vst v0  }
0x17b: {  	s1 =	sand.u32 $0x7, s21;
	[tilespmem:s10+$0x4A50] =	vst v0  }
0x17c: {  	[tilespmem:s10+$0x4A60] =	vst v0;
	s1 =	sshll.u32 s1, $0x4  }
0x17d: {  	[tilespmem:s10+$0x4A70] =	vst v0;
	s1 =	sadd.s32 $0x4300, s1;
	v1 =	vpop (erf)  }
0x17e: {  	[tilespmem:s1+$0x700] =	vst v1  }
0x17f: {  	[tilespmem:s10+$0x4A90] =	vst v0  }
0x180: {  	v1 =	vld [tilespmem:s10+$0x4A80];
	[tilespmem:s10+$0x4AA0] =	vst v0  }
0x181: {  	v2 =	vld [tilespmem:s10+$0xA80];
	[tilespmem:s10+$0x4A80] =	vst v0  }
0x182: {  	[tilespmem:s10+$0x4AB0] =	vst v0  }
0x183: {  	s29 =	spop (v2sf);
	[tilespmem:s10+$0x4AC0] =	vst v0  }
0x184: {  	s1 =	sand.u32 $0x7, s29;
	[tilespmem:s10+$0x4AD0] =	vst v0  }
0x185: {  	[tilespmem:s10+$0x4AE0] =	vst v0;
	s1 =	sshll.u32 s1, $0x4  }
0x186: {  	s11 =	simm.s32 $0x2000;
	[tilespmem:s10+$0x4AF0] =	vst v0;
	s1 =	sadd.s32 $0x4300, s1;
	v1 =	vadd.f32 v1, v2  }
.LBB2_5:
0x187: {  	p1 =	sne.s32 s11, $0xE000  }
0x188: {  	vm0 =	vge.f32 v1, $0.0e+00;
	v2 =	vmul.f32 $2.000000030e-01, v1;
	s4 =	sadd.s32 $0x10, s4;
	s2 =	smov.u32 s11;
	s11 =	sadd.s32 $0x2000, s11  }
0x189: {  	_ = 	snop  }
0x18a: {  	v1 =	vsel vm0, v1, v2  }
0x18b: {  	v1 =	vmul.f32 $1.442695020e+00, v1;
	_ =	sdelay $0x1  }
0x18c: {  	(erf) = vpow2.f32 v1;
	_ =	sdelay $0x8  }
0x18d: {  	v1 =	vpop (erf)  }
0x18e: {  	[tilespmem:s1+$0x780] =	vst v1  }
0x18f: {  	s12 =	sshra.s32 s2, $0x2;
	v1 =	vld [tilespmem:s4+$0x0]  }
0x190: {  	v2 =	vld [tilespmem:s12+$0x4300]  }
0x191: {  	v3 =	vld [tilespmem:s12+$0x300];
	_ =	sdelay $0x2  }
0x192: {  	(v2sf) =	vpush v1, $0x0  }
0x193: {  	(v2sf) =	vpush v1, $0x1  }
0x194: {  	v2 =	vadd.f32 v2, v3;
	(v2sf) =	vpush v1, $0x2;
	_ =	sdelay $0x1  }
0x195: {  	vm0 =	vge.f32 v2, $0.0e+00;
	v3 =	vmul.f32 $2.000000030e-01, v2;
	(v2sf) =	vpush v1, $0x3  }
0x196: {  	(v2sf) =	vpush v1, $0x4  }
0x197: {  	v2 =	vsel vm0, v2, v3;
	(v2sf) =	vpush v1, $0x5  }
0x198: {  	v2 =	vmul.f32 $1.442695020e+00, v2;
	(v2sf) =	vpush v1, $0x6  }
0x199: {  	(v2sf) =	vpush v1, $0x7  }
0x19a: {  	(erf) = vpow2.f32 v2;
	(v2sf) =	vpush v1, $0x8  }
0x19b: {  	(v2sf) =	vpush v1, $0x9  }
0x19c: {  	[tilespmem:s12+$0x4370] =	vst v0;
	(v2sf) =	vpush v1, $0xA  }
0x19d: {  	[tilespmem:s12+$0x4360] =	vst v0;
	(v2sf) =	vpush v1, $0xB  }
0x19e: {  	[tilespmem:s12+$0x4350] =	vst v0;
	(v2sf) =	vpush v1, $0xC  }
0x19f: {  	[tilespmem:s12+$0x4340] =	vst v0;
	(v2sf) =	vpush v1, $0xD  }
0x1a0: {  	[tilespmem:s12+$0x4330] =	vst v0;
	s1 =	spop (v2sf);
	(v2sf) =	vpush v1, $0xE  }
0x1a1: {  	[tilespmem:s12+$0x4320] =	vst v0;
	s1 =	sand.u32 $0x7, s1;
	s2 =	spop (v2sf);
	(v2sf) =	vpush v1, $0xF  }
0x1a2: {  	[tilespmem:s12+$0x4310] =	vst v0;
	s1 =	sshll.u32 s1, $0x4;
	s2 =	sand.u32 $0x7, s2;
	s3 =	spop (v2sf)  }
0x1a3: {  	[tilespmem:s12+$0x4300] =	vst v0;
	s1 =	sadd.s32 s12, s1;
	s2 =	sshll.u32 s2, $0x4;
	s6 =	sand.u32 $0x7, s3;
	v1 =	vpop (erf)  }
0x1a4: {  	[tilespmem:s1+$0x4300] =	vst v1;
	s1 =	spop (v2sf)  }
0x1a5: {  	v1 =	vld [tilespmem:s12+$0x380];
	s1 =	sand.u32 $0x7, s1;
	s3 =	spop (v2sf)  }
0x1a6: {  	v2 =	vld [tilespmem:s12+$0x4380];
	s5 =	sshll.u32 s1, $0x4;
	s1 =	sand.u32 $0x7, s3;
	s3 =	spop (v2sf)  }
0x1a7: {  	s21 =	sshll.u32 s1, $0x4;
	s3 =	sand.u32 $0x7, s3;
	s1 =	spop (v2sf)  }
0x1a8: {  	s1 =	sand.u32 $0x7, s1;
	s7 =	spop (v2sf)  }
0x1a9: {  	s7 =	sand.u32 $0x7, s7;
	s10 =	spop (v2sf)  }
0x1aa: {  	s8 =	sshll.u32 s7, $0x4;
	s7 =	sand.u32 $0x7, s10;
	s10 =	spop (v2sf)  }
0x1ab: {  	v1 =	vadd.f32 v2, v1;
	s9 =	sshll.u32 s7, $0x4;
	s29 =	sand.u32 $0x7, s10;
	s7 =	spop (v2sf)  }
0x1ac: {  	s10 =	sand.u32 $0x7, s7;
	s7 =	spop (v2sf)  }
0x1ad: {  	vm0 =	vge.f32 v1, $0.0e+00;
	v2 =	vmul.f32 $2.000000030e-01, v1;
	s15 =	sand.u32 $0x7, s7;
	s7 =	spop (v2sf)  }
0x1ae: {  	s19 =	sand.u32 $0x7, s7;
	s7 =	spop (v2sf)  }
0x1af: {  	v1 =	vsel vm0, v1, v2;
	s18 =	sand.u32 $0x7, s7;
	s7 =	spop (v2sf)  }
0x1b0: {  	v1 =	vmul.f32 $1.442695020e+00, v1;
	s17 =	sand.u32 $0x7, s7;
	s7 =	spop (v2sf)  }
0x1b1: {  	s13 =	sand.u32 $0x7, s7  }
0x1b2: {  	(erf) = vpow2.f32 v1  }
0x1b3: {  	[tilespmem:s12+$0x43F0] =	vst v0  }
0x1b4: {  	[tilespmem:s12+$0x43E0] =	vst v0  }
0x1b5: {  	[tilespmem:s12+$0x43D0] =	vst v0  }
0x1b6: {  	[tilespmem:s12+$0x43C0] =	vst v0  }
0x1b7: {  	[tilespmem:s12+$0x43B0] =	vst v0  }
0x1b8: {  	[tilespmem:s12+$0x43A0] =	vst v0  }
0x1b9: {  	s14 =	sadd.s32 $0x4300, s12;
	[tilespmem:s12+$0x4390] =	vst v0  }
0x1ba: {  	s16 =	sadd.s32 s2, s14;
	s7 =	sadd.s32 s5, s14;
	s5 =	sadd.s32 s21, s14;
	[tilespmem:s12+$0x4380] =	vst v0  }
0x1bb: {  	s2 =	sadd.s32 s8, s14;
	s21 =	sadd.s32 s9, s14;
	v1 =	vpop (erf)  }
0x1bc: {  	[tilespmem:s16+$0x80] =	vst v1  }
0x1bd: {  	v1 =	vld [tilespmem:s12+$0x400]  }
0x1be: {  	v2 =	vld [tilespmem:s12+$0x4400];
	_ =	sdelay $0x4  }
0x1bf: {  	v1 =	vadd.f32 v2, v1;
	_ =	sdelay $0x1  }
0x1c0: {  	vm0 =	vge.f32 v1, $0.0e+00;
	v2 =	vmul.f32 $2.000000030e-01, v1;
	_ =	sdelay $0x1  }
0x1c1: {  	v1 =	vsel vm0, v1, v2  }
0x1c2: {  	v1 =	vmul.f32 $1.442695020e+00, v1;
	_ =	sdelay $0x1  }
0x1c3: {  	[tilespmem:s12+$0x4470] =	vst v0;
	(erf) = vpow2.f32 v1  }
0x1c4: {  	[tilespmem:s12+$0x4460] =	vst v0  }
0x1c5: {  	[tilespmem:s12+$0x4450] =	vst v0  }
0x1c6: {  	[tilespmem:s12+$0x4440] =	vst v0  }
0x1c7: {  	[tilespmem:s12+$0x4430] =	vst v0  }
0x1c8: {  	[tilespmem:s12+$0x4420] =	vst v0  }
0x1c9: {  	s6 =	sshll.u32 s6, $0x4;
	[tilespmem:s12+$0x4410] =	vst v0  }
0x1ca: {  	s6 =	sadd.s32 s6, s14;
	[tilespmem:s12+$0x4400] =	vst v0;
	_ =	sdelay $0x1  }
0x1cb: {  	v1 =	vpop (erf)  }
0x1cc: {  	[tilespmem:s6+$0x100] =	vst v1  }
0x1cd: {  	v1 =	vld [tilespmem:s12+$0x480]  }
0x1ce: {  	v2 =	vld [tilespmem:s12+$0x4480];
	_ =	sdelay $0x4  }
0x1cf: {  	v1 =	vadd.f32 v2, v1;
	_ =	sdelay $0x1  }
0x1d0: {  	vm0 =	vge.f32 v1, $0.0e+00;
	v2 =	vmul.f32 $2.000000030e-01, v1;
	_ =	sdelay $0x1  }
0x1d1: {  	v1 =	vsel vm0, v1, v2  }
0x1d2: {  	v1 =	vmul.f32 $1.442695020e+00, v1  }
0x1d3: {  	[tilespmem:s12+$0x44F0] =	vst v0  }
0x1d4: {  	[tilespmem:s12+$0x44E0] =	vst v0;
	(erf) = vpow2.f32 v1  }
0x1d5: {  	[tilespmem:s12+$0x44D0] =	vst v0  }
0x1d6: {  	[tilespmem:s12+$0x44C0] =	vst v0  }
0x1d7: {  	[tilespmem:s12+$0x44B0] =	vst v0  }
0x1d8: {  	[tilespmem:s12+$0x44A0] =	vst v0  }
0x1d9: {  	[tilespmem:s12+$0x4490] =	vst v0  }
0x1da: {  	[tilespmem:s12+$0x4480] =	vst v0;
	_ =	sdelay $0x2  }
0x1db: {  	v1 =	vpop (erf)  }
0x1dc: {  	[tilespmem:s7+$0x180] =	vst v1  }
0x1dd: {  	v1 =	vld [tilespmem:s12+$0x500]  }
0x1de: {  	v2 =	vld [tilespmem:s12+$0x4500];
	_ =	sdelay $0x4  }
0x1df: {  	v1 =	vadd.f32 v2, v1;
	_ =	sdelay $0x1  }
0x1e0: {  	vm0 =	vge.f32 v1, $0.0e+00;
	v2 =	vmul.f32 $2.000000030e-01, v1;
	_ =	sdelay $0x1  }
0x1e1: {  	v1 =	vsel vm0, v1, v2  }
0x1e2: {  	v1 =	vmul.f32 $1.442695020e+00, v1;
	[tilespmem:s12+$0x4570] =	vst v0  }
0x1e3: {  	[tilespmem:s12+$0x4560] =	vst v0  }
0x1e4: {  	[tilespmem:s12+$0x4550] =	vst v0;
	(erf) = vpow2.f32 v1  }
0x1e5: {  	[tilespmem:s12+$0x4540] =	vst v0  }
0x1e6: {  	[tilespmem:s12+$0x4530] =	vst v0  }
0x1e7: {  	[tilespmem:s12+$0x4520] =	vst v0  }
0x1e8: {  	[tilespmem:s12+$0x4510] =	vst v0  }
0x1e9: {  	[tilespmem:s12+$0x4500] =	vst v0;
	_ =	sdelay $0x3  }
0x1ea: {  	v1 =	vpop (erf)  }
0x1eb: {  	[tilespmem:s5+$0x200] =	vst v1  }
0x1ec: {  	v1 =	vld [tilespmem:s12+$0x580]  }
0x1ed: {  	v2 =	vld [tilespmem:s12+$0x4580];
	_ =	sdelay $0x4  }
0x1ee: {  	v1 =	vadd.f32 v2, v1;
	_ =	sdelay $0x1  }
0x1ef: {  	vm0 =	vge.f32 v1, $0.0e+00;
	v2 =	vmul.f32 $2.000000030e-01, v1;
	_ =	sdelay $0x1  }
0x1f0: {  	v1 =	vsel vm0, v1, v2;
	[tilespmem:s12+$0x45F0] =	vst v0  }
0x1f1: {  	v1 =	vmul.f32 $1.442695020e+00, v1;
	[tilespmem:s12+$0x45E0] =	vst v0  }
0x1f2: {  	[tilespmem:s12+$0x45D0] =	vst v0  }
0x1f3: {  	[tilespmem:s12+$0x45C0] =	vst v0;
	(erf) = vpow2.f32 v1  }
0x1f4: {  	[tilespmem:s12+$0x45B0] =	vst v0  }
0x1f5: {  	[tilespmem:s12+$0x45A0] =	vst v0  }
0x1f6: {  	s3 =	sshll.u32 s3, $0x4;
	[tilespmem:s12+$0x4590] =	vst v0  }
0x1f7: {  	s3 =	sadd.s32 s3, s14;
	[tilespmem:s12+$0x4580] =	vst v0;
	_ =	sdelay $0x4  }
0x1f8: {  	v1 =	vpop (erf)  }
0x1f9: {  	[tilespmem:s3+$0x280] =	vst v1  }
0x1fa: {  	v1 =	vld [tilespmem:s12+$0x600]  }
0x1fb: {  	v2 =	vld [tilespmem:s12+$0x4600];
	_ =	sdelay $0x4  }
0x1fc: {  	v1 =	vadd.f32 v2, v1;
	_ =	sdelay $0x1  }
0x1fd: {  	vm0 =	vge.f32 v1, $0.0e+00;
	v2 =	vmul.f32 $2.000000030e-01, v1  }
0x1fe: {  	[tilespmem:s12+$0x4670] =	vst v0  }
0x1ff: {  	v1 =	vsel vm0, v1, v2;
	[tilespmem:s12+$0x4660] =	vst v0  }
0x200: {  	v1 =	vmul.f32 $1.442695020e+00, v1;
	[tilespmem:s12+$0x4650] =	vst v0  }
0x201: {  	[tilespmem:s12+$0x4640] =	vst v0  }
0x202: {  	[tilespmem:s12+$0x4630] =	vst v0;
	(erf) = vpow2.f32 v1  }
0x203: {  	[tilespmem:s12+$0x4620] =	vst v0  }
0x204: {  	s1 =	sshll.u32 s1, $0x4;
	[tilespmem:s12+$0x4610] =	vst v0  }
0x205: {  	s1 =	sadd.s32 s1, s14;
	[tilespmem:s12+$0x4600] =	vst v0;
	_ =	sdelay $0x5  }
0x206: {  	v1 =	vpop (erf)  }
0x207: {  	[tilespmem:s1+$0x300] =	vst v1  }
0x208: {  	v1 =	vld [tilespmem:s12+$0x680]  }
0x209: {  	v2 =	vld [tilespmem:s12+$0x4680];
	_ =	sdelay $0x4  }
0x20a: {  	v1 =	vadd.f32 v2, v1;
	_ =	sdelay $0x1  }
0x20b: {  	vm0 =	vge.f32 v1, $0.0e+00;
	v2 =	vmul.f32 $2.000000030e-01, v1;
	[tilespmem:s12+$0x46F0] =	vst v0  }
0x20c: {  	[tilespmem:s12+$0x46E0] =	vst v0  }
0x20d: {  	v1 =	vsel vm0, v1, v2;
	[tilespmem:s12+$0x46D0] =	vst v0  }
0x20e: {  	v1 =	vmul.f32 $1.442695020e+00, v1;
	[tilespmem:s12+$0x46C0] =	vst v0  }
0x20f: {  	[tilespmem:s12+$0x46B0] =	vst v0  }
0x210: {  	[tilespmem:s12+$0x46A0] =	vst v0;
	(erf) = vpow2.f32 v1  }
0x211: {  	[tilespmem:s12+$0x4690] =	vst v0  }
0x212: {  	[tilespmem:s12+$0x4680] =	vst v0;
	_ =	sdelay $0x6  }
0x213: {  	v1 =	vpop (erf)  }
0x214: {  	[tilespmem:s2+$0x380] =	vst v1  }
0x215: {  	v1 =	vld [tilespmem:s12+$0x700];
	[tilespmem:s12+$0x4710] =	vst v0  }
0x216: {  	v2 =	vld [tilespmem:s12+$0x4700];
	[tilespmem:s12+$0x4720] =	vst v0  }
0x217: {  	[tilespmem:s12+$0x4700] =	vst v0  }
0x218: {  	[tilespmem:s12+$0x4730] =	vst v0  }
0x219: {  	[tilespmem:s12+$0x4740] =	vst v0  }
0x21a: {  	[tilespmem:s12+$0x4750] =	vst v0  }
0x21b: {  	v1 =	vadd.f32 v2, v1;
	[tilespmem:s12+$0x4760] =	vst v0  }
0x21c: {  	[tilespmem:s12+$0x4770] =	vst v0  }
0x21d: {  	vm0 =	vge.f32 v1, $0.0e+00;
	v2 =	vmul.f32 $2.000000030e-01, v1;
	_ =	sdelay $0x1  }
0x21e: {  	v1 =	vsel vm0, v1, v2  }
0x21f: {  	v1 =	vmul.f32 $1.442695020e+00, v1;
	_ =	sdelay $0x1  }
0x220: {  	(erf) = vpow2.f32 v1;
	_ =	sdelay $0x8  }
0x221: {  	v1 =	vpop (erf)  }
0x222: {  	[tilespmem:s21+$0x400] =	vst v1  }
0x223: {  	v1 =	vld [tilespmem:s12+$0x780];
	[tilespmem:s12+$0x4790] =	vst v0  }
0x224: {  	v2 =	vld [tilespmem:s12+$0x4780];
	[tilespmem:s12+$0x47A0] =	vst v0  }
0x225: {  	[tilespmem:s12+$0x4780] =	vst v0  }
0x226: {  	[tilespmem:s12+$0x47B0] =	vst v0  }
0x227: {  	[tilespmem:s12+$0x47C0] =	vst v0  }
0x228: {  	[tilespmem:s12+$0x47D0] =	vst v0  }
0x229: {  	v1 =	vadd.f32 v2, v1;
	[tilespmem:s12+$0x47E0] =	vst v0  }
0x22a: {  	[tilespmem:s12+$0x47F0] =	vst v0  }
0x22b: {  	vm0 =	vge.f32 v1, $0.0e+00;
	v2 =	vmul.f32 $2.000000030e-01, v1;
	_ =	sdelay $0x1  }
0x22c: {  	v1 =	vsel vm0, v1, v2  }
0x22d: {  	v1 =	vmul.f32 $1.442695020e+00, v1  }
0x22e: {  	s1 =	sshll.u32 s29, $0x4  }
0x22f: {  	s1 =	sadd.s32 s1, s14;
	(erf) = vpow2.f32 v1;
	_ =	sdelay $0x8  }
0x230: {  	v1 =	vpop (erf)  }
0x231: {  	[tilespmem:s1+$0x480] =	vst v1  }
0x232: {  	v1 =	vld [tilespmem:s12+$0x800];
	[tilespmem:s12+$0x4810] =	vst v0  }
0x233: {  	v2 =	vld [tilespmem:s12+$0x4800];
	[tilespmem:s12+$0x4820] =	vst v0  }
0x234: {  	[tilespmem:s12+$0x4800] =	vst v0  }
0x235: {  	[tilespmem:s12+$0x4830] =	vst v0  }
0x236: {  	[tilespmem:s12+$0x4840] =	vst v0  }
0x237: {  	[tilespmem:s12+$0x4850] =	vst v0  }
0x238: {  	v1 =	vadd.f32 v2, v1;
	[tilespmem:s12+$0x4860] =	vst v0  }
0x239: {  	[tilespmem:s12+$0x4870] =	vst v0  }
0x23a: {  	vm0 =	vge.f32 v1, $0.0e+00;
	v2 =	vmul.f32 $2.000000030e-01, v1;
	_ =	sdelay $0x1  }
0x23b: {  	v1 =	vsel vm0, v1, v2  }
0x23c: {  	s1 =	sshll.u32 s10, $0x4;
	v1 =	vmul.f32 $1.442695020e+00, v1  }
0x23d: {  	s1 =	sadd.s32 s1, s14  }
0x23e: {  	(erf) = vpow2.f32 v1;
	_ =	sdelay $0x8  }
0x23f: {  	v1 =	vpop (erf)  }
0x240: {  	[tilespmem:s1+$0x500] =	vst v1  }
0x241: {  	v1 =	vld [tilespmem:s12+$0x880];
	[tilespmem:s12+$0x4890] =	vst v0  }
0x242: {  	v2 =	vld [tilespmem:s12+$0x4880];
	[tilespmem:s12+$0x48A0] =	vst v0  }
0x243: {  	[tilespmem:s12+$0x4880] =	vst v0  }
0x244: {  	[tilespmem:s12+$0x48B0] =	vst v0  }
0x245: {  	[tilespmem:s12+$0x48C0] =	vst v0  }
0x246: {  	[tilespmem:s12+$0x48D0] =	vst v0  }
0x247: {  	v1 =	vadd.f32 v2, v1;
	[tilespmem:s12+$0x48E0] =	vst v0  }
0x248: {  	[tilespmem:s12+$0x48F0] =	vst v0  }
0x249: {  	vm0 =	vge.f32 v1, $0.0e+00;
	v2 =	vmul.f32 $2.000000030e-01, v1;
	_ =	sdelay $0x1  }
0x24a: {  	s1 =	sshll.u32 s15, $0x4;
	v1 =	vsel vm0, v1, v2  }
0x24b: {  	s1 =	sadd.s32 s1, s14;
	v1 =	vmul.f32 $1.442695020e+00, v1;
	_ =	sdelay $0x1  }
0x24c: {  	(erf) = vpow2.f32 v1;
	_ =	sdelay $0x8  }
0x24d: {  	v1 =	vpop (erf)  }
0x24e: {  	[tilespmem:s1+$0x580] =	vst v1  }
0x24f: {  	v1 =	vld [tilespmem:s12+$0x900];
	[tilespmem:s12+$0x4910] =	vst v0  }
0x250: {  	v2 =	vld [tilespmem:s12+$0x4900];
	[tilespmem:s12+$0x4920] =	vst v0  }
0x251: {  	[tilespmem:s12+$0x4900] =	vst v0  }
0x252: {  	[tilespmem:s12+$0x4930] =	vst v0  }
0x253: {  	[tilespmem:s12+$0x4940] =	vst v0  }
0x254: {  	[tilespmem:s12+$0x4950] =	vst v0  }
0x255: {  	v1 =	vadd.f32 v2, v1;
	[tilespmem:s12+$0x4960] =	vst v0  }
0x256: {  	[tilespmem:s12+$0x4970] =	vst v0  }
0x257: {  	vm0 =	vge.f32 v1, $0.0e+00;
	v2 =	vmul.f32 $2.000000030e-01, v1  }
0x258: {  	s1 =	sshll.u32 s19, $0x4  }
0x259: {  	s1 =	sadd.s32 s1, s14;
	v1 =	vsel vm0, v1, v2  }
0x25a: {  	v1 =	vmul.f32 $1.442695020e+00, v1;
	_ =	sdelay $0x1  }
0x25b: {  	(erf) = vpow2.f32 v1;
	_ =	sdelay $0x8  }
0x25c: {  	v1 =	vpop (erf)  }
0x25d: {  	[tilespmem:s1+$0x600] =	vst v1  }
0x25e: {  	v1 =	vld [tilespmem:s12+$0x980];
	[tilespmem:s12+$0x4990] =	vst v0  }
0x25f: {  	v2 =	vld [tilespmem:s12+$0x4980];
	[tilespmem:s12+$0x49A0] =	vst v0  }
0x260: {  	[tilespmem:s12+$0x4980] =	vst v0  }
0x261: {  	[tilespmem:s12+$0x49B0] =	vst v0  }
0x262: {  	[tilespmem:s12+$0x49C0] =	vst v0  }
0x263: {  	[tilespmem:s12+$0x49D0] =	vst v0  }
0x264: {  	v1 =	vadd.f32 v2, v1;
	[tilespmem:s12+$0x49E0] =	vst v0  }
0x265: {  	[tilespmem:s12+$0x49F0] =	vst v0  }
0x266: {  	s1 =	sshll.u32 s18, $0x4;
	vm0 =	vge.f32 v1, $0.0e+00;
	v2 =	vmul.f32 $2.000000030e-01, v1  }
0x267: {  	s1 =	sadd.s32 s1, s14  }
0x268: {  	v1 =	vsel vm0, v1, v2  }
0x269: {  	v1 =	vmul.f32 $1.442695020e+00, v1;
	_ =	sdelay $0x1  }
0x26a: {  	(erf) = vpow2.f32 v1;
	_ =	sdelay $0x8  }
0x26b: {  	v1 =	vpop (erf)  }
0x26c: {  	[tilespmem:s1+$0x680] =	vst v1  }
0x26d: {  	v1 =	vld [tilespmem:s12+$0xA00];
	[tilespmem:s12+$0x4A10] =	vst v0  }
0x26e: {  	v2 =	vld [tilespmem:s12+$0x4A00];
	[tilespmem:s12+$0x4A20] =	vst v0  }
0x26f: {  	[tilespmem:s12+$0x4A00] =	vst v0  }
0x270: {  	[tilespmem:s12+$0x4A30] =	vst v0  }
0x271: {  	[tilespmem:s12+$0x4A40] =	vst v0  }
0x272: {  	[tilespmem:s12+$0x4A50] =	vst v0  }
0x273: {  	v1 =	vadd.f32 v2, v1;
	[tilespmem:s12+$0x4A60] =	vst v0  }
0x274: {  	s1 =	sshll.u32 s17, $0x4;
	[tilespmem:s12+$0x4A70] =	vst v0  }
0x275: {  	s1 =	sadd.s32 s1, s14;
	vm0 =	vge.f32 v1, $0.0e+00;
	v2 =	vmul.f32 $2.000000030e-01, v1;
	_ =	sdelay $0x1  }
0x276: {  	v1 =	vsel vm0, v1, v2  }
0x277: {  	v1 =	vmul.f32 $1.442695020e+00, v1;
	_ =	sdelay $0x1  }
0x278: {  	(erf) = vpow2.f32 v1;
	_ =	sdelay $0x8  }
0x279: {  	v1 =	vpop (erf)  }
0x27a: {  	[tilespmem:s1+$0x700] =	vst v1  }
0x27b: {  	v1 =	vld [tilespmem:s12+$0xA80];
	[tilespmem:s12+$0x4A90] =	vst v0  }
0x27c: {  	v2 =	vld [tilespmem:s12+$0x4A80];
	[tilespmem:s12+$0x4AA0] =	vst v0  }
0x27d: {  	[tilespmem:s12+$0x4A80] =	vst v0  }
.Ltmp1:
0x27e: {  	[tilespmem:s12+$0x4AB0] =	vst v0;
	(pc) =	sbr.rel @p1 .LBB2_5-.Ltmp1, $4  }
0x27f: {  	[tilespmem:s12+$0x4AC0] =	vst v0  }
0x280: {  	[tilespmem:s12+$0x4AD0] =	vst v0  }
0x281: {  	s1 =	sshll.u32 s13, $0x4;
	v1 =	vadd.f32 v2, v1;
	[tilespmem:s12+$0x4AE0] =	vst v0  }
0x282: {  	s1 =	sadd.s32 s1, s14;
	[tilespmem:s12+$0x4AF0] =	vst v0  }
0x283: {  	v2 =	vmul.f32 $2.000000030e-01, v1  }
0x284: {  	vm0 =	vge.f32 v1, $0.0e+00  }
0x285: {  	v1 =	vsel vm0, v1, v2  }
0x286: {  	v1 =	vmul.f32 $1.442695020e+00, v1;
	_ =	sdelay $0x1  }
0x287: {  	(erf) = vpow2.f32 v1;
	_ =	sdelay $0x8  }
0x288: {  	v1 =	vpop (erf)  }
0x289: {  	s7 =	rddreg [dreg:$0x5];
	[tilespmem:s1+$0x780] =	vst v1  }
0x28a: {  	[tilespmem:s20], [sflag:$0x1] =	stream.indirect.gather [hbm4b:s7+s26], $0x80, s0, s26, $0xb8;
	[tilespmem:$0x1E700] =	vst v63  }
0x28b: {  	v1 =	vld [tilespmem:s0+$0x100];
	_ =	sdelay $0x4  }
0x28c: {  	v1 =	vshrl.u32 v1, $0x3  }
0x28d: {  	s8 =	sor.u32 $0x110, s0;
	[tilespmem:s0+$0x200] =	vst v1  }
0x28e: {  	v1 =	vld [tilespmem:s8+$0x0];
	_ =	sdelay $0x4  }
0x28f: {  	s9 =	sor.u32 $0x210, s0;
	v1 =	vshrl.u32 v1, $0x3  }
0x290: {  	s10 =	sor.u32 $0x120, s0;
	[tilespmem:s9+$0x0] =	vst v1  }
0x291: {  	v1 =	vld [tilespmem:s10+$0x0];
	_ =	sdelay $0x4  }
0x292: {  	s11 =	sor.u32 $0x220, s0;
	v1 =	vshrl.u32 v1, $0x3  }
0x293: {  	s12 =	sor.u32 $0x130, s0;
	[tilespmem:s11+$0x0] =	vst v1  }
0x294: {  	v1 =	vld [tilespmem:s12+$0x0];
	_ =	sdelay $0x4  }
0x295: {  	s13 =	sor.u32 $0x230, s0;
	v1 =	vshrl.u32 v1, $0x3  }
0x296: {  	s14 =	sor.u32 $0x140, s0;
	[tilespmem:s13+$0x0] =	vst v1  }
0x297: {  	v1 =	vld [tilespmem:s14+$0x0];
	_ =	sdelay $0x4  }
0x298: {  	s15 =	sor.u32 $0x240, s0;
	v1 =	vshrl.u32 v1, $0x3  }
0x299: {  	s16 =	sor.u32 $0x150, s0;
	[tilespmem:s15+$0x0] =	vst v1  }
0x29a: {  	v1 =	vld [tilespmem:s16+$0x0];
	_ =	sdelay $0x4  }
0x29b: {  	s17 =	sor.u32 $0x250, s0;
	v1 =	vshrl.u32 v1, $0x3  }
0x29c: {  	s18 =	sor.u32 $0x160, s0;
	[tilespmem:s17+$0x0] =	vst v1  }
0x29d: {  	v1 =	vld [tilespmem:s18+$0x0];
	_ =	sdelay $0x4  }
0x29e: {  	s19 =	sor.u32 $0x260, s0;
	v1 =	vshrl.u32 v1, $0x3  }
0x29f: {  	s21 =	sor.u32 $0x170, s0;
	[tilespmem:s19+$0x0] =	vst v1  }
0x2a0: {  	v1 =	vld [tilespmem:s21+$0x0];
	_ =	sdelay $0x4  }
0x2a1: {  	s29 =	sor.u32 $0x270, s0;
	v1 =	vshrl.u32 v1, $0x3  }
0x2a2: {  	[tilespmem:s29+$0x0] =	vst v1  }
0x2a3: {  	v1 =	vmov s31;
	_ =	swait.ge [sflag:s23], $0x4000  }
0x2a4: {  	[sflag:s23] =	ssyncset.done $0x0  }
0x2a5: {  	s4 =	simm.s32 $0x0;
	s0 =	sor.u32 $0x200, s0;
	[sflag:s23] =	ssyncadd.s32 $0xFFFFC000  }
.LBB2_7:
0x2a6: {  	s1 =	sshll.u32 s4, $0x4  }
0x2a7: {  	s1 =	sand.u32 $0x3FFFFFF0, s1  }
0x2a8: {  	v2 =	vld.idx.msk [tilespmem:v1+s1+$0x0 ss:$0x1], $0xffff;
	_ =	sdelay $0x4  }
0x2a9: {  	v2 =	vshll.u32 v2, $0x4  }
0x2aa: {  	(v2sf) =	vpush v2, $0x0;
	_ =	sdelay $0xe  }
0x2ab: {  	s15 =	spop (v2sf)  }
0x2ac: {  	s11 =	sshll.u32 s4, $0xB;
	s1 =	sand.u32 $0x70, s15  }
0x2ad: {  	(v2sf) =	vpush v2, $0x1;
	s1 =	sor.u32 s1, s11  }
0x2ae: {  	v3 =	vld [tilespmem:s1+$0x4300];
	_ =	sdelay $0x1  }
0x2af: {  	v4 =	vld [tilespmem:s11+$0x300]  }
0x2b0: {  	v5 =	vld [tilespmem:s11+$0x310]  }
0x2b1: {  	v6 =	vld [tilespmem:s11+$0x320]  }
0x2b2: {  	v8 =	vld [tilespmem:s11+$0x330];
	v7 =	vbroadcast v3, $0x0  }
0x2b3: {  	v10 =	vld [tilespmem:s11+$0x340];
	v9 =	vbroadcast v3, $0x1  }
0x2b4: {  	v11 =	vld [tilespmem:s11+$0x350];
	v61 =	vbroadcast v3, $0x2;
	v4 =	vmul.f32 v7, v4  }
0x2b5: {  	v12 =	vld [tilespmem:s11+$0x360];
	v62 =	vbroadcast v3, $0x3;
	v5 =	vmul.f32 v5, v9  }
0x2b6: {  	v14 =	vld [tilespmem:s11+$0x370];
	v13 =	vbroadcast v3, $0x4;
	v63 =	vmul.f32 v6, v61;
	[tilespmem:s11+$0x300] =	vst v4  }
0x2b7: {  	v16 =	vbroadcast v3, $0x5;
	v15 =	vmul.f32 v8, v62;
	[tilespmem:s11+$0x310] =	vst v5  }
0x2b8: {  	v18 =	vbroadcast v3, $0x6;
	v17 =	vmul.f32 v10, v13;
	[tilespmem:s11+$0x320] =	vst v63  }
0x2b9: {  	v3 =	vbroadcast v3, $0x7;
	v19 =	vmul.f32 v11, v16;
	[tilespmem:s11+$0x330] =	vst v15  }
0x2ba: {  	v20 =	vmul.f32 v12, v18;
	[tilespmem:s11+$0x340] =	vst v17  }
0x2bb: {  	v3 =	vmul.f32 v14, v3;
	[tilespmem:s11+$0x350] =	vst v19;
	s16 =	spop (v2sf)  }
0x2bc: {  	[tilespmem:s11+$0x360] =	vst v20;
	s1 =	sand.u32 $0x70, s16  }
0x2bd: {  	[tilespmem:s11+$0x370] =	vst v3;
	(v2sf) =	vpush v2, $0x2;
	s1 =	sor.u32 s1, s11  }
0x2be: {  	v3 =	vld [tilespmem:s1+$0x4380];
	_ =	sdelay $0x1  }
0x2bf: {  	v21 =	vld [tilespmem:s11+$0x380]  }
0x2c0: {  	v22 =	vld [tilespmem:s11+$0x390]  }
0x2c1: {  	v23 =	vld [tilespmem:s11+$0x3A0]  }
0x2c2: {  	v25 =	vld [tilespmem:s11+$0x3B0];
	v24 =	vbroadcast v3, $0x0  }
0x2c3: {  	v27 =	vld [tilespmem:s11+$0x3C0];
	v26 =	vbroadcast v3, $0x1  }
0x2c4: {  	v29 =	vld [tilespmem:s11+$0x3D0];
	v28 =	vbroadcast v3, $0x2;
	v4 =	vmul.f32 v24, v21  }
0x2c5: {  	v31 =	vld [tilespmem:s11+$0x3E0];
	v30 =	vbroadcast v3, $0x3;
	v5 =	vmul.f32 v22, v26  }
0x2c6: {  	v34 =	vld [tilespmem:s11+$0x3F0];
	v33 =	vbroadcast v3, $0x4;
	v32 =	vmul.f32 v23, v28;
	[tilespmem:s11+$0x380] =	vst v4  }
0x2c7: {  	v36 =	vbroadcast v3, $0x5;
	v35 =	vmul.f32 v25, v30;
	[tilespmem:s11+$0x390] =	vst v5  }
0x2c8: {  	v38 =	vbroadcast v3, $0x6;
	v37 =	vmul.f32 v27, v33;
	[tilespmem:s11+$0x3A0] =	vst v32  }
0x2c9: {  	v3 =	vbroadcast v3, $0x7;
	v39 =	vmul.f32 v29, v36;
	[tilespmem:s11+$0x3B0] =	vst v35  }
0x2ca: {  	v40 =	vmul.f32 v31, v38;
	[tilespmem:s11+$0x3C0] =	vst v37  }
0x2cb: {  	v3 =	vmul.f32 v34, v3;
	[tilespmem:s11+$0x3D0] =	vst v39;
	s17 =	spop (v2sf)  }
0x2cc: {  	[tilespmem:s11+$0x3E0] =	vst v40;
	s1 =	sand.u32 $0x70, s17  }
0x2cd: {  	[tilespmem:s11+$0x3F0] =	vst v3;
	(v2sf) =	vpush v2, $0x3;
	s1 =	sor.u32 s1, s11  }
0x2ce: {  	v3 =	vld [tilespmem:s1+$0x4400];
	_ =	sdelay $0x1  }
0x2cf: {  	v41 =	vld [tilespmem:s11+$0x400]  }
0x2d0: {  	v42 =	vld [tilespmem:s11+$0x410]  }
0x2d1: {  	v43 =	vld [tilespmem:s11+$0x420]  }
0x2d2: {  	v45 =	vld [tilespmem:s11+$0x430];
	v44 =	vbroadcast v3, $0x0  }
0x2d3: {  	v47 =	vld [tilespmem:s11+$0x440];
	v46 =	vbroadcast v3, $0x1  }
0x2d4: {  	v49 =	vld [tilespmem:s11+$0x450];
	v48 =	vbroadcast v3, $0x2;
	v4 =	vmul.f32 v44, v41  }
0x2d5: {  	v51 =	vld [tilespmem:s11+$0x460];
	v50 =	vbroadcast v3, $0x3;
	v5 =	vmul.f32 v42, v46  }
0x2d6: {  	v54 =	vld [tilespmem:s11+$0x470];
	v53 =	vbroadcast v3, $0x4;
	v52 =	vmul.f32 v43, v48;
	[tilespmem:s11+$0x400] =	vst v4  }
0x2d7: {  	v56 =	vbroadcast v3, $0x5;
	v55 =	vmul.f32 v45, v50;
	[tilespmem:s11+$0x410] =	vst v5  }
0x2d8: {  	v58 =	vbroadcast v3, $0x6;
	v57 =	vmul.f32 v47, v53;
	[tilespmem:s11+$0x420] =	vst v52  }
0x2d9: {  	v3 =	vbroadcast v3, $0x7;
	v59 =	vmul.f32 v49, v56;
	[tilespmem:s11+$0x430] =	vst v55  }
0x2da: {  	v60 =	vmul.f32 v51, v58;
	[tilespmem:s11+$0x440] =	vst v57  }
0x2db: {  	v3 =	vmul.f32 v54, v3;
	[tilespmem:s11+$0x450] =	vst v59;
	s18 =	spop (v2sf)  }
0x2dc: {  	[tilespmem:s11+$0x460] =	vst v60;
	s1 =	sand.u32 $0x70, s18  }
0x2dd: {  	[tilespmem:s11+$0x470] =	vst v3;
	(v2sf) =	vpush v2, $0x4;
	s1 =	sor.u32 s1, s11  }
0x2de: {  	v3 =	vld [tilespmem:s1+$0x4480];
	_ =	sdelay $0x1  }
0x2df: {  	v61 =	vld [tilespmem:s11+$0x480]  }
0x2e0: {  	v62 =	vld [tilespmem:s11+$0x490]  }
0x2e1: {  	v63 =	vld [tilespmem:s11+$0x4A0]  }
0x2e2: {  	v16 =	vld [tilespmem:s11+$0x4B0];
	v15 =	vbroadcast v3, $0x0  }
0x2e3: {  	v18 =	vld [tilespmem:s11+$0x4C0];
	v17 =	vbroadcast v3, $0x1  }
0x2e4: {  	v20 =	vld [tilespmem:s11+$0x4D0];
	v19 =	vbroadcast v3, $0x2;
	v4 =	vmul.f32 v15, v61  }
0x2e5: {  	v22 =	vld [tilespmem:s11+$0x4E0];
	v21 =	vbroadcast v3, $0x3;
	v5 =	vmul.f32 v62, v17  }
0x2e6: {  	v25 =	vld [tilespmem:s11+$0x4F0];
	v24 =	vbroadcast v3, $0x4;
	v23 =	vmul.f32 v63, v19;
	[tilespmem:s11+$0x480] =	vst v4  }
0x2e7: {  	v27 =	vbroadcast v3, $0x5;
	v26 =	vmul.f32 v16, v21;
	[tilespmem:s11+$0x490] =	vst v5  }
0x2e8: {  	v29 =	vbroadcast v3, $0x6;
	v28 =	vmul.f32 v18, v24;
	[tilespmem:s11+$0x4A0] =	vst v23  }
0x2e9: {  	v3 =	vbroadcast v3, $0x7;
	v30 =	vmul.f32 v20, v27;
	[tilespmem:s11+$0x4B0] =	vst v26  }
0x2ea: {  	v31 =	vmul.f32 v22, v29;
	[tilespmem:s11+$0x4C0] =	vst v28  }
0x2eb: {  	v3 =	vmul.f32 v25, v3;
	[tilespmem:s11+$0x4D0] =	vst v30;
	s19 =	spop (v2sf)  }
0x2ec: {  	[tilespmem:s11+$0x4E0] =	vst v31;
	s1 =	sand.u32 $0x70, s19  }
0x2ed: {  	[tilespmem:s11+$0x4F0] =	vst v3;
	(v2sf) =	vpush v2, $0x5;
	s1 =	sor.u32 s1, s11  }
0x2ee: {  	v3 =	vld [tilespmem:s1+$0x4500];
	_ =	sdelay $0x1  }
0x2ef: {  	v32 =	vld [tilespmem:s11+$0x500]  }
0x2f0: {  	v33 =	vld [tilespmem:s11+$0x510]  }
0x2f1: {  	v34 =	vld [tilespmem:s11+$0x520]  }
0x2f2: {  	v36 =	vld [tilespmem:s11+$0x530];
	v35 =	vbroadcast v3, $0x0  }
0x2f3: {  	v38 =	vld [tilespmem:s11+$0x540];
	v37 =	vbroadcast v3, $0x1  }
0x2f4: {  	v40 =	vld [tilespmem:s11+$0x550];
	v39 =	vbroadcast v3, $0x2;
	v4 =	vmul.f32 v35, v32  }
0x2f5: {  	v42 =	vld [tilespmem:s11+$0x560];
	v41 =	vbroadcast v3, $0x3;
	v5 =	vmul.f32 v33, v37  }
0x2f6: {  	v45 =	vld [tilespmem:s11+$0x570];
	v44 =	vbroadcast v3, $0x4;
	v43 =	vmul.f32 v34, v39;
	[tilespmem:s11+$0x500] =	vst v4  }
0x2f7: {  	v47 =	vbroadcast v3, $0x5;
	v46 =	vmul.f32 v36, v41;
	[tilespmem:s11+$0x510] =	vst v5  }
0x2f8: {  	v49 =	vbroadcast v3, $0x6;
	v48 =	vmul.f32 v38, v44;
	[tilespmem:s11+$0x520] =	vst v43  }
0x2f9: {  	v3 =	vbroadcast v3, $0x7;
	v50 =	vmul.f32 v40, v47;
	[tilespmem:s11+$0x530] =	vst v46  }
0x2fa: {  	v51 =	vmul.f32 v42, v49;
	[tilespmem:s11+$0x540] =	vst v48  }
0x2fb: {  	v3 =	vmul.f32 v45, v3;
	[tilespmem:s11+$0x550] =	vst v50;
	s21 =	spop (v2sf)  }
0x2fc: {  	[tilespmem:s11+$0x560] =	vst v51;
	s1 =	sand.u32 $0x70, s21  }
0x2fd: {  	[tilespmem:s11+$0x570] =	vst v3;
	(v2sf) =	vpush v2, $0x6;
	s1 =	sor.u32 s1, s11  }
0x2fe: {  	v3 =	vld [tilespmem:s1+$0x4580];
	_ =	sdelay $0x1  }
0x2ff: {  	v52 =	vld [tilespmem:s11+$0x580]  }
0x300: {  	v53 =	vld [tilespmem:s11+$0x590]  }
0x301: {  	v54 =	vld [tilespmem:s11+$0x5A0]  }
0x302: {  	v56 =	vld [tilespmem:s11+$0x5B0];
	v55 =	vbroadcast v3, $0x0  }
0x303: {  	v58 =	vld [tilespmem:s11+$0x5C0];
	v57 =	vbroadcast v3, $0x1  }
0x304: {  	v60 =	vld [tilespmem:s11+$0x5D0];
	v59 =	vbroadcast v3, $0x2;
	v4 =	vmul.f32 v55, v52  }
0x305: {  	v62 =	vld [tilespmem:s11+$0x5E0];
	v61 =	vbroadcast v3, $0x3;
	v5 =	vmul.f32 v53, v57  }
0x306: {  	v14 =	vld [tilespmem:s11+$0x5F0];
	v13 =	vbroadcast v3, $0x4;
	v63 =	vmul.f32 v54, v59;
	[tilespmem:s11+$0x580] =	vst v4  }
0x307: {  	v16 =	vbroadcast v3, $0x5;
	v15 =	vmul.f32 v56, v61;
	[tilespmem:s11+$0x590] =	vst v5  }
0x308: {  	v18 =	vbroadcast v3, $0x6;
	v17 =	vmul.f32 v58, v13;
	[tilespmem:s11+$0x5A0] =	vst v63  }
0x309: {  	v3 =	vbroadcast v3, $0x7;
	v19 =	vmul.f32 v60, v16;
	[tilespmem:s11+$0x5B0] =	vst v15  }
0x30a: {  	v20 =	vmul.f32 v62, v18;
	[tilespmem:s11+$0x5C0] =	vst v17  }
0x30b: {  	v3 =	vmul.f32 v14, v3;
	[tilespmem:s11+$0x5D0] =	vst v19;
	s29 =	spop (v2sf)  }
0x30c: {  	s2 =	sor.u32 $0x300, s11;
	[tilespmem:s11+$0x5E0] =	vst v20;
	s1 =	sand.u32 $0x70, s29  }
0x30d: {  	[tilespmem:s11+$0x5F0] =	vst v3;
	(v2sf) =	vpush v2, $0x7;
	s1 =	sor.u32 s1, s2  }
0x30e: {  	v3 =	vld [tilespmem:s1+$0x4300];
	_ =	sdelay $0x1  }
0x30f: {  	v21 =	vld [tilespmem:s11+$0x600]  }
0x310: {  	v22 =	vld [tilespmem:s11+$0x610]  }
0x311: {  	v23 =	vld [tilespmem:s11+$0x620]  }
0x312: {  	v25 =	vld [tilespmem:s11+$0x630];
	v24 =	vbroadcast v3, $0x0  }
0x313: {  	v27 =	vld [tilespmem:s11+$0x640];
	v26 =	vbroadcast v3, $0x1  }
0x314: {  	v29 =	vld [tilespmem:s11+$0x650];
	v28 =	vbroadcast v3, $0x2;
	v4 =	vmul.f32 v24, v21  }
0x315: {  	v31 =	vld [tilespmem:s11+$0x660];
	v30 =	vbroadcast v3, $0x3;
	v5 =	vmul.f32 v22, v26  }
0x316: {  	v34 =	vld [tilespmem:s11+$0x670];
	v33 =	vbroadcast v3, $0x4;
	v32 =	vmul.f32 v23, v28;
	[tilespmem:s11+$0x600] =	vst v4  }
0x317: {  	v36 =	vbroadcast v3, $0x5;
	v35 =	vmul.f32 v25, v30;
	[tilespmem:s11+$0x610] =	vst v5  }
0x318: {  	v38 =	vbroadcast v3, $0x6;
	v37 =	vmul.f32 v27, v33;
	[tilespmem:s11+$0x620] =	vst v32  }
0x319: {  	v3 =	vbroadcast v3, $0x7;
	v39 =	vmul.f32 v29, v36;
	[tilespmem:s11+$0x630] =	vst v35  }
0x31a: {  	v40 =	vmul.f32 v31, v38;
	[tilespmem:s11+$0x640] =	vst v37  }
0x31b: {  	v3 =	vmul.f32 v34, v3;
	[tilespmem:s11+$0x650] =	vst v39;
	s2 =	spop (v2sf)  }
0x31c: {  	s3 =	sor.u32 $0x380, s11;
	[tilespmem:s11+$0x660] =	vst v40;
	s1 =	sand.u32 $0x70, s2  }
0x31d: {  	[tilespmem:s11+$0x670] =	vst v3;
	(v2sf) =	vpush v2, $0x8;
	s1 =	sor.u32 s1, s3  }
0x31e: {  	v3 =	vld [tilespmem:s1+$0x4300];
	_ =	sdelay $0x1  }
0x31f: {  	v41 =	vld [tilespmem:s11+$0x680]  }
0x320: {  	v42 =	vld [tilespmem:s11+$0x690]  }
0x321: {  	v43 =	vld [tilespmem:s11+$0x6A0]  }
0x322: {  	v45 =	vld [tilespmem:s11+$0x6B0];
	v44 =	vbroadcast v3, $0x0  }
0x323: {  	v47 =	vld [tilespmem:s11+$0x6C0];
	v46 =	vbroadcast v3, $0x1  }
0x324: {  	v49 =	vld [tilespmem:s11+$0x6D0];
	v48 =	vbroadcast v3, $0x2;
	v4 =	vmul.f32 v44, v41  }
0x325: {  	v51 =	vld [tilespmem:s11+$0x6E0];
	v50 =	vbroadcast v3, $0x3;
	v5 =	vmul.f32 v42, v46  }
0x326: {  	v54 =	vld [tilespmem:s11+$0x6F0];
	v53 =	vbroadcast v3, $0x4;
	v52 =	vmul.f32 v43, v48;
	[tilespmem:s11+$0x680] =	vst v4  }
0x327: {  	v56 =	vbroadcast v3, $0x5;
	v55 =	vmul.f32 v45, v50;
	[tilespmem:s11+$0x690] =	vst v5  }
0x328: {  	v58 =	vbroadcast v3, $0x6;
	v57 =	vmul.f32 v47, v53;
	[tilespmem:s11+$0x6A0] =	vst v52  }
0x329: {  	v3 =	vbroadcast v3, $0x7;
	v59 =	vmul.f32 v49, v56;
	[tilespmem:s11+$0x6B0] =	vst v55  }
0x32a: {  	v60 =	vmul.f32 v51, v58;
	[tilespmem:s11+$0x6C0] =	vst v57  }
0x32b: {  	v3 =	vmul.f32 v54, v3;
	[tilespmem:s11+$0x6D0] =	vst v59;
	s5 =	spop (v2sf)  }
0x32c: {  	s6 =	sor.u32 $0x400, s11;
	[tilespmem:s11+$0x6E0] =	vst v60;
	s1 =	sand.u32 $0x70, s5  }
0x32d: {  	[tilespmem:s11+$0x6F0] =	vst v3;
	(v2sf) =	vpush v2, $0x9;
	s1 =	sor.u32 s1, s6  }
0x32e: {  	v3 =	vld [tilespmem:s1+$0x4300];
	_ =	sdelay $0x1  }
0x32f: {  	v61 =	vld [tilespmem:s11+$0x700]  }
0x330: {  	v62 =	vld [tilespmem:s11+$0x710]  }
0x331: {  	v63 =	vld [tilespmem:s11+$0x720]  }
0x332: {  	v16 =	vld [tilespmem:s11+$0x730];
	v15 =	vbroadcast v3, $0x0  }
0x333: {  	v18 =	vld [tilespmem:s11+$0x740];
	v17 =	vbroadcast v3, $0x1  }
0x334: {  	v20 =	vld [tilespmem:s11+$0x750];
	v19 =	vbroadcast v3, $0x2;
	v4 =	vmul.f32 v15, v61  }
0x335: {  	v22 =	vld [tilespmem:s11+$0x760];
	v21 =	vbroadcast v3, $0x3;
	v5 =	vmul.f32 v62, v17  }
0x336: {  	v25 =	vld [tilespmem:s11+$0x770];
	v24 =	vbroadcast v3, $0x4;
	v23 =	vmul.f32 v63, v19;
	[tilespmem:s11+$0x700] =	vst v4  }
0x337: {  	v27 =	vbroadcast v3, $0x5;
	v26 =	vmul.f32 v16, v21;
	[tilespmem:s11+$0x710] =	vst v5  }
0x338: {  	v29 =	vbroadcast v3, $0x6;
	v28 =	vmul.f32 v18, v24;
	[tilespmem:s11+$0x720] =	vst v23  }
0x339: {  	v3 =	vbroadcast v3, $0x7;
	v30 =	vmul.f32 v20, v27;
	[tilespmem:s11+$0x730] =	vst v26  }
0x33a: {  	v31 =	vmul.f32 v22, v29;
	[tilespmem:s11+$0x740] =	vst v28  }
0x33b: {  	v3 =	vmul.f32 v25, v3;
	[tilespmem:s11+$0x750] =	vst v30;
	s7 =	spop (v2sf)  }
0x33c: {  	s8 =	sor.u32 $0x480, s11;
	[tilespmem:s11+$0x760] =	vst v31;
	s1 =	sand.u32 $0x70, s7  }
0x33d: {  	[tilespmem:s11+$0x770] =	vst v3;
	(v2sf) =	vpush v2, $0xA;
	s1 =	sor.u32 s1, s8  }
0x33e: {  	v3 =	vld [tilespmem:s1+$0x4300];
	_ =	sdelay $0x1  }
0x33f: {  	v32 =	vld [tilespmem:s11+$0x780]  }
0x340: {  	v33 =	vld [tilespmem:s11+$0x790]  }
0x341: {  	v34 =	vld [tilespmem:s11+$0x7A0]  }
0x342: {  	v36 =	vld [tilespmem:s11+$0x7B0];
	v35 =	vbroadcast v3, $0x0  }
0x343: {  	v38 =	vld [tilespmem:s11+$0x7C0];
	v37 =	vbroadcast v3, $0x1  }
0x344: {  	v40 =	vld [tilespmem:s11+$0x7D0];
	v39 =	vbroadcast v3, $0x2;
	v4 =	vmul.f32 v35, v32  }
0x345: {  	v42 =	vld [tilespmem:s11+$0x7E0];
	v41 =	vbroadcast v3, $0x3;
	v5 =	vmul.f32 v33, v37  }
0x346: {  	v45 =	vld [tilespmem:s11+$0x7F0];
	v44 =	vbroadcast v3, $0x4;
	v43 =	vmul.f32 v34, v39;
	[tilespmem:s11+$0x780] =	vst v4  }
0x347: {  	v47 =	vbroadcast v3, $0x5;
	v46 =	vmul.f32 v36, v41;
	[tilespmem:s11+$0x790] =	vst v5  }
0x348: {  	v49 =	vbroadcast v3, $0x6;
	v48 =	vmul.f32 v38, v44;
	[tilespmem:s11+$0x7A0] =	vst v43  }
0x349: {  	v3 =	vbroadcast v3, $0x7;
	v50 =	vmul.f32 v40, v47;
	[tilespmem:s11+$0x7B0] =	vst v46  }
0x34a: {  	v51 =	vmul.f32 v42, v49;
	[tilespmem:s11+$0x7C0] =	vst v48  }
0x34b: {  	v3 =	vmul.f32 v45, v3;
	[tilespmem:s11+$0x7D0] =	vst v50;
	s9 =	spop (v2sf)  }
0x34c: {  	s10 =	sor.u32 $0x500, s11;
	[tilespmem:s11+$0x7E0] =	vst v51;
	s1 =	sand.u32 $0x70, s9  }
0x34d: {  	[tilespmem:s11+$0x7F0] =	vst v3;
	(v2sf) =	vpush v2, $0xB;
	s1 =	sor.u32 s1, s10  }
0x34e: {  	v3 =	vld [tilespmem:s1+$0x4300];
	_ =	sdelay $0x1  }
0x34f: {  	v52 =	vld [tilespmem:s11+$0x800]  }
0x350: {  	v53 =	vld [tilespmem:s11+$0x810]  }
0x351: {  	v54 =	vld [tilespmem:s11+$0x820]  }
0x352: {  	v56 =	vld [tilespmem:s11+$0x830];
	v55 =	vbroadcast v3, $0x0  }
0x353: {  	v58 =	vld [tilespmem:s11+$0x840];
	v57 =	vbroadcast v3, $0x1  }
0x354: {  	v60 =	vld [tilespmem:s11+$0x850];
	v59 =	vbroadcast v3, $0x2;
	v4 =	vmul.f32 v55, v52  }
0x355: {  	v62 =	vld [tilespmem:s11+$0x860];
	v61 =	vbroadcast v3, $0x3;
	v5 =	vmul.f32 v53, v57  }
0x356: {  	v14 =	vld [tilespmem:s11+$0x870];
	v13 =	vbroadcast v3, $0x4;
	v63 =	vmul.f32 v54, v59;
	[tilespmem:s11+$0x800] =	vst v4  }
0x357: {  	v16 =	vbroadcast v3, $0x5;
	v15 =	vmul.f32 v56, v61;
	[tilespmem:s11+$0x810] =	vst v5  }
0x358: {  	v18 =	vbroadcast v3, $0x6;
	v17 =	vmul.f32 v58, v13;
	[tilespmem:s11+$0x820] =	vst v63  }
0x359: {  	v3 =	vbroadcast v3, $0x7;
	v19 =	vmul.f32 v60, v16;
	[tilespmem:s11+$0x830] =	vst v15  }
0x35a: {  	v20 =	vmul.f32 v62, v18;
	[tilespmem:s11+$0x840] =	vst v17  }
0x35b: {  	v3 =	vmul.f32 v14, v3;
	[tilespmem:s11+$0x850] =	vst v19;
	s12 =	spop (v2sf)  }
0x35c: {  	s13 =	sor.u32 $0x580, s11;
	[tilespmem:s11+$0x860] =	vst v20;
	s1 =	sand.u32 $0x70, s12  }
0x35d: {  	[tilespmem:s11+$0x870] =	vst v3;
	(v2sf) =	vpush v2, $0xC;
	s1 =	sor.u32 s1, s13  }
0x35e: {  	v3 =	vld [tilespmem:s1+$0x4300];
	_ =	sdelay $0x1  }
0x35f: {  	v21 =	vld [tilespmem:s11+$0x880]  }
0x360: {  	v22 =	vld [tilespmem:s11+$0x890]  }
0x361: {  	v23 =	vld [tilespmem:s11+$0x8A0]  }
0x362: {  	v25 =	vld [tilespmem:s11+$0x8B0];
	v24 =	vbroadcast v3, $0x0  }
0x363: {  	v27 =	vld [tilespmem:s11+$0x8C0];
	v26 =	vbroadcast v3, $0x1  }
0x364: {  	v29 =	vld [tilespmem:s11+$0x8D0];
	v28 =	vbroadcast v3, $0x2;
	v4 =	vmul.f32 v24, v21  }
0x365: {  	v31 =	vld [tilespmem:s11+$0x8E0];
	v30 =	vbroadcast v3, $0x3;
	v5 =	vmul.f32 v22, v26  }
0x366: {  	v34 =	vld [tilespmem:s11+$0x8F0];
	v33 =	vbroadcast v3, $0x4;
	v32 =	vmul.f32 v23, v28;
	[tilespmem:s11+$0x880] =	vst v4  }
0x367: {  	v36 =	vbroadcast v3, $0x5;
	v35 =	vmul.f32 v25, v30;
	[tilespmem:s11+$0x890] =	vst v5  }
0x368: {  	v38 =	vbroadcast v3, $0x6;
	v37 =	vmul.f32 v27, v33;
	[tilespmem:s11+$0x8A0] =	vst v32  }
0x369: {  	v3 =	vbroadcast v3, $0x7;
	v39 =	vmul.f32 v29, v36;
	[tilespmem:s11+$0x8B0] =	vst v35  }
0x36a: {  	v40 =	vmul.f32 v31, v38;
	[tilespmem:s11+$0x8C0] =	vst v37  }
0x36b: {  	v3 =	vmul.f32 v34, v3;
	[tilespmem:s11+$0x8D0] =	vst v39;
	s14 =	spop (v2sf)  }
0x36c: {  	s15 =	sor.u32 $0x600, s11;
	[tilespmem:s11+$0x8E0] =	vst v40;
	s1 =	sand.u32 $0x70, s14  }
0x36d: {  	[tilespmem:s11+$0x8F0] =	vst v3;
	(v2sf) =	vpush v2, $0xD;
	s1 =	sor.u32 s1, s15  }
0x36e: {  	v3 =	vld [tilespmem:s1+$0x4300];
	_ =	sdelay $0x1  }
0x36f: {  	v41 =	vld [tilespmem:s11+$0x900]  }
0x370: {  	v42 =	vld [tilespmem:s11+$0x910]  }
0x371: {  	v43 =	vld [tilespmem:s11+$0x920]  }
0x372: {  	v45 =	vld [tilespmem:s11+$0x930];
	v44 =	vbroadcast v3, $0x0  }
0x373: {  	v47 =	vld [tilespmem:s11+$0x940];
	v46 =	vbroadcast v3, $0x1  }
0x374: {  	v49 =	vld [tilespmem:s11+$0x950];
	v48 =	vbroadcast v3, $0x2;
	v4 =	vmul.f32 v44, v41  }
0x375: {  	v51 =	vld [tilespmem:s11+$0x960];
	v50 =	vbroadcast v3, $0x3;
	v5 =	vmul.f32 v42, v46  }
0x376: {  	v54 =	vld [tilespmem:s11+$0x970];
	v53 =	vbroadcast v3, $0x4;
	v52 =	vmul.f32 v43, v48;
	[tilespmem:s11+$0x900] =	vst v4  }
0x377: {  	v56 =	vbroadcast v3, $0x5;
	v55 =	vmul.f32 v45, v50;
	[tilespmem:s11+$0x910] =	vst v5  }
0x378: {  	v58 =	vbroadcast v3, $0x6;
	v57 =	vmul.f32 v47, v53;
	[tilespmem:s11+$0x920] =	vst v52  }
0x379: {  	v3 =	vbroadcast v3, $0x7;
	v59 =	vmul.f32 v49, v56;
	[tilespmem:s11+$0x930] =	vst v55  }
0x37a: {  	v60 =	vmul.f32 v51, v58;
	[tilespmem:s11+$0x940] =	vst v57  }
0x37b: {  	v3 =	vmul.f32 v54, v3;
	[tilespmem:s11+$0x950] =	vst v59;
	s16 =	spop (v2sf)  }
0x37c: {  	s17 =	sor.u32 $0x680, s11;
	[tilespmem:s11+$0x960] =	vst v60;
	s1 =	sand.u32 $0x70, s16  }
0x37d: {  	[tilespmem:s11+$0x970] =	vst v3;
	(v2sf) =	vpush v2, $0xE;
	s1 =	sor.u32 s1, s17  }
0x37e: {  	v3 =	vld [tilespmem:s1+$0x4300];
	_ =	sdelay $0x1  }
0x37f: {  	v61 =	vld [tilespmem:s11+$0x980]  }
0x380: {  	v62 =	vld [tilespmem:s11+$0x990]  }
0x381: {  	v63 =	vld [tilespmem:s11+$0x9A0]  }
0x382: {  	v16 =	vld [tilespmem:s11+$0x9B0];
	v15 =	vbroadcast v3, $0x0  }
0x383: {  	v18 =	vld [tilespmem:s11+$0x9C0];
	v17 =	vbroadcast v3, $0x1  }
0x384: {  	v20 =	vld [tilespmem:s11+$0x9D0];
	v19 =	vbroadcast v3, $0x2;
	v4 =	vmul.f32 v15, v61  }
0x385: {  	v22 =	vld [tilespmem:s11+$0x9E0];
	v21 =	vbroadcast v3, $0x3;
	v5 =	vmul.f32 v62, v17  }
0x386: {  	v25 =	vld [tilespmem:s11+$0x9F0];
	v24 =	vbroadcast v3, $0x4;
	v23 =	vmul.f32 v63, v19;
	[tilespmem:s11+$0x980] =	vst v4  }
0x387: {  	v27 =	vbroadcast v3, $0x5;
	v26 =	vmul.f32 v16, v21;
	[tilespmem:s11+$0x990] =	vst v5  }
0x388: {  	v29 =	vbroadcast v3, $0x6;
	v28 =	vmul.f32 v18, v24;
	[tilespmem:s11+$0x9A0] =	vst v23  }
0x389: {  	v3 =	vbroadcast v3, $0x7;
	v30 =	vmul.f32 v20, v27;
	[tilespmem:s11+$0x9B0] =	vst v26  }
0x38a: {  	v31 =	vmul.f32 v22, v29;
	[tilespmem:s11+$0x9C0] =	vst v28  }
0x38b: {  	v3 =	vmul.f32 v25, v3;
	[tilespmem:s11+$0x9D0] =	vst v30;
	s18 =	spop (v2sf)  }
0x38c: {  	s19 =	sor.u32 $0x700, s11;
	[tilespmem:s11+$0x9E0] =	vst v31;
	s1 =	sand.u32 $0x70, s18  }
0x38d: {  	[tilespmem:s11+$0x9F0] =	vst v3;
	(v2sf) =	vpush v2, $0xF;
	s1 =	sor.u32 s1, s19  }
0x38e: {  	v2 =	vld [tilespmem:s1+$0x4300];
	_ =	sdelay $0x1  }
0x38f: {  	v3 =	vld [tilespmem:s11+$0xA00]  }
0x390: {  	v32 =	vld [tilespmem:s11+$0xA10]  }
0x391: {  	v35 =	vld [tilespmem:s11+$0xA30]  }
0x392: {  	v33 =	vld [tilespmem:s11+$0xA20];
	v34 =	vbroadcast v2, $0x0  }
0x393: {  	v39 =	vld [tilespmem:s11+$0xA50];
	v36 =	vbroadcast v2, $0x1;
	v38 =	vbroadcast v2, $0x2  }
0x394: {  	v37 =	vld [tilespmem:s11+$0xA40];
	v40 =	vbroadcast v2, $0x3;
	v3 =	vmul.f32 v34, v3  }
0x395: {  	v43 =	vld [tilespmem:s11+$0xA70];
	v42 =	vbroadcast v2, $0x4;
	v4 =	vmul.f32 v32, v36  }
0x396: {  	v41 =	vld [tilespmem:s11+$0xA60];
	v45 =	vbroadcast v2, $0x5;
	v44 =	vmul.f32 v35, v40;
	[tilespmem:s11+$0xA00] =	vst v3  }
0x397: {  	v46 =	vbroadcast v2, $0x6;
	v3 =	vmul.f32 v33, v38;
	[tilespmem:s11+$0xA10] =	vst v4  }
0x398: {  	v2 =	vbroadcast v2, $0x7;
	v47 =	vmul.f32 v39, v45;
	[tilespmem:s11+$0xA30] =	vst v44  }
0x399: {  	[tilespmem:s11+$0xA20] =	vst v3;
	v3 =	vmul.f32 v37, v42  }
0x39a: {  	v2 =	vmul.f32 v43, v2;
	[tilespmem:s11+$0xA50] =	vst v47  }
0x39b: {  	s21 =	spop (v2sf);
	[tilespmem:s11+$0xA40] =	vst v3;
	v3 =	vmul.f32 v41, v46  }
0x39c: {  	s29 =	sor.u32 $0x780, s11;
	[tilespmem:s11+$0xA70] =	vst v2;
	s1 =	sand.u32 $0x70, s21  }
0x39d: {  	s1 =	sor.u32 s1, s29;
	[tilespmem:s11+$0xA60] =	vst v3  }
0x39e: {  	v2 =	vld [tilespmem:s1+$0x4300];
	_ =	sdelay $0x1  }
0x39f: {  	v3 =	vld [tilespmem:s11+$0xA80]  }
0x3a0: {  	v48 =	vld [tilespmem:s11+$0xA90]  }
0x3a1: {  	v51 =	vld [tilespmem:s11+$0xAB0]  }
0x3a2: {  	v49 =	vld [tilespmem:s11+$0xAA0];
	v50 =	vbroadcast v2, $0x0  }
0x3a3: {  	v55 =	vld [tilespmem:s11+$0xAD0];
	v52 =	vbroadcast v2, $0x1;
	v54 =	vbroadcast v2, $0x2  }
0x3a4: {  	v53 =	vld [tilespmem:s11+$0xAC0];
	v56 =	vbroadcast v2, $0x3;
	v3 =	vmul.f32 v50, v3  }
0x3a5: {  	v59 =	vld [tilespmem:s11+$0xAF0];
	v58 =	vbroadcast v2, $0x4;
	v4 =	vmul.f32 v48, v52  }
0x3a6: {  	v57 =	vld [tilespmem:s11+$0xAE0];
	v61 =	vbroadcast v2, $0x5;
	v60 =	vmul.f32 v51, v56;
	[tilespmem:s11+$0xA80] =	vst v3  }
0x3a7: {  	v62 =	vbroadcast v2, $0x6;
	v3 =	vmul.f32 v49, v54;
	[tilespmem:s11+$0xA90] =	vst v4  }
0x3a8: {  	p1 =	sne.s32 s4, $0x7;
	v2 =	vbroadcast v2, $0x7;
	v63 =	vmul.f32 v55, v61;
	[tilespmem:s11+$0xAB0] =	vst v60  }
.Ltmp2:
0x3a9: {  	[tilespmem:s11+$0xAA0] =	vst v3;
	v3 =	vmul.f32 v53, v58;
	(pc) =	sbr.rel @p1 .LBB2_7-.Ltmp2, $4  }
0x3aa: {  	v2 =	vmul.f32 v59, v2;
	[tilespmem:s11+$0xAD0] =	vst v63  }
0x3ab: {  	[tilespmem:s11+$0xAC0] =	vst v3;
	v3 =	vmul.f32 v57, v62  }
0x3ac: {  	[tilespmem:s11+$0xAF0] =	vst v2  }
0x3ad: {  	s4 =	sadd.s32 $0x1, s4;
	[tilespmem:s11+$0xAE0] =	vst v3  }
0x3ae: {  	s30 =	sadd.s32 $0x1, s30  }
0x3af: {  	p1 =	sne.s32 s30, $0x28  }
.Ltmp3:
0x3b0: {  	_ = 	snop;
	(pc) =	sbr.rel @p1 .LBB2_4-.Ltmp3, $4  }
0x3b1: {  	s1 =	rddreg [dreg:$0x2]  }
0x3b2: {  	[spmem:s1] =	stream.indirect.scatter.add.f32 [tilespmem:s20], [sflag:$0x1], $0x80, s31, s26, $0xb8;
	[tilespmem:$0x1E700] =	vst v63  }
0x3b3: {  	p0 =	por !p0, !p0;
	s31 =	rddreg [dreg:$0x3]  }
0x3b4: {  	[spmem:s31] =	stream.indirect.scatter.add.f32 [tilespmem:s22], [sflag:$0x2], $0x80, s0, s26, $0xb8;
	[tilespmem:$0x1E700] =	vst v63  }
0x3b5: {  	_ =	swait.ge [sflag:s23], $0x4000  }
0x3b6: {  	[sflag:s23] =	ssyncset.done $0x0  }
0x3b7: {  	[sflag:s23] =	ssyncadd.s32 $0xFFFFC000  }
0x3b8: {  	_ =	swait.ge [sflag:s28], $0x4000  }
0x3b9: {  	[sflag:s28] =	ssyncset.done $0x0  }
0x3ba: {  	[sflag:s28] =	ssyncadd.s32 $0xFFFFC000  }
0x3bb: {  	s0 =	stileid.u32;
	[bflag:$0x0] =	sbarrier.arrive $0xFFFF  }
0x3bc: {  	s3 =	simm.s32 $0x5;
	s0 =	sshll.u32 s0, $0x6;
	s7 =	rddreg [dreg:$0x9]  }
0x3bd: {  	s0 =	sor.u32 $0x1C05, s0;
	s2 =	rddreg [dreg:$0x10];
	s1 =	sshrl.u32 s7, $0x3  }
0x3be: {  	[hbm:s2], [sflag:s0] =	dma.local [spmem:s1], $0x2780  }
0x3bf: {  	_ =	swait.ge [sflag:s3], $0x2780  }
0x3c0: {  	[sflag:s3] =	ssyncset.done $0x0;
	s4 =	rddreg [dreg:$0xe]  }
0x3c1: {  	s29 =	rddreg [dreg:$0x11];
	[sflag:s3] =	ssyncadd.s32 $0xFFFFD880;
	s21 =	sshrl.u32 s4, $0x3  }
0x3c2: {  	[hbm:s29], [sflag:s0] =	dma.local [spmem:s21], $0x500  }
0x3c3: {  	_ =	swait.ge [sflag:s3], $0x500  }
0x3c4: {  	s30 =	rddreg [dreg:$0x13]  }
0x3c5: {  	s31 =	rddreg [dreg:$0x12];
	s1 =	sadd.s32 $0x1, s30  }
0x3c6: {  	p0 =	sne.s32 s1, s31  }
.Ltmp4:
0x3c7: {  	_ = 	snop;
	(pc) =	sbr.rel @p0 .LBB2_1-.Ltmp4, $3  }
0x3c8: {  	_ =	sdelay $0x1  }
0x3c9: {  	[sflag:s3] =	ssyncset.done $0x0  }
0x3ca: {  	[sflag:s3] =	ssyncadd.s32 $0xFFFFFB00  }
0x3cb: {  	_ =	sfence.sel $0x180000  }
0x3cc: {  	[bflag:$0x0] =	sbarrier.arrive $0xFFFF  }
0x3cd: {  	_ =	strace $0x90000047  }
0x3ce: {  	s0 =	stileid.u32;
	[bflag:$0x2] =	sbarrier.arrive $0xFFFF  }
0x3cf: {  	p0 =	sne.s32 s0, $0x0;
	s0 =	rddreg [dreg:$0x4]  }
0x3d0: {  	s0 =	sadd.s32 @!p0 $0x100000, s0  }
0x3d1: {  	[sflag:s0] =	ssyncadd.tile.s32 @!p0 $0x1;
	_ =	shalt  }
.Lfunc_end2:
_tile_overlayer_lowered:
.L_overlay_start_2:
0x3d2: {  	(tag) =	ssettag $0x2  }
0x3d3: {  	s0 =	rddreg [dreg:$0x0];
	s2 =	stileid.u32  }
0x3d4: {  	s1 =	rddreg [dreg:$0x1];
	p0 =	sne.s32 s2, $0x0  }
0x3d5: {  	s3 =	rddreg [dreg:$0x2];
	[bflag:$0x3] =	sbarrier.arrive $0xFFFF;
	s2 =	simm.s32 @!p0 $0x1C05  }
0x3d6: {  	[timem:s3], [sflag:s2] =	dma.local @!p0 [hbm:s0], s1  }
0x3d7: {  	s0 =	simm.s32 @!p0 $0x5  }
0x3d8: {  	_ =	swait.ge @!p0 [sflag:s0], s1  }
0x3d9: {  	s1 =	ssub.s32 @!p0 $0x0, s1;
	[sflag:s0] =	ssyncset.done @!p0 $0x0  }
0x3da: {  	[sflag:s0] =	ssyncadd.s32 @!p0 s1  }
0x3db: {  	[bflag:$0x3] =	sbarrier.arrive $0xFFFF  }
0x3dc: {  	_ =	shalt  }

</sc_bundles>
